<compile_context>
chip_gen: v7x
topology: tpu7x:2x2x1
jax: 0.10.2.dev20260603
libtpu: 0.0.44.dev20260713+nightly
codegen_flags: <defaults>
</compile_context>

<pallas_src>
import functools

import jax
import jax.numpy as jnp
from jax import lax
from jax.experimental import pallas as pl
from jax.experimental.pallas import tpu as pltpu
from jax.experimental.pallas import tpu_sc as plsc

CAP = 100000
D = 128
BN = 1024
KN = 512
MOM = 0.5

_COPY_ROWS = 4000


_NBUF = 4


def _make_sc_gather2(n_idx, ch, same_idx, group=20):
  _GROUP = group
  info = plsc.get_sparse_core_info()
  nw = info.num_cores * info.num_subcores
  n_per = n_idx // nw
  assert n_per * nw == n_idx
  assert n_per % ch == 0 and ch % 8 == 0 and ch <= 128
  nchunks = n_per // ch
  pipelined = nchunks % _GROUP == 0 and nchunks >= _GROUP

  mesh = plsc.VectorSubcoreMesh(core_axis_name="c", subcore_axis_name="s")
  scratch = [pltpu.VMEM((n_per,), jnp.int32)]
  if not same_idx:
    scratch.append(pltpu.VMEM((n_per,), jnp.int32))
  nbuf = _NBUF if pipelined else 1
  scratch += [pltpu.VMEM((ch, D), jnp.float32) for _ in range(2 * nbuf)]
  scratch += [pltpu.SemaphoreType.DMA for _ in range(4 * nbuf)]

  @functools.partial(
      pl.kernel,
      mesh=mesh,
      out_type=(
          jax.ShapeDtypeStruct((n_idx, D), jnp.float32),
          jax.ShapeDtypeStruct((n_idx, D), jnp.float32),
      ),
      scratch_types=tuple(scratch),
  )
  def gk(tab_a, tab_b, idxr_a, idxr_b, out_a, out_b, *scr):
    wid = lax.axis_index("s") * info.num_cores + lax.axis_index("c")
    base0 = wid * n_per

    pos = 0
    idx_all_a = scr[pos]
    pos += 1
    if same_idx:
      idx_all_b = idx_all_a
    else:
      idx_all_b = scr[pos]
      pos += 1
    bufs_a = scr[pos:pos + nbuf]
    bufs_b = scr[pos + nbuf:pos + 2 * nbuf]
    pos += 2 * nbuf
    gsem_a = scr[pos:pos + nbuf]
    gsem_b = scr[pos + nbuf:pos + 2 * nbuf]
    ssem_a = scr[pos + 2 * nbuf:pos + 3 * nbuf]
    ssem_b = scr[pos + 3 * nbuf:pos + 4 * nbuf]

    pltpu.sync_copy(idxr_a.at[pl.ds(base0, n_per)], idx_all_a)
    if not same_idx:
      pltpu.sync_copy(idxr_b.at[pl.ds(base0, n_per)], idx_all_b)

    def start_gather(c, b):
      iva = idx_all_a.at[pl.ds(pl.multiple_of(c * ch, 8), ch)]
      ivb = idx_all_b.at[pl.ds(pl.multiple_of(c * ch, 8), ch)]
      return (pltpu.async_copy(tab_a.at[iva], bufs_a[b], gsem_a[b]),
              pltpu.async_copy(tab_b.at[ivb], bufs_b[b], gsem_b[b]))

    def start_store(c, b):
      dst = pl.multiple_of(base0 + c * ch, 8)
      return (pltpu.async_copy(bufs_a[b], out_a.at[pl.ds(dst, ch)], ssem_a[b]),
              pltpu.async_copy(bufs_b[b], out_b.at[pl.ds(dst, ch)], ssem_b[b]))

    if not pipelined:
      def body(c, carry):
        ga, gb = start_gather(c, 0)
        ga.wait()
        gb.wait()
        sa, sb = start_store(c, 0)
        sa.wait()
        sb.wait()
        return carry

      lax.fori_loop(0, nchunks, body, 0)
      return

    def group(g, carry):
      c0 = g * _GROUP
      gobjs = {}
      sobjs = {}
      gobjs[0] = start_gather(c0 + 0, 0)
      gobjs[1] = start_gather(c0 + 1, 1)
      for j in range(_GROUP):
        ga, gb = gobjs.pop(j)
        ga.wait()
        gb.wait()
        if j + 2 < _GROUP:
          if j - 2 >= 0:
            sa, sb = sobjs.pop(j - 2)
            sa.wait()
            sb.wait()
          gobjs[j + 2] = start_gather(c0 + j + 2, (j + 2) % _NBUF)
        sobjs[j] = start_store(c0 + j, j % _NBUF)
      for j in sorted(sobjs):
        sa, sb = sobjs[j]
        sa.wait()
        sb.wait()
      return carry

    lax.fori_loop(0, nchunks // _GROUP, group, 0)

  return gk


def _make_sc_gather1(n_idx, ch, group, nbuf=6, ga=4, patch=False):
  info = plsc.get_sparse_core_info()
  nw = info.num_cores * info.num_subcores
  n_per = n_idx // nw
  assert n_per * nw == n_idx and n_per % ch == 0
  nchunks = n_per // ch
  assert nchunks % group == 0 and ga < nbuf <= group
  ppt = BN // info.num_subcores

  mesh = plsc.VectorSubcoreMesh(core_axis_name="c", subcore_axis_name="s")
  scratch = [pltpu.VMEM((n_per,), jnp.int32)]
  scratch += [pltpu.VMEM((ch, D), jnp.float32) for _ in range(nbuf)]
  scratch += [pltpu.SemaphoreType.DMA for _ in range(2 * nbuf)]
  if patch:
    scratch += [pltpu.VMEM((ppt,), jnp.int32),
                pltpu.VMEM((ppt, D), jnp.float32),
                pltpu.SemaphoreType.DMA]

  @functools.partial(
      pl.kernel,
      mesh=mesh,
      out_type=jax.ShapeDtypeStruct((n_idx, D), jnp.float32),
      scratch_types=tuple(scratch),
  )
  def gk(tab, *rest):
    if patch:
      updf, idxp, idxr, out = rest[:4]
      scr = rest[4:]
    else:
      idxr, out = rest[:2]
      scr = rest[2:]
    wid = lax.axis_index("s") * info.num_cores + lax.axis_index("c")
    base0 = wid * n_per
    idx_all = scr[0]
    bufs = scr[1:1 + nbuf]
    gsem = scr[1 + nbuf:1 + 2 * nbuf]
    ssem = scr[1 + 2 * nbuf:1 + 3 * nbuf]

    if patch:
      pidx, prow, psem = scr[1 + 3 * nbuf:1 + 3 * nbuf + 3]
      pbase = lax.axis_index("s") * ppt
      pltpu.sync_copy(idxp.at[pl.ds(pbase, ppt)], pidx)
      pltpu.sync_copy(updf.at[pl.ds(pbase, ppt)], prow)
      pltpu.async_copy(prow, tab.at[pidx], psem).wait()
      plsc.subcore_barrier()

    pltpu.sync_copy(idxr.at[pl.ds(base0, n_per)], idx_all)

    def start_gather(c, b):
      iv = idx_all.at[pl.ds(pl.multiple_of(c * ch, 8), ch)]
      return pltpu.async_copy(tab.at[iv], bufs[b], gsem[b])

    def start_store(c, b):
      dst = pl.multiple_of(base0 + c * ch, 8)
      return pltpu.async_copy(bufs[b], out.at[pl.ds(dst, ch)], ssem[b])

    def grp(g, carry):
      c0 = g * group
      gobjs = {k: start_gather(c0 + k, k % nbuf) for k in range(ga)}
      sobjs = {}
      for j in range(group):
        gobjs.pop(j).wait()
        if j + ga < group:
          if j + ga - nbuf >= 0:
            sobjs.pop(j + ga - nbuf).wait()
          gobjs[j + ga] = start_gather(c0 + j + ga, (j + ga) % nbuf)
        sobjs[j] = start_store(c0 + j, j % nbuf)
      for j in sorted(sobjs):
        sobjs[j].wait()
      return carry

    lax.fori_loop(0, nchunks // group, grp, 0)

  return gk


def _chain_body(ic_ref, ir_ref, old_s_ref, old_t_ref, f_s_ref, f_t_ref,
                updf_s_ref, updf_t_ref):
  ic = ic_ref[...]
  ir = ir_ref[...]
  eq = ic == ir
  jj = lax.broadcasted_iota(jnp.int32, (BN, BN), 1)
  ii = lax.broadcasted_iota(jnp.int32, (BN, BN), 0)
  eqlt = eq & (jj < ii)
  pred = jnp.max(jnp.where(eqlt, jj, -1), axis=1, keepdims=True)
  depth = jnp.sum(eqlt.astype(jnp.int32), axis=1, keepdims=True)
  fin = jnp.max(jnp.where(eq & (jj >= ii), jj, -1), axis=1, keepdims=True)
  psel = (jj == pred).astype(jnp.float32)
  fsel = (jj == fin).astype(jnp.float32)
  maxd = jnp.max(depth)

  old_s = old_s_ref[...]
  old_t = old_t_ref[...]
  f_s = f_s_ref[...]
  f_t = f_t_ref[...]

  def one_bank(d, upd, old, f):
    prev = jnp.where(depth == 0, old,
                     jnp.dot(psel, upd, preferred_element_type=jnp.float32))
    v = MOM * prev + (1.0 - MOM) * f
    r = v * lax.rsqrt(jnp.sum(v * v, axis=1, keepdims=True))
    return jnp.where(depth == d, r, upd)

  def cond(carry):
    return carry[0] <= maxd

  def body(carry):
    d, us, ut = carry
    return d + 1, one_bank(d, us, old_s, f_s), one_bank(d, ut, old_t, f_t)

  zeros = jnp.zeros((BN, D), jnp.float32)
  _, upd_s, upd_t = lax.while_loop(cond, body, (0, zeros, zeros))

  updf_s_ref[...] = jnp.dot(fsel, upd_s, preferred_element_type=jnp.float32)
  updf_t_ref[...] = jnp.dot(fsel, upd_t, preferred_element_type=jnp.float32)


def _chain(idx, old_s, old_t, f_s, f_t):
  return pl.pallas_call(
      _chain_body,
      out_shape=(
          jax.ShapeDtypeStruct((BN, D), jnp.float32),
          jax.ShapeDtypeStruct((BN, D), jnp.float32),
      ),
  )(idx.reshape(BN, 1), idx.reshape(1, BN), old_s, old_t, f_s, f_t)


def _copy_body(lay_ref, in_blk, out_blk):
  del lay_ref
  out_blk[...] = in_blk[0]


def _copy_layer(memory, layer):
  lay = jnp.asarray(layer, jnp.int32).reshape(1)
  grid_spec = pltpu.PrefetchScalarGridSpec(
      num_scalar_prefetch=1,
      grid=(CAP // _COPY_ROWS,),
      in_specs=[
          pl.BlockSpec((1, _COPY_ROWS, D), lambda i, lay: (lay[0], i, 0)),
      ],
      out_specs=pl.BlockSpec((_COPY_ROWS, D), lambda i, lay: (i, 0)),
  )
  return pl.pallas_call(
      _copy_body,
      grid_spec=grid_spec,
      out_shape=jax.ShapeDtypeStruct((CAP, D), jnp.float32),
  )(lay, memory)


def kernel(f_s, f_t, s_layer, t_layer, idx, contrast_idx, memory_v1,
           memory_v2):
  idx = idx.astype(jnp.int32)
  soff = jnp.asarray(s_layer, jnp.int32) * CAP
  toff = jnp.asarray(t_layer, jnp.int32) * CAP
  mem1f = memory_v1.reshape(4 * CAP, D)
  mem2f = memory_v2.reshape(4 * CAP, D)
  fi2 = jnp.concatenate([idx[:, None], contrast_idx.astype(jnp.int32)],
                        axis=1)
  fidx = jnp.swapaxes(fi2, 0, 1).reshape(-1)

  g_small = _make_sc_gather2(BN, 32, False)
  old_s, old_t = g_small(mem1f, mem2f, idx + soff, idx + toff)

  updf_s, updf_t = _chain(idx, old_s, old_t, f_s, f_t)

  g_big = _make_sc_gather1((KN + 1) * BN, 96, 19, patch=True)
  cref_s = jax.new_ref(_copy_layer(memory_v1, s_layer))
  w_s = g_big(cref_s, updf_s, idx, fidx)
  cref_t = jax.new_ref(_copy_layer(memory_v2, t_layer))
  w_t = g_big(cref_t, updf_t, idx, fidx)
  return (jnp.swapaxes(w_s.reshape(KN + 1, BN, D), 0, 1),
          jnp.swapaxes(w_t.reshape(KN + 1, BN, D), 0, 1))

# --- scband reference (transcript-rebuilt; emitter-appended) ---
"""Pipeline reference for scband-contrast-memory-15685220565754 (READ-ONLY COPY).

The authoritative reference and input builder live on the scoring server;
editing this copy changes nothing except your own understanding.
"""

import jax, jax.numpy as jnp
import numpy as np

CAPACITY = 100000
FEATURE_DIM = 128
S_LAYERS = 4
T_LAYERS = 4
K = 512
B = 1024
MOMENTUM = 0.5


def setup_inputs(seed: int = 0) -> dict:
    key = jax.random.key(seed)
    ks = jax.random.split(key, 6)
    stdv = float(1.0 / np.sqrt(FEATURE_DIM / 3))
    memory_v1 = jax.random.uniform(ks[0], (S_LAYERS, CAPACITY, FEATURE_DIM), dtype=jnp.float32, minval=-stdv, maxval=stdv)
    memory_v2 = jax.random.uniform(ks[1], (T_LAYERS, CAPACITY, FEATURE_DIM), dtype=jnp.float32, minval=-stdv, maxval=stdv)
    f_s = jax.random.normal(ks[2], (B, FEATURE_DIM), dtype=jnp.float32)
    f_t = jax.random.normal(ks[3], (B, FEATURE_DIM), dtype=jnp.float32)
    idx = jax.random.randint(ks[4], (B,), 0, CAPACITY, dtype=jnp.int32)
    contrast_idx = jax.random.randint(ks[5], (B, K), 0, CAPACITY, dtype=jnp.int32)
    return {"f_s": f_s, "f_t": f_t, "s_layer": 2, "t_layer": 3, "idx": idx, "contrast_idx": contrast_idx, "memory_v1": memory_v1, "memory_v2": memory_v2}


@jax.jit
def _run_updates(mem_s, mem_t, idx, f_s, f_t):
    m = MOMENTUM

    def step(carry, args):
        ms, mt = carry
        ind, fs_i, ft_i = args
        s_pos = ms[ind] * m + fs_i * (1.0 - m)
        s_pos = s_pos / jnp.linalg.norm(s_pos)
        ms = ms.at[ind].set(s_pos)
        t_pos = mt[ind] * m + ft_i * (1.0 - m)
        t_pos = t_pos / jnp.linalg.norm(t_pos)
        mt = mt.at[ind].set(t_pos)
        return (ms, mt), None

    (ms, mt), _ = jax.lax.scan(step, (mem_s, mem_t), (idx, f_s, f_t))
    return ms, mt


def reference(f_s, f_t, s_layer, t_layer, idx, contrast_idx, memory_v1, memory_v2):
    # slice the layer-specific memory banks
    mem_s = memory_v1[s_layer]
    mem_t = memory_v2[t_layer]
    # sequential per-sample momentum update + renormalize of positive rows (torch.no_grad loop)
    mem_s, mem_t = _run_updates(mem_s, mem_t, idx, f_s, f_t)
    # gather positive + K negative rows: (B, K+1, feature_dim)
    full_idx = jnp.concatenate([idx[:, None], contrast_idx], axis=1)
    weight_s = jnp.take(mem_s, full_idx, axis=0)
    weight_t = jnp.take(mem_t, full_idx, axis=0)
    return weight_s, weight_t

if __name__ == "__main__":
    import jax
    _d = setup_inputs()
    print(jax.jit(kernel)(*tuple(_d.values())))

</pallas_src>

<mosaic_0001>
#map = affine_map<(d0, d1) -> (0, 0)>
#map1 = affine_map<(d0, d1) -> (0)>
module attributes {stable_mosaic.version = 14 : i64} {
  func.func @gk(%arg0: i32, %arg1: i32, %arg2: memref<400000x128xf32, #tpu.memory_space<hbm>>, %arg3: memref<400000x128xf32, #tpu.memory_space<hbm>>, %arg4: memref<1024xi32, #tpu.memory_space<hbm>>, %arg5: memref<1024xi32, #tpu.memory_space<hbm>>, %arg6: memref<1024x128xf32, #tpu.memory_space<hbm>>, %arg7: memref<1024x128xf32, #tpu.memory_space<hbm>>, %arg8: memref<32xi32, #tpu.memory_space<vmem>>, %arg9: memref<32xi32, #tpu.memory_space<vmem>>, %arg10: memref<32x128xf32, #tpu.memory_space<vmem>>, %arg11: memref<32x128xf32, #tpu.memory_space<vmem>>, %arg12: memref<!tpu.dma_semaphore, #tpu.memory_space<semaphore_mem>>, %arg13: memref<!tpu.dma_semaphore, #tpu.memory_space<semaphore_mem>>, %arg14: memref<!tpu.dma_semaphore, #tpu.memory_space<semaphore_mem>>, %arg15: memref<!tpu.dma_semaphore, #tpu.memory_space<semaphore_mem>>) attributes {dimension_semantics = [#tpu.dimension_semantics<core_parallel>, #tpu.dimension_semantics<subcore_parallel>], iteration_bounds = array<i64: 2, 16>, scalar_prefetch = 0 : i64, scratch_operands = 8 : i64, tpu.core_type = #tpu.core_type<sc_vector_subcore>, window_params = [{transform_indices = #map}, {transform_indices = #map}, {transform_indices = #map1}, {transform_indices = #map1}, {transform_indices = #map}, {transform_indices = #map}]} {
    %mul3A = arith.constant 2 : i32
    %mul3A_0 = arith.muli %arg1, %mul3A : i32
    %add3A = arith.addi %mul3A_0, %arg0 : i32
    %mul3A_1 = arith.constant 32 : i32
    %mul3A_2 = arith.muli %add3A, %mul3A_1 : i32
    "tpu.region"() ({
      %run_scoped3A = tpu.sem_alloc : memref<!tpu.dma_semaphore, #tpu.memory_space<semaphore_mem>>
      %dma_start3A_44 = tpu.memref_slice %arg4[%mul3A_2] : memref<1024xi32, #tpu.memory_space<hbm>> -> memref<32xi32, #tpu.memory_space<hbm>>
      %dma_start3A_45 = tpu.memref_slice %arg4[%mul3A_2] : memref<1024xi32, #tpu.memory_space<hbm>> -> memref<32xi32, #tpu.memory_space<hbm>>
      tpu.enqueue_dma source(%dma_start3A_45 : memref<32xi32, #tpu.memory_space<hbm>>) target(%arg8 : memref<32xi32, #tpu.memory_space<vmem>>) target_semaphore(%run_scoped3A : memref<!tpu.dma_semaphore, #tpu.memory_space<semaphore_mem>>)
      %dma_wait3A_46 = tpu.memref_slice %arg4[%mul3A_2] : memref<1024xi32, #tpu.memory_space<hbm>> -> memref<32xi32, #tpu.memory_space<hbm>>
      %dma_wait3A_47 = tpu.memref_slice %arg4[%mul3A_2] : memref<1024xi32, #tpu.memory_space<hbm>> -> memref<32xi32, #tpu.memory_space<hbm>>
      tpu.wait_dma2 semaphore(%run_scoped3A : memref<!tpu.dma_semaphore, #tpu.memory_space<semaphore_mem>>) src(%dma_wait3A_47 : memref<32xi32, #tpu.memory_space<hbm>>) dst(%arg8 : memref<32xi32, #tpu.memory_space<vmem>>)
      tpu.yield
    }) : () -> ()
    "tpu.region"() ({
      %run_scoped3A = tpu.sem_alloc : memref<!tpu.dma_semaphore, #tpu.memory_space<semaphore_mem>>
      %dma_start3A_44 = tpu.memref_slice %arg5[%mul3A_2] : memref<1024xi32, #tpu.memory_space<hbm>> -> memref<32xi32, #tpu.memory_space<hbm>>
      %dma_start3A_45 = tpu.memref_slice %arg5[%mul3A_2] : memref<1024xi32, #tpu.memory_space<hbm>> -> memref<32xi32, #tpu.memory_space<hbm>>
      tpu.enqueue_dma source(%dma_start3A_45 : memref<32xi32, #tpu.memory_space<hbm>>) target(%arg9 : memref<32xi32, #tpu.memory_space<vmem>>) target_semaphore(%run_scoped3A : memref<!tpu.dma_semaphore, #tpu.memory_space<semaphore_mem>>)
      %dma_wait3A_46 = tpu.memref_slice %arg5[%mul3A_2] : memref<1024xi32, #tpu.memory_space<hbm>> -> memref<32xi32, #tpu.memory_space<hbm>>
      %dma_wait3A_47 = tpu.memref_slice %arg5[%mul3A_2] : memref<1024xi32, #tpu.memory_space<hbm>> -> memref<32xi32, #tpu.memory_space<hbm>>
      tpu.wait_dma2 semaphore(%run_scoped3A : memref<!tpu.dma_semaphore, #tpu.memory_space<semaphore_mem>>) src(%dma_wait3A_47 : memref<32xi32, #tpu.memory_space<hbm>>) dst(%arg9 : memref<32xi32, #tpu.memory_space<vmem>>)
      tpu.yield
    }) : () -> ()
    %scan3A = arith.constant 0 : i32
    %scan3A_3 = arith.constant 0 : i32
    %mul3A_4 = arith.constant 32 : i32
    %mul3A_5 = arith.muli %scan3A_3, %mul3A_4 : i32
    %multiple_of3A = tpu.assume_multiple %mul3A_5, 8 : i32
    %mul3A_6 = arith.constant 32 : i32
    %mul3A_7 = arith.muli %scan3A_3, %mul3A_6 : i32
    %multiple_of3A_8 = tpu.assume_multiple %mul3A_7, 8 : i32
    %dma_start3A = tpu.memref_slice %arg8[%multiple_of3A] : memref<32xi32, #tpu.memory_space<vmem>> -> memref<32xi32, #tpu.memory_space<vmem>>
    %dma_start3A_9 = arith.constant 0 : i32
    %dma_start3A_10 = arith.constant 0 : i32
    %dma_start3A_11 = tpu.memref_slice %arg2[%dma_start3A_9, %dma_start3A_10] : memref<400000x128xf32, #tpu.memory_space<hbm>> -> memref<400000x128xf32, #tpu.memory_space<hbm>>
    tpu.enqueue_indirect_dma source(%dma_start3A_11 : memref<400000x128xf32, #tpu.memory_space<hbm>>) target(%arg10 : memref<32x128xf32, #tpu.memory_space<vmem>>) offsets(%dma_start3A : memref<32xi32, #tpu.memory_space<vmem>>) semaphore(%arg12 : memref<!tpu.dma_semaphore, #tpu.memory_space<semaphore_mem>>)
    %dma_start3A_12 = tpu.memref_slice %arg9[%multiple_of3A_8] : memref<32xi32, #tpu.memory_space<vmem>> -> memref<32xi32, #tpu.memory_space<vmem>>
    %dma_start3A_13 = arith.constant 0 : i32
    %dma_start3A_14 = arith.constant 0 : i32
    %dma_start3A_15 = tpu.memref_slice %arg3[%dma_start3A_13, %dma_start3A_14] : memref<400000x128xf32, #tpu.memory_space<hbm>> -> memref<400000x128xf32, #tpu.memory_space<hbm>>
    tpu.enqueue_indirect_dma source(%dma_start3A_15 : memref<400000x128xf32, #tpu.memory_space<hbm>>) target(%arg11 : memref<32x128xf32, #tpu.memory_space<vmem>>) offsets(%dma_start3A_12 : memref<32xi32, #tpu.memory_space<vmem>>) semaphore(%arg13 : memref<!tpu.dma_semaphore, #tpu.memory_space<semaphore_mem>>)
    %dma_wait3A = tpu.memref_slice %arg8[%multiple_of3A] : memref<32xi32, #tpu.memory_space<vmem>> -> memref<32xi32, #tpu.memory_space<vmem>>
    %dma_wait3A_16 = arith.constant 0 : i32
    %dma_wait3A_17 = arith.constant 0 : i32
    %dma_wait3A_18 = tpu.memref_slice %arg2[%dma_wait3A_16, %dma_wait3A_17] : memref<400000x128xf32, #tpu.memory_space<hbm>> -> memref<400000x128xf32, #tpu.memory_space<hbm>>
    tpu.wait_indirect_dma semaphore(%arg12 : memref<!tpu.dma_semaphore, #tpu.memory_space<semaphore_mem>>) src(%dma_wait3A_18 : memref<400000x128xf32, #tpu.memory_space<hbm>>) dst(%arg10 : memref<32x128xf32, #tpu.memory_space<vmem>>)
    %dma_wait3A_19 = tpu.memref_slice %arg9[%multiple_of3A_8] : memref<32xi32, #tpu.memory_space<vmem>> -> memref<32xi32, #tpu.memory_space<vmem>>
    %dma_wait3A_20 = arith.constant 0 : i32
    %dma_wait3A_21 = arith.constant 0 : i32
    %dma_wait3A_22 = tpu.memref_slice %arg3[%dma_wait3A_20, %dma_wait3A_21] : memref<400000x128xf32, #tpu.memory_space<hbm>> -> memref<400000x128xf32, #tpu.memory_space<hbm>>
    tpu.wait_indirect_dma semaphore(%arg13 : memref<!tpu.dma_semaphore, #tpu.memory_space<semaphore_mem>>) src(%dma_wait3A_22 : memref<400000x128xf32, #tpu.memory_space<hbm>>) dst(%arg11 : memref<32x128xf32, #tpu.memory_space<vmem>>)
    %mul3A_23 = arith.constant 32 : i32
    %mul3A_24 = arith.muli %scan3A_3, %mul3A_23 : i32
    %add3A_25 = arith.addi %mul3A_2, %mul3A_24 : i32
    %multiple_of3A_26 = tpu.assume_multiple %add3A_25, 8 : i32
    %dma_start3A_27 = arith.constant 0 : i32
    %dma_start3A_28 = tpu.memref_slice %arg6[%multiple_of3A_26, %dma_start3A_27] : memref<1024x128xf32, #tpu.memory_space<hbm>> -> memref<32x128xf32, #tpu.memory_space<hbm>>
    %dma_start3A_29 = arith.constant 0 : i32
    %dma_start3A_30 = tpu.memref_slice %arg6[%multiple_of3A_26, %dma_start3A_29] : memref<1024x128xf32, #tpu.memory_space<hbm>> -> memref<32x128xf32, #tpu.memory_space<hbm>>
    tpu.enqueue_dma source(%arg10 : memref<32x128xf32, #tpu.memory_space<vmem>>) target(%dma_start3A_30 : memref<32x128xf32, #tpu.memory_space<hbm>>) target_semaphore(%arg14 : memref<!tpu.dma_semaphore, #tpu.memory_space<semaphore_mem>>)
    %dma_start3A_31 = arith.constant 0 : i32
    %dma_start3A_32 = tpu.memref_slice %arg7[%multiple_of3A_26, %dma_start3A_31] : memref<1024x128xf32, #tpu.memory_space<hbm>> -> memref<32x128xf32, #tpu.memory_space<hbm>>
    %dma_start3A_33 = arith.constant 0 : i32
    %dma_start3A_34 = tpu.memref_slice %arg7[%multiple_of3A_26, %dma_start3A_33] : memref<1024x128xf32, #tpu.memory_space<hbm>> -> memref<32x128xf32, #tpu.memory_space<hbm>>
    tpu.enqueue_dma source(%arg11 : memref<32x128xf32, #tpu.memory_space<vmem>>) target(%dma_start3A_34 : memref<32x128xf32, #tpu.memory_space<hbm>>) target_semaphore(%arg15 : memref<!tpu.dma_semaphore, #tpu.memory_space<semaphore_mem>>)
    %dma_wait3A_35 = arith.constant 0 : i32
    %dma_wait3A_36 = tpu.memref_slice %arg6[%multiple_of3A_26, %dma_wait3A_35] : memref<1024x128xf32, #tpu.memory_space<hbm>> -> memref<32x128xf32, #tpu.memory_space<hbm>>
    %dma_wait3A_37 = arith.constant 0 : i32
    %dma_wait3A_38 = tpu.memref_slice %arg6[%multiple_of3A_26, %dma_wait3A_37] : memref<1024x128xf32, #tpu.memory_space<hbm>> -> memref<32x128xf32, #tpu.memory_space<hbm>>
    tpu.wait_dma2 semaphore(%arg14 : memref<!tpu.dma_semaphore, #tpu.memory_space<semaphore_mem>>) src(%arg10 : memref<32x128xf32, #tpu.memory_space<vmem>>) dst(%dma_wait3A_38 : memref<32x128xf32, #tpu.memory_space<hbm>>)
    %dma_wait3A_39 = arith.constant 0 : i32
    %dma_wait3A_40 = tpu.memref_slice %arg7[%multiple_of3A_26, %dma_wait3A_39] : memref<1024x128xf32, #tpu.memory_space<hbm>> -> memref<32x128xf32, #tpu.memory_space<hbm>>
    %dma_wait3A_41 = arith.constant 0 : i32
    %dma_wait3A_42 = tpu.memref_slice %arg7[%multiple_of3A_26, %dma_wait3A_41] : memref<1024x128xf32, #tpu.memory_space<hbm>> -> memref<32x128xf32, #tpu.memory_space<hbm>>
    tpu.wait_dma2 semaphore(%arg15 : memref<!tpu.dma_semaphore, #tpu.memory_space<semaphore_mem>>) src(%arg11 : memref<32x128xf32, #tpu.memory_space<vmem>>) dst(%dma_wait3A_42 : memref<32x128xf32, #tpu.memory_space<hbm>>)
    %scan3A_43 = arith.constant 1 : i32
    return
  }
}

#map = affine_map<(d0, d1) -> (0, 0)>
#map1 = affine_map<(d0, d1) -> (0)>
module attributes {stable_mosaic.version = 14 : i64} {
  func.func @new_body(%arg0: i32, %arg1: i32, %arg2: memref<100000x128xf32, #tpu.memory_space<hbm>>, %arg3: memref<1024x128xf32, #tpu.memory_space<hbm>>, %arg4: memref<1024xi32, #tpu.memory_space<hbm>>, %arg5: memref<525312xi32, #tpu.memory_space<hbm>>, %arg6: memref<525312x128xf32, #tpu.memory_space<hbm>>, %arg7: memref<100000x128xf32, #tpu.memory_space<hbm>>, %arg8: memref<16416xi32, #tpu.memory_space<vmem>>, %arg9: memref<96x128xf32, #tpu.memory_space<vmem>>, %arg10: memref<96x128xf32, #tpu.memory_space<vmem>>, %arg11: memref<96x128xf32, #tpu.memory_space<vmem>>, %arg12: memref<96x128xf32, #tpu.memory_space<vmem>>, %arg13: memref<96x128xf32, #tpu.memory_space<vmem>>, %arg14: memref<96x128xf32, #tpu.memory_space<vmem>>, %arg15: memref<!tpu.dma_semaphore, #tpu.memory_space<semaphore_mem>>, %arg16: memref<!tpu.dma_semaphore, #tpu.memory_space<semaphore_mem>>, %arg17: memref<!tpu.dma_semaphore, #tpu.memory_space<semaphore_mem>>, %arg18: memref<!tpu.dma_semaphore, #tpu.memory_space<semaphore_mem>>, %arg19: memref<!tpu.dma_semaphore, #tpu.memory_space<semaphore_mem>>, %arg20: memref<!tpu.dma_semaphore, #tpu.memory_space<semaphore_mem>>, %arg21: memref<!tpu.dma_semaphore, #tpu.memory_space<semaphore_mem>>, %arg22: memref<!tpu.dma_semaphore, #tpu.memory_space<semaphore_mem>>, %arg23: memref<!tpu.dma_semaphore, #tpu.memory_space<semaphore_mem>>, %arg24: memref<!tpu.dma_semaphore, #tpu.memory_space<semaphore_mem>>, %arg25: memref<!tpu.dma_semaphore, #tpu.memory_space<semaphore_mem>>, %arg26: memref<!tpu.dma_semaphore, #tpu.memory_space<semaphore_mem>>, %arg27: memref<64xi32, #tpu.memory_space<vmem>>, %arg28: memref<64x128xf32, #tpu.memory_space<vmem>>, %arg29: memref<!tpu.dma_semaphore, #tpu.memory_space<semaphore_mem>>) attributes {dimension_semantics = [#tpu.dimension_semantics<core_parallel>, #tpu.dimension_semantics<subcore_parallel>], iteration_bounds = array<i64: 2, 16>, scalar_prefetch = 0 : i64, scratch_operands = 22 : i64, tpu.core_type = #tpu.core_type<sc_vector_subcore>, window_params = [{transform_indices = #map}, {transform_indices = #map}, {transform_indices = #map1}, {transform_indices = #map1}, {transform_indices = #map}, {transform_indices = #map}]} {
    %mul3A = arith.constant 2 : i32
    %mul3A_0 = arith.muli %arg1, %mul3A : i32
    %add3A = arith.addi %mul3A_0, %arg0 : i32
    %mul3A_1 = arith.constant 16416 : i32
    %mul3A_2 = arith.muli %add3A, %mul3A_1 : i32
    %mul3A_3 = arith.constant 64 : i32
    %mul3A_4 = arith.muli %arg1, %mul3A_3 : i32
    "tpu.region"() ({
      %run_scoped3A = tpu.sem_alloc : memref<!tpu.dma_semaphore, #tpu.memory_space<semaphore_mem>>
      %dma_start3A_14 = tpu.memref_slice %arg4[%mul3A_4] : memref<1024xi32, #tpu.memory_space<hbm>> -> memref<64xi32, #tpu.memory_space<hbm>>
      %dma_start3A_15 = tpu.memref_slice %arg4[%mul3A_4] : memref<1024xi32, #tpu.memory_space<hbm>> -> memref<64xi32, #tpu.memory_space<hbm>>
      tpu.enqueue_dma source(%dma_start3A_15 : memref<64xi32, #tpu.memory_space<hbm>>) target(%arg27 : memref<64xi32, #tpu.memory_space<vmem>>) target_semaphore(%run_scoped3A : memref<!tpu.dma_semaphore, #tpu.memory_space<semaphore_mem>>)
      %dma_wait3A_16 = tpu.memref_slice %arg4[%mul3A_4] : memref<1024xi32, #tpu.memory_space<hbm>> -> memref<64xi32, #tpu.memory_space<hbm>>
      %dma_wait3A_17 = tpu.memref_slice %arg4[%mul3A_4] : memref<1024xi32, #tpu.memory_space<hbm>> -> memref<64xi32, #tpu.memory_space<hbm>>
      tpu.wait_dma2 semaphore(%run_scoped3A : memref<!tpu.dma_semaphore, #tpu.memory_space<semaphore_mem>>) src(%dma_wait3A_17 : memref<64xi32, #tpu.memory_space<hbm>>) dst(%arg27 : memref<64xi32, #tpu.memory_space<vmem>>)
      tpu.yield
    }) : () -> ()
    "tpu.region"() ({
      %run_scoped3A = tpu.sem_alloc : memref<!tpu.dma_semaphore, #tpu.memory_space<semaphore_mem>>
      %dma_start3A_14 = arith.constant 0 : i32
      %dma_start3A_15 = tpu.memref_slice %arg3[%mul3A_4, %dma_start3A_14] : memref<1024x128xf32, #tpu.memory_space<hbm>> -> memref<64x128xf32, #tpu.memory_space<hbm>>
      %dma_start3A_16 = arith.constant 0 : i32
      %dma_start3A_17 = tpu.memref_slice %arg3[%mul3A_4, %dma_start3A_16] : memref<1024x128xf32, #tpu.memory_space<hbm>> -> memref<64x128xf32, #tpu.memory_space<hbm>>
      tpu.enqueue_dma source(%dma_start3A_17 : memref<64x128xf32, #tpu.memory_space<hbm>>) target(%arg28 : memref<64x128xf32, #tpu.memory_space<vmem>>) target_semaphore(%run_scoped3A : memref<!tpu.dma_semaphore, #tpu.memory_space<semaphore_mem>>)
      %dma_wait3A_18 = arith.constant 0 : i32
      %dma_wait3A_19 = tpu.memref_slice %arg3[%mul3A_4, %dma_wait3A_18] : memref<1024x128xf32, #tpu.memory_space<hbm>> -> memref<64x128xf32, #tpu.memory_space<hbm>>
      %dma_wait3A_20 = arith.constant 0 : i32
      %dma_wait3A_21 = tpu.memref_slice %arg3[%mul3A_4, %dma_wait3A_20] : memref<1024x128xf32, #tpu.memory_space<hbm>> -> memref<64x128xf32, #tpu.memory_space<hbm>>
      tpu.wait_dma2 semaphore(%run_scoped3A : memref<!tpu.dma_semaphore, #tpu.memory_space<semaphore_mem>>) src(%dma_wait3A_21 : memref<64x128xf32, #tpu.memory_space<hbm>>) dst(%arg28 : memref<64x128xf32, #tpu.memory_space<vmem>>)
      tpu.yield
    }) : () -> ()
    %dma_start3A = arith.constant 0 : i32
    %dma_start3A_5 = arith.constant 0 : i32
    %dma_start3A_6 = tpu.memref_slice %arg2[%dma_start3A, %dma_start3A_5] : memref<100000x128xf32, #tpu.memory_space<hbm>> -> memref<100000x128xf32, #tpu.memory_space<hbm>>
    tpu.enqueue_indirect_dma source(%arg28 : memref<64x128xf32, #tpu.memory_space<vmem>>) target(%dma_start3A_6 : memref<100000x128xf32, #tpu.memory_space<hbm>>) offsets(%arg27 : memref<64xi32, #tpu.memory_space<vmem>>) semaphore(%arg29 : memref<!tpu.dma_semaphore, #tpu.memory_space<semaphore_mem>>)
    %dma_wait3A = arith.constant 0 : i32
    %dma_wait3A_7 = arith.constant 0 : i32
    %dma_wait3A_8 = tpu.memref_slice %arg2[%dma_wait3A, %dma_wait3A_7] : memref<100000x128xf32, #tpu.memory_space<hbm>> -> memref<100000x128xf32, #tpu.memory_space<hbm>>
    tpu.wait_indirect_dma semaphore(%arg29 : memref<!tpu.dma_semaphore, #tpu.memory_space<semaphore_mem>>) src(%arg28 : memref<64x128xf32, #tpu.memory_space<vmem>>) dst(%dma_wait3A_8 : memref<100000x128xf32, #tpu.memory_space<hbm>>)
    %barrier3A = arith.constant 0 : index
    tpu.barrier barrier_id(%barrier3A)
    "tpu.region"() ({
      %run_scoped3A = tpu.sem_alloc : memref<!tpu.dma_semaphore, #tpu.memory_space<semaphore_mem>>
      %dma_start3A_14 = tpu.memref_slice %arg5[%mul3A_2] : memref<525312xi32, #tpu.memory_space<hbm>> -> memref<16416xi32, #tpu.memory_space<hbm>>
      %dma_start3A_15 = tpu.memref_slice %arg5[%mul3A_2] : memref<525312xi32, #tpu.memory_space<hbm>> -> memref<16416xi32, #tpu.memory_space<hbm>>
      tpu.enqueue_dma source(%dma_start3A_15 : memref<16416xi32, #tpu.memory_space<hbm>>) target(%arg8 : memref<16416xi32, #tpu.memory_space<vmem>>) target_semaphore(%run_scoped3A : memref<!tpu.dma_semaphore, #tpu.memory_space<semaphore_mem>>)
      %dma_wait3A_16 = tpu.memref_slice %arg5[%mul3A_2] : memref<525312xi32, #tpu.memory_space<hbm>> -> memref<16416xi32, #tpu.memory_space<hbm>>
      %dma_wait3A_17 = tpu.memref_slice %arg5[%mul3A_2] : memref<525312xi32, #tpu.memory_space<hbm>> -> memref<16416xi32, #tpu.memory_space<hbm>>
      tpu.wait_dma2 semaphore(%run_scoped3A : memref<!tpu.dma_semaphore, #tpu.memory_space<semaphore_mem>>) src(%dma_wait3A_17 : memref<16416xi32, #tpu.memory_space<hbm>>) dst(%arg8 : memref<16416xi32, #tpu.memory_space<vmem>>)
      tpu.yield
    }) : () -> ()
    %scan3A = arith.constant 0 : i32
    %scan3A_9 = arith.constant 0 : i32
    %scan3A_10 = arith.constant 9 : i32
    %scan3A_11 = arith.addi %scan3A_9, %scan3A_10 : i32
    %scan3A_12 = arith.constant 1 : i32
    scf.for %scan3A_14 = %scan3A_9 to %scan3A_11 step %scan3A_12  : i32 {
      %mul3A_15 = arith.constant 19 : i32
      %mul3A_16 = arith.muli %scan3A_14, %mul3A_15 : i32
      %add3A_17 = arith.constant 0 : i32
      %add3A_18 = arith.addi %mul3A_16, %add3A_17 : i32
      %mul3A_19 = arith.constant 96 : i32
      %mul3A_20 = arith.muli %add3A_18, %mul3A_19 : i32
      %multiple_of3A = tpu.assume_multiple %mul3A_20, 8 : i32
      %dma_start3A_21 = tpu.memref_slice %arg8[%multiple_of3A] : memref<16416xi32, #tpu.memory_space<vmem>> -> memref<96xi32, #tpu.memory_space<vmem>>
      %dma_start3A_22 = arith.constant 0 : i32
      %dma_start3A_23 = arith.constant 0 : i32
      %dma_start3A_24 = tpu.memref_slice %arg2[%dma_start3A_22, %dma_start3A_23] : memref<100000x128xf32, #tpu.memory_space<hbm>> -> memref<100000x128xf32, #tpu.memory_space<hbm>>
      tpu.enqueue_indirect_dma source(%dma_start3A_24 : memref<100000x128xf32, #tpu.memory_space<hbm>>) target(%arg9 : memref<96x128xf32, #tpu.memory_space<vmem>>) offsets(%dma_start3A_21 : memref<96xi32, #tpu.memory_space<vmem>>) semaphore(%arg15 : memref<!tpu.dma_semaphore, #tpu.memory_space<semaphore_mem>>)
      %add3A_25 = arith.constant 1 : i32
      %add3A_26 = arith.addi %mul3A_16, %add3A_25 : i32
      %mul3A_27 = arith.constant 96 : i32
      %mul3A_28 = arith.muli %add3A_26, %mul3A_27 : i32
      %multiple_of3A_29 = tpu.assume_multiple %mul3A_28, 8 : i32
      %dma_start3A_30 = tpu.memref_slice %arg8[%multiple_of3A_29] : memref<16416xi32, #tpu.memory_space<vmem>> -> memref<96xi32, #tpu.memory_space<vmem>>
      %dma_start3A_31 = arith.constant 0 : i32
      %dma_start3A_32 = arith.constant 0 : i32
      %dma_start3A_33 = tpu.memref_slice %arg2[%dma_start3A_31, %dma_start3A_32] : memref<100000x128xf32, #tpu.memory_space<hbm>> -> memref<100000x128xf32, #tpu.memory_space<hbm>>
      tpu.enqueue_indirect_dma source(%dma_start3A_33 : memref<100000x128xf32, #tpu.memory_space<hbm>>) target(%arg10 : memref<96x128xf32, #tpu.memory_space<vmem>>) offsets(%dma_start3A_30 : memref<96xi32, #tpu.memory_space<vmem>>) semaphore(%arg16 : memref<!tpu.dma_semaphore, #tpu.memory_space<semaphore_mem>>)
      %add3A_34 = arith.constant 2 : i32
      %add3A_35 = arith.addi %mul3A_16, %add3A_34 : i32
      %mul3A_36 = arith.constant 96 : i32
      %mul3A_37 = arith.muli %add3A_35, %mul3A_36 : i32
      %multiple_of3A_38 = tpu.assume_multiple %mul3A_37, 8 : i32
      %dma_start3A_39 = tpu.memref_slice %arg8[%multiple_of3A_38] : memref<16416xi32, #tpu.memory_space<vmem>> -> memref<96xi32, #tpu.memory_space<vmem>>
      %dma_start3A_40 = arith.constant 0 : i32
      %dma_start3A_41 = arith.constant 0 : i32
      %dma_start3A_42 = tpu.memref_slice %arg2[%dma_start3A_40, %dma_start3A_41] : memref<100000x128xf32, #tpu.memory_space<hbm>> -> memref<100000x128xf32, #tpu.memory_space<hbm>>
      tpu.enqueue_indirect_dma source(%dma_start3A_42 : memref<100000x128xf32, #tpu.memory_space<hbm>>) target(%arg11 : memref<96x128xf32, #tpu.memory_space<vmem>>) offsets(%dma_start3A_39 : memref<96xi32, #tpu.memory_space<vmem>>) semaphore(%arg17 : memref<!tpu.dma_semaphore, #tpu.memory_space<semaphore_mem>>)
      %add3A_43 = arith.constant 3 : i32
      %add3A_44 = arith.addi %mul3A_16, %add3A_43 : i32
      %mul3A_45 = arith.constant 96 : i32
      %mul3A_46 = arith.muli %add3A_44, %mul3A_45 : i32
      %multiple_of3A_47 = tpu.assume_multiple %mul3A_46, 8 : i32
      %dma_start3A_48 = tpu.memref_slice %arg8[%multiple_of3A_47] : memref<16416xi32, #tpu.memory_space<vmem>> -> memref<96xi32, #tpu.memory_space<vmem>>
      %dma_start3A_49 = arith.constant 0 : i32
      %dma_start3A_50 = arith.constant 0 : i32
      %dma_start3A_51 = tpu.memref_slice %arg2[%dma_start3A_49, %dma_start3A_50] : memref<100000x128xf32, #tpu.memory_space<hbm>> -> memref<100000x128xf32, #tpu.memory_space<hbm>>
      tpu.enqueue_indirect_dma source(%dma_start3A_51 : memref<100000x128xf32, #tpu.memory_space<hbm>>) target(%arg12 : memref<96x128xf32, #tpu.memory_space<vmem>>) offsets(%dma_start3A_48 : memref<96xi32, #tpu.memory_space<vmem>>) semaphore(%arg18 : memref<!tpu.dma_semaphore, #tpu.memory_space<semaphore_mem>>)
      %dma_wait3A_52 = tpu.memref_slice %arg8[%multiple_of3A] : memref<16416xi32, #tpu.memory_space<vmem>> -> memref<96xi32, #tpu.memory_space<vmem>>
      %dma_wait3A_53 = arith.constant 0 : i32
      %dma_wait3A_54 = arith.constant 0 : i32
      %dma_wait3A_55 = tpu.memref_slice %arg2[%dma_wait3A_53, %dma_wait3A_54] : memref<100000x128xf32, #tpu.memory_space<hbm>> -> memref<100000x128xf32, #tpu.memory_space<hbm>>
      tpu.wait_indirect_dma semaphore(%arg15 : memref<!tpu.dma_semaphore, #tpu.memory_space<semaphore_mem>>) src(%dma_wait3A_55 : memref<100000x128xf32, #tpu.memory_space<hbm>>) dst(%arg9 : memref<96x128xf32, #tpu.memory_space<vmem>>)
      %add3A_56 = arith.constant 0 : i32
      %add3A_57 = arith.addi %mul3A_16, %add3A_56 : i32
      %add3A_58 = arith.constant 4 : i32
      %add3A_59 = arith.addi %add3A_57, %add3A_58 : i32
      %mul3A_60 = arith.constant 96 : i32
      %mul3A_61 = arith.muli %add3A_59, %mul3A_60 : i32
      %multiple_of3A_62 = tpu.assume_multiple %mul3A_61, 8 : i32
      %dma_start3A_63 = tpu.memref_slice %arg8[%multiple_of3A_62] : memref<16416xi32, #tpu.memory_space<vmem>> -> memref<96xi32, #tpu.memory_space<vmem>>
      %dma_start3A_64 = arith.constant 0 : i32
      %dma_start3A_65 = arith.constant 0 : i32
      %dma_start3A_66 = tpu.memref_slice %arg2[%dma_start3A_64, %dma_start3A_65] : memref<100000x128xf32, #tpu.memory_space<hbm>> -> memref<100000x128xf32, #tpu.memory_space<hbm>>
      tpu.enqueue_indirect_dma source(%dma_start3A_66 : memref<100000x128xf32, #tpu.memory_space<hbm>>) target(%arg13 : memref<96x128xf32, #tpu.memory_space<vmem>>) offsets(%dma_start3A_63 : memref<96xi32, #tpu.memory_space<vmem>>) semaphore(%arg19 : memref<!tpu.dma_semaphore, #tpu.memory_space<semaphore_mem>>)
      %add3A_67 = arith.constant 0 : i32
      %add3A_68 = arith.addi %mul3A_16, %add3A_67 : i32
      %mul3A_69 = arith.constant 96 : i32
      %mul3A_70 = arith.muli %add3A_68, %mul3A_69 : i32
      %add3A_71 = arith.addi %mul3A_2, %mul3A_70 : i32
      %multiple_of3A_72 = tpu.assume_multiple %add3A_71, 8 : i32
      %dma_start3A_73 = arith.constant 0 : i32
      %dma_start3A_74 = tpu.memref_slice %arg6[%multiple_of3A_72, %dma_start3A_73] : memref<525312x128xf32, #tpu.memory_space<hbm>> -> memref<96x128xf32, #tpu.memory_space<hbm>>
      %dma_start3A_75 = arith.constant 0 : i32
      %dma_start3A_76 = tpu.memref_slice %arg6[%multiple_of3A_72, %dma_start3A_75] : memref<525312x128xf32, #tpu.memory_space<hbm>> -> memref<96x128xf32, #tpu.memory_space<hbm>>
      tpu.enqueue_dma source(%arg9 : memref<96x128xf32, #tpu.memory_space<vmem>>) target(%dma_start3A_76 : memref<96x128xf32, #tpu.memory_space<hbm>>) target_semaphore(%arg21 : memref<!tpu.dma_semaphore, #tpu.memory_space<semaphore_mem>>)
      %dma_wait3A_77 = tpu.memref_slice %arg8[%multiple_of3A_29] : memref<16416xi32, #tpu.memory_space<vmem>> -> memref<96xi32, #tpu.memory_space<vmem>>
      %dma_wait3A_78 = arith.constant 0 : i32
      %dma_wait3A_79 = arith.constant 0 : i32
      %dma_wait3A_80 = tpu.memref_slice %arg2[%dma_wait3A_78, %dma_wait3A_79] : memref<100000x128xf32, #tpu.memory_space<hbm>> -> memref<100000x128xf32, #tpu.memory_space<hbm>>
      tpu.wait_indirect_dma semaphore(%arg16 : memref<!tpu.dma_semaphore, #tpu.memory_space<semaphore_mem>>) src(%dma_wait3A_80 : memref<100000x128xf32, #tpu.memory_space<hbm>>) dst(%arg10 : memref<96x128xf32, #tpu.memory_space<vmem>>)
      %add3A_81 = arith.constant 1 : i32
      %add3A_82 = arith.addi %mul3A_16, %add3A_81 : i32
      %add3A_83 = arith.constant 4 : i32
      %add3A_84 = arith.addi %add3A_82, %add3A_83 : i32
      %mul3A_85 = arith.constant 96 : i32
      %mul3A_86 = arith.muli %add3A_84, %mul3A_85 : i32
      %multiple_of3A_87 = tpu.assume_multiple %mul3A_86, 8 : i32
      %dma_start3A_88 = tpu.memref_slice %arg8[%multiple_of3A_87] : memref<16416xi32, #tpu.memory_space<vmem>> -> memref<96xi32, #tpu.memory_space<vmem>>
      %dma_start3A_89 = arith.constant 0 : i32
      %dma_start3A_90 = arith.constant 0 : i32
      %dma_start3A_91 = tpu.memref_slice %arg2[%dma_start3A_89, %dma_start3A_90] : memref<100000x128xf32, #tpu.memory_space<hbm>> -> memref<100000x128xf32, #tpu.memory_space<hbm>>
      tpu.enqueue_indirect_dma source(%dma_start3A_91 : memref<100000x128xf32, #tpu.memory_space<hbm>>) target(%arg14 : memref<96x128xf32, #tpu.memory_space<vmem>>) offsets(%dma_start3A_88 : memref<96xi32, #tpu.memory_space<vmem>>) semaphore(%arg20 : memref<!tpu.dma_semaphore, #tpu.memory_space<semaphore_mem>>)
      %add3A_92 = arith.constant 1 : i32
      %add3A_93 = arith.addi %mul3A_16, %add3A_92 : i32
      %mul3A_94 = arith.constant 96 : i32
      %mul3A_95 = arith.muli %add3A_93, %mul3A_94 : i32
      %add3A_96 = arith.addi %mul3A_2, %mul3A_95 : i32
      %multiple_of3A_97 = tpu.assume_multiple %add3A_96, 8 : i32
      %dma_start3A_98 = arith.constant 0 : i32
      %dma_start3A_99 = tpu.memref_slice %arg6[%multiple_of3A_97, %dma_start3A_98] : memref<525312x128xf32, #tpu.memory_space<hbm>> -> memref<96x128xf32, #tpu.memory_space<hbm>>
      %dma_start3A_100 = arith.constant 0 : i32
      %dma_start3A_101 = tpu.memref_slice %arg6[%multiple_of3A_97, %dma_start3A_100] : memref<525312x128xf32, #tpu.memory_space<hbm>> -> memref<96x128xf32, #tpu.memory_space<hbm>>
      tpu.enqueue_dma source(%arg10 : memref<96x128xf32, #tpu.memory_space<vmem>>) target(%dma_start3A_101 : memref<96x128xf32, #tpu.memory_space<hbm>>) target_semaphore(%arg22 : memref<!tpu.dma_semaphore, #tpu.memory_space<semaphore_mem>>)
      %dma_wait3A_102 = tpu.memref_slice %arg8[%multiple_of3A_38] : memref<16416xi32, #tpu.memory_space<vmem>> -> memref<96xi32, #tpu.memory_space<vmem>>
      %dma_wait3A_103 = arith.constant 0 : i32
      %dma_wait3A_104 = arith.constant 0 : i32
      %dma_wait3A_105 = tpu.memref_slice %arg2[%dma_wait3A_103, %dma_wait3A_104] : memref<100000x128xf32, #tpu.memory_space<hbm>> -> memref<100000x128xf32, #tpu.memory_space<hbm>>
      tpu.wait_indirect_dma semaphore(%arg17 : memref<!tpu.dma_semaphore, #tpu.memory_space<semaphore_mem>>) src(%dma_wait3A_105 : memref<100000x128xf32, #tpu.memory_space<hbm>>) dst(%arg11 : memref<96x128xf32, #tpu.memory_space<vmem>>)
      %dma_wait3A_106 = arith.constant 0 : i32
      %dma_wait3A_107 = tpu.memref_slice %arg6[%multiple_of3A_72, %dma_wait3A_106] : memref<525312x128xf32, #tpu.memory_space<hbm>> -> memref<96x128xf32, #tpu.memory_space<hbm>>
      %dma_wait3A_108 = arith.constant 0 : i32
      %dma_wait3A_109 = tpu.memref_slice %arg6[%multiple_of3A_72, %dma_wait3A_108] : memref<525312x128xf32, #tpu.memory_space<hbm>> -> memref<96x128xf32, #tpu.memory_space<hbm>>
      tpu.wait_dma2 semaphore(%arg21 : memref<!tpu.dma_semaphore, #tpu.memory_space<semaphore_mem>>) src(%arg9 : memref<96x128xf32, #tpu.memory_space<vmem>>) dst(%dma_wait3A_109 : memref<96x128xf32, #tpu.memory_space<hbm>>)
      %add3A_110 = arith.constant 2 : i32
      %add3A_111 = arith.addi %mul3A_16, %add3A_110 : i32
      %add3A_112 = arith.constant 4 : i32
      %add3A_113 = arith.addi %add3A_111, %add3A_112 : i32
      %mul3A_114 = arith.constant 96 : i32
      %mul3A_115 = arith.muli %add3A_113, %mul3A_114 : i32
      %multiple_of3A_116 = tpu.assume_multiple %mul3A_115, 8 : i32
      %dma_start3A_117 = tpu.memref_slice %arg8[%multiple_of3A_116] : memref<16416xi32, #tpu.memory_space<vmem>> -> memref<96xi32, #tpu.memory_space<vmem>>
      %dma_start3A_118 = arith.constant 0 : i32
      %dma_start3A_119 = arith.constant 0 : i32
      %dma_start3A_120 = tpu.memref_slice %arg2[%dma_start3A_118, %dma_start3A_119] : memref<100000x128xf32, #tpu.memory_space<hbm>> -> memref<100000x128xf32, #tpu.memory_space<hbm>>
      tpu.enqueue_indirect_dma source(%dma_start3A_120 : memref<100000x128xf32, #tpu.memory_space<hbm>>) target(%arg9 : memref<96x128xf32, #tpu.memory_space<vmem>>) offsets(%dma_start3A_117 : memref<96xi32, #tpu.memory_space<vmem>>) semaphore(%arg15 : memref<!tpu.dma_semaphore, #tpu.memory_space<semaphore_mem>>)
      %add3A_121 = arith.constant 2 : i32
      %add3A_122 = arith.addi %mul3A_16, %add3A_121 : i32
      %mul3A_123 = arith.constant 96 : i32
      %mul3A_124 = arith.muli %add3A_122, %mul3A_123 : i32
      %add3A_125 = arith.addi %mul3A_2, %mul3A_124 : i32
      %multiple_of3A_126 = tpu.assume_multiple %add3A_125, 8 : i32
      %dma_start3A_127 = arith.constant 0 : i32
      %dma_start3A_128 = tpu.memref_slice %arg6[%multiple_of3A_126, %dma_start3A_127] : memref<525312x128xf32, #tpu.memory_space<hbm>> -> memref<96x128xf32, #tpu.memory_space<hbm>>
      %dma_start3A_129 = arith.constant 0 : i32
      %dma_start3A_130 = tpu.memref_slice %arg6[%multiple_of3A_126, %dma_start3A_129] : memref<525312x128xf32, #tpu.memory_space<hbm>> -> memref<96x128xf32, #tpu.memory_space<hbm>>
      tpu.enqueue_dma source(%arg11 : memref<96x128xf32, #tpu.memory_space<vmem>>) target(%dma_start3A_130 : memref<96x128xf32, #tpu.memory_space<hbm>>) target_semaphore(%arg23 : memref<!tpu.dma_semaphore, #tpu.memory_space<semaphore_mem>>)
      %dma_wait3A_131 = tpu.memref_slice %arg8[%multiple_of3A_47] : memref<16416xi32, #tpu.memory_space<vmem>> -> memref<96xi32, #tpu.memory_space<vmem>>
      %dma_wait3A_132 = arith.constant 0 : i32
      %dma_wait3A_133 = arith.constant 0 : i32
      %dma_wait3A_134 = tpu.memref_slice %arg2[%dma_wait3A_132, %dma_wait3A_133] : memref<100000x128xf32, #tpu.memory_space<hbm>> -> memref<100000x128xf32, #tpu.memory_space<hbm>>
      tpu.wait_indirect_dma semaphore(%arg18 : memref<!tpu.dma_semaphore, #tpu.memory_space<semaphore_mem>>) src(%dma_wait3A_134 : memref<100000x128xf32, #tpu.memory_space<hbm>>) dst(%arg12 : memref<96x128xf32, #tpu.memory_space<vmem>>)
      %dma_wait3A_135 = arith.constant 0 : i32
      %dma_wait3A_136 = tpu.memref_slice %arg6[%multiple_of3A_97, %dma_wait3A_135] : memref<525312x128xf32, #tpu.memory_space<hbm>> -> memref<96x128xf32, #tpu.memory_space<hbm>>
      %dma_wait3A_137 = arith.constant 0 : i32
      %dma_wait3A_138 = tpu.memref_slice %arg6[%multiple_of3A_97, %dma_wait3A_137] : memref<525312x128xf32, #tpu.memory_space<hbm>> -> memref<96x128xf32, #tpu.memory_space<hbm>>
      tpu.wait_dma2 semaphore(%arg22 : memref<!tpu.dma_semaphore, #tpu.memory_space<semaphore_mem>>) src(%arg10 : memref<96x128xf32, #tpu.memory_space<vmem>>) dst(%dma_wait3A_138 : memref<96x128xf32, #tpu.memory_space<hbm>>)
      %add3A_139 = arith.constant 3 : i32
      %add3A_140 = arith.addi %mul3A_16, %add3A_139 : i32
      %add3A_141 = arith.constant 4 : i32
      %add3A_142 = arith.addi %add3A_140, %add3A_141 : i32
      %mul3A_143 = arith.constant 96 : i32
      %mul3A_144 = arith.muli %add3A_142, %mul3A_143 : i32
      %multiple_of3A_145 = tpu.assume_multiple %mul3A_144, 8 : i32
      %dma_start3A_146 = tpu.memref_slice %arg8[%multiple_of3A_145] : memref<16416xi32, #tpu.memory_space<vmem>> -> memref<96xi32, #tpu.memory_space<vmem>>
      %dma_start3A_147 = arith.constant 0 : i32
      %dma_start3A_148 = arith.constant 0 : i32
      %dma_start3A_149 = tpu.memref_slice %arg2[%dma_start3A_147, %dma_start3A_148] : memref<100000x128xf32, #tpu.memory_space<hbm>> -> memref<100000x128xf32, #tpu.memory_space<hbm>>
      tpu.enqueue_indirect_dma source(%dma_start3A_149 : memref<100000x128xf32, #tpu.memory_space<hbm>>) target(%arg10 : memref<96x128xf32, #tpu.memory_space<vmem>>) offsets(%dma_start3A_146 : memref<96xi32, #tpu.memory_space<vmem>>) semaphore(%arg16 : memref<!tpu.dma_semaphore, #tpu.memory_space<semaphore_mem>>)
      %add3A_150 = arith.constant 3 : i32
      %add3A_151 = arith.addi %mul3A_16, %add3A_150 : i32
      %mul3A_152 = arith.constant 96 : i32
      %mul3A_153 = arith.muli %add3A_151, %mul3A_152 : i32
      %add3A_154 = arith.addi %mul3A_2, %mul3A_153 : i32
      %multiple_of3A_155 = tpu.assume_multiple %add3A_154, 8 : i32
      %dma_start3A_156 = arith.constant 0 : i32
      %dma_start3A_157 = tpu.memref_slice %arg6[%multiple_of3A_155, %dma_start3A_156] : memref<525312x128xf32, #tpu.memory_space<hbm>> -> memref<96x128xf32, #tpu.memory_space<hbm>>
      %dma_start3A_158 = arith.constant 0 : i32
      %dma_start3A_159 = tpu.memref_slice %arg6[%multiple_of3A_155, %dma_start3A_158] : memref<525312x128xf32, #tpu.memory_space<hbm>> -> memref<96x128xf32, #tpu.memory_space<hbm>>
      tpu.enqueue_dma source(%arg12 : memref<96x128xf32, #tpu.memory_space<vmem>>) target(%dma_start3A_159 : memref<96x128xf32, #tpu.memory_space<hbm>>) target_semaphore(%arg24 : memref<!tpu.dma_semaphore, #tpu.memory_space<semaphore_mem>>)
      %dma_wait3A_160 = tpu.memref_slice %arg8[%multiple_of3A_62] : memref<16416xi32, #tpu.memory_space<vmem>> -> memref<96xi32, #tpu.memory_space<vmem>>
      %dma_wait3A_161 = arith.constant 0 : i32
      %dma_wait3A_162 = arith.constant 0 : i32
      %dma_wait3A_163 = tpu.memref_slice %arg2[%dma_wait3A_161, %dma_wait3A_162] : memref<100000x128xf32, #tpu.memory_space<hbm>> -> memref<100000x128xf32, #tpu.memory_space<hbm>>
      tpu.wait_indirect_dma semaphore(%arg19 : memref<!tpu.dma_semaphore, #tpu.memory_space<semaphore_mem>>) src(%dma_wait3A_163 : memref<100000x128xf32, #tpu.memory_space<hbm>>) dst(%arg13 : memref<96x128xf32, #tpu.memory_space<vmem>>)
      %dma_wait3A_164 = arith.constant 0 : i32
      %dma_wait3A_165 = tpu.memref_slice %arg6[%multiple_of3A_126, %dma_wait3A_164] : memref<525312x128xf32, #tpu.memory_space<hbm>> -> memref<96x128xf32, #tpu.memory_space<hbm>>
      %dma_wait3A_166 = arith.constant 0 : i32
      %dma_wait3A_167 = tpu.memref_slice %arg6[%multiple_of3A_126, %dma_wait3A_166] : memref<525312x128xf32, #tpu.memory_space<hbm>> -> memref<96x128xf32, #tpu.memory_space<hbm>>
      tpu.wait_dma2 semaphore(%arg23 : memref<!tpu.dma_semaphore, #tpu.memory_space<semaphore_mem>>) src(%arg11 : memref<96x128xf32, #tpu.memory_space<vmem>>) dst(%dma_wait3A_167 : memref<96x128xf32, #tpu.memory_space<hbm>>)
      %add3A_168 = arith.constant 4 : i32
      %add3A_169 = arith.addi %mul3A_16, %add3A_168 : i32
      %add3A_170 = arith.constant 4 : i32
      %add3A_171 = arith.addi %add3A_169, %add3A_170 : i32
      %mul3A_172 = arith.constant 96 : i32
      %mul3A_173 = arith.muli %add3A_171, %mul3A_172 : i32
      %multiple_of3A_174 = tpu.assume_multiple %mul3A_173, 8 : i32
      %dma_start3A_175 = tpu.memref_slice %arg8[%multiple_of3A_174] : memref<16416xi32, #tpu.memory_space<vmem>> -> memref<96xi32, #tpu.memory_space<vmem>>
      %dma_start3A_176 = arith.constant 0 : i32
      %dma_start3A_177 = arith.constant 0 : i32
      %dma_start3A_178 = tpu.memref_slice %arg2[%dma_start3A_176, %dma_start3A_177] : memref<100000x128xf32, #tpu.memory_space<hbm>> -> memref<100000x128xf32, #tpu.memory_space<hbm>>
      tpu.enqueue_indirect_dma source(%dma_start3A_178 : memref<100000x128xf32, #tpu.memory_space<hbm>>) target(%arg11 : memref<96x128xf32, #tpu.memory_space<vmem>>) offsets(%dma_start3A_175 : memref<96xi32, #tpu.memory_space<vmem>>) semaphore(%arg17 : memref<!tpu.dma_semaphore, #tpu.memory_space<semaphore_mem>>)
      %add3A_179 = arith.constant 4 : i32
      %add3A_180 = arith.addi %mul3A_16, %add3A_179 : i32
      %mul3A_181 = arith.constant 96 : i32
      %mul3A_182 = arith.muli %add3A_180, %mul3A_181 : i32
      %add3A_183 = arith.addi %mul3A_2, %mul3A_182 : i32
      %multiple_of3A_184 = tpu.assume_multiple %add3A_183, 8 : i32
      %dma_start3A_185 = arith.constant 0 : i32
      %dma_start3A_186 = tpu.memref_slice %arg6[%multiple_of3A_184, %dma_start3A_185] : memref<525312x128xf32, #tpu.memory_space<hbm>> -> memref<96x128xf32, #tpu.memory_space<hbm>>
      %dma_start3A_187 = arith.constant 0 : i32
      %dma_start3A_188 = tpu.memref_slice %arg6[%multiple_of3A_184, %dma_start3A_187] : memref<525312x128xf32, #tpu.memory_space<hbm>> -> memref<96x128xf32, #tpu.memory_space<hbm>>
      tpu.enqueue_dma source(%arg13 : memref<96x128xf32, #tpu.memory_space<vmem>>) target(%dma_start3A_188 : memref<96x128xf32, #tpu.memory_space<hbm>>) target_semaphore(%arg25 : memref<!tpu.dma_semaphore, #tpu.memory_space<semaphore_mem>>)
      %dma_wait3A_189 = tpu.memref_slice %arg8[%multiple_of3A_87] : memref<16416xi32, #tpu.memory_space<vmem>> -> memref<96xi32, #tpu.memory_space<vmem>>
      %dma_wait3A_190 = arith.constant 0 : i32
      %dma_wait3A_191 = arith.constant 0 : i32
      %dma_wait3A_192 = tpu.memref_slice %arg2[%dma_wait3A_190, %dma_wait3A_191] : memref<100000x128xf32, #tpu.memory_space<hbm>> -> memref<100000x128xf32, #tpu.memory_space<hbm>>
      tpu.wait_indirect_dma semaphore(%arg20 : memref<!tpu.dma_semaphore, #tpu.memory_space<semaphore_mem>>) src(%dma_wait3A_192 : memref<100000x128xf32, #tpu.memory_space<hbm>>) dst(%arg14 : memref<96x128xf32, #tpu.memory_space<vmem>>)
      %dma_wait3A_193 = arith.constant 0 : i32
      %dma_wait3A_194 = tpu.memref_slice %arg6[%multiple_of3A_155, %dma_wait3A_193] : memref<525312x128xf32, #tpu.memory_space<hbm>> -> memref<96x128xf32, #tpu.memory_space<hbm>>
      %dma_wait3A_195 = arith.constant 0 : i32
      %dma_wait3A_196 = tpu.memref_slice %arg6[%multiple_of3A_155, %dma_wait3A_195] : memref<525312x128xf32, #tpu.memory_space<hbm>> -> memref<96x128xf32, #tpu.memory_space<hbm>>
      tpu.wait_dma2 semaphore(%arg24 : memref<!tpu.dma_semaphore, #tpu.memory_space<semaphore_mem>>) src(%arg12 : memref<96x128xf32, #tpu.memory_space<vmem>>) dst(%dma_wait3A_196 : memref<96x128xf32, #tpu.memory_space<hbm>>)
      %add3A_197 = arith.constant 5 : i32
      %add3A_198 = arith.addi %mul3A_16, %add3A_197 : i32
      %add3A_199 = arith.constant 4 : i32
      %add3A_200 = arith.addi %add3A_198, %add3A_199 : i32
      %mul3A_201 = arith.constant 96 : i32
      %mul3A_202 = arith.muli %add3A_200, %mul3A_201 : i32
      %multiple_of3A_203 = tpu.assume_multiple %mul3A_202, 8 : i32
      %dma_start3A_204 = tpu.memref_slice %arg8[%multiple_of3A_203] : memref<16416xi32, #tpu.memory_space<vmem>> -> memref<96xi32, #tpu.memory_space<vmem>>
      %dma_start3A_205 = arith.constant 0 : i32
      %dma_start3A_206 = arith.constant 0 : i32
      %dma_start3A_207 = tpu.memref_slice %arg2[%dma_start3A_205, %dma_start3A_206] : memref<100000x128xf32, #tpu.memory_space<hbm>> -> memref<100000x128xf32, #tpu.memory_space<hbm>>
      tpu.enqueue_indirect_dma source(%dma_start3A_207 : memref<100000x128xf32, #tpu.memory_space<hbm>>) target(%arg12 : memref<96x128xf32, #tpu.memory_space<vmem>>) offsets(%dma_start3A_204 : memref<96xi32, #tpu.memory_space<vmem>>) semaphore(%arg18 : memref<!tpu.dma_semaphore, #tpu.memory_space<semaphore_mem>>)
      %add3A_208 = arith.constant 5 : i32
      %add3A_209 = arith.addi %mul3A_16, %add3A_208 : i32
      %mul3A_210 = arith.constant 96 : i32
      %mul3A_211 = arith.muli %add3A_209, %mul3A_210 : i32
      %add3A_212 = arith.addi %mul3A_2, %mul3A_211 : i32
      %multiple_of3A_213 = tpu.assume_multiple %add3A_212, 8 : i32
      %dma_start3A_214 = arith.constant 0 : i32
      %dma_start3A_215 = tpu.memref_slice %arg6[%multiple_of3A_213, %dma_start3A_214] : memref<525312x128xf32, #tpu.memory_space<hbm>> -> memref<96x128xf32, #tpu.memory_space<hbm>>
      %dma_start3A_216 = arith.constant 0 : i32
      %dma_start3A_217 = tpu.memref_slice %arg6[%multiple_of3A_213, %dma_start3A_216] : memref<525312x128xf32, #tpu.memory_space<hbm>> -> memref<96x128xf32, #tpu.memory_space<hbm>>
      tpu.enqueue_dma source(%arg14 : memref<96x128xf32, #tpu.memory_space<vmem>>) target(%dma_start3A_217 : memref<96x128xf32, #tpu.memory_space<hbm>>) target_semaphore(%arg26 : memref<!tpu.dma_semaphore, #tpu.memory_space<semaphore_mem>>)
      %dma_wait3A_218 = tpu.memref_slice %arg8[%multiple_of3A_116] : memref<16416xi32, #tpu.memory_space<vmem>> -> memref<96xi32, #tpu.memory_space<vmem>>
      %dma_wait3A_219 = arith.constant 0 : i32
      %dma_wait3A_220 = arith.constant 0 : i32
      %dma_wait3A_221 = tpu.memref_slice %arg2[%dma_wait3A_219, %dma_wait3A_220] : memref<100000x128xf32, #tpu.memory_space<hbm>> -> memref<100000x128xf32, #tpu.memory_space<hbm>>
      tpu.wait_indirect_dma semaphore(%arg15 : memref<!tpu.dma_semaphore, #tpu.memory_space<semaphore_mem>>) src(%dma_wait3A_221 : memref<100000x128xf32, #tpu.memory_space<hbm>>) dst(%arg9 : memref<96x128xf32, #tpu.memory_space<vmem>>)
      %dma_wait3A_222 = arith.constant 0 : i32
      %dma_wait3A_223 = tpu.memref_slice %arg6[%multiple_of3A_184, %dma_wait3A_222] : memref<525312x128xf32, #tpu.memory_space<hbm>> -> memref<96x128xf32, #tpu.memory_space<hbm>>
      %dma_wait3A_224 = arith.constant 0 : i32
      %dma_wait3A_225 = tpu.memref_slice %arg6[%multiple_of3A_184, %dma_wait3A_224] : memref<525312x128xf32, #tpu.memory_space<hbm>> -> memref<96x128xf32, #tpu.memory_space<hbm>>
      tpu.wait_dma2 semaphore(%arg25 : memref<!tpu.dma_semaphore, #tpu.memory_space<semaphore_mem>>) src(%arg13 : memref<96x128xf32, #tpu.memory_space<vmem>>) dst(%dma_wait3A_225 : memref<96x128xf32, #tpu.memory_space<hbm>>)
      %add3A_226 = arith.constant 6 : i32
      %add3A_227 = arith.addi %mul3A_16, %add3A_226 : i32
      %add3A_228 = arith.constant 4 : i32
      %add3A_229 = arith.addi %add3A_227, %add3A_228 : i32
      %mul3A_230 = arith.constant 96 : i32
      %mul3A_231 = arith.muli %add3A_229, %mul3A_230 : i32
      %multiple_of3A_232 = tpu.assume_multiple %mul3A_231, 8 : i32
      %dma_start3A_233 = tpu.memref_slice %arg8[%multiple_of3A_232] : memref<16416xi32, #tpu.memory_space<vmem>> -> memref<96xi32, #tpu.memory_space<vmem>>
      %dma_start3A_234 = arith.constant 0 : i32
      %dma_start3A_235 = arith.constant 0 : i32
      %dma_start3A_236 = tpu.memref_slice %arg2[%dma_start3A_234, %dma_start3A_235] : memref<100000x128xf32, #tpu.memory_space<hbm>> -> memref<100000x128xf32, #tpu.memory_space<hbm>>
      tpu.enqueue_indirect_dma source(%dma_start3A_236 : memref<100000x128xf32, #tpu.memory_space<hbm>>) target(%arg13 : memref<96x128xf32, #tpu.memory_space<vmem>>) offsets(%dma_start3A_233 : memref<96xi32, #tpu.memory_space<vmem>>) semaphore(%arg19 : memref<!tpu.dma_semaphore, #tpu.memory_space<semaphore_mem>>)
      %add3A_237 = arith.constant 6 : i32
      %add3A_238 = arith.addi %mul3A_16, %add3A_237 : i32
      %mul3A_239 = arith.constant 96 : i32
      %mul3A_240 = arith.muli %add3A_238, %mul3A_239 : i32
      %add3A_241 = arith.addi %mul3A_2, %mul3A_240 : i32
      %multiple_of3A_242 = tpu.assume_multiple %add3A_241, 8 : i32
      %dma_start3A_243 = arith.constant 0 : i32
      %dma_start3A_244 = tpu.memref_slice %arg6[%multiple_of3A_242, %dma_start3A_243] : memref<525312x128xf32, #tpu.memory_space<hbm>> -> memref<96x128xf32, #tpu.memory_space<hbm>>
      %dma_start3A_245 = arith.constant 0 : i32
      %dma_start3A_246 = tpu.memref_slice %arg6[%multiple_of3A_242, %dma_start3A_245] : memref<525312x128xf32, #tpu.memory_space<hbm>> -> memref<96x128xf32, #tpu.memory_space<hbm>>
      tpu.enqueue_dma source(%arg9 : memref<96x128xf32, #tpu.memory_space<vmem>>) target(%dma_start3A_246 : memref<96x128xf32, #tpu.memory_space<hbm>>) target_semaphore(%arg21 : memref<!tpu.dma_semaphore, #tpu.memory_space<semaphore_mem>>)
      %dma_wait3A_247 = tpu.memref_slice %arg8[%multiple_of3A_145] : memref<16416xi32, #tpu.memory_space<vmem>> -> memref<96xi32, #tpu.memory_space<vmem>>
      %dma_wait3A_248 = arith.constant 0 : i32
      %dma_wait3A_249 = arith.constant 0 : i32
      %dma_wait3A_250 = tpu.memref_slice %arg2[%dma_wait3A_248, %dma_wait3A_249] : memref<100000x128xf32, #tpu.memory_space<hbm>> -> memref<100000x128xf32, #tpu.memory_space<hbm>>
      tpu.wait_indirect_dma semaphore(%arg16 : memref<!tpu.dma_semaphore, #tpu.memory_space<semaphore_mem>>) src(%dma_wait3A_250 : memref<100000x128xf32, #tpu.memory_space<hbm>>) dst(%arg10 : memref<96x128xf32, #tpu.memory_space<vmem>>)
      %dma_wait3A_251 = arith.constant 0 : i32
      %dma_wait3A_252 = tpu.memref_slice %arg6[%multiple_of3A_213, %dma_wait3A_251] : memref<525312x128xf32, #tpu.memory_space<hbm>> -> memref<96x128xf32, #tpu.memory_space<hbm>>
      %dma_wait3A_253 = arith.constant 0 : i32
      %dma_wait3A_254 = tpu.memref_slice %arg6[%multiple_of3A_213, %dma_wait3A_253] : memref<525312x128xf32, #tpu.memory_space<hbm>> -> memref<96x128xf32, #tpu.memory_space<hbm>>
      tpu.wait_dma2 semaphore(%arg26 : memref<!tpu.dma_semaphore, #tpu.memory_space<semaphore_mem>>) src(%arg14 : memref<96x128xf32, #tpu.memory_space<vmem>>) dst(%dma_wait3A_254 : memref<96x128xf32, #tpu.memory_space<hbm>>)
      %add3A_255 = arith.constant 7 : i32
      %add3A_256 = arith.addi %mul3A_16, %add3A_255 : i32
      %add3A_257 = arith.constant 4 : i32
      %add3A_258 = arith.addi %add3A_256, %add3A_257 : i32
      %mul3A_259 = arith.constant 96 : i32
      %mul3A_260 = arith.muli %add3A_258, %mul3A_259 : i32
      %multiple_of3A_261 = tpu.assume_multiple %mul3A_260, 8 : i32
      %dma_start3A_262 = tpu.memref_slice %arg8[%multiple_of3A_261] : memref<16416xi32, #tpu.memory_space<vmem>> -> memref<96xi32, #tpu.memory_space<vmem>>
      %dma_start3A_263 = arith.constant 0 : i32
      %dma_start3A_264 = arith.constant 0 : i32
      %dma_start3A_265 = tpu.memref_slice %arg2[%dma_start3A_263, %dma_start3A_264] : memref<100000x128xf32, #tpu.memory_space<hbm>> -> memref<100000x128xf32, #tpu.memory_space<hbm>>
      tpu.enqueue_indirect_dma source(%dma_start3A_265 : memref<100000x128xf32, #tpu.memory_space<hbm>>) target(%arg14 : memref<96x128xf32, #tpu.memory_space<vmem>>) offsets(%dma_start3A_262 : memref<96xi32, #tpu.memory_space<vmem>>) semaphore(%arg20 : memref<!tpu.dma_semaphore, #tpu.memory_space<semaphore_mem>>)
      %add3A_266 = arith.constant 7 : i32
      %add3A_267 = arith.addi %mul3A_16, %add3A_266 : i32
      %mul3A_268 = arith.constant 96 : i32
      %mul3A_269 = arith.muli %add3A_267, %mul3A_268 : i32
      %add3A_270 = arith.addi %mul3A_2, %mul3A_269 : i32
      %multiple_of3A_271 = tpu.assume_multiple %add3A_270, 8 : i32
      %dma_start3A_272 = arith.constant 0 : i32
      %dma_start3A_273 = tpu.memref_slice %arg6[%multiple_of3A_271, %dma_start3A_272] : memref<525312x128xf32, #tpu.memory_space<hbm>> -> memref<96x128xf32, #tpu.memory_space<hbm>>
      %dma_start3A_274 = arith.constant 0 : i32
      %dma_start3A_275 = tpu.memref_slice %arg6[%multiple_of3A_271, %dma_start3A_274] : memref<525312x128xf32, #tpu.memory_space<hbm>> -> memref<96x128xf32, #tpu.memory_space<hbm>>
      tpu.enqueue_dma source(%arg10 : memref<96x128xf32, #tpu.memory_space<vmem>>) target(%dma_start3A_275 : memref<96x128xf32, #tpu.memory_space<hbm>>) target_semaphore(%arg22 : memref<!tpu.dma_semaphore, #tpu.memory_space<semaphore_mem>>)
      %dma_wait3A_276 = tpu.memref_slice %arg8[%multiple_of3A_174] : memref<16416xi32, #tpu.memory_space<vmem>> -> memref<96xi32, #tpu.memory_space<vmem>>
      %dma_wait3A_277 = arith.constant 0 : i32
      %dma_wait3A_278 = arith.constant 0 : i32
      %dma_wait3A_279 = tpu.memref_slice %arg2[%dma_wait3A_277, %dma_wait3A_278] : memref<100000x128xf32, #tpu.memory_space<hbm>> -> memref<100000x128xf32, #tpu.memory_space<hbm>>
      tpu.wait_indirect_dma semaphore(%arg17 : memref<!tpu.dma_semaphore, #tpu.memory_space<semaphore_mem>>) src(%dma_wait3A_279 : memref<100000x128xf32, #tpu.memory_space<hbm>>) dst(%arg11 : memref<96x128xf32, #tpu.memory_space<vmem>>)
      %dma_wait3A_280 = arith.constant 0 : i32
      %dma_wait3A_281 = tpu.memref_slice %arg6[%multiple_of3A_242, %dma_wait3A_280] : memref<525312x128xf32, #tpu.memory_space<hbm>> -> memref<96x128xf32, #tpu.memory_space<hbm>>
      %dma_wait3A_282 = arith.constant 0 : i32
      %dma_wait3A_283 = tpu.memref_slice %arg6[%multiple_of3A_242, %dma_wait3A_282] : memref<525312x128xf32, #tpu.memory_space<hbm>> -> memref<96x128xf32, #tpu.memory_space<hbm>>
      tpu.wait_dma2 semaphore(%arg21 : memref<!tpu.dma_semaphore, #tpu.memory_space<semaphore_mem>>) src(%arg9 : memref<96x128xf32, #tpu.memory_space<vmem>>) dst(%dma_wait3A_283 : memref<96x128xf32, #tpu.memory_space<hbm>>)
      %add3A_284 = arith.constant 8 : i32
      %add3A_285 = arith.addi %mul3A_16, %add3A_284 : i32
      %add3A_286 = arith.constant 4 : i32
      %add3A_287 = arith.addi %add3A_285, %add3A_286 : i32
      %mul3A_288 = arith.constant 96 : i32
      %mul3A_289 = arith.muli %add3A_287, %mul3A_288 : i32
      %multiple_of3A_290 = tpu.assume_multiple %mul3A_289, 8 : i32
      %dma_start3A_291 = tpu.memref_slice %arg8[%multiple_of3A_290] : memref<16416xi32, #tpu.memory_space<vmem>> -> memref<96xi32, #tpu.memory_space<vmem>>
      %dma_start3A_292 = arith.constant 0 : i32
      %dma_start3A_293 = arith.constant 0 : i32
      %dma_start3A_294 = tpu.memref_slice %arg2[%dma_start3A_292, %dma_start3A_293] : memref<100000x128xf32, #tpu.memory_space<hbm>> -> memref<100000x128xf32, #tpu.memory_space<hbm>>
      tpu.enqueue_indirect_dma source(%dma_start3A_294 : memref<100000x128xf32, #tpu.memory_space<hbm>>) target(%arg9 : memref<96x128xf32, #tpu.memory_space<vmem>>) offsets(%dma_start3A_291 : memref<96xi32, #tpu.memory_space<vmem>>) semaphore(%arg15 : memref<!tpu.dma_semaphore, #tpu.memory_space<semaphore_mem>>)
      %add3A_295 = arith.constant 8 : i32
      %add3A_296 = arith.addi %mul3A_16, %add3A_295 : i32
      %mul3A_297 = arith.constant 96 : i32
      %mul3A_298 = arith.muli %add3A_296, %mul3A_297 : i32
      %add3A_299 = arith.addi %mul3A_2, %mul3A_298 : i32
      %multiple_of3A_300 = tpu.assume_multiple %add3A_299, 8 : i32
      %dma_start3A_301 = arith.constant 0 : i32
      %dma_start3A_302 = tpu.memref_slice %arg6[%multiple_of3A_300, %dma_start3A_301] : memref<525312x128xf32, #tpu.memory_space<hbm>> -> memref<96x128xf32, #tpu.memory_space<hbm>>
      %dma_start3A_303 = arith.constant 0 : i32
      %dma_start3A_304 = tpu.memref_slice %arg6[%multiple_of3A_300, %dma_start3A_303] : memref<525312x128xf32, #tpu.memory_space<hbm>> -> memref<96x128xf32, #tpu.memory_space<hbm>>
      tpu.enqueue_dma source(%arg11 : memref<96x128xf32, #tpu.memory_space<vmem>>) target(%dma_start3A_304 : memref<96x128xf32, #tpu.memory_space<hbm>>) target_semaphore(%arg23 : memref<!tpu.dma_semaphore, #tpu.memory_space<semaphore_mem>>)
      %dma_wait3A_305 = tpu.memref_slice %arg8[%multiple_of3A_203] : memref<16416xi32, #tpu.memory_space<vmem>> -> memref<96xi32, #tpu.memory_space<vmem>>
      %dma_wait3A_306 = arith.constant 0 : i32
      %dma_wait3A_307 = arith.constant 0 : i32
      %dma_wait3A_308 = tpu.memref_slice %arg2[%dma_wait3A_306, %dma_wait3A_307] : memref<100000x128xf32, #tpu.memory_space<hbm>> -> memref<100000x128xf32, #tpu.memory_space<hbm>>
      tpu.wait_indirect_dma semaphore(%arg18 : memref<!tpu.dma_semaphore, #tpu.memory_space<semaphore_mem>>) src(%dma_wait3A_308 : memref<100000x128xf32, #tpu.memory_space<hbm>>) dst(%arg12 : memref<96x128xf32, #tpu.memory_space<vmem>>)
      %dma_wait3A_309 = arith.constant 0 : i32
      %dma_wait3A_310 = tpu.memref_slice %arg6[%multiple_of3A_271, %dma_wait3A_309] : memref<525312x128xf32, #tpu.memory_space<hbm>> -> memref<96x128xf32, #tpu.memory_space<hbm>>
      %dma_wait3A_311 = arith.constant 0 : i32
      %dma_wait3A_312 = tpu.memref_slice %arg6[%multiple_of3A_271, %dma_wait3A_311] : memref<525312x128xf32, #tpu.memory_space<hbm>> -> memref<96x128xf32, #tpu.memory_space<hbm>>
      tpu.wait_dma2 semaphore(%arg22 : memref<!tpu.dma_semaphore, #tpu.memory_space<semaphore_mem>>) src(%arg10 : memref<96x128xf32, #tpu.memory_space<vmem>>) dst(%dma_wait3A_312 : memref<96x128xf32, #tpu.memory_space<hbm>>)
      %add3A_313 = arith.constant 9 : i32
      %add3A_314 = arith.addi %mul3A_16, %add3A_313 : i32
      %add3A_315 = arith.constant 4 : i32
      %add3A_316 = arith.addi %add3A_314, %add3A_315 : i32
      %mul3A_317 = arith.constant 96 : i32
      %mul3A_318 = arith.muli %add3A_316, %mul3A_317 : i32
      %multiple_of3A_319 = tpu.assume_multiple %mul3A_318, 8 : i32
      %dma_start3A_320 = tpu.memref_slice %arg8[%multiple_of3A_319] : memref<16416xi32, #tpu.memory_space<vmem>> -> memref<96xi32, #tpu.memory_space<vmem>>
      %dma_start3A_321 = arith.constant 0 : i32
      %dma_start3A_322 = arith.constant 0 : i32
      %dma_start3A_323 = tpu.memref_slice %arg2[%dma_start3A_321, %dma_start3A_322] : memref<100000x128xf32, #tpu.memory_space<hbm>> -> memref<100000x128xf32, #tpu.memory_space<hbm>>
      tpu.enqueue_indirect_dma source(%dma_start3A_323 : memref<100000x128xf32, #tpu.memory_space<hbm>>) target(%arg10 : memref<96x128xf32, #tpu.memory_space<vmem>>) offsets(%dma_start3A_320 : memref<96xi32, #tpu.memory_space<vmem>>) semaphore(%arg16 : memref<!tpu.dma_semaphore, #tpu.memory_space<semaphore_mem>>)
      %add3A_324 = arith.constant 9 : i32
      %add3A_325 = arith.addi %mul3A_16, %add3A_324 : i32
      %mul3A_326 = arith.constant 96 : i32
      %mul3A_327 = arith.muli %add3A_325, %mul3A_326 : i32
      %add3A_328 = arith.addi %mul3A_2, %mul3A_327 : i32
      %multiple_of3A_329 = tpu.assume_multiple %add3A_328, 8 : i32
      %dma_start3A_330 = arith.constant 0 : i32
      %dma_start3A_331 = tpu.memref_slice %arg6[%multiple_of3A_329, %dma_start3A_330] : memref<525312x128xf32, #tpu.memory_space<hbm>> -> memref<96x128xf32, #tpu.memory_space<hbm>>
      %dma_start3A_332 = arith.constant 0 : i32
      %dma_start3A_333 = tpu.memref_slice %arg6[%multiple_of3A_329, %dma_start3A_332] : memref<525312x128xf32, #tpu.memory_space<hbm>> -> memref<96x128xf32, #tpu.memory_space<hbm>>
      tpu.enqueue_dma source(%arg12 : memref<96x128xf32, #tpu.memory_space<vmem>>) target(%dma_start3A_333 : memref<96x128xf32, #tpu.memory_space<hbm>>) target_semaphore(%arg24 : memref<!tpu.dma_semaphore, #tpu.memory_space<semaphore_mem>>)
      %dma_wait3A_334 = tpu.memref_slice %arg8[%multiple_of3A_232] : memref<16416xi32, #tpu.memory_space<vmem>> -> memref<96xi32, #tpu.memory_space<vmem>>
      %dma_wait3A_335 = arith.constant 0 : i32
      %dma_wait3A_336 = arith.constant 0 : i32
      %dma_wait3A_337 = tpu.memref_slice %arg2[%dma_wait3A_335, %dma_wait3A_336] : memref<100000x128xf32, #tpu.memory_space<hbm>> -> memref<100000x128xf32, #tpu.memory_space<hbm>>
      tpu.wait_indirect_dma semaphore(%arg19 : memref<!tpu.dma_semaphore, #tpu.memory_space<semaphore_mem>>) src(%dma_wait3A_337 : memref<100000x128xf32, #tpu.memory_space<hbm>>) dst(%arg13 : memref<96x128xf32, #tpu.memory_space<vmem>>)
      %dma_wait3A_338 = arith.constant 0 : i32
      %dma_wait3A_339 = tpu.memref_slice %arg6[%multiple_of3A_300, %dma_wait3A_338] : memref<525312x128xf32, #tpu.memory_space<hbm>> -> memref<96x128xf32, #tpu.memory_space<hbm>>
      %dma_wait3A_340 = arith.constant 0 : i32
      %dma_wait3A_341 = tpu.memref_slice %arg6[%multiple_of3A_300, %dma_wait3A_340] : memref<525312x128xf32, #tpu.memory_space<hbm>> -> memref<96x128xf32, #tpu.memory_space<hbm>>
      tpu.wait_dma2 semaphore(%arg23 : memref<!tpu.dma_semaphore, #tpu.memory_space<semaphore_mem>>) src(%arg11 : memref<96x128xf32, #tpu.memory_space<vmem>>) dst(%dma_wait3A_341 : memref<96x128xf32, #tpu.memory_space<hbm>>)
      %add3A_342 = arith.constant 10 : i32
      %add3A_343 = arith.addi %mul3A_16, %add3A_342 : i32
      %add3A_344 = arith.constant 4 : i32
      %add3A_345 = arith.addi %add3A_343, %add3A_344 : i32
      %mul3A_346 = arith.constant 96 : i32
      %mul3A_347 = arith.muli %add3A_345, %mul3A_346 : i32
      %multiple_of3A_348 = tpu.assume_multiple %mul3A_347, 8 : i32
      %dma_start3A_349 = tpu.memref_slice %arg8[%multiple_of3A_348] : memref<16416xi32, #tpu.memory_space<vmem>> -> memref<96xi32, #tpu.memory_space<vmem>>
      %dma_start3A_350 = arith.constant 0 : i32
      %dma_start3A_351 = arith.constant 0 : i32
      %dma_start3A_352 = tpu.memref_slice %arg2[%dma_start3A_350, %dma_start3A_351] : memref<100000x128xf32, #tpu.memory_space<hbm>> -> memref<100000x128xf32, #tpu.memory_space<hbm>>
      tpu.enqueue_indirect_dma source(%dma_start3A_352 : memref<100000x128xf32, #tpu.memory_space<hbm>>) target(%arg11 : memref<96x128xf32, #tpu.memory_space<vmem>>) offsets(%dma_start3A_349 : memref<96xi32, #tpu.memory_space<vmem>>) semaphore(%arg17 : memref<!tpu.dma_semaphore, #tpu.memory_space<semaphore_mem>>)
      %add3A_353 = arith.constant 10 : i32
      %add3A_354 = arith.addi %mul3A_16, %add3A_353 : i32
      %mul3A_355 = arith.constant 96 : i32
      %mul3A_356 = arith.muli %add3A_354, %mul3A_355 : i32
      %add3A_357 = arith.addi %mul3A_2, %mul3A_356 : i32
      %multiple_of3A_358 = tpu.assume_multiple %add3A_357, 8 : i32
      %dma_start3A_359 = arith.constant 0 : i32
      %dma_start3A_360 = tpu.memref_slice %arg6[%multiple_of3A_358, %dma_start3A_359] : memref<525312x128xf32, #tpu.memory_space<hbm>> -> memref<96x128xf32, #tpu.memory_space<hbm>>
      %dma_start3A_361 = arith.constant 0 : i32
      %dma_start3A_362 = tpu.memref_slice %arg6[%multiple_of3A_358, %dma_start3A_361] : memref<525312x128xf32, #tpu.memory_space<hbm>> -> memref<96x128xf32, #tpu.memory_space<hbm>>
      tpu.enqueue_dma source(%arg13 : memref<96x128xf32, #tpu.memory_space<vmem>>) target(%dma_start3A_362 : memref<96x128xf32, #tpu.memory_space<hbm>>) target_semaphore(%arg25 : memref<!tpu.dma_semaphore, #tpu.memory_space<semaphore_mem>>)
      %dma_wait3A_363 = tpu.memref_slice %arg8[%multiple_of3A_261] : memref<16416xi32, #tpu.memory_space<vmem>> -> memref<96xi32, #tpu.memory_space<vmem>>
      %dma_wait3A_364 = arith.constant 0 : i32
      %dma_wait3A_365 = arith.constant 0 : i32
      %dma_wait3A_366 = tpu.memref_slice %arg2[%dma_wait3A_364, %dma_wait3A_365] : memref<100000x128xf32, #tpu.memory_space<hbm>> -> memref<100000x128xf32, #tpu.memory_space<hbm>>
      tpu.wait_indirect_dma semaphore(%arg20 : memref<!tpu.dma_semaphore, #tpu.memory_space<semaphore_mem>>) src(%dma_wait3A_366 : memref<100000x128xf32, #tpu.memory_space<hbm>>) dst(%arg14 : memref<96x128xf32, #tpu.memory_space<vmem>>)
      %dma_wait3A_367 = arith.constant 0 : i32
      %dma_wait3A_368 = tpu.memref_slice %arg6[%multiple_of3A_329, %dma_wait3A_367] : memref<525312x128xf32, #tpu.memory_space<hbm>> -> memref<96x128xf32, #tpu.memory_space<hbm>>
      %dma_wait3A_369 = arith.constant 0 : i32
      %dma_wait3A_370 = tpu.memref_slice %arg6[%multiple_of3A_329, %dma_wait3A_369] : memref<525312x128xf32, #tpu.memory_space<hbm>> -> memref<96x128xf32, #tpu.memory_space<hbm>>
      tpu.wait_dma2 semaphore(%arg24 : memref<!tpu.dma_semaphore, #tpu.memory_space<semaphore_mem>>) src(%arg12 : memref<96x128xf32, #tpu.memory_space<vmem>>) dst(%dma_wait3A_370 : memref<96x128xf32, #tpu.memory_space<hbm>>)
      %add3A_371 = arith.constant 11 : i32
      %add3A_372 = arith.addi %mul3A_16, %add3A_371 : i32
      %add3A_373 = arith.constant 4 : i32
      %add3A_374 = arith.addi %add3A_372, %add3A_373 : i32
      %mul3A_375 = arith.constant 96 : i32
      %mul3A_376 = arith.muli %add3A_374, %mul3A_375 : i32
      %multiple_of3A_377 = tpu.assume_multiple %mul3A_376, 8 : i32
      %dma_start3A_378 = tpu.memref_slice %arg8[%multiple_of3A_377] : memref<16416xi32, #tpu.memory_space<vmem>> -> memref<96xi32, #tpu.memory_space<vmem>>
      %dma_start3A_379 = arith.constant 0 : i32
      %dma_start3A_380 = arith.constant 0 : i32
      %dma_start3A_381 = tpu.memref_slice %arg2[%dma_start3A_379, %dma_start3A_380] : memref<100000x128xf32, #tpu.memory_space<hbm>> -> memref<100000x128xf32, #tpu.memory_space<hbm>>
      tpu.enqueue_indirect_dma source(%dma_start3A_381 : memref<100000x128xf32, #tpu.memory_space<hbm>>) target(%arg12 : memref<96x128xf32, #tpu.memory_space<vmem>>) offsets(%dma_start3A_378 : memref<96xi32, #tpu.memory_space<vmem>>) semaphore(%arg18 : memref<!tpu.dma_semaphore, #tpu.memory_space<semaphore_mem>>)
      %add3A_382 = arith.constant 11 : i32
      %add3A_383 = arith.addi %mul3A_16, %add3A_382 : i32
      %mul3A_384 = arith.constant 96 : i32
      %mul3A_385 = arith.muli %add3A_383, %mul3A_384 : i32
      %add3A_386 = arith.addi %mul3A_2, %mul3A_385 : i32
      %multiple_of3A_387 = tpu.assume_multiple %add3A_386, 8 : i32
      %dma_start3A_388 = arith.constant 0 : i32
      %dma_start3A_389 = tpu.memref_slice %arg6[%multiple_of3A_387, %dma_start3A_388] : memref<525312x128xf32, #tpu.memory_space<hbm>> -> memref<96x128xf32, #tpu.memory_space<hbm>>
      %dma_start3A_390 = arith.constant 0 : i32
      %dma_start3A_391 = tpu.memref_slice %arg6[%multiple_of3A_387, %dma_start3A_390] : memref<525312x128xf32, #tpu.memory_space<hbm>> -> memref<96x128xf32, #tpu.memory_space<hbm>>
      tpu.enqueue_dma source(%arg14 : memref<96x128xf32, #tpu.memory_space<vmem>>) target(%dma_start3A_391 : memref<96x128xf32, #tpu.memory_space<hbm>>) target_semaphore(%arg26 : memref<!tpu.dma_semaphore, #tpu.memory_space<semaphore_mem>>)
      %dma_wait3A_392 = tpu.memref_slice %arg8[%multiple_of3A_290] : memref<16416xi32, #tpu.memory_space<vmem>> -> memref<96xi32, #tpu.memory_space<vmem>>
      %dma_wait3A_393 = arith.constant 0 : i32
      %dma_wait3A_394 = arith.constant 0 : i32
      %dma_wait3A_395 = tpu.memref_slice %arg2[%dma_wait3A_393, %dma_wait3A_394] : memref<100000x128xf32, #tpu.memory_space<hbm>> -> memref<100000x128xf32, #tpu.memory_space<hbm>>
      tpu.wait_indirect_dma semaphore(%arg15 : memref<!tpu.dma_semaphore, #tpu.memory_space<semaphore_mem>>) src(%dma_wait3A_395 : memref<100000x128xf32, #tpu.memory_space<hbm>>) dst(%arg9 : memref<96x128xf32, #tpu.memory_space<vmem>>)
      %dma_wait3A_396 = arith.constant 0 : i32
      %dma_wait3A_397 = tpu.memref_slice %arg6[%multiple_of3A_358, %dma_wait3A_396] : memref<525312x128xf32, #tpu.memory_space<hbm>> -> memref<96x128xf32, #tpu.memory_space<hbm>>
      %dma_wait3A_398 = arith.constant 0 : i32
      %dma_wait3A_399 = tpu.memref_slice %arg6[%multiple_of3A_358, %dma_wait3A_398] : memref<525312x128xf32, #tpu.memory_space<hbm>> -> memref<96x128xf32, #tpu.memory_space<hbm>>
      tpu.wait_dma2 semaphore(%arg25 : memref<!tpu.dma_semaphore, #tpu.memory_space<semaphore_mem>>) src(%arg13 : memref<96x128xf32, #tpu.memory_space<vmem>>) dst(%dma_wait3A_399 : memref<96x128xf32, #tpu.memory_space<hbm>>)
      %add3A_400 = arith.constant 12 : i32
      %add3A_401 = arith.addi %mul3A_16, %add3A_400 : i32
      %add3A_402 = arith.constant 4 : i32
      %add3A_403 = arith.addi %add3A_401, %add3A_402 : i32
      %mul3A_404 = arith.constant 96 : i32
      %mul3A_405 = arith.muli %add3A_403, %mul3A_404 : i32
      %multiple_of3A_406 = tpu.assume_multiple %mul3A_405, 8 : i32
      %dma_start3A_407 = tpu.memref_slice %arg8[%multiple_of3A_406] : memref<16416xi32, #tpu.memory_space<vmem>> -> memref<96xi32, #tpu.memory_space<vmem>>
      %dma_start3A_408 = arith.constant 0 : i32
      %dma_start3A_409 = arith.constant 0 : i32
      %dma_start3A_410 = tpu.memref_slice %arg2[%dma_start3A_408, %dma_start3A_409] : memref<100000x128xf32, #tpu.memory_space<hbm>> -> memref<100000x128xf32, #tpu.memory_space<hbm>>
      tpu.enqueue_indirect_dma source(%dma_start3A_410 : memref<100000x128xf32, #tpu.memory_space<hbm>>) target(%arg13 : memref<96x128xf32, #tpu.memory_space<vmem>>) offsets(%dma_start3A_407 : memref<96xi32, #tpu.memory_space<vmem>>) semaphore(%arg19 : memref<!tpu.dma_semaphore, #tpu.memory_space<semaphore_mem>>)
      %add3A_411 = arith.constant 12 : i32
      %add3A_412 = arith.addi %mul3A_16, %add3A_411 : i32
      %mul3A_413 = arith.constant 96 : i32
      %mul3A_414 = arith.muli %add3A_412, %mul3A_413 : i32
      %add3A_415 = arith.addi %mul3A_2, %mul3A_414 : i32
      %multiple_of3A_416 = tpu.assume_multiple %add3A_415, 8 : i32
      %dma_start3A_417 = arith.constant 0 : i32
      %dma_start3A_418 = tpu.memref_slice %arg6[%multiple_of3A_416, %dma_start3A_417] : memref<525312x128xf32, #tpu.memory_space<hbm>> -> memref<96x128xf32, #tpu.memory_space<hbm>>
      %dma_start3A_419 = arith.constant 0 : i32
      %dma_start3A_420 = tpu.memref_slice %arg6[%multiple_of3A_416, %dma_start3A_419] : memref<525312x128xf32, #tpu.memory_space<hbm>> -> memref<96x128xf32, #tpu.memory_space<hbm>>
      tpu.enqueue_dma source(%arg9 : memref<96x128xf32, #tpu.memory_space<vmem>>) target(%dma_start3A_420 : memref<96x128xf32, #tpu.memory_space<hbm>>) target_semaphore(%arg21 : memref<!tpu.dma_semaphore, #tpu.memory_space<semaphore_mem>>)
      %dma_wait3A_421 = tpu.memref_slice %arg8[%multiple_of3A_319] : memref<16416xi32, #tpu.memory_space<vmem>> -> memref<96xi32, #tpu.memory_space<vmem>>
      %dma_wait3A_422 = arith.constant 0 : i32
      %dma_wait3A_423 = arith.constant 0 : i32
      %dma_wait3A_424 = tpu.memref_slice %arg2[%dma_wait3A_422, %dma_wait3A_423] : memref<100000x128xf32, #tpu.memory_space<hbm>> -> memref<100000x128xf32, #tpu.memory_space<hbm>>
      tpu.wait_indirect_dma semaphore(%arg16 : memref<!tpu.dma_semaphore, #tpu.memory_space<semaphore_mem>>) src(%dma_wait3A_424 : memref<100000x128xf32, #tpu.memory_space<hbm>>) dst(%arg10 : memref<96x128xf32, #tpu.memory_space<vmem>>)
      %dma_wait3A_425 = arith.constant 0 : i32
      %dma_wait3A_426 = tpu.memref_slice %arg6[%multiple_of3A_387, %dma_wait3A_425] : memref<525312x128xf32, #tpu.memory_space<hbm>> -> memref<96x128xf32, #tpu.memory_space<hbm>>
      %dma_wait3A_427 = arith.constant 0 : i32
      %dma_wait3A_428 = tpu.memref_slice %arg6[%multiple_of3A_387, %dma_wait3A_427] : memref<525312x128xf32, #tpu.memory_space<hbm>> -> memref<96x128xf32, #tpu.memory_space<hbm>>
      tpu.wait_dma2 semaphore(%arg26 : memref<!tpu.dma_semaphore, #tpu.memory_space<semaphore_mem>>) src(%arg14 : memref<96x128xf32, #tpu.memory_space<vmem>>) dst(%dma_wait3A_428 : memref<96x128xf32, #tpu.memory_space<hbm>>)
      %add3A_429 = arith.constant 13 : i32
      %add3A_430 = arith.addi %mul3A_16, %add3A_429 : i32
      %add3A_431 = arith.constant 4 : i32
      %add3A_432 = arith.addi %add3A_430, %add3A_431 : i32
      %mul3A_433 = arith.constant 96 : i32
      %mul3A_434 = arith.muli %add3A_432, %mul3A_433 : i32
      %multiple_of3A_435 = tpu.assume_multiple %mul3A_434, 8 : i32
      %dma_start3A_436 = tpu.memref_slice %arg8[%multiple_of3A_435] : memref<16416xi32, #tpu.memory_space<vmem>> -> memref<96xi32, #tpu.memory_space<vmem>>
      %dma_start3A_437 = arith.constant 0 : i32
      %dma_start3A_438 = arith.constant 0 : i32
      %dma_start3A_439 = tpu.memref_slice %arg2[%dma_start3A_437, %dma_start3A_438] : memref<100000x128xf32, #tpu.memory_space<hbm>> -> memref<100000x128xf32, #tpu.memory_space<hbm>>
      tpu.enqueue_indirect_dma source(%dma_start3A_439 : memref<100000x128xf32, #tpu.memory_space<hbm>>) target(%arg14 : memref<96x128xf32, #tpu.memory_space<vmem>>) offsets(%dma_start3A_436 : memref<96xi32, #tpu.memory_space<vmem>>) semaphore(%arg20 : memref<!tpu.dma_semaphore, #tpu.memory_space<semaphore_mem>>)
      %add3A_440 = arith.constant 13 : i32
      %add3A_441 = arith.addi %mul3A_16, %add3A_440 : i32
      %mul3A_442 = arith.constant 96 : i32
      %mul3A_443 = arith.muli %add3A_441, %mul3A_442 : i32
      %add3A_444 = arith.addi %mul3A_2, %mul3A_443 : i32
      %multiple_of3A_445 = tpu.assume_multiple %add3A_444, 8 : i32
      %dma_start3A_446 = arith.constant 0 : i32
      %dma_start3A_447 = tpu.memref_slice %arg6[%multiple_of3A_445, %dma_start3A_446] : memref<525312x128xf32, #tpu.memory_space<hbm>> -> memref<96x128xf32, #tpu.memory_space<hbm>>
      %dma_start3A_448 = arith.constant 0 : i32
      %dma_start3A_449 = tpu.memref_slice %arg6[%multiple_of3A_445, %dma_start3A_448] : memref<525312x128xf32, #tpu.memory_space<hbm>> -> memref<96x128xf32, #tpu.memory_space<hbm>>
      tpu.enqueue_dma source(%arg10 : memref<96x128xf32, #tpu.memory_space<vmem>>) target(%dma_start3A_449 : memref<96x128xf32, #tpu.memory_space<hbm>>) target_semaphore(%arg22 : memref<!tpu.dma_semaphore, #tpu.memory_space<semaphore_mem>>)
      %dma_wait3A_450 = tpu.memref_slice %arg8[%multiple_of3A_348] : memref<16416xi32, #tpu.memory_space<vmem>> -> memref<96xi32, #tpu.memory_space<vmem>>
      %dma_wait3A_451 = arith.constant 0 : i32
      %dma_wait3A_452 = arith.constant 0 : i32
      %dma_wait3A_453 = tpu.memref_slice %arg2[%dma_wait3A_451, %dma_wait3A_452] : memref<100000x128xf32, #tpu.memory_space<hbm>> -> memref<100000x128xf32, #tpu.memory_space<hbm>>
      tpu.wait_indirect_dma semaphore(%arg17 : memref<!tpu.dma_semaphore, #tpu.memory_space<semaphore_mem>>) src(%dma_wait3A_453 : memref<100000x128xf32, #tpu.memory_space<hbm>>) dst(%arg11 : memref<96x128xf32, #tpu.memory_space<vmem>>)
      %dma_wait3A_454 = arith.constant 0 : i32
      %dma_wait3A_455 = tpu.memref_slice %arg6[%multiple_of3A_416, %dma_wait3A_454] : memref<525312x128xf32, #tpu.memory_space<hbm>> -> memref<96x128xf32, #tpu.memory_space<hbm>>
      %dma_wait3A_456 = arith.constant 0 : i32
      %dma_wait3A_457 = tpu.memref_slice %arg6[%multiple_of3A_416, %dma_wait3A_456] : memref<525312x128xf32, #tpu.memory_space<hbm>> -> memref<96x128xf32, #tpu.memory_space<hbm>>
      tpu.wait_dma2 semaphore(%arg21 : memref<!tpu.dma_semaphore, #tpu.memory_space<semaphore_mem>>) src(%arg9 : memref<96x128xf32, #tpu.memory_space<vmem>>) dst(%dma_wait3A_457 : memref<96x128xf32, #tpu.memory_space<hbm>>)
      %add3A_458 = arith.constant 14 : i32
      %add3A_459 = arith.addi %mul3A_16, %add3A_458 : i32
      %add3A_460 = arith.constant 4 : i32
      %add3A_461 = arith.addi %add3A_459, %add3A_460 : i32
      %mul3A_462 = arith.constant 96 : i32
      %mul3A_463 = arith.muli %add3A_461, %mul3A_462 : i32
      %multiple_of3A_464 = tpu.assume_multiple %mul3A_463, 8 : i32
      %dma_start3A_465 = tpu.memref_slice %arg8[%multiple_of3A_464] : memref<16416xi32, #tpu.memory_space<vmem>> -> memref<96xi32, #tpu.memory_space<vmem>>
      %dma_start3A_466 = arith.constant 0 : i32
      %dma_start3A_467 = arith.constant 0 : i32
      %dma_start3A_468 = tpu.memref_slice %arg2[%dma_start3A_466, %dma_start3A_467] : memref<100000x128xf32, #tpu.memory_space<hbm>> -> memref<100000x128xf32, #tpu.memory_space<hbm>>
      tpu.enqueue_indirect_dma source(%dma_start3A_468 : memref<100000x128xf32, #tpu.memory_space<hbm>>) target(%arg9 : memref<96x128xf32, #tpu.memory_space<vmem>>) offsets(%dma_start3A_465 : memref<96xi32, #tpu.memory_space<vmem>>) semaphore(%arg15 : memref<!tpu.dma_semaphore, #tpu.memory_space<semaphore_mem>>)
      %add3A_469 = arith.constant 14 : i32
      %add3A_470 = arith.addi %mul3A_16, %add3A_469 : i32
      %mul3A_471 = arith.constant 96 : i32
      %mul3A_472 = arith.muli %add3A_470, %mul3A_471 : i32
      %add3A_473 = arith.addi %mul3A_2, %mul3A_472 : i32
      %multiple_of3A_474 = tpu.assume_multiple %add3A_473, 8 : i32
      %dma_start3A_475 = arith.constant 0 : i32
      %dma_start3A_476 = tpu.memref_slice %arg6[%multiple_of3A_474, %dma_start3A_475] : memref<525312x128xf32, #tpu.memory_space<hbm>> -> memref<96x128xf32, #tpu.memory_space<hbm>>
      %dma_start3A_477 = arith.constant 0 : i32
      %dma_start3A_478 = tpu.memref_slice %arg6[%multiple_of3A_474, %dma_start3A_477] : memref<525312x128xf32, #tpu.memory_space<hbm>> -> memref<96x128xf32, #tpu.memory_space<hbm>>
      tpu.enqueue_dma source(%arg11 : memref<96x128xf32, #tpu.memory_space<vmem>>) target(%dma_start3A_478 : memref<96x128xf32, #tpu.memory_space<hbm>>) target_semaphore(%arg23 : memref<!tpu.dma_semaphore, #tpu.memory_space<semaphore_mem>>)
      %dma_wait3A_479 = tpu.memref_slice %arg8[%multiple_of3A_377] : memref<16416xi32, #tpu.memory_space<vmem>> -> memref<96xi32, #tpu.memory_space<vmem>>
      %dma_wait3A_480 = arith.constant 0 : i32
      %dma_wait3A_481 = arith.constant 0 : i32
      %dma_wait3A_482 = tpu.memref_slice %arg2[%dma_wait3A_480, %dma_wait3A_481] : memref<100000x128xf32, #tpu.memory_space<hbm>> -> memref<100000x128xf32, #tpu.memory_space<hbm>>
      tpu.wait_indirect_dma semaphore(%arg18 : memref<!tpu.dma_semaphore, #tpu.memory_space<semaphore_mem>>) src(%dma_wait3A_482 : memref<100000x128xf32, #tpu.memory_space<hbm>>) dst(%arg12 : memref<96x128xf32, #tpu.memory_space<vmem>>)
      %add3A_483 = arith.constant 15 : i32
      %add3A_484 = arith.addi %mul3A_16, %add3A_483 : i32
      %mul3A_485 = arith.constant 96 : i32
      %mul3A_486 = arith.muli %add3A_484, %mul3A_485 : i32
      %add3A_487 = arith.addi %mul3A_2, %mul3A_486 : i32
      %multiple_of3A_488 = tpu.assume_multiple %add3A_487, 8 : i32
      %dma_start3A_489 = arith.constant 0 : i32
      %dma_start3A_490 = tpu.memref_slice %arg6[%multiple_of3A_488, %dma_start3A_489] : memref<525312x128xf32, #tpu.memory_space<hbm>> -> memref<96x128xf32, #tpu.memory_space<hbm>>
      %dma_start3A_491 = arith.constant 0 : i32
      %dma_start3A_492 = tpu.memref_slice %arg6[%multiple_of3A_488, %dma_start3A_491] : memref<525312x128xf32, #tpu.memory_space<hbm>> -> memref<96x128xf32, #tpu.memory_space<hbm>>
      tpu.enqueue_dma source(%arg12 : memref<96x128xf32, #tpu.memory_space<vmem>>) target(%dma_start3A_492 : memref<96x128xf32, #tpu.memory_space<hbm>>) target_semaphore(%arg24 : memref<!tpu.dma_semaphore, #tpu.memory_space<semaphore_mem>>)
      %dma_wait3A_493 = tpu.memref_slice %arg8[%multiple_of3A_406] : memref<16416xi32, #tpu.memory_space<vmem>> -> memref<96xi32, #tpu.memory_space<vmem>>
      %dma_wait3A_494 = arith.constant 0 : i32
      %dma_wait3A_495 = arith.constant 0 : i32
      %dma_wait3A_496 = tpu.memref_slice %arg2[%dma_wait3A_494, %dma_wait3A_495] : memref<100000x128xf32, #tpu.memory_space<hbm>> -> memref<100000x128xf32, #tpu.memory_space<hbm>>
      tpu.wait_indirect_dma semaphore(%arg19 : memref<!tpu.dma_semaphore, #tpu.memory_space<semaphore_mem>>) src(%dma_wait3A_496 : memref<100000x128xf32, #tpu.memory_space<hbm>>) dst(%arg13 : memref<96x128xf32, #tpu.memory_space<vmem>>)
      %add3A_497 = arith.constant 16 : i32
      %add3A_498 = arith.addi %mul3A_16, %add3A_497 : i32
      %mul3A_499 = arith.constant 96 : i32
      %mul3A_500 = arith.muli %add3A_498, %mul3A_499 : i32
      %add3A_501 = arith.addi %mul3A_2, %mul3A_500 : i32
      %multiple_of3A_502 = tpu.assume_multiple %add3A_501, 8 : i32
      %dma_start3A_503 = arith.constant 0 : i32
      %dma_start3A_504 = tpu.memref_slice %arg6[%multiple_of3A_502, %dma_start3A_503] : memref<525312x128xf32, #tpu.memory_space<hbm>> -> memref<96x128xf32, #tpu.memory_space<hbm>>
      %dma_start3A_505 = arith.constant 0 : i32
      %dma_start3A_506 = tpu.memref_slice %arg6[%multiple_of3A_502, %dma_start3A_505] : memref<525312x128xf32, #tpu.memory_space<hbm>> -> memref<96x128xf32, #tpu.memory_space<hbm>>
      tpu.enqueue_dma source(%arg13 : memref<96x128xf32, #tpu.memory_space<vmem>>) target(%dma_start3A_506 : memref<96x128xf32, #tpu.memory_space<hbm>>) target_semaphore(%arg25 : memref<!tpu.dma_semaphore, #tpu.memory_space<semaphore_mem>>)
      %dma_wait3A_507 = tpu.memref_slice %arg8[%multiple_of3A_435] : memref<16416xi32, #tpu.memory_space<vmem>> -> memref<96xi32, #tpu.memory_space<vmem>>
      %dma_wait3A_508 = arith.constant 0 : i32
      %dma_wait3A_509 = arith.constant 0 : i32
      %dma_wait3A_510 = tpu.memref_slice %arg2[%dma_wait3A_508, %dma_wait3A_509] : memref<100000x128xf32, #tpu.memory_space<hbm>> -> memref<100000x128xf32, #tpu.memory_space<hbm>>
      tpu.wait_indirect_dma semaphore(%arg20 : memref<!tpu.dma_semaphore, #tpu.memory_space<semaphore_mem>>) src(%dma_wait3A_510 : memref<100000x128xf32, #tpu.memory_space<hbm>>) dst(%arg14 : memref<96x128xf32, #tpu.memory_space<vmem>>)
      %add3A_511 = arith.constant 17 : i32
      %add3A_512 = arith.addi %mul3A_16, %add3A_511 : i32
      %mul3A_513 = arith.constant 96 : i32
      %mul3A_514 = arith.muli %add3A_512, %mul3A_513 : i32
      %add3A_515 = arith.addi %mul3A_2, %mul3A_514 : i32
      %multiple_of3A_516 = tpu.assume_multiple %add3A_515, 8 : i32
      %dma_start3A_517 = arith.constant 0 : i32
      %dma_start3A_518 = tpu.memref_slice %arg6[%multiple_of3A_516, %dma_start3A_517] : memref<525312x128xf32, #tpu.memory_space<hbm>> -> memref<96x128xf32, #tpu.memory_space<hbm>>
      %dma_start3A_519 = arith.constant 0 : i32
      %dma_start3A_520 = tpu.memref_slice %arg6[%multiple_of3A_516, %dma_start3A_519] : memref<525312x128xf32, #tpu.memory_space<hbm>> -> memref<96x128xf32, #tpu.memory_space<hbm>>
      tpu.enqueue_dma source(%arg14 : memref<96x128xf32, #tpu.memory_space<vmem>>) target(%dma_start3A_520 : memref<96x128xf32, #tpu.memory_space<hbm>>) target_semaphore(%arg26 : memref<!tpu.dma_semaphore, #tpu.memory_space<semaphore_mem>>)
      %dma_wait3A_521 = tpu.memref_slice %arg8[%multiple_of3A_464] : memref<16416xi32, #tpu.memory_space<vmem>> -> memref<96xi32, #tpu.memory_space<vmem>>
      %dma_wait3A_522 = arith.constant 0 : i32
      %dma_wait3A_523 = arith.constant 0 : i32
      %dma_wait3A_524 = tpu.memref_slice %arg2[%dma_wait3A_522, %dma_wait3A_523] : memref<100000x128xf32, #tpu.memory_space<hbm>> -> memref<100000x128xf32, #tpu.memory_space<hbm>>
      tpu.wait_indirect_dma semaphore(%arg15 : memref<!tpu.dma_semaphore, #tpu.memory_space<semaphore_mem>>) src(%dma_wait3A_524 : memref<100000x128xf32, #tpu.memory_space<hbm>>) dst(%arg9 : memref<96x128xf32, #tpu.memory_space<vmem>>)
      %add3A_525 = arith.constant 18 : i32
      %add3A_526 = arith.addi %mul3A_16, %add3A_525 : i32
      %mul3A_527 = arith.constant 96 : i32
      %mul3A_528 = arith.muli %add3A_526, %mul3A_527 : i32
      %add3A_529 = arith.addi %mul3A_2, %mul3A_528 : i32
      %multiple_of3A_530 = tpu.assume_multiple %add3A_529, 8 : i32
      %dma_start3A_531 = arith.constant 0 : i32
      %dma_start3A_532 = tpu.memref_slice %arg6[%multiple_of3A_530, %dma_start3A_531] : memref<525312x128xf32, #tpu.memory_space<hbm>> -> memref<96x128xf32, #tpu.memory_space<hbm>>
      %dma_start3A_533 = arith.constant 0 : i32
      %dma_start3A_534 = tpu.memref_slice %arg6[%multiple_of3A_530, %dma_start3A_533] : memref<525312x128xf32, #tpu.memory_space<hbm>> -> memref<96x128xf32, #tpu.memory_space<hbm>>
      tpu.enqueue_dma source(%arg9 : memref<96x128xf32, #tpu.memory_space<vmem>>) target(%dma_start3A_534 : memref<96x128xf32, #tpu.memory_space<hbm>>) target_semaphore(%arg21 : memref<!tpu.dma_semaphore, #tpu.memory_space<semaphore_mem>>)
      %dma_wait3A_535 = arith.constant 0 : i32
      %dma_wait3A_536 = tpu.memref_slice %arg6[%multiple_of3A_445, %dma_wait3A_535] : memref<525312x128xf32, #tpu.memory_space<hbm>> -> memref<96x128xf32, #tpu.memory_space<hbm>>
      %dma_wait3A_537 = arith.constant 0 : i32
      %dma_wait3A_538 = tpu.memref_slice %arg6[%multiple_of3A_445, %dma_wait3A_537] : memref<525312x128xf32, #tpu.memory_space<hbm>> -> memref<96x128xf32, #tpu.memory_space<hbm>>
      tpu.wait_dma2 semaphore(%arg22 : memref<!tpu.dma_semaphore, #tpu.memory_space<semaphore_mem>>) src(%arg10 : memref<96x128xf32, #tpu.memory_space<vmem>>) dst(%dma_wait3A_538 : memref<96x128xf32, #tpu.memory_space<hbm>>)
      %dma_wait3A_539 = arith.constant 0 : i32
      %dma_wait3A_540 = tpu.memref_slice %arg6[%multiple_of3A_474, %dma_wait3A_539] : memref<525312x128xf32, #tpu.memory_space<hbm>> -> memref<96x128xf32, #tpu.memory_space<hbm>>
      %dma_wait3A_541 = arith.constant 0 : i32
      %dma_wait3A_542 = tpu.memref_slice %arg6[%multiple_of3A_474, %dma_wait3A_541] : memref<525312x128xf32, #tpu.memory_space<hbm>> -> memref<96x128xf32, #tpu.memory_space<hbm>>
      tpu.wait_dma2 semaphore(%arg23 : memref<!tpu.dma_semaphore, #tpu.memory_space<semaphore_mem>>) src(%arg11 : memref<96x128xf32, #tpu.memory_space<vmem>>) dst(%dma_wait3A_542 : memref<96x128xf32, #tpu.memory_space<hbm>>)
      %dma_wait3A_543 = arith.constant 0 : i32
      %dma_wait3A_544 = tpu.memref_slice %arg6[%multiple_of3A_488, %dma_wait3A_543] : memref<525312x128xf32, #tpu.memory_space<hbm>> -> memref<96x128xf32, #tpu.memory_space<hbm>>
      %dma_wait3A_545 = arith.constant 0 : i32
      %dma_wait3A_546 = tpu.memref_slice %arg6[%multiple_of3A_488, %dma_wait3A_545] : memref<525312x128xf32, #tpu.memory_space<hbm>> -> memref<96x128xf32, #tpu.memory_space<hbm>>
      tpu.wait_dma2 semaphore(%arg24 : memref<!tpu.dma_semaphore, #tpu.memory_space<semaphore_mem>>) src(%arg12 : memref<96x128xf32, #tpu.memory_space<vmem>>) dst(%dma_wait3A_546 : memref<96x128xf32, #tpu.memory_space<hbm>>)
      %dma_wait3A_547 = arith.constant 0 : i32
      %dma_wait3A_548 = tpu.memref_slice %arg6[%multiple_of3A_502, %dma_wait3A_547] : memref<525312x128xf32, #tpu.memory_space<hbm>> -> memref<96x128xf32, #tpu.memory_space<hbm>>
      %dma_wait3A_549 = arith.constant 0 : i32
      %dma_wait3A_550 = tpu.memref_slice %arg6[%multiple_of3A_502, %dma_wait3A_549] : memref<525312x128xf32, #tpu.memory_space<hbm>> -> memref<96x128xf32, #tpu.memory_space<hbm>>
      tpu.wait_dma2 semaphore(%arg25 : memref<!tpu.dma_semaphore, #tpu.memory_space<semaphore_mem>>) src(%arg13 : memref<96x128xf32, #tpu.memory_space<vmem>>) dst(%dma_wait3A_550 : memref<96x128xf32, #tpu.memory_space<hbm>>)
      %dma_wait3A_551 = arith.constant 0 : i32
      %dma_wait3A_552 = tpu.memref_slice %arg6[%multiple_of3A_516, %dma_wait3A_551] : memref<525312x128xf32, #tpu.memory_space<hbm>> -> memref<96x128xf32, #tpu.memory_space<hbm>>
      %dma_wait3A_553 = arith.constant 0 : i32
      %dma_wait3A_554 = tpu.memref_slice %arg6[%multiple_of3A_516, %dma_wait3A_553] : memref<525312x128xf32, #tpu.memory_space<hbm>> -> memref<96x128xf32, #tpu.memory_space<hbm>>
      tpu.wait_dma2 semaphore(%arg26 : memref<!tpu.dma_semaphore, #tpu.memory_space<semaphore_mem>>) src(%arg14 : memref<96x128xf32, #tpu.memory_space<vmem>>) dst(%dma_wait3A_554 : memref<96x128xf32, #tpu.memory_space<hbm>>)
      %dma_wait3A_555 = arith.constant 0 : i32
      %dma_wait3A_556 = tpu.memref_slice %arg6[%multiple_of3A_530, %dma_wait3A_555] : memref<525312x128xf32, #tpu.memory_space<hbm>> -> memref<96x128xf32, #tpu.memory_space<hbm>>
      %dma_wait3A_557 = arith.constant 0 : i32
      %dma_wait3A_558 = tpu.memref_slice %arg6[%multiple_of3A_530, %dma_wait3A_557] : memref<525312x128xf32, #tpu.memory_space<hbm>> -> memref<96x128xf32, #tpu.memory_space<hbm>>
      tpu.wait_dma2 semaphore(%arg21 : memref<!tpu.dma_semaphore, #tpu.memory_space<semaphore_mem>>) src(%arg9 : memref<96x128xf32, #tpu.memory_space<vmem>>) dst(%dma_wait3A_558 : memref<96x128xf32, #tpu.memory_space<hbm>>)
    }
    %scan3A_13 = arith.constant 9 : i32
    return
  }
}

#map = affine_map<(d0, d1) -> (0, 0)>
#map1 = affine_map<(d0, d1) -> (0)>
module attributes {stable_mosaic.version = 14 : i64} {
  func.func @new_body(%arg0: i32, %arg1: i32, %arg2: memref<100000x128xf32, #tpu.memory_space<hbm>>, %arg3: memref<1024x128xf32, #tpu.memory_space<hbm>>, %arg4: memref<1024xi32, #tpu.memory_space<hbm>>, %arg5: memref<525312xi32, #tpu.memory_space<hbm>>, %arg6: memref<525312x128xf32, #tpu.memory_space<hbm>>, %arg7: memref<100000x128xf32, #tpu.memory_space<hbm>>, %arg8: memref<16416xi32, #tpu.memory_space<vmem>>, %arg9: memref<96x128xf32, #tpu.memory_space<vmem>>, %arg10: memref<96x128xf32, #tpu.memory_space<vmem>>, %arg11: memref<96x128xf32, #tpu.memory_space<vmem>>, %arg12: memref<96x128xf32, #tpu.memory_space<vmem>>, %arg13: memref<96x128xf32, #tpu.memory_space<vmem>>, %arg14: memref<96x128xf32, #tpu.memory_space<vmem>>, %arg15: memref<!tpu.dma_semaphore, #tpu.memory_space<semaphore_mem>>, %arg16: memref<!tpu.dma_semaphore, #tpu.memory_space<semaphore_mem>>, %arg17: memref<!tpu.dma_semaphore, #tpu.memory_space<semaphore_mem>>, %arg18: memref<!tpu.dma_semaphore, #tpu.memory_space<semaphore_mem>>, %arg19: memref<!tpu.dma_semaphore, #tpu.memory_space<semaphore_mem>>, %arg20: memref<!tpu.dma_semaphore, #tpu.memory_space<semaphore_mem>>, %arg21: memref<!tpu.dma_semaphore, #tpu.memory_space<semaphore_mem>>, %arg22: memref<!tpu.dma_semaphore, #tpu.memory_space<semaphore_mem>>, %arg23: memref<!tpu.dma_semaphore, #tpu.memory_space<semaphore_mem>>, %arg24: memref<!tpu.dma_semaphore, #tpu.memory_space<semaphore_mem>>, %arg25: memref<!tpu.dma_semaphore, #tpu.memory_space<semaphore_mem>>, %arg26: memref<!tpu.dma_semaphore, #tpu.memory_space<semaphore_mem>>, %arg27: memref<64xi32, #tpu.memory_space<vmem>>, %arg28: memref<64x128xf32, #tpu.memory_space<vmem>>, %arg29: memref<!tpu.dma_semaphore, #tpu.memory_space<semaphore_mem>>) attributes {dimension_semantics = [#tpu.dimension_semantics<core_parallel>, #tpu.dimension_semantics<subcore_parallel>], iteration_bounds = array<i64: 2, 16>, scalar_prefetch = 0 : i64, scratch_operands = 22 : i64, tpu.core_type = #tpu.core_type<sc_vector_subcore>, window_params = [{transform_indices = #map}, {transform_indices = #map}, {transform_indices = #map1}, {transform_indices = #map1}, {transform_indices = #map}, {transform_indices = #map}]} {
    %mul3A = arith.constant 2 : i32
    %mul3A_0 = arith.muli %arg1, %mul3A : i32
    %add3A = arith.addi %mul3A_0, %arg0 : i32
    %mul3A_1 = arith.constant 16416 : i32
    %mul3A_2 = arith.muli %add3A, %mul3A_1 : i32
    %mul3A_3 = arith.constant 64 : i32
    %mul3A_4 = arith.muli %arg1, %mul3A_3 : i32
    "tpu.region"() ({
      %run_scoped3A = tpu.sem_alloc : memref<!tpu.dma_semaphore, #tpu.memory_space<semaphore_mem>>
      %dma_start3A_14 = tpu.memref_slice %arg4[%mul3A_4] : memref<1024xi32, #tpu.memory_space<hbm>> -> memref<64xi32, #tpu.memory_space<hbm>>
      %dma_start3A_15 = tpu.memref_slice %arg4[%mul3A_4] : memref<1024xi32, #tpu.memory_space<hbm>> -> memref<64xi32, #tpu.memory_space<hbm>>
      tpu.enqueue_dma source(%dma_start3A_15 : memref<64xi32, #tpu.memory_space<hbm>>) target(%arg27 : memref<64xi32, #tpu.memory_space<vmem>>) target_semaphore(%run_scoped3A : memref<!tpu.dma_semaphore, #tpu.memory_space<semaphore_mem>>)
      %dma_wait3A_16 = tpu.memref_slice %arg4[%mul3A_4] : memref<1024xi32, #tpu.memory_space<hbm>> -> memref<64xi32, #tpu.memory_space<hbm>>
      %dma_wait3A_17 = tpu.memref_slice %arg4[%mul3A_4] : memref<1024xi32, #tpu.memory_space<hbm>> -> memref<64xi32, #tpu.memory_space<hbm>>
      tpu.wait_dma2 semaphore(%run_scoped3A : memref<!tpu.dma_semaphore, #tpu.memory_space<semaphore_mem>>) src(%dma_wait3A_17 : memref<64xi32, #tpu.memory_space<hbm>>) dst(%arg27 : memref<64xi32, #tpu.memory_space<vmem>>)
      tpu.yield
    }) : () -> ()
    "tpu.region"() ({
      %run_scoped3A = tpu.sem_alloc : memref<!tpu.dma_semaphore, #tpu.memory_space<semaphore_mem>>
      %dma_start3A_14 = arith.constant 0 : i32
      %dma_start3A_15 = tpu.memref_slice %arg3[%mul3A_4, %dma_start3A_14] : memref<1024x128xf32, #tpu.memory_space<hbm>> -> memref<64x128xf32, #tpu.memory_space<hbm>>
      %dma_start3A_16 = arith.constant 0 : i32
      %dma_start3A_17 = tpu.memref_slice %arg3[%mul3A_4, %dma_start3A_16] : memref<1024x128xf32, #tpu.memory_space<hbm>> -> memref<64x128xf32, #tpu.memory_space<hbm>>
      tpu.enqueue_dma source(%dma_start3A_17 : memref<64x128xf32, #tpu.memory_space<hbm>>) target(%arg28 : memref<64x128xf32, #tpu.memory_space<vmem>>) target_semaphore(%run_scoped3A : memref<!tpu.dma_semaphore, #tpu.memory_space<semaphore_mem>>)
      %dma_wait3A_18 = arith.constant 0 : i32
      %dma_wait3A_19 = tpu.memref_slice %arg3[%mul3A_4, %dma_wait3A_18] : memref<1024x128xf32, #tpu.memory_space<hbm>> -> memref<64x128xf32, #tpu.memory_space<hbm>>
      %dma_wait3A_20 = arith.constant 0 : i32
      %dma_wait3A_21 = tpu.memref_slice %arg3[%mul3A_4, %dma_wait3A_20] : memref<1024x128xf32, #tpu.memory_space<hbm>> -> memref<64x128xf32, #tpu.memory_space<hbm>>
      tpu.wait_dma2 semaphore(%run_scoped3A : memref<!tpu.dma_semaphore, #tpu.memory_space<semaphore_mem>>) src(%dma_wait3A_21 : memref<64x128xf32, #tpu.memory_space<hbm>>) dst(%arg28 : memref<64x128xf32, #tpu.memory_space<vmem>>)
      tpu.yield
    }) : () -> ()
    %dma_start3A = arith.constant 0 : i32
    %dma_start3A_5 = arith.constant 0 : i32
    %dma_start3A_6 = tpu.memref_slice %arg2[%dma_start3A, %dma_start3A_5] : memref<100000x128xf32, #tpu.memory_space<hbm>> -> memref<100000x128xf32, #tpu.memory_space<hbm>>
    tpu.enqueue_indirect_dma source(%arg28 : memref<64x128xf32, #tpu.memory_space<vmem>>) target(%dma_start3A_6 : memref<100000x128xf32, #tpu.memory_space<hbm>>) offsets(%arg27 : memref<64xi32, #tpu.memory_space<vmem>>) semaphore(%arg29 : memref<!tpu.dma_semaphore, #tpu.memory_space<semaphore_mem>>)
    %dma_wait3A = arith.constant 0 : i32
    %dma_wait3A_7 = arith.constant 0 : i32
    %dma_wait3A_8 = tpu.memref_slice %arg2[%dma_wait3A, %dma_wait3A_7] : memref<100000x128xf32, #tpu.memory_space<hbm>> -> memref<100000x128xf32, #tpu.memory_space<hbm>>
    tpu.wait_indirect_dma semaphore(%arg29 : memref<!tpu.dma_semaphore, #tpu.memory_space<semaphore_mem>>) src(%arg28 : memref<64x128xf32, #tpu.memory_space<vmem>>) dst(%dma_wait3A_8 : memref<100000x128xf32, #tpu.memory_space<hbm>>)
    %barrier3A = arith.constant 0 : index
    tpu.barrier barrier_id(%barrier3A)
    "tpu.region"() ({
      %run_scoped3A = tpu.sem_alloc : memref<!tpu.dma_semaphore, #tpu.memory_space<semaphore_mem>>
      %dma_start3A_14 = tpu.memref_slice %arg5[%mul3A_2] : memref<525312xi32, #tpu.memory_space<hbm>> -> memref<16416xi32, #tpu.memory_space<hbm>>
      %dma_start3A_15 = tpu.memref_slice %arg5[%mul3A_2] : memref<525312xi32, #tpu.memory_space<hbm>> -> memref<16416xi32, #tpu.memory_space<hbm>>
      tpu.enqueue_dma source(%dma_start3A_15 : memref<16416xi32, #tpu.memory_space<hbm>>) target(%arg8 : memref<16416xi32, #tpu.memory_space<vmem>>) target_semaphore(%run_scoped3A : memref<!tpu.dma_semaphore, #tpu.memory_space<semaphore_mem>>)
      %dma_wait3A_16 = tpu.memref_slice %arg5[%mul3A_2] : memref<525312xi32, #tpu.memory_space<hbm>> -> memref<16416xi32, #tpu.memory_space<hbm>>
      %dma_wait3A_17 = tpu.memref_slice %arg5[%mul3A_2] : memref<525312xi32, #tpu.memory_space<hbm>> -> memref<16416xi32, #tpu.memory_space<hbm>>
      tpu.wait_dma2 semaphore(%run_scoped3A : memref<!tpu.dma_semaphore, #tpu.memory_space<semaphore_mem>>) src(%dma_wait3A_17 : memref<16416xi32, #tpu.memory_space<hbm>>) dst(%arg8 : memref<16416xi32, #tpu.memory_space<vmem>>)
      tpu.yield
    }) : () -> ()
    %scan3A = arith.constant 0 : i32
    %scan3A_9 = arith.constant 0 : i32
    %scan3A_10 = arith.constant 9 : i32
    %scan3A_11 = arith.addi %scan3A_9, %scan3A_10 : i32
    %scan3A_12 = arith.constant 1 : i32
    scf.for %scan3A_14 = %scan3A_9 to %scan3A_11 step %scan3A_12  : i32 {
      %mul3A_15 = arith.constant 19 : i32
      %mul3A_16 = arith.muli %scan3A_14, %mul3A_15 : i32
      %add3A_17 = arith.constant 0 : i32
      %add3A_18 = arith.addi %mul3A_16, %add3A_17 : i32
      %mul3A_19 = arith.constant 96 : i32
      %mul3A_20 = arith.muli %add3A_18, %mul3A_19 : i32
      %multiple_of3A = tpu.assume_multiple %mul3A_20, 8 : i32
      %dma_start3A_21 = tpu.memref_slice %arg8[%multiple_of3A] : memref<16416xi32, #tpu.memory_space<vmem>> -> memref<96xi32, #tpu.memory_space<vmem>>
      %dma_start3A_22 = arith.constant 0 : i32
      %dma_start3A_23 = arith.constant 0 : i32
      %dma_start3A_24 = tpu.memref_slice %arg2[%dma_start3A_22, %dma_start3A_23] : memref<100000x128xf32, #tpu.memory_space<hbm>> -> memref<100000x128xf32, #tpu.memory_space<hbm>>
      tpu.enqueue_indirect_dma source(%dma_start3A_24 : memref<100000x128xf32, #tpu.memory_space<hbm>>) target(%arg9 : memref<96x128xf32, #tpu.memory_space<vmem>>) offsets(%dma_start3A_21 : memref<96xi32, #tpu.memory_space<vmem>>) semaphore(%arg15 : memref<!tpu.dma_semaphore, #tpu.memory_space<semaphore_mem>>)
      %add3A_25 = arith.constant 1 : i32
      %add3A_26 = arith.addi %mul3A_16, %add3A_25 : i32
      %mul3A_27 = arith.constant 96 : i32
      %mul3A_28 = arith.muli %add3A_26, %mul3A_27 : i32
      %multiple_of3A_29 = tpu.assume_multiple %mul3A_28, 8 : i32
      %dma_start3A_30 = tpu.memref_slice %arg8[%multiple_of3A_29] : memref<16416xi32, #tpu.memory_space<vmem>> -> memref<96xi32, #tpu.memory_space<vmem>>
      %dma_start3A_31 = arith.constant 0 : i32
      %dma_start3A_32 = arith.constant 0 : i32
      %dma_start3A_33 = tpu.memref_slice %arg2[%dma_start3A_31, %dma_start3A_32] : memref<100000x128xf32, #tpu.memory_space<hbm>> -> memref<100000x128xf32, #tpu.memory_space<hbm>>
      tpu.enqueue_indirect_dma source(%dma_start3A_33 : memref<100000x128xf32, #tpu.memory_space<hbm>>) target(%arg10 : memref<96x128xf32, #tpu.memory_space<vmem>>) offsets(%dma_start3A_30 : memref<96xi32, #tpu.memory_space<vmem>>) semaphore(%arg16 : memref<!tpu.dma_semaphore, #tpu.memory_space<semaphore_mem>>)
      %add3A_34 = arith.constant 2 : i32
      %add3A_35 = arith.addi %mul3A_16, %add3A_34 : i32
      %mul3A_36 = arith.constant 96 : i32
      %mul3A_37 = arith.muli %add3A_35, %mul3A_36 : i32
      %multiple_of3A_38 = tpu.assume_multiple %mul3A_37, 8 : i32
      %dma_start3A_39 = tpu.memref_slice %arg8[%multiple_of3A_38] : memref<16416xi32, #tpu.memory_space<vmem>> -> memref<96xi32, #tpu.memory_space<vmem>>
      %dma_start3A_40 = arith.constant 0 : i32
      %dma_start3A_41 = arith.constant 0 : i32
      %dma_start3A_42 = tpu.memref_slice %arg2[%dma_start3A_40, %dma_start3A_41] : memref<100000x128xf32, #tpu.memory_space<hbm>> -> memref<100000x128xf32, #tpu.memory_space<hbm>>
      tpu.enqueue_indirect_dma source(%dma_start3A_42 : memref<100000x128xf32, #tpu.memory_space<hbm>>) target(%arg11 : memref<96x128xf32, #tpu.memory_space<vmem>>) offsets(%dma_start3A_39 : memref<96xi32, #tpu.memory_space<vmem>>) semaphore(%arg17 : memref<!tpu.dma_semaphore, #tpu.memory_space<semaphore_mem>>)
      %add3A_43 = arith.constant 3 : i32
      %add3A_44 = arith.addi %mul3A_16, %add3A_43 : i32
      %mul3A_45 = arith.constant 96 : i32
      %mul3A_46 = arith.muli %add3A_44, %mul3A_45 : i32
      %multiple_of3A_47 = tpu.assume_multiple %mul3A_46, 8 : i32
      %dma_start3A_48 = tpu.memref_slice %arg8[%multiple_of3A_47] : memref<16416xi32, #tpu.memory_space<vmem>> -> memref<96xi32, #tpu.memory_space<vmem>>
      %dma_start3A_49 = arith.constant 0 : i32
      %dma_start3A_50 = arith.constant 0 : i32
      %dma_start3A_51 = tpu.memref_slice %arg2[%dma_start3A_49, %dma_start3A_50] : memref<100000x128xf32, #tpu.memory_space<hbm>> -> memref<100000x128xf32, #tpu.memory_space<hbm>>
      tpu.enqueue_indirect_dma source(%dma_start3A_51 : memref<100000x128xf32, #tpu.memory_space<hbm>>) target(%arg12 : memref<96x128xf32, #tpu.memory_space<vmem>>) offsets(%dma_start3A_48 : memref<96xi32, #tpu.memory_space<vmem>>) semaphore(%arg18 : memref<!tpu.dma_semaphore, #tpu.memory_space<semaphore_mem>>)
      %dma_wait3A_52 = tpu.memref_slice %arg8[%multiple_of3A] : memref<16416xi32, #tpu.memory_space<vmem>> -> memref<96xi32, #tpu.memory_space<vmem>>
      %dma_wait3A_53 = arith.constant 0 : i32
      %dma_wait3A_54 = arith.constant 0 : i32
      %dma_wait3A_55 = tpu.memref_slice %arg2[%dma_wait3A_53, %dma_wait3A_54] : memref<100000x128xf32, #tpu.memory_space<hbm>> -> memref<100000x128xf32, #tpu.memory_space<hbm>>
      tpu.wait_indirect_dma semaphore(%arg15 : memref<!tpu.dma_semaphore, #tpu.memory_space<semaphore_mem>>) src(%dma_wait3A_55 : memref<100000x128xf32, #tpu.memory_space<hbm>>) dst(%arg9 : memref<96x128xf32, #tpu.memory_space<vmem>>)
      %add3A_56 = arith.constant 0 : i32
      %add3A_57 = arith.addi %mul3A_16, %add3A_56 : i32
      %add3A_58 = arith.constant 4 : i32
      %add3A_59 = arith.addi %add3A_57, %add3A_58 : i32
      %mul3A_60 = arith.constant 96 : i32
      %mul3A_61 = arith.muli %add3A_59, %mul3A_60 : i32
      %multiple_of3A_62 = tpu.assume_multiple %mul3A_61, 8 : i32
      %dma_start3A_63 = tpu.memref_slice %arg8[%multiple_of3A_62] : memref<16416xi32, #tpu.memory_space<vmem>> -> memref<96xi32, #tpu.memory_space<vmem>>
      %dma_start3A_64 = arith.constant 0 : i32
      %dma_start3A_65 = arith.constant 0 : i32
      %dma_start3A_66 = tpu.memref_slice %arg2[%dma_start3A_64, %dma_start3A_65] : memref<100000x128xf32, #tpu.memory_space<hbm>> -> memref<100000x128xf32, #tpu.memory_space<hbm>>
      tpu.enqueue_indirect_dma source(%dma_start3A_66 : memref<100000x128xf32, #tpu.memory_space<hbm>>) target(%arg13 : memref<96x128xf32, #tpu.memory_space<vmem>>) offsets(%dma_start3A_63 : memref<96xi32, #tpu.memory_space<vmem>>) semaphore(%arg19 : memref<!tpu.dma_semaphore, #tpu.memory_space<semaphore_mem>>)
      %add3A_67 = arith.constant 0 : i32
      %add3A_68 = arith.addi %mul3A_16, %add3A_67 : i32
      %mul3A_69 = arith.constant 96 : i32
      %mul3A_70 = arith.muli %add3A_68, %mul3A_69 : i32
      %add3A_71 = arith.addi %mul3A_2, %mul3A_70 : i32
      %multiple_of3A_72 = tpu.assume_multiple %add3A_71, 8 : i32
      %dma_start3A_73 = arith.constant 0 : i32
      %dma_start3A_74 = tpu.memref_slice %arg6[%multiple_of3A_72, %dma_start3A_73] : memref<525312x128xf32, #tpu.memory_space<hbm>> -> memref<96x128xf32, #tpu.memory_space<hbm>>
      %dma_start3A_75 = arith.constant 0 : i32
      %dma_start3A_76 = tpu.memref_slice %arg6[%multiple_of3A_72, %dma_start3A_75] : memref<525312x128xf32, #tpu.memory_space<hbm>> -> memref<96x128xf32, #tpu.memory_space<hbm>>
      tpu.enqueue_dma source(%arg9 : memref<96x128xf32, #tpu.memory_space<vmem>>) target(%dma_start3A_76 : memref<96x128xf32, #tpu.memory_space<hbm>>) target_semaphore(%arg21 : memref<!tpu.dma_semaphore, #tpu.memory_space<semaphore_mem>>)
      %dma_wait3A_77 = tpu.memref_slice %arg8[%multiple_of3A_29] : memref<16416xi32, #tpu.memory_space<vmem>> -> memref<96xi32, #tpu.memory_space<vmem>>
      %dma_wait3A_78 = arith.constant 0 : i32
      %dma_wait3A_79 = arith.constant 0 : i32
      %dma_wait3A_80 = tpu.memref_slice %arg2[%dma_wait3A_78, %dma_wait3A_79] : memref<100000x128xf32, #tpu.memory_space<hbm>> -> memref<100000x128xf32, #tpu.memory_space<hbm>>
      tpu.wait_indirect_dma semaphore(%arg16 : memref<!tpu.dma_semaphore, #tpu.memory_space<semaphore_mem>>) src(%dma_wait3A_80 : memref<100000x128xf32, #tpu.memory_space<hbm>>) dst(%arg10 : memref<96x128xf32, #tpu.memory_space<vmem>>)
      %add3A_81 = arith.constant 1 : i32
      %add3A_82 = arith.addi %mul3A_16, %add3A_81 : i32
      %add3A_83 = arith.constant 4 : i32
      %add3A_84 = arith.addi %add3A_82, %add3A_83 : i32
      %mul3A_85 = arith.constant 96 : i32
      %mul3A_86 = arith.muli %add3A_84, %mul3A_85 : i32
      %multiple_of3A_87 = tpu.assume_multiple %mul3A_86, 8 : i32
      %dma_start3A_88 = tpu.memref_slice %arg8[%multiple_of3A_87] : memref<16416xi32, #tpu.memory_space<vmem>> -> memref<96xi32, #tpu.memory_space<vmem>>
      %dma_start3A_89 = arith.constant 0 : i32
      %dma_start3A_90 = arith.constant 0 : i32
      %dma_start3A_91 = tpu.memref_slice %arg2[%dma_start3A_89, %dma_start3A_90] : memref<100000x128xf32, #tpu.memory_space<hbm>> -> memref<100000x128xf32, #tpu.memory_space<hbm>>
      tpu.enqueue_indirect_dma source(%dma_start3A_91 : memref<100000x128xf32, #tpu.memory_space<hbm>>) target(%arg14 : memref<96x128xf32, #tpu.memory_space<vmem>>) offsets(%dma_start3A_88 : memref<96xi32, #tpu.memory_space<vmem>>) semaphore(%arg20 : memref<!tpu.dma_semaphore, #tpu.memory_space<semaphore_mem>>)
      %add3A_92 = arith.constant 1 : i32
      %add3A_93 = arith.addi %mul3A_16, %add3A_92 : i32
      %mul3A_94 = arith.constant 96 : i32
      %mul3A_95 = arith.muli %add3A_93, %mul3A_94 : i32
      %add3A_96 = arith.addi %mul3A_2, %mul3A_95 : i32
      %multiple_of3A_97 = tpu.assume_multiple %add3A_96, 8 : i32
      %dma_start3A_98 = arith.constant 0 : i32
      %dma_start3A_99 = tpu.memref_slice %arg6[%multiple_of3A_97, %dma_start3A_98] : memref<525312x128xf32, #tpu.memory_space<hbm>> -> memref<96x128xf32, #tpu.memory_space<hbm>>
      %dma_start3A_100 = arith.constant 0 : i32
      %dma_start3A_101 = tpu.memref_slice %arg6[%multiple_of3A_97, %dma_start3A_100] : memref<525312x128xf32, #tpu.memory_space<hbm>> -> memref<96x128xf32, #tpu.memory_space<hbm>>
      tpu.enqueue_dma source(%arg10 : memref<96x128xf32, #tpu.memory_space<vmem>>) target(%dma_start3A_101 : memref<96x128xf32, #tpu.memory_space<hbm>>) target_semaphore(%arg22 : memref<!tpu.dma_semaphore, #tpu.memory_space<semaphore_mem>>)
      %dma_wait3A_102 = tpu.memref_slice %arg8[%multiple_of3A_38] : memref<16416xi32, #tpu.memory_space<vmem>> -> memref<96xi32, #tpu.memory_space<vmem>>
      %dma_wait3A_103 = arith.constant 0 : i32
      %dma_wait3A_104 = arith.constant 0 : i32
      %dma_wait3A_105 = tpu.memref_slice %arg2[%dma_wait3A_103, %dma_wait3A_104] : memref<100000x128xf32, #tpu.memory_space<hbm>> -> memref<100000x128xf32, #tpu.memory_space<hbm>>
      tpu.wait_indirect_dma semaphore(%arg17 : memref<!tpu.dma_semaphore, #tpu.memory_space<semaphore_mem>>) src(%dma_wait3A_105 : memref<100000x128xf32, #tpu.memory_space<hbm>>) dst(%arg11 : memref<96x128xf32, #tpu.memory_space<vmem>>)
      %dma_wait3A_106 = arith.constant 0 : i32
      %dma_wait3A_107 = tpu.memref_slice %arg6[%multiple_of3A_72, %dma_wait3A_106] : memref<525312x128xf32, #tpu.memory_space<hbm>> -> memref<96x128xf32, #tpu.memory_space<hbm>>
      %dma_wait3A_108 = arith.constant 0 : i32
      %dma_wait3A_109 = tpu.memref_slice %arg6[%multiple_of3A_72, %dma_wait3A_108] : memref<525312x128xf32, #tpu.memory_space<hbm>> -> memref<96x128xf32, #tpu.memory_space<hbm>>
      tpu.wait_dma2 semaphore(%arg21 : memref<!tpu.dma_semaphore, #tpu.memory_space<semaphore_mem>>) src(%arg9 : memref<96x128xf32, #tpu.memory_space<vmem>>) dst(%dma_wait3A_109 : memref<96x128xf32, #tpu.memory_space<hbm>>)
      %add3A_110 = arith.constant 2 : i32
      %add3A_111 = arith.addi %mul3A_16, %add3A_110 : i32
      %add3A_112 = arith.constant 4 : i32
      %add3A_113 = arith.addi %add3A_111, %add3A_112 : i32
      %mul3A_114 = arith.constant 96 : i32
      %mul3A_115 = arith.muli %add3A_113, %mul3A_114 : i32
      %multiple_of3A_116 = tpu.assume_multiple %mul3A_115, 8 : i32
      %dma_start3A_117 = tpu.memref_slice %arg8[%multiple_of3A_116] : memref<16416xi32, #tpu.memory_space<vmem>> -> memref<96xi32, #tpu.memory_space<vmem>>
      %dma_start3A_118 = arith.constant 0 : i32
      %dma_start3A_119 = arith.constant 0 : i32
      %dma_start3A_120 = tpu.memref_slice %arg2[%dma_start3A_118, %dma_start3A_119] : memref<100000x128xf32, #tpu.memory_space<hbm>> -> memref<100000x128xf32, #tpu.memory_space<hbm>>
      tpu.enqueue_indirect_dma source(%dma_start3A_120 : memref<100000x128xf32, #tpu.memory_space<hbm>>) target(%arg9 : memref<96x128xf32, #tpu.memory_space<vmem>>) offsets(%dma_start3A_117 : memref<96xi32, #tpu.memory_space<vmem>>) semaphore(%arg15 : memref<!tpu.dma_semaphore, #tpu.memory_space<semaphore_mem>>)
      %add3A_121 = arith.constant 2 : i32
      %add3A_122 = arith.addi %mul3A_16, %add3A_121 : i32
      %mul3A_123 = arith.constant 96 : i32
      %mul3A_124 = arith.muli %add3A_122, %mul3A_123 : i32
      %add3A_125 = arith.addi %mul3A_2, %mul3A_124 : i32
      %multiple_of3A_126 = tpu.assume_multiple %add3A_125, 8 : i32
      %dma_start3A_127 = arith.constant 0 : i32
      %dma_start3A_128 = tpu.memref_slice %arg6[%multiple_of3A_126, %dma_start3A_127] : memref<525312x128xf32, #tpu.memory_space<hbm>> -> memref<96x128xf32, #tpu.memory_space<hbm>>
      %dma_start3A_129 = arith.constant 0 : i32
      %dma_start3A_130 = tpu.memref_slice %arg6[%multiple_of3A_126, %dma_start3A_129] : memref<525312x128xf32, #tpu.memory_space<hbm>> -> memref<96x128xf32, #tpu.memory_space<hbm>>
      tpu.enqueue_dma source(%arg11 : memref<96x128xf32, #tpu.memory_space<vmem>>) target(%dma_start3A_130 : memref<96x128xf32, #tpu.memory_space<hbm>>) target_semaphore(%arg23 : memref<!tpu.dma_semaphore, #tpu.memory_space<semaphore_mem>>)
      %dma_wait3A_131 = tpu.memref_slice %arg8[%multiple_of3A_47] : memref<16416xi32, #tpu.memory_space<vmem>> -> memref<96xi32, #tpu.memory_space<vmem>>
      %dma_wait3A_132 = arith.constant 0 : i32
      %dma_wait3A_133 = arith.constant 0 : i32
      %dma_wait3A_134 = tpu.memref_slice %arg2[%dma_wait3A_132, %dma_wait3A_133] : memref<100000x128xf32, #tpu.memory_space<hbm>> -> memref<100000x128xf32, #tpu.memory_space<hbm>>
      tpu.wait_indirect_dma semaphore(%arg18 : memref<!tpu.dma_semaphore, #tpu.memory_space<semaphore_mem>>) src(%dma_wait3A_134 : memref<100000x128xf32, #tpu.memory_space<hbm>>) dst(%arg12 : memref<96x128xf32, #tpu.memory_space<vmem>>)
      %dma_wait3A_135 = arith.constant 0 : i32
      %dma_wait3A_136 = tpu.memref_slice %arg6[%multiple_of3A_97, %dma_wait3A_135] : memref<525312x128xf32, #tpu.memory_space<hbm>> -> memref<96x128xf32, #tpu.memory_space<hbm>>
      %dma_wait3A_137 = arith.constant 0 : i32
      %dma_wait3A_138 = tpu.memref_slice %arg6[%multiple_of3A_97, %dma_wait3A_137] : memref<525312x128xf32, #tpu.memory_space<hbm>> -> memref<96x128xf32, #tpu.memory_space<hbm>>
      tpu.wait_dma2 semaphore(%arg22 : memref<!tpu.dma_semaphore, #tpu.memory_space<semaphore_mem>>) src(%arg10 : memref<96x128xf32, #tpu.memory_space<vmem>>) dst(%dma_wait3A_138 : memref<96x128xf32, #tpu.memory_space<hbm>>)
      %add3A_139 = arith.constant 3 : i32
      %add3A_140 = arith.addi %mul3A_16, %add3A_139 : i32
      %add3A_141 = arith.constant 4 : i32
      %add3A_142 = arith.addi %add3A_140, %add3A_141 : i32
      %mul3A_143 = arith.constant 96 : i32
      %mul3A_144 = arith.muli %add3A_142, %mul3A_143 : i32
      %multiple_of3A_145 = tpu.assume_multiple %mul3A_144, 8 : i32
      %dma_start3A_146 = tpu.memref_slice %arg8[%multiple_of3A_145] : memref<16416xi32, #tpu.memory_space<vmem>> -> memref<96xi32, #tpu.memory_space<vmem>>
      %dma_start3A_147 = arith.constant 0 : i32
      %dma_start3A_148 = arith.constant 0 : i32
      %dma_start3A_149 = tpu.memref_slice %arg2[%dma_start3A_147, %dma_start3A_148] : memref<100000x128xf32, #tpu.memory_space<hbm>> -> memref<100000x128xf32, #tpu.memory_space<hbm>>
      tpu.enqueue_indirect_dma source(%dma_start3A_149 : memref<100000x128xf32, #tpu.memory_space<hbm>>) target(%arg10 : memref<96x128xf32, #tpu.memory_space<vmem>>) offsets(%dma_start3A_146 : memref<96xi32, #tpu.memory_space<vmem>>) semaphore(%arg16 : memref<!tpu.dma_semaphore, #tpu.memory_space<semaphore_mem>>)
      %add3A_150 = arith.constant 3 : i32
      %add3A_151 = arith.addi %mul3A_16, %add3A_150 : i32
      %mul3A_152 = arith.constant 96 : i32
      %mul3A_153 = arith.muli %add3A_151, %mul3A_152 : i32
      %add3A_154 = arith.addi %mul3A_2, %mul3A_153 : i32
      %multiple_of3A_155 = tpu.assume_multiple %add3A_154, 8 : i32
      %dma_start3A_156 = arith.constant 0 : i32
      %dma_start3A_157 = tpu.memref_slice %arg6[%multiple_of3A_155, %dma_start3A_156] : memref<525312x128xf32, #tpu.memory_space<hbm>> -> memref<96x128xf32, #tpu.memory_space<hbm>>
      %dma_start3A_158 = arith.constant 0 : i32
      %dma_start3A_159 = tpu.memref_slice %arg6[%multiple_of3A_155, %dma_start3A_158] : memref<525312x128xf32, #tpu.memory_space<hbm>> -> memref<96x128xf32, #tpu.memory_space<hbm>>
      tpu.enqueue_dma source(%arg12 : memref<96x128xf32, #tpu.memory_space<vmem>>) target(%dma_start3A_159 : memref<96x128xf32, #tpu.memory_space<hbm>>) target_semaphore(%arg24 : memref<!tpu.dma_semaphore, #tpu.memory_space<semaphore_mem>>)
      %dma_wait3A_160 = tpu.memref_slice %arg8[%multiple_of3A_62] : memref<16416xi32, #tpu.memory_space<vmem>> -> memref<96xi32, #tpu.memory_space<vmem>>
      %dma_wait3A_161 = arith.constant 0 : i32
      %dma_wait3A_162 = arith.constant 0 : i32
      %dma_wait3A_163 = tpu.memref_slice %arg2[%dma_wait3A_161, %dma_wait3A_162] : memref<100000x128xf32, #tpu.memory_space<hbm>> -> memref<100000x128xf32, #tpu.memory_space<hbm>>
      tpu.wait_indirect_dma semaphore(%arg19 : memref<!tpu.dma_semaphore, #tpu.memory_space<semaphore_mem>>) src(%dma_wait3A_163 : memref<100000x128xf32, #tpu.memory_space<hbm>>) dst(%arg13 : memref<96x128xf32, #tpu.memory_space<vmem>>)
      %dma_wait3A_164 = arith.constant 0 : i32
      %dma_wait3A_165 = tpu.memref_slice %arg6[%multiple_of3A_126, %dma_wait3A_164] : memref<525312x128xf32, #tpu.memory_space<hbm>> -> memref<96x128xf32, #tpu.memory_space<hbm>>
      %dma_wait3A_166 = arith.constant 0 : i32
      %dma_wait3A_167 = tpu.memref_slice %arg6[%multiple_of3A_126, %dma_wait3A_166] : memref<525312x128xf32, #tpu.memory_space<hbm>> -> memref<96x128xf32, #tpu.memory_space<hbm>>
      tpu.wait_dma2 semaphore(%arg23 : memref<!tpu.dma_semaphore, #tpu.memory_space<semaphore_mem>>) src(%arg11 : memref<96x128xf32, #tpu.memory_space<vmem>>) dst(%dma_wait3A_167 : memref<96x128xf32, #tpu.memory_space<hbm>>)
      %add3A_168 = arith.constant 4 : i32
      %add3A_169 = arith.addi %mul3A_16, %add3A_168 : i32
      %add3A_170 = arith.constant 4 : i32
      %add3A_171 = arith.addi %add3A_169, %add3A_170 : i32
      %mul3A_172 = arith.constant 96 : i32
      %mul3A_173 = arith.muli %add3A_171, %mul3A_172 : i32
      %multiple_of3A_174 = tpu.assume_multiple %mul3A_173, 8 : i32
      %dma_start3A_175 = tpu.memref_slice %arg8[%multiple_of3A_174] : memref<16416xi32, #tpu.memory_space<vmem>> -> memref<96xi32, #tpu.memory_space<vmem>>
      %dma_start3A_176 = arith.constant 0 : i32
      %dma_start3A_177 = arith.constant 0 : i32
      %dma_start3A_178 = tpu.memref_slice %arg2[%dma_start3A_176, %dma_start3A_177] : memref<100000x128xf32, #tpu.memory_space<hbm>> -> memref<100000x128xf32, #tpu.memory_space<hbm>>
      tpu.enqueue_indirect_dma source(%dma_start3A_178 : memref<100000x128xf32, #tpu.memory_space<hbm>>) target(%arg11 : memref<96x128xf32, #tpu.memory_space<vmem>>) offsets(%dma_start3A_175 : memref<96xi32, #tpu.memory_space<vmem>>) semaphore(%arg17 : memref<!tpu.dma_semaphore, #tpu.memory_space<semaphore_mem>>)
      %add3A_179 = arith.constant 4 : i32
      %add3A_180 = arith.addi %mul3A_16, %add3A_179 : i32
      %mul3A_181 = arith.constant 96 : i32
      %mul3A_182 = arith.muli %add3A_180, %mul3A_181 : i32
      %add3A_183 = arith.addi %mul3A_2, %mul3A_182 : i32
      %multiple_of3A_184 = tpu.assume_multiple %add3A_183, 8 : i32
      %dma_start3A_185 = arith.constant 0 : i32
      %dma_start3A_186 = tpu.memref_slice %arg6[%multiple_of3A_184, %dma_start3A_185] : memref<525312x128xf32, #tpu.memory_space<hbm>> -> memref<96x128xf32, #tpu.memory_space<hbm>>
      %dma_start3A_187 = arith.constant 0 : i32
      %dma_start3A_188 = tpu.memref_slice %arg6[%multiple_of3A_184, %dma_start3A_187] : memref<525312x128xf32, #tpu.memory_space<hbm>> -> memref<96x128xf32, #tpu.memory_space<hbm>>
      tpu.enqueue_dma source(%arg13 : memref<96x128xf32, #tpu.memory_space<vmem>>) target(%dma_start3A_188 : memref<96x128xf32, #tpu.memory_space<hbm>>) target_semaphore(%arg25 : memref<!tpu.dma_semaphore, #tpu.memory_space<semaphore_mem>>)
      %dma_wait3A_189 = tpu.memref_slice %arg8[%multiple_of3A_87] : memref<16416xi32, #tpu.memory_space<vmem>> -> memref<96xi32, #tpu.memory_space<vmem>>
      %dma_wait3A_190 = arith.constant 0 : i32
      %dma_wait3A_191 = arith.constant 0 : i32
      %dma_wait3A_192 = tpu.memref_slice %arg2[%dma_wait3A_190, %dma_wait3A_191] : memref<100000x128xf32, #tpu.memory_space<hbm>> -> memref<100000x128xf32, #tpu.memory_space<hbm>>
      tpu.wait_indirect_dma semaphore(%arg20 : memref<!tpu.dma_semaphore, #tpu.memory_space<semaphore_mem>>) src(%dma_wait3A_192 : memref<100000x128xf32, #tpu.memory_space<hbm>>) dst(%arg14 : memref<96x128xf32, #tpu.memory_space<vmem>>)
      %dma_wait3A_193 = arith.constant 0 : i32
      %dma_wait3A_194 = tpu.memref_slice %arg6[%multiple_of3A_155, %dma_wait3A_193] : memref<525312x128xf32, #tpu.memory_space<hbm>> -> memref<96x128xf32, #tpu.memory_space<hbm>>
      %dma_wait3A_195 = arith.constant 0 : i32
      %dma_wait3A_196 = tpu.memref_slice %arg6[%multiple_of3A_155, %dma_wait3A_195] : memref<525312x128xf32, #tpu.memory_space<hbm>> -> memref<96x128xf32, #tpu.memory_space<hbm>>
      tpu.wait_dma2 semaphore(%arg24 : memref<!tpu.dma_semaphore, #tpu.memory_space<semaphore_mem>>) src(%arg12 : memref<96x128xf32, #tpu.memory_space<vmem>>) dst(%dma_wait3A_196 : memref<96x128xf32, #tpu.memory_space<hbm>>)
      %add3A_197 = arith.constant 5 : i32
      %add3A_198 = arith.addi %mul3A_16, %add3A_197 : i32
      %add3A_199 = arith.constant 4 : i32
      %add3A_200 = arith.addi %add3A_198, %add3A_199 : i32
      %mul3A_201 = arith.constant 96 : i32
      %mul3A_202 = arith.muli %add3A_200, %mul3A_201 : i32
      %multiple_of3A_203 = tpu.assume_multiple %mul3A_202, 8 : i32
      %dma_start3A_204 = tpu.memref_slice %arg8[%multiple_of3A_203] : memref<16416xi32, #tpu.memory_space<vmem>> -> memref<96xi32, #tpu.memory_space<vmem>>
      %dma_start3A_205 = arith.constant 0 : i32
      %dma_start3A_206 = arith.constant 0 : i32
      %dma_start3A_207 = tpu.memref_slice %arg2[%dma_start3A_205, %dma_start3A_206] : memref<100000x128xf32, #tpu.memory_space<hbm>> -> memref<100000x128xf32, #tpu.memory_space<hbm>>
      tpu.enqueue_indirect_dma source(%dma_start3A_207 : memref<100000x128xf32, #tpu.memory_space<hbm>>) target(%arg12 : memref<96x128xf32, #tpu.memory_space<vmem>>) offsets(%dma_start3A_204 : memref<96xi32, #tpu.memory_space<vmem>>) semaphore(%arg18 : memref<!tpu.dma_semaphore, #tpu.memory_space<semaphore_mem>>)
      %add3A_208 = arith.constant 5 : i32
      %add3A_209 = arith.addi %mul3A_16, %add3A_208 : i32
      %mul3A_210 = arith.constant 96 : i32
      %mul3A_211 = arith.muli %add3A_209, %mul3A_210 : i32
      %add3A_212 = arith.addi %mul3A_2, %mul3A_211 : i32
      %multiple_of3A_213 = tpu.assume_multiple %add3A_212, 8 : i32
      %dma_start3A_214 = arith.constant 0 : i32
      %dma_start3A_215 = tpu.memref_slice %arg6[%multiple_of3A_213, %dma_start3A_214] : memref<525312x128xf32, #tpu.memory_space<hbm>> -> memref<96x128xf32, #tpu.memory_space<hbm>>
      %dma_start3A_216 = arith.constant 0 : i32
      %dma_start3A_217 = tpu.memref_slice %arg6[%multiple_of3A_213, %dma_start3A_216] : memref<525312x128xf32, #tpu.memory_space<hbm>> -> memref<96x128xf32, #tpu.memory_space<hbm>>
      tpu.enqueue_dma source(%arg14 : memref<96x128xf32, #tpu.memory_space<vmem>>) target(%dma_start3A_217 : memref<96x128xf32, #tpu.memory_space<hbm>>) target_semaphore(%arg26 : memref<!tpu.dma_semaphore, #tpu.memory_space<semaphore_mem>>)
      %dma_wait3A_218 = tpu.memref_slice %arg8[%multiple_of3A_116] : memref<16416xi32, #tpu.memory_space<vmem>> -> memref<96xi32, #tpu.memory_space<vmem>>
      %dma_wait3A_219 = arith.constant 0 : i32
      %dma_wait3A_220 = arith.constant 0 : i32
      %dma_wait3A_221 = tpu.memref_slice %arg2[%dma_wait3A_219, %dma_wait3A_220] : memref<100000x128xf32, #tpu.memory_space<hbm>> -> memref<100000x128xf32, #tpu.memory_space<hbm>>
      tpu.wait_indirect_dma semaphore(%arg15 : memref<!tpu.dma_semaphore, #tpu.memory_space<semaphore_mem>>) src(%dma_wait3A_221 : memref<100000x128xf32, #tpu.memory_space<hbm>>) dst(%arg9 : memref<96x128xf32, #tpu.memory_space<vmem>>)
      %dma_wait3A_222 = arith.constant 0 : i32
      %dma_wait3A_223 = tpu.memref_slice %arg6[%multiple_of3A_184, %dma_wait3A_222] : memref<525312x128xf32, #tpu.memory_space<hbm>> -> memref<96x128xf32, #tpu.memory_space<hbm>>
      %dma_wait3A_224 = arith.constant 0 : i32
      %dma_wait3A_225 = tpu.memref_slice %arg6[%multiple_of3A_184, %dma_wait3A_224] : memref<525312x128xf32, #tpu.memory_space<hbm>> -> memref<96x128xf32, #tpu.memory_space<hbm>>
      tpu.wait_dma2 semaphore(%arg25 : memref<!tpu.dma_semaphore, #tpu.memory_space<semaphore_mem>>) src(%arg13 : memref<96x128xf32, #tpu.memory_space<vmem>>) dst(%dma_wait3A_225 : memref<96x128xf32, #tpu.memory_space<hbm>>)
      %add3A_226 = arith.constant 6 : i32
      %add3A_227 = arith.addi %mul3A_16, %add3A_226 : i32
      %add3A_228 = arith.constant 4 : i32
      %add3A_229 = arith.addi %add3A_227, %add3A_228 : i32
      %mul3A_230 = arith.constant 96 : i32
      %mul3A_231 = arith.muli %add3A_229, %mul3A_230 : i32
      %multiple_of3A_232 = tpu.assume_multiple %mul3A_231, 8 : i32
      %dma_start3A_233 = tpu.memref_slice %arg8[%multiple_of3A_232] : memref<16416xi32, #tpu.memory_space<vmem>> -> memref<96xi32, #tpu.memory_space<vmem>>
      %dma_start3A_234 = arith.constant 0 : i32
      %dma_start3A_235 = arith.constant 0 : i32
      %dma_start3A_236 = tpu.memref_slice %arg2[%dma_start3A_234, %dma_start3A_235] : memref<100000x128xf32, #tpu.memory_space<hbm>> -> memref<100000x128xf32, #tpu.memory_space<hbm>>
      tpu.enqueue_indirect_dma source(%dma_start3A_236 : memref<100000x128xf32, #tpu.memory_space<hbm>>) target(%arg13 : memref<96x128xf32, #tpu.memory_space<vmem>>) offsets(%dma_start3A_233 : memref<96xi32, #tpu.memory_space<vmem>>) semaphore(%arg19 : memref<!tpu.dma_semaphore, #tpu.memory_space<semaphore_mem>>)
      %add3A_237 = arith.constant 6 : i32
      %add3A_238 = arith.addi %mul3A_16, %add3A_237 : i32
      %mul3A_239 = arith.constant 96 : i32
      %mul3A_240 = arith.muli %add3A_238, %mul3A_239 : i32
      %add3A_241 = arith.addi %mul3A_2, %mul3A_240 : i32
      %multiple_of3A_242 = tpu.assume_multiple %add3A_241, 8 : i32
      %dma_start3A_243 = arith.constant 0 : i32
      %dma_start3A_244 = tpu.memref_slice %arg6[%multiple_of3A_242, %dma_start3A_243] : memref<525312x128xf32, #tpu.memory_space<hbm>> -> memref<96x128xf32, #tpu.memory_space<hbm>>
      %dma_start3A_245 = arith.constant 0 : i32
      %dma_start3A_246 = tpu.memref_slice %arg6[%multiple_of3A_242, %dma_start3A_245] : memref<525312x128xf32, #tpu.memory_space<hbm>> -> memref<96x128xf32, #tpu.memory_space<hbm>>
      tpu.enqueue_dma source(%arg9 : memref<96x128xf32, #tpu.memory_space<vmem>>) target(%dma_start3A_246 : memref<96x128xf32, #tpu.memory_space<hbm>>) target_semaphore(%arg21 : memref<!tpu.dma_semaphore, #tpu.memory_space<semaphore_mem>>)
      %dma_wait3A_247 = tpu.memref_slice %arg8[%multiple_of3A_145] : memref<16416xi32, #tpu.memory_space<vmem>> -> memref<96xi32, #tpu.memory_space<vmem>>
      %dma_wait3A_248 = arith.constant 0 : i32
      %dma_wait3A_249 = arith.constant 0 : i32
      %dma_wait3A_250 = tpu.memref_slice %arg2[%dma_wait3A_248, %dma_wait3A_249] : memref<100000x128xf32, #tpu.memory_space<hbm>> -> memref<100000x128xf32, #tpu.memory_space<hbm>>
      tpu.wait_indirect_dma semaphore(%arg16 : memref<!tpu.dma_semaphore, #tpu.memory_space<semaphore_mem>>) src(%dma_wait3A_250 : memref<100000x128xf32, #tpu.memory_space<hbm>>) dst(%arg10 : memref<96x128xf32, #tpu.memory_space<vmem>>)
      %dma_wait3A_251 = arith.constant 0 : i32
      %dma_wait3A_252 = tpu.memref_slice %arg6[%multiple_of3A_213, %dma_wait3A_251] : memref<525312x128xf32, #tpu.memory_space<hbm>> -> memref<96x128xf32, #tpu.memory_space<hbm>>
      %dma_wait3A_253 = arith.constant 0 : i32
      %dma_wait3A_254 = tpu.memref_slice %arg6[%multiple_of3A_213, %dma_wait3A_253] : memref<525312x128xf32, #tpu.memory_space<hbm>> -> memref<96x128xf32, #tpu.memory_space<hbm>>
      tpu.wait_dma2 semaphore(%arg26 : memref<!tpu.dma_semaphore, #tpu.memory_space<semaphore_mem>>) src(%arg14 : memref<96x128xf32, #tpu.memory_space<vmem>>) dst(%dma_wait3A_254 : memref<96x128xf32, #tpu.memory_space<hbm>>)
      %add3A_255 = arith.constant 7 : i32
      %add3A_256 = arith.addi %mul3A_16, %add3A_255 : i32
      %add3A_257 = arith.constant 4 : i32
      %add3A_258 = arith.addi %add3A_256, %add3A_257 : i32
      %mul3A_259 = arith.constant 96 : i32
      %mul3A_260 = arith.muli %add3A_258, %mul3A_259 : i32
      %multiple_of3A_261 = tpu.assume_multiple %mul3A_260, 8 : i32
      %dma_start3A_262 = tpu.memref_slice %arg8[%multiple_of3A_261] : memref<16416xi32, #tpu.memory_space<vmem>> -> memref<96xi32, #tpu.memory_space<vmem>>
      %dma_start3A_263 = arith.constant 0 : i32
      %dma_start3A_264 = arith.constant 0 : i32
      %dma_start3A_265 = tpu.memref_slice %arg2[%dma_start3A_263, %dma_start3A_264] : memref<100000x128xf32, #tpu.memory_space<hbm>> -> memref<100000x128xf32, #tpu.memory_space<hbm>>
      tpu.enqueue_indirect_dma source(%dma_start3A_265 : memref<100000x128xf32, #tpu.memory_space<hbm>>) target(%arg14 : memref<96x128xf32, #tpu.memory_space<vmem>>) offsets(%dma_start3A_262 : memref<96xi32, #tpu.memory_space<vmem>>) semaphore(%arg20 : memref<!tpu.dma_semaphore, #tpu.memory_space<semaphore_mem>>)
      %add3A_266 = arith.constant 7 : i32
      %add3A_267 = arith.addi %mul3A_16, %add3A_266 : i32
      %mul3A_268 = arith.constant 96 : i32
      %mul3A_269 = arith.muli %add3A_267, %mul3A_268 : i32
      %add3A_270 = arith.addi %mul3A_2, %mul3A_269 : i32
      %multiple_of3A_271 = tpu.assume_multiple %add3A_270, 8 : i32
      %dma_start3A_272 = arith.constant 0 : i32
      %dma_start3A_273 = tpu.memref_slice %arg6[%multiple_of3A_271, %dma_start3A_272] : memref<525312x128xf32, #tpu.memory_space<hbm>> -> memref<96x128xf32, #tpu.memory_space<hbm>>
      %dma_start3A_274 = arith.constant 0 : i32
      %dma_start3A_275 = tpu.memref_slice %arg6[%multiple_of3A_271, %dma_start3A_274] : memref<525312x128xf32, #tpu.memory_space<hbm>> -> memref<96x128xf32, #tpu.memory_space<hbm>>
      tpu.enqueue_dma source(%arg10 : memref<96x128xf32, #tpu.memory_space<vmem>>) target(%dma_start3A_275 : memref<96x128xf32, #tpu.memory_space<hbm>>) target_semaphore(%arg22 : memref<!tpu.dma_semaphore, #tpu.memory_space<semaphore_mem>>)
      %dma_wait3A_276 = tpu.memref_slice %arg8[%multiple_of3A_174] : memref<16416xi32, #tpu.memory_space<vmem>> -> memref<96xi32, #tpu.memory_space<vmem>>
      %dma_wait3A_277 = arith.constant 0 : i32
      %dma_wait3A_278 = arith.constant 0 : i32
      %dma_wait3A_279 = tpu.memref_slice %arg2[%dma_wait3A_277, %dma_wait3A_278] : memref<100000x128xf32, #tpu.memory_space<hbm>> -> memref<100000x128xf32, #tpu.memory_space<hbm>>
      tpu.wait_indirect_dma semaphore(%arg17 : memref<!tpu.dma_semaphore, #tpu.memory_space<semaphore_mem>>) src(%dma_wait3A_279 : memref<100000x128xf32, #tpu.memory_space<hbm>>) dst(%arg11 : memref<96x128xf32, #tpu.memory_space<vmem>>)
      %dma_wait3A_280 = arith.constant 0 : i32
      %dma_wait3A_281 = tpu.memref_slice %arg6[%multiple_of3A_242, %dma_wait3A_280] : memref<525312x128xf32, #tpu.memory_space<hbm>> -> memref<96x128xf32, #tpu.memory_space<hbm>>
      %dma_wait3A_282 = arith.constant 0 : i32
      %dma_wait3A_283 = tpu.memref_slice %arg6[%multiple_of3A_242, %dma_wait3A_282] : memref<525312x128xf32, #tpu.memory_space<hbm>> -> memref<96x128xf32, #tpu.memory_space<hbm>>
      tpu.wait_dma2 semaphore(%arg21 : memref<!tpu.dma_semaphore, #tpu.memory_space<semaphore_mem>>) src(%arg9 : memref<96x128xf32, #tpu.memory_space<vmem>>) dst(%dma_wait3A_283 : memref<96x128xf32, #tpu.memory_space<hbm>>)
      %add3A_284 = arith.constant 8 : i32
      %add3A_285 = arith.addi %mul3A_16, %add3A_284 : i32
      %add3A_286 = arith.constant 4 : i32
      %add3A_287 = arith.addi %add3A_285, %add3A_286 : i32
      %mul3A_288 = arith.constant 96 : i32
      %mul3A_289 = arith.muli %add3A_287, %mul3A_288 : i32
      %multiple_of3A_290 = tpu.assume_multiple %mul3A_289, 8 : i32
      %dma_start3A_291 = tpu.memref_slice %arg8[%multiple_of3A_290] : memref<16416xi32, #tpu.memory_space<vmem>> -> memref<96xi32, #tpu.memory_space<vmem>>
      %dma_start3A_292 = arith.constant 0 : i32
      %dma_start3A_293 = arith.constant 0 : i32
      %dma_start3A_294 = tpu.memref_slice %arg2[%dma_start3A_292, %dma_start3A_293] : memref<100000x128xf32, #tpu.memory_space<hbm>> -> memref<100000x128xf32, #tpu.memory_space<hbm>>
      tpu.enqueue_indirect_dma source(%dma_start3A_294 : memref<100000x128xf32, #tpu.memory_space<hbm>>) target(%arg9 : memref<96x128xf32, #tpu.memory_space<vmem>>) offsets(%dma_start3A_291 : memref<96xi32, #tpu.memory_space<vmem>>) semaphore(%arg15 : memref<!tpu.dma_semaphore, #tpu.memory_space<semaphore_mem>>)
      %add3A_295 = arith.constant 8 : i32
      %add3A_296 = arith.addi %mul3A_16, %add3A_295 : i32
      %mul3A_297 = arith.constant 96 : i32
      %mul3A_298 = arith.muli %add3A_296, %mul3A_297 : i32
      %add3A_299 = arith.addi %mul3A_2, %mul3A_298 : i32
      %multiple_of3A_300 = tpu.assume_multiple %add3A_299, 8 : i32
      %dma_start3A_301 = arith.constant 0 : i32
      %dma_start3A_302 = tpu.memref_slice %arg6[%multiple_of3A_300, %dma_start3A_301] : memref<525312x128xf32, #tpu.memory_space<hbm>> -> memref<96x128xf32, #tpu.memory_space<hbm>>
      %dma_start3A_303 = arith.constant 0 : i32
      %dma_start3A_304 = tpu.memref_slice %arg6[%multiple_of3A_300, %dma_start3A_303] : memref<525312x128xf32, #tpu.memory_space<hbm>> -> memref<96x128xf32, #tpu.memory_space<hbm>>
      tpu.enqueue_dma source(%arg11 : memref<96x128xf32, #tpu.memory_space<vmem>>) target(%dma_start3A_304 : memref<96x128xf32, #tpu.memory_space<hbm>>) target_semaphore(%arg23 : memref<!tpu.dma_semaphore, #tpu.memory_space<semaphore_mem>>)
      %dma_wait3A_305 = tpu.memref_slice %arg8[%multiple_of3A_203] : memref<16416xi32, #tpu.memory_space<vmem>> -> memref<96xi32, #tpu.memory_space<vmem>>
      %dma_wait3A_306 = arith.constant 0 : i32
      %dma_wait3A_307 = arith.constant 0 : i32
      %dma_wait3A_308 = tpu.memref_slice %arg2[%dma_wait3A_306, %dma_wait3A_307] : memref<100000x128xf32, #tpu.memory_space<hbm>> -> memref<100000x128xf32, #tpu.memory_space<hbm>>
      tpu.wait_indirect_dma semaphore(%arg18 : memref<!tpu.dma_semaphore, #tpu.memory_space<semaphore_mem>>) src(%dma_wait3A_308 : memref<100000x128xf32, #tpu.memory_space<hbm>>) dst(%arg12 : memref<96x128xf32, #tpu.memory_space<vmem>>)
      %dma_wait3A_309 = arith.constant 0 : i32
      %dma_wait3A_310 = tpu.memref_slice %arg6[%multiple_of3A_271, %dma_wait3A_309] : memref<525312x128xf32, #tpu.memory_space<hbm>> -> memref<96x128xf32, #tpu.memory_space<hbm>>
      %dma_wait3A_311 = arith.constant 0 : i32
      %dma_wait3A_312 = tpu.memref_slice %arg6[%multiple_of3A_271, %dma_wait3A_311] : memref<525312x128xf32, #tpu.memory_space<hbm>> -> memref<96x128xf32, #tpu.memory_space<hbm>>
      tpu.wait_dma2 semaphore(%arg22 : memref<!tpu.dma_semaphore, #tpu.memory_space<semaphore_mem>>) src(%arg10 : memref<96x128xf32, #tpu.memory_space<vmem>>) dst(%dma_wait3A_312 : memref<96x128xf32, #tpu.memory_space<hbm>>)
      %add3A_313 = arith.constant 9 : i32
      %add3A_314 = arith.addi %mul3A_16, %add3A_313 : i32
      %add3A_315 = arith.constant 4 : i32
      %add3A_316 = arith.addi %add3A_314, %add3A_315 : i32
      %mul3A_317 = arith.constant 96 : i32
      %mul3A_318 = arith.muli %add3A_316, %mul3A_317 : i32
      %multiple_of3A_319 = tpu.assume_multiple %mul3A_318, 8 : i32
      %dma_start3A_320 = tpu.memref_slice %arg8[%multiple_of3A_319] : memref<16416xi32, #tpu.memory_space<vmem>> -> memref<96xi32, #tpu.memory_space<vmem>>
      %dma_start3A_321 = arith.constant 0 : i32
      %dma_start3A_322 = arith.constant 0 : i32
      %dma_start3A_323 = tpu.memref_slice %arg2[%dma_start3A_321, %dma_start3A_322] : memref<100000x128xf32, #tpu.memory_space<hbm>> -> memref<100000x128xf32, #tpu.memory_space<hbm>>
      tpu.enqueue_indirect_dma source(%dma_start3A_323 : memref<100000x128xf32, #tpu.memory_space<hbm>>) target(%arg10 : memref<96x128xf32, #tpu.memory_space<vmem>>) offsets(%dma_start3A_320 : memref<96xi32, #tpu.memory_space<vmem>>) semaphore(%arg16 : memref<!tpu.dma_semaphore, #tpu.memory_space<semaphore_mem>>)
      %add3A_324 = arith.constant 9 : i32
      %add3A_325 = arith.addi %mul3A_16, %add3A_324 : i32
      %mul3A_326 = arith.constant 96 : i32
      %mul3A_327 = arith.muli %add3A_325, %mul3A_326 : i32
      %add3A_328 = arith.addi %mul3A_2, %mul3A_327 : i32
      %multiple_of3A_329 = tpu.assume_multiple %add3A_328, 8 : i32
      %dma_start3A_330 = arith.constant 0 : i32
      %dma_start3A_331 = tpu.memref_slice %arg6[%multiple_of3A_329, %dma_start3A_330] : memref<525312x128xf32, #tpu.memory_space<hbm>> -> memref<96x128xf32, #tpu.memory_space<hbm>>
      %dma_start3A_332 = arith.constant 0 : i32
      %dma_start3A_333 = tpu.memref_slice %arg6[%multiple_of3A_329, %dma_start3A_332] : memref<525312x128xf32, #tpu.memory_space<hbm>> -> memref<96x128xf32, #tpu.memory_space<hbm>>
      tpu.enqueue_dma source(%arg12 : memref<96x128xf32, #tpu.memory_space<vmem>>) target(%dma_start3A_333 : memref<96x128xf32, #tpu.memory_space<hbm>>) target_semaphore(%arg24 : memref<!tpu.dma_semaphore, #tpu.memory_space<semaphore_mem>>)
      %dma_wait3A_334 = tpu.memref_slice %arg8[%multiple_of3A_232] : memref<16416xi32, #tpu.memory_space<vmem>> -> memref<96xi32, #tpu.memory_space<vmem>>
      %dma_wait3A_335 = arith.constant 0 : i32
      %dma_wait3A_336 = arith.constant 0 : i32
      %dma_wait3A_337 = tpu.memref_slice %arg2[%dma_wait3A_335, %dma_wait3A_336] : memref<100000x128xf32, #tpu.memory_space<hbm>> -> memref<100000x128xf32, #tpu.memory_space<hbm>>
      tpu.wait_indirect_dma semaphore(%arg19 : memref<!tpu.dma_semaphore, #tpu.memory_space<semaphore_mem>>) src(%dma_wait3A_337 : memref<100000x128xf32, #tpu.memory_space<hbm>>) dst(%arg13 : memref<96x128xf32, #tpu.memory_space<vmem>>)
      %dma_wait3A_338 = arith.constant 0 : i32
      %dma_wait3A_339 = tpu.memref_slice %arg6[%multiple_of3A_300, %dma_wait3A_338] : memref<525312x128xf32, #tpu.memory_space<hbm>> -> memref<96x128xf32, #tpu.memory_space<hbm>>
      %dma_wait3A_340 = arith.constant 0 : i32
      %dma_wait3A_341 = tpu.memref_slice %arg6[%multiple_of3A_300, %dma_wait3A_340] : memref<525312x128xf32, #tpu.memory_space<hbm>> -> memref<96x128xf32, #tpu.memory_space<hbm>>
      tpu.wait_dma2 semaphore(%arg23 : memref<!tpu.dma_semaphore, #tpu.memory_space<semaphore_mem>>) src(%arg11 : memref<96x128xf32, #tpu.memory_space<vmem>>) dst(%dma_wait3A_341 : memref<96x128xf32, #tpu.memory_space<hbm>>)
      %add3A_342 = arith.constant 10 : i32
      %add3A_343 = arith.addi %mul3A_16, %add3A_342 : i32
      %add3A_344 = arith.constant 4 : i32
      %add3A_345 = arith.addi %add3A_343, %add3A_344 : i32
      %mul3A_346 = arith.constant 96 : i32
      %mul3A_347 = arith.muli %add3A_345, %mul3A_346 : i32
      %multiple_of3A_348 = tpu.assume_multiple %mul3A_347, 8 : i32
      %dma_start3A_349 = tpu.memref_slice %arg8[%multiple_of3A_348] : memref<16416xi32, #tpu.memory_space<vmem>> -> memref<96xi32, #tpu.memory_space<vmem>>
      %dma_start3A_350 = arith.constant 0 : i32
      %dma_start3A_351 = arith.constant 0 : i32
      %dma_start3A_352 = tpu.memref_slice %arg2[%dma_start3A_350, %dma_start3A_351] : memref<100000x128xf32, #tpu.memory_space<hbm>> -> memref<100000x128xf32, #tpu.memory_space<hbm>>
      tpu.enqueue_indirect_dma source(%dma_start3A_352 : memref<100000x128xf32, #tpu.memory_space<hbm>>) target(%arg11 : memref<96x128xf32, #tpu.memory_space<vmem>>) offsets(%dma_start3A_349 : memref<96xi32, #tpu.memory_space<vmem>>) semaphore(%arg17 : memref<!tpu.dma_semaphore, #tpu.memory_space<semaphore_mem>>)
      %add3A_353 = arith.constant 10 : i32
      %add3A_354 = arith.addi %mul3A_16, %add3A_353 : i32
      %mul3A_355 = arith.constant 96 : i32
      %mul3A_356 = arith.muli %add3A_354, %mul3A_355 : i32
      %add3A_357 = arith.addi %mul3A_2, %mul3A_356 : i32
      %multiple_of3A_358 = tpu.assume_multiple %add3A_357, 8 : i32
      %dma_start3A_359 = arith.constant 0 : i32
      %dma_start3A_360 = tpu.memref_slice %arg6[%multiple_of3A_358, %dma_start3A_359] : memref<525312x128xf32, #tpu.memory_space<hbm>> -> memref<96x128xf32, #tpu.memory_space<hbm>>
      %dma_start3A_361 = arith.constant 0 : i32
      %dma_start3A_362 = tpu.memref_slice %arg6[%multiple_of3A_358, %dma_start3A_361] : memref<525312x128xf32, #tpu.memory_space<hbm>> -> memref<96x128xf32, #tpu.memory_space<hbm>>
      tpu.enqueue_dma source(%arg13 : memref<96x128xf32, #tpu.memory_space<vmem>>) target(%dma_start3A_362 : memref<96x128xf32, #tpu.memory_space<hbm>>) target_semaphore(%arg25 : memref<!tpu.dma_semaphore, #tpu.memory_space<semaphore_mem>>)
      %dma_wait3A_363 = tpu.memref_slice %arg8[%multiple_of3A_261] : memref<16416xi32, #tpu.memory_space<vmem>> -> memref<96xi32, #tpu.memory_space<vmem>>
      %dma_wait3A_364 = arith.constant 0 : i32
      %dma_wait3A_365 = arith.constant 0 : i32
      %dma_wait3A_366 = tpu.memref_slice %arg2[%dma_wait3A_364, %dma_wait3A_365] : memref<100000x128xf32, #tpu.memory_space<hbm>> -> memref<100000x128xf32, #tpu.memory_space<hbm>>
      tpu.wait_indirect_dma semaphore(%arg20 : memref<!tpu.dma_semaphore, #tpu.memory_space<semaphore_mem>>) src(%dma_wait3A_366 : memref<100000x128xf32, #tpu.memory_space<hbm>>) dst(%arg14 : memref<96x128xf32, #tpu.memory_space<vmem>>)
      %dma_wait3A_367 = arith.constant 0 : i32
      %dma_wait3A_368 = tpu.memref_slice %arg6[%multiple_of3A_329, %dma_wait3A_367] : memref<525312x128xf32, #tpu.memory_space<hbm>> -> memref<96x128xf32, #tpu.memory_space<hbm>>
      %dma_wait3A_369 = arith.constant 0 : i32
      %dma_wait3A_370 = tpu.memref_slice %arg6[%multiple_of3A_329, %dma_wait3A_369] : memref<525312x128xf32, #tpu.memory_space<hbm>> -> memref<96x128xf32, #tpu.memory_space<hbm>>
      tpu.wait_dma2 semaphore(%arg24 : memref<!tpu.dma_semaphore, #tpu.memory_space<semaphore_mem>>) src(%arg12 : memref<96x128xf32, #tpu.memory_space<vmem>>) dst(%dma_wait3A_370 : memref<96x128xf32, #tpu.memory_space<hbm>>)
      %add3A_371 = arith.constant 11 : i32
      %add3A_372 = arith.addi %mul3A_16, %add3A_371 : i32
      %add3A_373 = arith.constant 4 : i32
      %add3A_374 = arith.addi %add3A_372, %add3A_373 : i32
      %mul3A_375 = arith.constant 96 : i32
      %mul3A_376 = arith.muli %add3A_374, %mul3A_375 : i32
      %multiple_of3A_377 = tpu.assume_multiple %mul3A_376, 8 : i32
      %dma_start3A_378 = tpu.memref_slice %arg8[%multiple_of3A_377] : memref<16416xi32, #tpu.memory_space<vmem>> -> memref<96xi32, #tpu.memory_space<vmem>>
      %dma_start3A_379 = arith.constant 0 : i32
      %dma_start3A_380 = arith.constant 0 : i32
      %dma_start3A_381 = tpu.memref_slice %arg2[%dma_start3A_379, %dma_start3A_380] : memref<100000x128xf32, #tpu.memory_space<hbm>> -> memref<100000x128xf32, #tpu.memory_space<hbm>>
      tpu.enqueue_indirect_dma source(%dma_start3A_381 : memref<100000x128xf32, #tpu.memory_space<hbm>>) target(%arg12 : memref<96x128xf32, #tpu.memory_space<vmem>>) offsets(%dma_start3A_378 : memref<96xi32, #tpu.memory_space<vmem>>) semaphore(%arg18 : memref<!tpu.dma_semaphore, #tpu.memory_space<semaphore_mem>>)
      %add3A_382 = arith.constant 11 : i32
      %add3A_383 = arith.addi %mul3A_16, %add3A_382 : i32
      %mul3A_384 = arith.constant 96 : i32
      %mul3A_385 = arith.muli %add3A_383, %mul3A_384 : i32
      %add3A_386 = arith.addi %mul3A_2, %mul3A_385 : i32
      %multiple_of3A_387 = tpu.assume_multiple %add3A_386, 8 : i32
      %dma_start3A_388 = arith.constant 0 : i32
      %dma_start3A_389 = tpu.memref_slice %arg6[%multiple_of3A_387, %dma_start3A_388] : memref<525312x128xf32, #tpu.memory_space<hbm>> -> memref<96x128xf32, #tpu.memory_space<hbm>>
      %dma_start3A_390 = arith.constant 0 : i32
      %dma_start3A_391 = tpu.memref_slice %arg6[%multiple_of3A_387, %dma_start3A_390] : memref<525312x128xf32, #tpu.memory_space<hbm>> -> memref<96x128xf32, #tpu.memory_space<hbm>>
      tpu.enqueue_dma source(%arg14 : memref<96x128xf32, #tpu.memory_space<vmem>>) target(%dma_start3A_391 : memref<96x128xf32, #tpu.memory_space<hbm>>) target_semaphore(%arg26 : memref<!tpu.dma_semaphore, #tpu.memory_space<semaphore_mem>>)
      %dma_wait3A_392 = tpu.memref_slice %arg8[%multiple_of3A_290] : memref<16416xi32, #tpu.memory_space<vmem>> -> memref<96xi32, #tpu.memory_space<vmem>>
      %dma_wait3A_393 = arith.constant 0 : i32
      %dma_wait3A_394 = arith.constant 0 : i32
      %dma_wait3A_395 = tpu.memref_slice %arg2[%dma_wait3A_393, %dma_wait3A_394] : memref<100000x128xf32, #tpu.memory_space<hbm>> -> memref<100000x128xf32, #tpu.memory_space<hbm>>
      tpu.wait_indirect_dma semaphore(%arg15 : memref<!tpu.dma_semaphore, #tpu.memory_space<semaphore_mem>>) src(%dma_wait3A_395 : memref<100000x128xf32, #tpu.memory_space<hbm>>) dst(%arg9 : memref<96x128xf32, #tpu.memory_space<vmem>>)
      %dma_wait3A_396 = arith.constant 0 : i32
      %dma_wait3A_397 = tpu.memref_slice %arg6[%multiple_of3A_358, %dma_wait3A_396] : memref<525312x128xf32, #tpu.memory_space<hbm>> -> memref<96x128xf32, #tpu.memory_space<hbm>>
      %dma_wait3A_398 = arith.constant 0 : i32
      %dma_wait3A_399 = tpu.memref_slice %arg6[%multiple_of3A_358, %dma_wait3A_398] : memref<525312x128xf32, #tpu.memory_space<hbm>> -> memref<96x128xf32, #tpu.memory_space<hbm>>
      tpu.wait_dma2 semaphore(%arg25 : memref<!tpu.dma_semaphore, #tpu.memory_space<semaphore_mem>>) src(%arg13 : memref<96x128xf32, #tpu.memory_space<vmem>>) dst(%dma_wait3A_399 : memref<96x128xf32, #tpu.memory_space<hbm>>)
      %add3A_400 = arith.constant 12 : i32
      %add3A_401 = arith.addi %mul3A_16, %add3A_400 : i32
      %add3A_402 = arith.constant 4 : i32
      %add3A_403 = arith.addi %add3A_401, %add3A_402 : i32
      %mul3A_404 = arith.constant 96 : i32
      %mul3A_405 = arith.muli %add3A_403, %mul3A_404 : i32
      %multiple_of3A_406 = tpu.assume_multiple %mul3A_405, 8 : i32
      %dma_start3A_407 = tpu.memref_slice %arg8[%multiple_of3A_406] : memref<16416xi32, #tpu.memory_space<vmem>> -> memref<96xi32, #tpu.memory_space<vmem>>
      %dma_start3A_408 = arith.constant 0 : i32
      %dma_start3A_409 = arith.constant 0 : i32
      %dma_start3A_410 = tpu.memref_slice %arg2[%dma_start3A_408, %dma_start3A_409] : memref<100000x128xf32, #tpu.memory_space<hbm>> -> memref<100000x128xf32, #tpu.memory_space<hbm>>
      tpu.enqueue_indirect_dma source(%dma_start3A_410 : memref<100000x128xf32, #tpu.memory_space<hbm>>) target(%arg13 : memref<96x128xf32, #tpu.memory_space<vmem>>) offsets(%dma_start3A_407 : memref<96xi32, #tpu.memory_space<vmem>>) semaphore(%arg19 : memref<!tpu.dma_semaphore, #tpu.memory_space<semaphore_mem>>)
      %add3A_411 = arith.constant 12 : i32
      %add3A_412 = arith.addi %mul3A_16, %add3A_411 : i32
      %mul3A_413 = arith.constant 96 : i32
      %mul3A_414 = arith.muli %add3A_412, %mul3A_413 : i32
      %add3A_415 = arith.addi %mul3A_2, %mul3A_414 : i32
      %multiple_of3A_416 = tpu.assume_multiple %add3A_415, 8 : i32
      %dma_start3A_417 = arith.constant 0 : i32
      %dma_start3A_418 = tpu.memref_slice %arg6[%multiple_of3A_416, %dma_start3A_417] : memref<525312x128xf32, #tpu.memory_space<hbm>> -> memref<96x128xf32, #tpu.memory_space<hbm>>
      %dma_start3A_419 = arith.constant 0 : i32
      %dma_start3A_420 = tpu.memref_slice %arg6[%multiple_of3A_416, %dma_start3A_419] : memref<525312x128xf32, #tpu.memory_space<hbm>> -> memref<96x128xf32, #tpu.memory_space<hbm>>
      tpu.enqueue_dma source(%arg9 : memref<96x128xf32, #tpu.memory_space<vmem>>) target(%dma_start3A_420 : memref<96x128xf32, #tpu.memory_space<hbm>>) target_semaphore(%arg21 : memref<!tpu.dma_semaphore, #tpu.memory_space<semaphore_mem>>)
      %dma_wait3A_421 = tpu.memref_slice %arg8[%multiple_of3A_319] : memref<16416xi32, #tpu.memory_space<vmem>> -> memref<96xi32, #tpu.memory_space<vmem>>
      %dma_wait3A_422 = arith.constant 0 : i32
      %dma_wait3A_423 = arith.constant 0 : i32
      %dma_wait3A_424 = tpu.memref_slice %arg2[%dma_wait3A_422, %dma_wait3A_423] : memref<100000x128xf32, #tpu.memory_space<hbm>> -> memref<100000x128xf32, #tpu.memory_space<hbm>>
      tpu.wait_indirect_dma semaphore(%arg16 : memref<!tpu.dma_semaphore, #tpu.memory_space<semaphore_mem>>) src(%dma_wait3A_424 : memref<100000x128xf32, #tpu.memory_space<hbm>>) dst(%arg10 : memref<96x128xf32, #tpu.memory_space<vmem>>)
      %dma_wait3A_425 = arith.constant 0 : i32
      %dma_wait3A_426 = tpu.memref_slice %arg6[%multiple_of3A_387, %dma_wait3A_425] : memref<525312x128xf32, #tpu.memory_space<hbm>> -> memref<96x128xf32, #tpu.memory_space<hbm>>
      %dma_wait3A_427 = arith.constant 0 : i32
      %dma_wait3A_428 = tpu.memref_slice %arg6[%multiple_of3A_387, %dma_wait3A_427] : memref<525312x128xf32, #tpu.memory_space<hbm>> -> memref<96x128xf32, #tpu.memory_space<hbm>>
      tpu.wait_dma2 semaphore(%arg26 : memref<!tpu.dma_semaphore, #tpu.memory_space<semaphore_mem>>) src(%arg14 : memref<96x128xf32, #tpu.memory_space<vmem>>) dst(%dma_wait3A_428 : memref<96x128xf32, #tpu.memory_space<hbm>>)
      %add3A_429 = arith.constant 13 : i32
      %add3A_430 = arith.addi %mul3A_16, %add3A_429 : i32
      %add3A_431 = arith.constant 4 : i32
      %add3A_432 = arith.addi %add3A_430, %add3A_431 : i32
      %mul3A_433 = arith.constant 96 : i32
      %mul3A_434 = arith.muli %add3A_432, %mul3A_433 : i32
      %multiple_of3A_435 = tpu.assume_multiple %mul3A_434, 8 : i32
      %dma_start3A_436 = tpu.memref_slice %arg8[%multiple_of3A_435] : memref<16416xi32, #tpu.memory_space<vmem>> -> memref<96xi32, #tpu.memory_space<vmem>>
      %dma_start3A_437 = arith.constant 0 : i32
      %dma_start3A_438 = arith.constant 0 : i32
      %dma_start3A_439 = tpu.memref_slice %arg2[%dma_start3A_437, %dma_start3A_438] : memref<100000x128xf32, #tpu.memory_space<hbm>> -> memref<100000x128xf32, #tpu.memory_space<hbm>>
      tpu.enqueue_indirect_dma source(%dma_start3A_439 : memref<100000x128xf32, #tpu.memory_space<hbm>>) target(%arg14 : memref<96x128xf32, #tpu.memory_space<vmem>>) offsets(%dma_start3A_436 : memref<96xi32, #tpu.memory_space<vmem>>) semaphore(%arg20 : memref<!tpu.dma_semaphore, #tpu.memory_space<semaphore_mem>>)
      %add3A_440 = arith.constant 13 : i32
      %add3A_441 = arith.addi %mul3A_16, %add3A_440 : i32
      %mul3A_442 = arith.constant 96 : i32
      %mul3A_443 = arith.muli %add3A_441, %mul3A_442 : i32
      %add3A_444 = arith.addi %mul3A_2, %mul3A_443 : i32
      %multiple_of3A_445 = tpu.assume_multiple %add3A_444, 8 : i32
      %dma_start3A_446 = arith.constant 0 : i32
      %dma_start3A_447 = tpu.memref_slice %arg6[%multiple_of3A_445, %dma_start3A_446] : memref<525312x128xf32, #tpu.memory_space<hbm>> -> memref<96x128xf32, #tpu.memory_space<hbm>>
      %dma_start3A_448 = arith.constant 0 : i32
      %dma_start3A_449 = tpu.memref_slice %arg6[%multiple_of3A_445, %dma_start3A_448] : memref<525312x128xf32, #tpu.memory_space<hbm>> -> memref<96x128xf32, #tpu.memory_space<hbm>>
      tpu.enqueue_dma source(%arg10 : memref<96x128xf32, #tpu.memory_space<vmem>>) target(%dma_start3A_449 : memref<96x128xf32, #tpu.memory_space<hbm>>) target_semaphore(%arg22 : memref<!tpu.dma_semaphore, #tpu.memory_space<semaphore_mem>>)
      %dma_wait3A_450 = tpu.memref_slice %arg8[%multiple_of3A_348] : memref<16416xi32, #tpu.memory_space<vmem>> -> memref<96xi32, #tpu.memory_space<vmem>>
      %dma_wait3A_451 = arith.constant 0 : i32
      %dma_wait3A_452 = arith.constant 0 : i32
      %dma_wait3A_453 = tpu.memref_slice %arg2[%dma_wait3A_451, %dma_wait3A_452] : memref<100000x128xf32, #tpu.memory_space<hbm>> -> memref<100000x128xf32, #tpu.memory_space<hbm>>
      tpu.wait_indirect_dma semaphore(%arg17 : memref<!tpu.dma_semaphore, #tpu.memory_space<semaphore_mem>>) src(%dma_wait3A_453 : memref<100000x128xf32, #tpu.memory_space<hbm>>) dst(%arg11 : memref<96x128xf32, #tpu.memory_space<vmem>>)
      %dma_wait3A_454 = arith.constant 0 : i32
      %dma_wait3A_455 = tpu.memref_slice %arg6[%multiple_of3A_416, %dma_wait3A_454] : memref<525312x128xf32, #tpu.memory_space<hbm>> -> memref<96x128xf32, #tpu.memory_space<hbm>>
      %dma_wait3A_456 = arith.constant 0 : i32
      %dma_wait3A_457 = tpu.memref_slice %arg6[%multiple_of3A_416, %dma_wait3A_456] : memref<525312x128xf32, #tpu.memory_space<hbm>> -> memref<96x128xf32, #tpu.memory_space<hbm>>
      tpu.wait_dma2 semaphore(%arg21 : memref<!tpu.dma_semaphore, #tpu.memory_space<semaphore_mem>>) src(%arg9 : memref<96x128xf32, #tpu.memory_space<vmem>>) dst(%dma_wait3A_457 : memref<96x128xf32, #tpu.memory_space<hbm>>)
      %add3A_458 = arith.constant 14 : i32
      %add3A_459 = arith.addi %mul3A_16, %add3A_458 : i32
      %add3A_460 = arith.constant 4 : i32
      %add3A_461 = arith.addi %add3A_459, %add3A_460 : i32
      %mul3A_462 = arith.constant 96 : i32
      %mul3A_463 = arith.muli %add3A_461, %mul3A_462 : i32
      %multiple_of3A_464 = tpu.assume_multiple %mul3A_463, 8 : i32
      %dma_start3A_465 = tpu.memref_slice %arg8[%multiple_of3A_464] : memref<16416xi32, #tpu.memory_space<vmem>> -> memref<96xi32, #tpu.memory_space<vmem>>
      %dma_start3A_466 = arith.constant 0 : i32
      %dma_start3A_467 = arith.constant 0 : i32
      %dma_start3A_468 = tpu.memref_slice %arg2[%dma_start3A_466, %dma_start3A_467] : memref<100000x128xf32, #tpu.memory_space<hbm>> -> memref<100000x128xf32, #tpu.memory_space<hbm>>
      tpu.enqueue_indirect_dma source(%dma_start3A_468 : memref<100000x128xf32, #tpu.memory_space<hbm>>) target(%arg9 : memref<96x128xf32, #tpu.memory_space<vmem>>) offsets(%dma_start3A_465 : memref<96xi32, #tpu.memory_space<vmem>>) semaphore(%arg15 : memref<!tpu.dma_semaphore, #tpu.memory_space<semaphore_mem>>)
      %add3A_469 = arith.constant 14 : i32
      %add3A_470 = arith.addi %mul3A_16, %add3A_469 : i32
      %mul3A_471 = arith.constant 96 : i32
      %mul3A_472 = arith.muli %add3A_470, %mul3A_471 : i32
      %add3A_473 = arith.addi %mul3A_2, %mul3A_472 : i32
      %multiple_of3A_474 = tpu.assume_multiple %add3A_473, 8 : i32
      %dma_start3A_475 = arith.constant 0 : i32
      %dma_start3A_476 = tpu.memref_slice %arg6[%multiple_of3A_474, %dma_start3A_475] : memref<525312x128xf32, #tpu.memory_space<hbm>> -> memref<96x128xf32, #tpu.memory_space<hbm>>
      %dma_start3A_477 = arith.constant 0 : i32
      %dma_start3A_478 = tpu.memref_slice %arg6[%multiple_of3A_474, %dma_start3A_477] : memref<525312x128xf32, #tpu.memory_space<hbm>> -> memref<96x128xf32, #tpu.memory_space<hbm>>
      tpu.enqueue_dma source(%arg11 : memref<96x128xf32, #tpu.memory_space<vmem>>) target(%dma_start3A_478 : memref<96x128xf32, #tpu.memory_space<hbm>>) target_semaphore(%arg23 : memref<!tpu.dma_semaphore, #tpu.memory_space<semaphore_mem>>)
      %dma_wait3A_479 = tpu.memref_slice %arg8[%multiple_of3A_377] : memref<16416xi32, #tpu.memory_space<vmem>> -> memref<96xi32, #tpu.memory_space<vmem>>
      %dma_wait3A_480 = arith.constant 0 : i32
      %dma_wait3A_481 = arith.constant 0 : i32
      %dma_wait3A_482 = tpu.memref_slice %arg2[%dma_wait3A_480, %dma_wait3A_481] : memref<100000x128xf32, #tpu.memory_space<hbm>> -> memref<100000x128xf32, #tpu.memory_space<hbm>>
      tpu.wait_indirect_dma semaphore(%arg18 : memref<!tpu.dma_semaphore, #tpu.memory_space<semaphore_mem>>) src(%dma_wait3A_482 : memref<100000x128xf32, #tpu.memory_space<hbm>>) dst(%arg12 : memref<96x128xf32, #tpu.memory_space<vmem>>)
      %add3A_483 = arith.constant 15 : i32
      %add3A_484 = arith.addi %mul3A_16, %add3A_483 : i32
      %mul3A_485 = arith.constant 96 : i32
      %mul3A_486 = arith.muli %add3A_484, %mul3A_485 : i32
      %add3A_487 = arith.addi %mul3A_2, %mul3A_486 : i32
      %multiple_of3A_488 = tpu.assume_multiple %add3A_487, 8 : i32
      %dma_start3A_489 = arith.constant 0 : i32
      %dma_start3A_490 = tpu.memref_slice %arg6[%multiple_of3A_488, %dma_start3A_489] : memref<525312x128xf32, #tpu.memory_space<hbm>> -> memref<96x128xf32, #tpu.memory_space<hbm>>
      %dma_start3A_491 = arith.constant 0 : i32
      %dma_start3A_492 = tpu.memref_slice %arg6[%multiple_of3A_488, %dma_start3A_491] : memref<525312x128xf32, #tpu.memory_space<hbm>> -> memref<96x128xf32, #tpu.memory_space<hbm>>
      tpu.enqueue_dma source(%arg12 : memref<96x128xf32, #tpu.memory_space<vmem>>) target(%dma_start3A_492 : memref<96x128xf32, #tpu.memory_space<hbm>>) target_semaphore(%arg24 : memref<!tpu.dma_semaphore, #tpu.memory_space<semaphore_mem>>)
      %dma_wait3A_493 = tpu.memref_slice %arg8[%multiple_of3A_406] : memref<16416xi32, #tpu.memory_space<vmem>> -> memref<96xi32, #tpu.memory_space<vmem>>
      %dma_wait3A_494 = arith.constant 0 : i32
      %dma_wait3A_495 = arith.constant 0 : i32
      %dma_wait3A_496 = tpu.memref_slice %arg2[%dma_wait3A_494, %dma_wait3A_495] : memref<100000x128xf32, #tpu.memory_space<hbm>> -> memref<100000x128xf32, #tpu.memory_space<hbm>>
      tpu.wait_indirect_dma semaphore(%arg19 : memref<!tpu.dma_semaphore, #tpu.memory_space<semaphore_mem>>) src(%dma_wait3A_496 : memref<100000x128xf32, #tpu.memory_space<hbm>>) dst(%arg13 : memref<96x128xf32, #tpu.memory_space<vmem>>)
      %add3A_497 = arith.constant 16 : i32
      %add3A_498 = arith.addi %mul3A_16, %add3A_497 : i32
      %mul3A_499 = arith.constant 96 : i32
      %mul3A_500 = arith.muli %add3A_498, %mul3A_499 : i32
      %add3A_501 = arith.addi %mul3A_2, %mul3A_500 : i32
      %multiple_of3A_502 = tpu.assume_multiple %add3A_501, 8 : i32
      %dma_start3A_503 = arith.constant 0 : i32
      %dma_start3A_504 = tpu.memref_slice %arg6[%multiple_of3A_502, %dma_start3A_503] : memref<525312x128xf32, #tpu.memory_space<hbm>> -> memref<96x128xf32, #tpu.memory_space<hbm>>
      %dma_start3A_505 = arith.constant 0 : i32
      %dma_start3A_506 = tpu.memref_slice %arg6[%multiple_of3A_502, %dma_start3A_505] : memref<525312x128xf32, #tpu.memory_space<hbm>> -> memref<96x128xf32, #tpu.memory_space<hbm>>
      tpu.enqueue_dma source(%arg13 : memref<96x128xf32, #tpu.memory_space<vmem>>) target(%dma_start3A_506 : memref<96x128xf32, #tpu.memory_space<hbm>>) target_semaphore(%arg25 : memref<!tpu.dma_semaphore, #tpu.memory_space<semaphore_mem>>)
      %dma_wait3A_507 = tpu.memref_slice %arg8[%multiple_of3A_435] : memref<16416xi32, #tpu.memory_space<vmem>> -> memref<96xi32, #tpu.memory_space<vmem>>
      %dma_wait3A_508 = arith.constant 0 : i32
      %dma_wait3A_509 = arith.constant 0 : i32
      %dma_wait3A_510 = tpu.memref_slice %arg2[%dma_wait3A_508, %dma_wait3A_509] : memref<100000x128xf32, #tpu.memory_space<hbm>> -> memref<100000x128xf32, #tpu.memory_space<hbm>>
      tpu.wait_indirect_dma semaphore(%arg20 : memref<!tpu.dma_semaphore, #tpu.memory_space<semaphore_mem>>) src(%dma_wait3A_510 : memref<100000x128xf32, #tpu.memory_space<hbm>>) dst(%arg14 : memref<96x128xf32, #tpu.memory_space<vmem>>)
      %add3A_511 = arith.constant 17 : i32
      %add3A_512 = arith.addi %mul3A_16, %add3A_511 : i32
      %mul3A_513 = arith.constant 96 : i32
      %mul3A_514 = arith.muli %add3A_512, %mul3A_513 : i32
      %add3A_515 = arith.addi %mul3A_2, %mul3A_514 : i32
      %multiple_of3A_516 = tpu.assume_multiple %add3A_515, 8 : i32
      %dma_start3A_517 = arith.constant 0 : i32
      %dma_start3A_518 = tpu.memref_slice %arg6[%multiple_of3A_516, %dma_start3A_517] : memref<525312x128xf32, #tpu.memory_space<hbm>> -> memref<96x128xf32, #tpu.memory_space<hbm>>
      %dma_start3A_519 = arith.constant 0 : i32
      %dma_start3A_520 = tpu.memref_slice %arg6[%multiple_of3A_516, %dma_start3A_519] : memref<525312x128xf32, #tpu.memory_space<hbm>> -> memref<96x128xf32, #tpu.memory_space<hbm>>
      tpu.enqueue_dma source(%arg14 : memref<96x128xf32, #tpu.memory_space<vmem>>) target(%dma_start3A_520 : memref<96x128xf32, #tpu.memory_space<hbm>>) target_semaphore(%arg26 : memref<!tpu.dma_semaphore, #tpu.memory_space<semaphore_mem>>)
      %dma_wait3A_521 = tpu.memref_slice %arg8[%multiple_of3A_464] : memref<16416xi32, #tpu.memory_space<vmem>> -> memref<96xi32, #tpu.memory_space<vmem>>
      %dma_wait3A_522 = arith.constant 0 : i32
      %dma_wait3A_523 = arith.constant 0 : i32
      %dma_wait3A_524 = tpu.memref_slice %arg2[%dma_wait3A_522, %dma_wait3A_523] : memref<100000x128xf32, #tpu.memory_space<hbm>> -> memref<100000x128xf32, #tpu.memory_space<hbm>>
      tpu.wait_indirect_dma semaphore(%arg15 : memref<!tpu.dma_semaphore, #tpu.memory_space<semaphore_mem>>) src(%dma_wait3A_524 : memref<100000x128xf32, #tpu.memory_space<hbm>>) dst(%arg9 : memref<96x128xf32, #tpu.memory_space<vmem>>)
      %add3A_525 = arith.constant 18 : i32
      %add3A_526 = arith.addi %mul3A_16, %add3A_525 : i32
      %mul3A_527 = arith.constant 96 : i32
      %mul3A_528 = arith.muli %add3A_526, %mul3A_527 : i32
      %add3A_529 = arith.addi %mul3A_2, %mul3A_528 : i32
      %multiple_of3A_530 = tpu.assume_multiple %add3A_529, 8 : i32
      %dma_start3A_531 = arith.constant 0 : i32
      %dma_start3A_532 = tpu.memref_slice %arg6[%multiple_of3A_530, %dma_start3A_531] : memref<525312x128xf32, #tpu.memory_space<hbm>> -> memref<96x128xf32, #tpu.memory_space<hbm>>
      %dma_start3A_533 = arith.constant 0 : i32
      %dma_start3A_534 = tpu.memref_slice %arg6[%multiple_of3A_530, %dma_start3A_533] : memref<525312x128xf32, #tpu.memory_space<hbm>> -> memref<96x128xf32, #tpu.memory_space<hbm>>
      tpu.enqueue_dma source(%arg9 : memref<96x128xf32, #tpu.memory_space<vmem>>) target(%dma_start3A_534 : memref<96x128xf32, #tpu.memory_space<hbm>>) target_semaphore(%arg21 : memref<!tpu.dma_semaphore, #tpu.memory_space<semaphore_mem>>)
      %dma_wait3A_535 = arith.constant 0 : i32
      %dma_wait3A_536 = tpu.memref_slice %arg6[%multiple_of3A_445, %dma_wait3A_535] : memref<525312x128xf32, #tpu.memory_space<hbm>> -> memref<96x128xf32, #tpu.memory_space<hbm>>
      %dma_wait3A_537 = arith.constant 0 : i32
      %dma_wait3A_538 = tpu.memref_slice %arg6[%multiple_of3A_445, %dma_wait3A_537] : memref<525312x128xf32, #tpu.memory_space<hbm>> -> memref<96x128xf32, #tpu.memory_space<hbm>>
      tpu.wait_dma2 semaphore(%arg22 : memref<!tpu.dma_semaphore, #tpu.memory_space<semaphore_mem>>) src(%arg10 : memref<96x128xf32, #tpu.memory_space<vmem>>) dst(%dma_wait3A_538 : memref<96x128xf32, #tpu.memory_space<hbm>>)
      %dma_wait3A_539 = arith.constant 0 : i32
      %dma_wait3A_540 = tpu.memref_slice %arg6[%multiple_of3A_474, %dma_wait3A_539] : memref<525312x128xf32, #tpu.memory_space<hbm>> -> memref<96x128xf32, #tpu.memory_space<hbm>>
      %dma_wait3A_541 = arith.constant 0 : i32
      %dma_wait3A_542 = tpu.memref_slice %arg6[%multiple_of3A_474, %dma_wait3A_541] : memref<525312x128xf32, #tpu.memory_space<hbm>> -> memref<96x128xf32, #tpu.memory_space<hbm>>
      tpu.wait_dma2 semaphore(%arg23 : memref<!tpu.dma_semaphore, #tpu.memory_space<semaphore_mem>>) src(%arg11 : memref<96x128xf32, #tpu.memory_space<vmem>>) dst(%dma_wait3A_542 : memref<96x128xf32, #tpu.memory_space<hbm>>)
      %dma_wait3A_543 = arith.constant 0 : i32
      %dma_wait3A_544 = tpu.memref_slice %arg6[%multiple_of3A_488, %dma_wait3A_543] : memref<525312x128xf32, #tpu.memory_space<hbm>> -> memref<96x128xf32, #tpu.memory_space<hbm>>
      %dma_wait3A_545 = arith.constant 0 : i32
      %dma_wait3A_546 = tpu.memref_slice %arg6[%multiple_of3A_488, %dma_wait3A_545] : memref<525312x128xf32, #tpu.memory_space<hbm>> -> memref<96x128xf32, #tpu.memory_space<hbm>>
      tpu.wait_dma2 semaphore(%arg24 : memref<!tpu.dma_semaphore, #tpu.memory_space<semaphore_mem>>) src(%arg12 : memref<96x128xf32, #tpu.memory_space<vmem>>) dst(%dma_wait3A_546 : memref<96x128xf32, #tpu.memory_space<hbm>>)
      %dma_wait3A_547 = arith.constant 0 : i32
      %dma_wait3A_548 = tpu.memref_slice %arg6[%multiple_of3A_502, %dma_wait3A_547] : memref<525312x128xf32, #tpu.memory_space<hbm>> -> memref<96x128xf32, #tpu.memory_space<hbm>>
      %dma_wait3A_549 = arith.constant 0 : i32
      %dma_wait3A_550 = tpu.memref_slice %arg6[%multiple_of3A_502, %dma_wait3A_549] : memref<525312x128xf32, #tpu.memory_space<hbm>> -> memref<96x128xf32, #tpu.memory_space<hbm>>
      tpu.wait_dma2 semaphore(%arg25 : memref<!tpu.dma_semaphore, #tpu.memory_space<semaphore_mem>>) src(%arg13 : memref<96x128xf32, #tpu.memory_space<vmem>>) dst(%dma_wait3A_550 : memref<96x128xf32, #tpu.memory_space<hbm>>)
      %dma_wait3A_551 = arith.constant 0 : i32
      %dma_wait3A_552 = tpu.memref_slice %arg6[%multiple_of3A_516, %dma_wait3A_551] : memref<525312x128xf32, #tpu.memory_space<hbm>> -> memref<96x128xf32, #tpu.memory_space<hbm>>
      %dma_wait3A_553 = arith.constant 0 : i32
      %dma_wait3A_554 = tpu.memref_slice %arg6[%multiple_of3A_516, %dma_wait3A_553] : memref<525312x128xf32, #tpu.memory_space<hbm>> -> memref<96x128xf32, #tpu.memory_space<hbm>>
      tpu.wait_dma2 semaphore(%arg26 : memref<!tpu.dma_semaphore, #tpu.memory_space<semaphore_mem>>) src(%arg14 : memref<96x128xf32, #tpu.memory_space<vmem>>) dst(%dma_wait3A_554 : memref<96x128xf32, #tpu.memory_space<hbm>>)
      %dma_wait3A_555 = arith.constant 0 : i32
      %dma_wait3A_556 = tpu.memref_slice %arg6[%multiple_of3A_530, %dma_wait3A_555] : memref<525312x128xf32, #tpu.memory_space<hbm>> -> memref<96x128xf32, #tpu.memory_space<hbm>>
      %dma_wait3A_557 = arith.constant 0 : i32
      %dma_wait3A_558 = tpu.memref_slice %arg6[%multiple_of3A_530, %dma_wait3A_557] : memref<525312x128xf32, #tpu.memory_space<hbm>> -> memref<96x128xf32, #tpu.memory_space<hbm>>
      tpu.wait_dma2 semaphore(%arg21 : memref<!tpu.dma_semaphore, #tpu.memory_space<semaphore_mem>>) src(%arg9 : memref<96x128xf32, #tpu.memory_space<vmem>>) dst(%dma_wait3A_558 : memref<96x128xf32, #tpu.memory_space<hbm>>)
    }
    %scan3A_13 = arith.constant 9 : i32
    return
  }
}

module attributes {stable_mosaic.version = 14 : i64} {
  func.func @_copy_body(%arg0: i32, %arg1: memref<1xi32, #tpu.memory_space<smem>>, %arg2: memref<1x4000x128xf32, #tpu.memory_space<vmem>>, %arg3: memref<4000x128xf32, #tpu.memory_space<vmem>>) attributes {dimension_semantics = [#tpu.dimension_semantics<arbitrary>], iteration_bounds = array<i64: 25>, scalar_prefetch = 1 : i64, scratch_operands = 0 : i64, tpu.core_type = #tpu.core_type<tc>, window_params = [{transform_indices = @transform_0, window_bounds = array<i64: 1, 4000, 128>}, {transform_indices = @transform_1, window_bounds = array<i64: 4000, 128>}]} {
    %get3A = arith.constant 0 : index
    %get3A_0 = arith.constant 0 : index
    %get3A_1 = arith.constant 0 : index
    %get3A_2 = vector.load %arg2[%get3A, %get3A_0, %get3A_1] : memref<1x4000x128xf32, #tpu.memory_space<vmem>>, vector<1x4000x128xf32>
    %get3A_3 = vector.shape_cast %get3A_2 : vector<1x4000x128xf32> to vector<4000x128xf32>
    %swap3A = arith.constant 0 : index
    %swap3A_4 = arith.constant 0 : index
    %swap3A_5 = vector.load %arg3[%swap3A, %swap3A_4] : memref<4000x128xf32, #tpu.memory_space<vmem>>, vector<4000x128xf32>
    tpu.vector_store %arg3[%swap3A, %swap3A_4], %get3A_3 {strides = array<i32>} : memref<4000x128xf32, #tpu.memory_space<vmem>>, vector<4000x128xf32>,
    return
  }
  func.func @transform_0(%arg0: i32, %arg1: memref<1xi32, #tpu.memory_space<smem>>) -> (i32, i32, i32) {
    %get3A = arith.constant 0 : index
    %get3A_0 = memref.load %arg1[%get3A] : memref<1xi32, #tpu.memory_space<smem>>
    %c0_i32 = arith.constant 0 : i32
    %c0_i32_1 = arith.constant 0 : i32
    return %get3A_0, %arg0, %c0_i32 : i32, i32, i32
  }
  func.func @transform_1(%arg0: i32, %arg1: memref<1xi32, #tpu.memory_space<smem>>) -> (i32, i32) {
    %c0_i32 = arith.constant 0 : i32
    %c0_i32_0 = arith.constant 0 : i32
    return %arg0, %c0_i32 : i32, i32
  }
}

module attributes {stable_mosaic.version = 14 : i64} {
  func.func @_chain_body(%arg0: memref<1024x1xi32, #tpu.memory_space<vmem>>, %arg1: memref<1x1024xi32, #tpu.memory_space<vmem>>, %arg2: memref<1024x128xf32, #tpu.memory_space<vmem>>, %arg3: memref<1024x128xf32, #tpu.memory_space<vmem>>, %arg4: memref<1024x128xf32, #tpu.memory_space<vmem>>, %arg5: memref<1024x128xf32, #tpu.memory_space<vmem>>, %arg6: memref<1024x128xf32, #tpu.memory_space<vmem>>, %arg7: memref<1024x128xf32, #tpu.memory_space<vmem>>) attributes {dimension_semantics = [], scalar_prefetch = 0 : i64, scratch_operands = 0 : i64, tpu.core_type = #tpu.core_type<tc>} {
    %get3A = arith.constant 0 : index
    %get3A_0 = arith.constant 0 : index
    %get3A_1 = vector.load %arg0[%get3A, %get3A_0] : memref<1024x1xi32, #tpu.memory_space<vmem>>, vector<1024x1xi32>
    %get3A_2 = arith.constant 0 : index
    %get3A_3 = arith.constant 0 : index
    %get3A_4 = vector.load %arg1[%get3A_2, %get3A_3] : memref<1x1024xi32, #tpu.memory_space<vmem>>, vector<1x1024xi32>
    %eq3A = vector.broadcast %get3A_1 : vector<1024x1xi32> to vector<1024x1024xi32>
    %eq3A_5 = vector.broadcast %get3A_4 : vector<1x1024xi32> to vector<1024x1024xi32>
    %eq3A_6 = arith.cmpi eq, %eq3A, %eq3A_5 : vector<1024x1024xi32>
    %iota3A = tpu.iota {dimensions = array<i32: 1>} : vector<1024x1024xi32>
    %iota3A_7 = tpu.iota {dimensions = array<i32: 0>} : vector<1024x1024xi32>
    %lt3A = arith.cmpi slt, %iota3A, %iota3A_7 : vector<1024x1024xi32>
    %and3A = arith.andi %eq3A_6, %lt3A : vector<1024x1024xi1>
    %jit3A = arith.constant -1 : i32
    %broadcast_in_dim3A = vector.broadcast %jit3A : i32 to vector<1024x1024xi32>
    %select_n3A = arith.select %and3A, %iota3A, %broadcast_in_dim3A : vector<1024x1024xi1>, vector<1024x1024xi32>
    %reduce_max3A = arith.constant dense<-2147483648> : vector<1024xi32>
    %reduce_max3A_8 = vector.multi_reduction <maxsi>, %select_n3A, %reduce_max3A [1] : vector<1024x1024xi32> to vector<1024xi32>
    %broadcast_in_dim3A_9 = vector.shape_cast %reduce_max3A_8 : vector<1024xi32> to vector<1024x1xi32>
    %convert_element_type3A = arith.extui %and3A : vector<1024x1024xi1> to vector<1024x1024xi32>
    %reduce_sum3A = arith.constant dense<0> : vector<1024xi32>
    %reduce_sum3A_10 = vector.multi_reduction <add>, %convert_element_type3A, %reduce_sum3A [1] : vector<1024x1024xi32> to vector<1024xi32>
    %broadcast_in_dim3A_11 = vector.shape_cast %reduce_sum3A_10 : vector<1024xi32> to vector<1024x1xi32>
    %ge3A = arith.cmpi sge, %iota3A, %iota3A_7 : vector<1024x1024xi32>
    %and3A_12 = arith.andi %eq3A_6, %ge3A : vector<1024x1024xi1>
    %jit3A_13 = arith.constant -1 : i32
    %broadcast_in_dim3A_14 = vector.broadcast %jit3A_13 : i32 to vector<1024x1024xi32>
    %select_n3A_15 = arith.select %and3A_12, %iota3A, %broadcast_in_dim3A_14 : vector<1024x1024xi1>, vector<1024x1024xi32>
    %reduce_max3A_16 = arith.constant dense<-2147483648> : vector<1024xi32>
    %reduce_max3A_17 = vector.multi_reduction <maxsi>, %select_n3A_15, %reduce_max3A_16 [1] : vector<1024x1024xi32> to vector<1024xi32>
    %broadcast_in_dim3A_18 = vector.shape_cast %reduce_max3A_17 : vector<1024xi32> to vector<1024x1xi32>
    %eq3A_19 = vector.broadcast %broadcast_in_dim3A_9 : vector<1024x1xi32> to vector<1024x1024xi32>
    %eq3A_20 = arith.cmpi eq, %iota3A, %eq3A_19 : vector<1024x1024xi32>
    %convert_element_type3A_21 = arith.extui %eq3A_20 : vector<1024x1024xi1> to vector<1024x1024xi32>
    %convert_element_type3A_22 = arith.sitofp %convert_element_type3A_21 : vector<1024x1024xi32> to vector<1024x1024xf32>
    %eq3A_23 = vector.broadcast %broadcast_in_dim3A_18 : vector<1024x1xi32> to vector<1024x1024xi32>
    %eq3A_24 = arith.cmpi eq, %iota3A, %eq3A_23 : vector<1024x1024xi32>
    %convert_element_type3A_25 = arith.extui %eq3A_24 : vector<1024x1024xi1> to vector<1024x1024xi32>
    %convert_element_type3A_26 = arith.sitofp %convert_element_type3A_25 : vector<1024x1024xi32> to vector<1024x1024xf32>
    %reduce_max3A_27 = vector.shape_cast %broadcast_in_dim3A_11 : vector<1024x1xi32> to vector<1x1024x1xi32>
    %reduce_max3A_28 = arith.constant dense<-2147483648> : vector<1xi32>
    %reduce_max3A_29 = vector.multi_reduction <maxsi>, %reduce_max3A_27, %reduce_max3A_28 [1, 2] : vector<1x1024x1xi32> to vector<1xi32>
    %reduce_max3A_30 = vector.shape_cast %reduce_max3A_29 : vector<1xi32> to vector<1x1x1xi32>
    %reduce_max3A_31 = vector.extract %reduce_max3A_30[0, 0, 0] : i32 from vector<1x1x1xi32>
    %get3A_32 = arith.constant 0 : index
    %get3A_33 = arith.constant 0 : index
    %get3A_34 = vector.load %arg2[%get3A_32, %get3A_33] : memref<1024x128xf32, #tpu.memory_space<vmem>>, vector<1024x128xf32>
    %get3A_35 = arith.constant 0 : index
    %get3A_36 = arith.constant 0 : index
    %get3A_37 = vector.load %arg3[%get3A_35, %get3A_36] : memref<1024x128xf32, #tpu.memory_space<vmem>>, vector<1024x128xf32>
    %get3A_38 = arith.constant 0 : index
    %get3A_39 = arith.constant 0 : index
    %get3A_40 = vector.load %arg4[%get3A_38, %get3A_39] : memref<1024x128xf32, #tpu.memory_space<vmem>>, vector<1024x128xf32>
    %get3A_41 = arith.constant 0 : index
    %get3A_42 = arith.constant 0 : index
    %get3A_43 = vector.load %arg5[%get3A_41, %get3A_42] : memref<1024x128xf32, #tpu.memory_space<vmem>>, vector<1024x128xf32>
    %broadcast_in_dim3A_44 = arith.constant 0.000000e+00 : f32
    %broadcast_in_dim3A_45 = vector.broadcast %broadcast_in_dim3A_44 : f32 to vector<1024x128xf32>
    %while3A = arith.constant 0 : i32
    %while3A_46:3 = scf.while (%while3A_55 = %while3A, %while3A_56 = %broadcast_in_dim3A_45, %while3A_57 = %broadcast_in_dim3A_45) : (i32, vector<1024x128xf32>, vector<1024x128xf32>) -> (i32, vector<1024x128xf32>, vector<1024x128xf32>) {
      %le3A = arith.cmpi sle, %while3A_55, %reduce_max3A_31 : i32
      scf.condition(%le3A) %while3A_55, %while3A_56, %while3A_57 : i32, vector<1024x128xf32>, vector<1024x128xf32>
    } do {
    ^bb0(%while3A_55: i32, %while3A_56: vector<1024x128xf32>, %while3A_57: vector<1024x128xf32>):
      %add3A = arith.constant 1 : i32
      %add3A_58 = arith.addi %while3A_55, %add3A : i32
      %eq3A_59 = arith.constant 0 : i32
      %eq3A_60 = vector.broadcast %eq3A_59 : i32 to vector<1024x1xi32>
      %eq3A_61 = arith.cmpi eq, %broadcast_in_dim3A_11, %eq3A_60 : vector<1024x1xi32>
      %dot_general3A_62 = arith.constant dense<0.000000e+00> : vector<1024x128xf32>
      %dot_general3A_63 = tpu.matmul %convert_element_type3A_22, %while3A_56, %dot_general3A_62 {dimension_numbers = #tpu.dot_dimension_numbers<[1], [0], [0], [1], [0, 0, 1, 1], [], []>, transpose_lhs_hint = false} : vector<1024x1024xf32>, vector<1024x128xf32>, vector<1024x128xf32> -> vector<1024x128xf32>
      %broadcast_in_dim3A_64 = vector.shape_cast %eq3A_61 : vector<1024x1xi1> to vector<1024x1xi1>
      %broadcast_in_dim3A_65 = vector.broadcast %broadcast_in_dim3A_64 : vector<1024x1xi1> to vector<1024x128xi1>
      %select_n3A_66 = arith.select %broadcast_in_dim3A_65, %get3A_34, %dot_general3A_63 : vector<1024x128xi1>, vector<1024x128xf32>
      %mul3A = arith.constant 5.000000e-01 : f32
      %mul3A_67 = vector.broadcast %mul3A : f32 to vector<1024x128xf32>
      %mul3A_68 = arith.mulf %mul3A_67, %select_n3A_66 : vector<1024x128xf32>
      %mul3A_69 = arith.constant 5.000000e-01 : f32
      %mul3A_70 = vector.broadcast %mul3A_69 : f32 to vector<1024x128xf32>
      %mul3A_71 = arith.mulf %mul3A_70, %get3A_40 : vector<1024x128xf32>
      %add3A_72 = arith.addf %mul3A_68, %mul3A_71 : vector<1024x128xf32>
      %mul3A_73 = arith.mulf %add3A_72, %add3A_72 : vector<1024x128xf32>
      %reduce_sum3A_74 = arith.constant dense<0.000000e+00> : vector<1024xf32>
      %reduce_sum3A_75 = vector.multi_reduction <add>, %mul3A_73, %reduce_sum3A_74 [1] : vector<1024x128xf32> to vector<1024xf32>
      %broadcast_in_dim3A_76 = vector.shape_cast %reduce_sum3A_75 : vector<1024xf32> to vector<1024x1xf32>
      %rsqrt3A = math.rsqrt %broadcast_in_dim3A_76 : vector<1024x1xf32>
      %mul3A_77 = vector.broadcast %rsqrt3A : vector<1024x1xf32> to vector<1024x128xf32>
      %mul3A_78 = arith.mulf %add3A_72, %mul3A_77 : vector<1024x128xf32>
      %eq3A_79 = vector.broadcast %while3A_55 : i32 to vector<1024x1xi32>
      %eq3A_80 = arith.cmpi eq, %broadcast_in_dim3A_11, %eq3A_79 : vector<1024x1xi32>
      %broadcast_in_dim3A_81 = vector.shape_cast %eq3A_80 : vector<1024x1xi1> to vector<1024x1xi1>
      %broadcast_in_dim3A_82 = vector.broadcast %broadcast_in_dim3A_81 : vector<1024x1xi1> to vector<1024x128xi1>
      %select_n3A_83 = arith.select %broadcast_in_dim3A_82, %mul3A_78, %while3A_56 : vector<1024x128xi1>, vector<1024x128xf32>
      %eq3A_84 = arith.constant 0 : i32
      %eq3A_85 = vector.broadcast %eq3A_84 : i32 to vector<1024x1xi32>
      %eq3A_86 = arith.cmpi eq, %broadcast_in_dim3A_11, %eq3A_85 : vector<1024x1xi32>
      %dot_general3A_87 = arith.constant dense<0.000000e+00> : vector<1024x128xf32>
      %dot_general3A_88 = tpu.matmul %convert_element_type3A_22, %while3A_57, %dot_general3A_87 {dimension_numbers = #tpu.dot_dimension_numbers<[1], [0], [0], [1], [0, 0, 1, 1], [], []>, transpose_lhs_hint = false} : vector<1024x1024xf32>, vector<1024x128xf32>, vector<1024x128xf32> -> vector<1024x128xf32>
      %broadcast_in_dim3A_89 = vector.shape_cast %eq3A_86 : vector<1024x1xi1> to vector<1024x1xi1>
      %broadcast_in_dim3A_90 = vector.broadcast %broadcast_in_dim3A_89 : vector<1024x1xi1> to vector<1024x128xi1>
      %select_n3A_91 = arith.select %broadcast_in_dim3A_90, %get3A_37, %dot_general3A_88 : vector<1024x128xi1>, vector<1024x128xf32>
      %mul3A_92 = arith.constant 5.000000e-01 : f32
      %mul3A_93 = vector.broadcast %mul3A_92 : f32 to vector<1024x128xf32>
      %mul3A_94 = arith.mulf %mul3A_93, %select_n3A_91 : vector<1024x128xf32>
      %mul3A_95 = arith.constant 5.000000e-01 : f32
      %mul3A_96 = vector.broadcast %mul3A_95 : f32 to vector<1024x128xf32>
      %mul3A_97 = arith.mulf %mul3A_96, %get3A_43 : vector<1024x128xf32>
      %add3A_98 = arith.addf %mul3A_94, %mul3A_97 : vector<1024x128xf32>
      %mul3A_99 = arith.mulf %add3A_98, %add3A_98 : vector<1024x128xf32>
      %reduce_sum3A_100 = arith.constant dense<0.000000e+00> : vector<1024xf32>
      %reduce_sum3A_101 = vector.multi_reduction <add>, %mul3A_99, %reduce_sum3A_100 [1] : vector<1024x128xf32> to vector<1024xf32>
      %broadcast_in_dim3A_102 = vector.shape_cast %reduce_sum3A_101 : vector<1024xf32> to vector<1024x1xf32>
      %rsqrt3A_103 = math.rsqrt %broadcast_in_dim3A_102 : vector<1024x1xf32>
      %mul3A_104 = vector.broadcast %rsqrt3A_103 : vector<1024x1xf32> to vector<1024x128xf32>
      %mul3A_105 = arith.mulf %add3A_98, %mul3A_104 : vector<1024x128xf32>
      %eq3A_106 = vector.broadcast %while3A_55 : i32 to vector<1024x1xi32>
      %eq3A_107 = arith.cmpi eq, %broadcast_in_dim3A_11, %eq3A_106 : vector<1024x1xi32>
      %broadcast_in_dim3A_108 = vector.shape_cast %eq3A_107 : vector<1024x1xi1> to vector<1024x1xi1>
      %broadcast_in_dim3A_109 = vector.broadcast %broadcast_in_dim3A_108 : vector<1024x1xi1> to vector<1024x128xi1>
      %select_n3A_110 = arith.select %broadcast_in_dim3A_109, %mul3A_105, %while3A_57 : vector<1024x128xi1>, vector<1024x128xf32>
      scf.yield %add3A_58, %select_n3A_83, %select_n3A_110 : i32, vector<1024x128xf32>, vector<1024x128xf32>
    }
    %dot_general3A = arith.constant dense<0.000000e+00> : vector<1024x128xf32>
    %dot_general3A_47 = tpu.matmul %convert_element_type3A_26, %while3A_46#1, %dot_general3A {dimension_numbers = #tpu.dot_dimension_numbers<[1], [0], [0], [1], [0, 0, 1, 1], [], []>, transpose_lhs_hint = false} : vector<1024x1024xf32>, vector<1024x128xf32>, vector<1024x128xf32> -> vector<1024x128xf32>
    %swap3A = arith.constant 0 : index
    %swap3A_48 = arith.constant 0 : index
    %swap3A_49 = vector.load %arg6[%swap3A, %swap3A_48] : memref<1024x128xf32, #tpu.memory_space<vmem>>, vector<1024x128xf32>
    tpu.vector_store %arg6[%swap3A, %swap3A_48], %dot_general3A_47 {strides = array<i32>} : memref<1024x128xf32, #tpu.memory_space<vmem>>, vector<1024x128xf32>,
    %dot_general3A_50 = arith.constant dense<0.000000e+00> : vector<1024x128xf32>
    %dot_general3A_51 = tpu.matmul %convert_element_type3A_26, %while3A_46#2, %dot_general3A_50 {dimension_numbers = #tpu.dot_dimension_numbers<[1], [0], [0], [1], [0, 0, 1, 1], [], []>, transpose_lhs_hint = false} : vector<1024x1024xf32>, vector<1024x128xf32>, vector<1024x128xf32> -> vector<1024x128xf32>
    %swap3A_52 = arith.constant 0 : index
    %swap3A_53 = arith.constant 0 : index
    %swap3A_54 = vector.load %arg7[%swap3A_52, %swap3A_53] : memref<1024x128xf32, #tpu.memory_space<vmem>>, vector<1024x128xf32>
    tpu.vector_store %arg7[%swap3A_52, %swap3A_53], %dot_general3A_51 {strides = array<i32>} : memref<1024x128xf32, #tpu.memory_space<vmem>>, vector<1024x128xf32>,
    return
  }
}

</mosaic_0001>

<sc_bundles>
// kernel: kernel.11.cloned.1.call-start
scs
__scs_entry_jumppad:
0x0: {  	(pc) =	sbr.rel $0x88, $3  }
0x1: {  	(tag) =	ssettag $0x0;
	lr =	simm.s32 $0x1  }
0x2: {  	[smem:$0x3F99] =	sst lr;
	_ =	strace $0xD0000000  }
0x3: {  	_ = 	snop  }
0x4: {  	_ = 	snop  }
0x5: {  	_ = 	snop  }
0x6: {  	_ = 	snop  }
0x7: {  	_ = 	snop  }
__scs_overlays_trampoline_lowered:
0x8: {  	[smem:$0x3FA8] =	sst s0  }
0x9: {  	[smem:$0x3FA9] =	sst s1  }
0xa: {  	[smem:$0x3FAA] =	sst s2  }
0xb: {  	[smem:$0x3FAB] =	sst s3  }
0xc: {  	[smem:$0x3FAC] =	sst s4  }
0xd: {  	[smem:$0x3FAD] =	sst s5  }
0xe: {  	[smem:$0x3FAE] =	sst s6  }
0xf: {  	[smem:$0x3FAF] =	sst s7  }
0x10: {  	[smem:$0x3FB0] =	sst s8  }
0x11: {  	[smem:$0x3FB1] =	sst s9;
	s0 =	simm.s32 @!p0 $0x0  }
0x12: {  	s1 =	sld [smem:$0x3F97];
	s0 =	simm.s32 @p0 $0x1  }
0x13: {  	[smem:$0x3FB2] =	sst s0;
	s0 =	simm.s32 @!p1 $0x0  }
0x14: {  	s2 =	sld [smem:$0x3F96];
	s0 =	simm.s32 @p1 $0x1  }
0x15: {  	[smem:$0x3FB3] =	sst s0;
	s0 =	simm.s32 @!p2 $0x0  }
0x16: {  	s3 =	sld [smem:$0x3FDB];
	s0 =	simm.s32 @p2 $0x1  }
0x17: {  	s4 =	simm.s32 $0x1BF5;
	[smem:$0x3FB5] =	sst s0  }
0x18: {  	s0 =	sld [smem:$0x3F98];
	_ =	swait.ge [sflag:s4], $0x0  }
0x19: {  	s7 =	sld [smem:$0x3F99]  }
0x1a: {  	s8 =	sadd.s32 $0xFFFFE003, lr  }
0x1b: {  	s9 =	sadd.s32 $0xFFFFFEF7, lr;
	s5 =	simm.s32 $0xFFFFFFFF;
	p2 =	slt.u32 s8, $0xFFFFF086  }
0x1c: {  	p1 =	slt.u32 s9, $0xF7A;
	s5 =	simm.s32 @!p2 $0x0  }
0x1d: {  	s5 =	simm.s32 @p1 $0x1;
	p0 =	seq.s32 s7, s2  }
0x1e: {  	s7 =	smul.u32 @!p0 $0xF7A, s2;
	p2 =	seq.s32 @!p0 s5, $0x0  }
0x1f: {  	s9 =	smul.u32 $0xF7A, s1;
	s8 =	simm.s32 @!p0 $0x1BF5;
	p2 =	por !p2, p0  }
0x20: {  	[sflag:s8] =	ssyncset.s32 @!p0 $0xFFFFF086;
	s6 =	sadd.s32 @!p0 s3, s7;
	s7 =	simm.s32 @!p0 $0x108  }
0x21: {  	s3 =	sadd.s32 s3, s9;
	s6 =	sadd.s32 @!p0 $0x88, s6;
	s7 =	simm.s32 @p2 $0x1082  }
0x22: {  	[simem:s7], [sflag:s8] =	dma.local @!p0 [hbm:s6], $0xF7A  }
0x23: {  	s9 =	sor.u32 $0xD0000000, s2;
	s6 =	simm.s32 $0x108;
	_ =	swait.ge @!p0 [sflag:s8], $0x0  }
0x24: {  	s3 =	sadd.s32 $0x88, s3;
	s6 =	simm.s32 @!p1 $0x1082;
	[sflag:s4] =	ssyncset.s32 $0xFFFFF086  }
0x25: {  	[simem:s6], [sflag:s4] =	dma.local [hbm:s3], $0xF7A  }
0x26: {  	[smem:$0x3F99] =	sst s1;
	(tag) =	ssettag s2;
	_ =	strace s9  }
0x27: {  	s1 =	sld [smem:$0x3FA9]  }
0x28: {  	s2 =	sld [smem:$0x3FAA]  }
0x29: {  	s4 =	sld [smem:$0x3FAC]  }
0x2a: {  	p0 =	seq.s32 s5, $0x0;
	s5 =	sld [smem:$0x3FAD]  }
0x2b: {  	s6 =	sld [smem:$0x3FAE]  }
0x2c: {  	s7 =	sld [smem:$0x3FAF]  }
0x2d: {  	s3 =	simm.s32 $0x108;
	s8 =	sld [smem:$0x3FB0]  }
0x2e: {  	s3 =	simm.s32 @!p0 $0x1082;
	s9 =	sld [smem:$0x3FB1]  }
0x2f: {  	lr =	sadd.s32 s0, s3;
	s0 =	sld [smem:$0x3FA8]  }
0x30: {  	s3 =	sld [smem:$0x3FAB]  }
0x31: {  	[smem:$0x3FB4] =	sst s10  }
0x32: {  	s10 =	sld [smem:$0x3FB2];
	_ =	sdelay $0x3  }
0x33: {  	p0 =	seq.s32 s10, $0x1;
	s10 =	sld [smem:$0x3FB4];
	_ =	sdelay $0x3  }
0x34: {  	[smem:$0x3FB4] =	sst s10  }
0x35: {  	s10 =	sld [smem:$0x3FB3];
	_ =	sdelay $0x3  }
0x36: {  	p1 =	seq.s32 s10, $0x1;
	s10 =	sld [smem:$0x3FB4];
	_ =	sdelay $0x3  }
0x37: {  	[smem:$0x3FB4] =	sst s10  }
0x38: {  	s10 =	sld [smem:$0x3FB5]  }
0x39: {  	_ = 	snop;
	(pc) =	sbr.ind lr, $3  }
0x3a: {  	_ = 	snop  }
0x3b: {  	_ = 	snop  }
0x3c: {  	p2 =	seq.s32 s10, $0x1;
	s10 =	sld [smem:$0x3FB4]  }
0x3d: {  	_ =	shalt  }
0x3e: {  	_ =	shalt  }
0x3f: {  	_ =	shalt  }
0x40: {  	_ =	shalt  }
0x41: {  	_ =	shalt  }
0x42: {  	_ =	shalt  }
0x43: {  	_ =	shalt  }
0x44: {  	_ =	shalt  }
0x45: {  	_ =	shalt  }
0x46: {  	_ =	shalt  }
0x47: {  	_ =	shalt  }
0x48: {  	_ =	shalt  }
0x49: {  	_ =	shalt  }
0x4a: {  	_ =	shalt  }
0x4b: {  	_ =	shalt  }
0x4c: {  	_ =	shalt  }
0x4d: {  	_ =	shalt  }
0x4e: {  	_ =	shalt  }
0x4f: {  	_ =	shalt  }
0x50: {  	_ =	shalt  }
0x51: {  	_ =	shalt  }
0x52: {  	_ =	shalt  }
0x53: {  	_ =	shalt  }
0x54: {  	_ =	shalt  }
0x55: {  	_ =	shalt  }
0x56: {  	_ =	shalt  }
0x57: {  	_ =	shalt  }
0x58: {  	_ =	shalt  }
0x59: {  	_ =	shalt  }
0x5a: {  	_ =	shalt  }
0x5b: {  	_ =	shalt  }
0x5c: {  	_ =	shalt  }
0x5d: {  	_ =	shalt  }
0x5e: {  	_ =	shalt  }
0x5f: {  	_ =	shalt  }
0x60: {  	_ =	shalt  }
0x61: {  	_ =	shalt  }
0x62: {  	_ =	shalt  }
0x63: {  	_ =	shalt  }
0x64: {  	_ =	shalt  }
0x65: {  	_ =	shalt  }
0x66: {  	_ =	shalt  }
0x67: {  	_ =	shalt  }
0x68: {  	_ =	shalt  }
0x69: {  	_ =	shalt  }
0x6a: {  	_ =	shalt  }
0x6b: {  	_ =	shalt  }
0x6c: {  	_ =	shalt  }
0x6d: {  	_ =	shalt  }
0x6e: {  	_ =	shalt  }
0x6f: {  	_ =	shalt  }
0x70: {  	_ =	shalt  }
0x71: {  	_ =	shalt  }
0x72: {  	_ =	shalt  }
0x73: {  	_ =	shalt  }
0x74: {  	_ =	shalt  }
0x75: {  	_ =	shalt  }
0x76: {  	_ =	shalt  }
0x77: {  	_ =	shalt  }
0x78: {  	_ =	shalt  }
0x79: {  	_ =	shalt  }
0x7a: {  	_ =	shalt  }
0x7b: {  	_ =	shalt  }
0x7c: {  	_ =	shalt  }
0x7d: {  	_ =	shalt  }
0x7e: {  	_ =	shalt  }
0x7f: {  	_ =	shalt  }
0x80: {  	_ =	shalt  }
0x81: {  	_ =	shalt  }
0x82: {  	_ =	shalt  }
0x83: {  	_ =	shalt  }
0x84: {  	_ =	shalt  }
0x85: {  	_ =	shalt  }
0x86: {  	_ =	shalt  }
0x87: {  	_ =	shalt  }
.Lfunc_end0:
.L_simem_size_0:
called_computation.1_lowered:
.L_overlay_start_0:
0x88: {  	s2 =	sld [smem:$0x3FD9]  }
0x89: {  	s3 =	sld [smem:$0x3FFE];
	_ =	sdelay $0x1  }
0x8a: {  	s1 =	srdreg.scid  }
0x8b: {  	s0 =	sand.u32 $0x1, s1  }
0x8c: {  	s15 =	sshll.u32 s0, $0xA;
	s2 =	sadd.s32 s3, s2  }
0x8d: {  	s2 =	sadd.s32 s2, s15  }
0x8e: {  	[smem:$0x3FC0] =	sst s2  }
0x8f: {  	_ = 	snop  }
0x90: {  	s16 =	sld [smem:$0x3FD0];
	_ =	sdelay $0x2  }
0x91: {  	s4 =	simm.s32 $0xB;
	s5 =	simm.s32 $0x10;
	s2 =	sld [smem:$0x3FC5]  }
0x92: {  	[smem:s5], [sflag:s4] =	dma.local [hbm:s16], $0x1  }
0x93: {  	_ =	swait.eq [sflag:s4], $0x1  }
0x94: {  	[sflag:s4] =	ssyncset.done $0x0  }
0x95: {  	[sflag:s4] =	ssyncadd.s32 $0xFFFFFFFF  }
0x96: {  	s17 =	sld [smem:$0x10];
	(tm) =	ssettm $0x1  }
0x97: {  	s18 =	sld [smem:$0x3FFB];
	_ =	sdelay $0x3  }
0x98: {  	_ =	strace s18  }
0x99: {  	s3 =	sld [smem:$0x3FFC];
	_ =	sdelay $0x3  }
0x9a: {  	_ =	strace s3  }
0x9b: {  	s3 =	sld [smem:$0x3FFD];
	_ =	sdelay $0x3  }
0x9c: {  	_ =	strace s3  }
0x9d: {  	_ =	strace $0x8FFFFFFF  }
0x9e: {  	s19 =	sld [smem:$0x3FDB];
	_ =	sdelay $0x1  }
0x9f: {  	s20 =	simm.s32 $_scs_section_size  }
0xa0: {  	s6 =	simm.s32 $_size__tile_overlayer_lowered;
	s7 =	simm.s32 $_tile_overlayer_lowered  }
0xa1: {  	s8 =	simm.s32 $0x1BFF;
	s21 =	sshll.u32 s7, $0x1;
	s5 =	sadd.s32 s20, s19  }
0xa2: {  	s22 =	simm.s32 $0x0;
	s6 =	sshll.u32 s6, $0x1;
	s7 =	sadd.s32 s21, s5  }
0xa3: {  	[timem:s22], [sflag:s8] =	dma.local [hbm:s7], s6  }
0xa4: {  	_ =	swait.ge [sflag:s8], s6  }
0xa5: {  	s6 =	ssub.s32 $0x0, s6;
	[sflag:s8] =	ssyncset.done $0x0  }
0xa6: {  	[sflag:s8] =	ssyncadd.s32 s6;
	_ =	sdelay $0x1  }
0xa7: {  	s23 =	simm.s32 $0x1B8B  }
0xa8: {  	_ =	swait.ge [sflag:s23], $0x1  }
0xa9: {  	[sflag:s23] =	ssyncset.done $0x0  }
0xaa: {  	[sflag:s23] =	ssyncadd.s32 $0xFFFFFFFF  }
0xab: {  	s6 =	sld [smem:$0x0]  }
0xac: {  	s7 =	sand.u32 $0xFFFFFFFE, s1  }
0xad: {  	p0 =	sne.s32 s1, s7  }
0xae: {  	s7 =	sshll.u32 @p0 s7, $0xE  }
0xaf: {  	s7 =	sadd.s32 @p0 $0x11B8D, s7;
	s8 =	sshll.u32 @p0 s6, $0x11  }
0xb0: {  	s7 =	sor.u32 @p0 s8, s7  }
0xb1: {  	[sflag:s7] =	ssyncadd.remote.s32 @p0 $0x1;
	_ =	sdelay $0x1  }
0xb2: {  	s7 =	simm.s32 @p0 $0x1B8D  }
0xb3: {  	_ =	swait.eq @p0 [sflag:s7], $0x1  }
0xb4: {  	[sflag:s7] =	ssyncadd.s32 @p0 $0xFFFFFFFF  }
0xb5: {  	s8 =	sshll.u32 @!p0 s1, $0xE  }
0xb6: {  	s8 =	sor.u32 @!p0 $0x4000, s8;
	s7 =	simm.s32 @!p0 $0x1B8D  }
0xb7: {  	s6 =	sshll.u32 @!p0 s6, $0x11;
	s8 =	sadd.s32 @!p0 $0x11B8D, s8;
	_ =	swait.eq @!p0 [sflag:s7], $0x1  }
0xb8: {  	s6 =	sor.u32 @!p0 s6, s8;
	[sflag:s7] =	ssyncadd.s32 @!p0 $0xFFFFFFFF  }
0xb9: {  	s25 =	simm.s32 $0x1B8E;
	s24 =	sld [smem:$0x3FFE];
	[sflag:s6] =	ssyncadd.remote.s32 @!p0 $0x1  }
0xba: {  	s26 =	simm.s32 $execute0_lowered;
	[smem:$0x3FD2] =	sst s25  }
0xbb: {  	s7 =	sshll.u32 s26, $0x1;
	_ =	strace $0x8000004C;
	[dreg:$0x1] =	wrdreg $0xFFFFFFFF  }
0xbc: {  	s28 =	simm.s32 $_size_execute0_lowered;
	s5 =	sadd.s32 s5, s7;
	[dreg:$0x0] =	wrdreg $0x0  }
0xbd: {  	s7 =	sshll.u32 s28, $0x1;
	[dreg:$0x2] =	wrdreg s5  }
0xbe: {  	[dreg:$0x3] =	wrdreg s7  }
0xbf: {  	[dreg:$0x4] =	wrdreg $0xC0  }
0xc0: {  	_ =	task [dreg:s22], $0x5FFFF  }
0xc1: {  	[dreg:$0x1] =	wrdreg $0xFFFFFFFF  }
0xc2: {  	[dreg:$0x0] =	wrdreg $0x60  }
0xc3: {  	[dreg:$0x2] =	wrdreg s24  }
0xc4: {  	[dreg:$0x3] =	wrdreg s2  }
0xc5: {  	[dreg:$0x4] =	wrdreg s17  }
0xc6: {  	[dreg:$0x5] =	wrdreg $0x9  }
0xc7: {  	_ =	task.clear_ibuf [dreg:s22], $0x6FFFF;
	_ =	strace $0x9000004C  }
0xc8: {  	s29 =	simm.s32 $0x9;
	_ =	strace $0x8000004E  }
0xc9: {  	_ =	swait.ge [sflag:s29], $0x1  }
0xca: {  	[sflag:s29] =	ssyncadd.s32 $0xFFFFFFFF  }
0xcb: {  	_ =	strace $0x9000004E  }
0xcc: {  	_ =	sfence  }
0xcd: {  	s30 =	sld [smem:$0x0];
	_ =	sdelay $0x2  }
0xce: {  	s31 =	sshll.u32 s1, $0xD;
	s1 =	sshrl.u32 s1, $0x2  }
0xcf: {  	s4 =	sand.u32 $0x4000, s31;
	s1 =	sadd.s32 s1, s30  }
0xd0: {  	s0 =	sor.u32 s4, s0;
	s1 =	sshll.u32 s1, $0x11  }
0xd1: {  	s0 =	sor.u32 s1, s0  }
0xd2: {  	s0 =	sadd.s32 $0x8F2B, s0  }
0xd3: {  	[sflag:s0] =	ssyncadd.remote.s32 $0x1  }
0xd4: {  	_ =	sfence.sel $0xFFFF  }
0xd5: {  	[dreg:$0x0] =	wrdreg $0xFFFFFFFF;
	(pc) =	sbr.abs _section_cstart, $3  }
0xd6: {  	[dreg:$0x1] =	wrdreg $0xFFFFFFFF  }
0xd7: {  	_ =	task.clear_ibuf [dreg:s22], $0x2FFFF;
	_ =	strace $0x9FFFFFFF  }
0xd8: {  	(tm) =	ssettm $0x7FFFFFFF  }
0xd9: {  	_ =	shalt  }
tec
execute0_lowered:
.L_overlay_start_1:
0x0: {  	(tag) =	ssettag $0x1  }
0x1: {  	s0 =	rddreg [dreg:$0x0]  }
0x2: {  	s1 =	rddreg [dreg:$0x1]  }
0x3: {  	s10 =	stileid.u32;
	s2 =	srdreg.scid  }
0x4: {  	s4 =	rddreg [dreg:$0x2];
	s12 =	simm.s32 $0xD;
	s13 =	simm.s32 $0x60  }
0x5: {  	s14 =	simm.s32 $0x4080;
	s15 =	simm.s32 $0x7080;
	s16 =	simm.s32 $0xA080  }
0x6: {  	s17 =	simm.s32 $0xD080;
	s18 =	simm.s32 $0x1;
	s19 =	simm.s32 $0x10080  }
0x7: {  	s20 =	simm.s32 $0x2;
	s21 =	simm.s32 $0x13080;
	s22 =	simm.s32 $0x3  }
0x8: {  	s28 =	simm.s32 $0x9;
	s29 =	simm.s32 $0x6;
	s30 =	simm.s32 $0xA  }
0x9: {  	s31 =	simm.s32 $0xB;
	s5 =	sand.u32 $0x1, s2;
	s3 =	sshll.u32 s10, $0x1  }
0xa: {  	s2 =	simm.s32 $0x0;
	s7 =	sshll.u32 s10, $0xA;
	s8 =	smul.u32 $0x80400, s10  }
0xb: {  	s10 =	sshll.u32 s10, $0x3;
	s3 =	sor.u32 s5, s3;
	[smem:$0x7FF] =	sst s2  }
0xc: {  	s7 =	sadd.s32 s7, s0;
	s23 =	ssub.s32 $0x2, s5;
	s11 =	smul.u32 $0x40200, s5  }
0xd: {  	s1 =	sadd.s32 s1, s10;
	s6 =	smul.u32 $0x4020, s3;
	_ =	strace $0x8000004D  }
0xe: {  	s3 =	sadd.s32 $0x1A2000, s0;
	s9 =	sshrl.u32 s23, $0x1;
	[dreg:$0x5] =	wrdreg s1  }
0xf: {  	s24 =	sadd.s32 s8, s4;
	s25 =	sadd.s32 $0x19E000, s7;
	s1 =	simm.s32 $0xC  }
0x10: {  	s9 =	ssub.s32 s23, s9;
	[dreg:$0x6] =	wrdreg s25;
	s26 =	sadd.s32 s11, s24  }
0x11: {  	s23 =	simm.s32 $0x7;
	s24 =	simm.s32 $0x4;
	s6 =	sshrl.u32 s6, $0x3  }
0x12: {  	s25 =	simm.s32 $0x8;
	s7 =	smax.u32 s9, $0x1;
	s0 =	sadd.s32 s6, s0  }
0x13: {  	[dreg:$0x4] =	wrdreg s26;
	s9 =	simm.s32 $0xE;
	s0 =	sadd.s32 $0x3400, s0  }
0x14: {  	s26 =	simm.s32 $0x5;
	[dreg:$0x7] =	wrdreg s0;
	s0 =	simm.s32 $0x0  }
.LBB2_1:
0x15: {  	s4 =	rddreg [dreg:$0x5];
	s5 =	simm.s32 $0x16080  }
0x16: {  	[tilespmem:s5], [sflag:$0xE] =	stream.linear.gather [hbm4b:s4+s2], $0x40, $0x38;
	[tilespmem:$0x18100] =	vst v63  }
0x17: {  	_ =	swait.ge [sflag:s9], $0x40  }
0x18: {  	[sflag:s9] =	ssyncset.done $0x0  }
0x19: {  	s6 =	simm.s32 $0x16100;
	s10 =	rddreg [dreg:$0x6];
	[sflag:s9] =	ssyncadd.s32 $0xFFFFFFC0  }
0x1a: {  	[tilespmem:s6], [sflag:$0xE] =	stream.linear.gather [hbm4b:s10+s2], $0x2000, $0x38;
	[tilespmem:$0x18100] =	vst v63  }
0x1b: {  	_ =	swait.ge [sflag:s9], $0x2000  }
0x1c: {  	[sflag:s9] =	ssyncset.done $0x0  }
0x1d: {  	s11 =	simm.s32 $0x40;
	[sflag:s9] =	ssyncadd.s32 $0xFFFFE000  }
0x1e: {  	[hbm4b:s3+s11] =	stream.indirect.scatter [tilespmem:s6], [sflag:$0xD], $0x80, s5, s11, $0xb8;
	[tilespmem:$0x18100] =	vst v63  }
0x1f: {  	_ =	swait.ge [sflag:s12], $0x2000  }
0x20: {  	[sflag:s12] =	ssyncset.done $0x0  }
0x21: {  	[sflag:s12] =	ssyncadd.s32 $0xFFFFE000  }
0x22: {  	[bflag:$0x0] =	sbarrier.arrive $0xFFFF  }
0x23: {  	s5 =	rddreg [dreg:$0x7]  }
0x24: {  	[tilespmem:s2], [sflag:$0xE] =	stream.linear.gather [hbm4b:s5+s2], $0x4020, $0x38;
	[tilespmem:$0x18100] =	vst v63  }
0x25: {  	_ =	swait.ge [sflag:s9], $0x4020  }
0x26: {  	[sflag:s9] =	ssyncset.done $0x0  }
0x27: {  	s6 =	simm.s32 $0x0;
	[sflag:s9] =	ssyncadd.s32 $0xFFFFBFE0  }
0x28: {  	[tilespmem:s14], [sflag:$0x1] =	stream.indirect.gather [hbm4b:s3+s13], $0x80, s6, s13, $0xb8;
	[tilespmem:$0x18100] =	vst v63  }
0x29: {  	s8 =	simm.s32 $0x60  }
0x2a: {  	[tilespmem:s15], [sflag:$0x2] =	stream.indirect.gather [hbm4b:s3+s13], $0x80, s8, s13, $0xb8;
	[tilespmem:$0x18100] =	vst v63  }
0x2b: {  	s10 =	simm.s32 $0xC0  }
0x2c: {  	[tilespmem:s16], [sflag:$0x3] =	stream.indirect.gather [hbm4b:s3+s13], $0x80, s10, s13, $0xb8;
	[tilespmem:$0x18100] =	vst v63  }
0x2d: {  	s11 =	simm.s32 $0x120  }
0x2e: {  	[tilespmem:s17], [sflag:$0x4] =	stream.indirect.gather [hbm4b:s3+s13], $0x80, s11, s13, $0xb8;
	[tilespmem:$0x18100] =	vst v63  }
0x2f: {  	_ =	swait.ge [sflag:s18], $0x3000  }
0x30: {  	[sflag:s18] =	ssyncset.done $0x0  }
0x31: {  	s8 =	simm.s32 $0x180;
	s5 =	rddreg [dreg:$0x4];
	[sflag:s18] =	ssyncadd.s32 $0xFFFFD000  }
0x32: {  	[tilespmem:s19], [sflag:$0x5] =	stream.indirect.gather [hbm4b:s3+s13], $0x80, s8, s13, $0xb8;
	[tilespmem:$0x18100] =	vst v63  }
0x33: {  	s4 =	sadd.s32 $0x0, s5  }
0x34: {  	[hbm4b:s4+s2] =	stream.linear.scatter [tilespmem:s14], [sflag:$0x7], $0x3000, $0x38;
	[tilespmem:$0x18100] =	vst v63  }
0x35: {  	_ =	swait.ge [sflag:s20], $0x3000  }
0x36: {  	[sflag:s20] =	ssyncset.done $0x0  }
0x37: {  	s6 =	simm.s32 $0x1E0;
	[sflag:s20] =	ssyncadd.s32 $0xFFFFD000  }
0x38: {  	[tilespmem:s21], [sflag:$0x6] =	stream.indirect.gather [hbm4b:s3+s13], $0x80, s6, s13, $0xb8;
	[tilespmem:$0x18100] =	vst v63  }
0x39: {  	s10 =	sadd.s32 $0x600, s4  }
0x3a: {  	[hbm4b:s10+s2] =	stream.linear.scatter [tilespmem:s15], [sflag:$0x8], $0x3000, $0x38;
	[tilespmem:$0x18100] =	vst v63  }
0x3b: {  	_ =	swait.ge [sflag:s22], $0x3000  }
0x3c: {  	[sflag:s22] =	ssyncset.done $0x0  }
0x3d: {  	[sflag:s22] =	ssyncadd.s32 $0xFFFFD000  }
0x3e: {  	_ =	swait.ge [sflag:s23], $0x3000  }
0x3f: {  	[sflag:s23] =	ssyncset.done $0x0  }
0x40: {  	s11 =	simm.s32 $0x240;
	[sflag:s23] =	ssyncadd.s32 $0xFFFFD000  }
0x41: {  	[tilespmem:s14], [sflag:$0x1] =	stream.indirect.gather [hbm4b:s3+s13], $0x80, s11, s13, $0xb8;
	[tilespmem:$0x18100] =	vst v63  }
0x42: {  	s5 =	sadd.s32 $0xC00, s4  }
0x43: {  	[hbm4b:s5+s2] =	stream.linear.scatter [tilespmem:s16], [sflag:$0x9], $0x3000, $0x38;
	[tilespmem:$0x18100] =	vst v63  }
0x44: {  	_ =	swait.ge [sflag:s24], $0x3000  }
0x45: {  	[sflag:s24] =	ssyncset.done $0x0  }
0x46: {  	[sflag:s24] =	ssyncadd.s32 $0xFFFFD000  }
0x47: {  	_ =	swait.ge [sflag:s25], $0x3000  }
0x48: {  	[sflag:s25] =	ssyncset.done $0x0  }
0x49: {  	s6 =	simm.s32 $0x2A0;
	[sflag:s25] =	ssyncadd.s32 $0xFFFFD000  }
0x4a: {  	[tilespmem:s15], [sflag:$0x2] =	stream.indirect.gather [hbm4b:s3+s13], $0x80, s6, s13, $0xb8;
	[tilespmem:$0x18100] =	vst v63  }
0x4b: {  	s10 =	sadd.s32 $0x1200, s4  }
0x4c: {  	[hbm4b:s10+s2] =	stream.linear.scatter [tilespmem:s17], [sflag:$0xA], $0x3000, $0x38;
	[tilespmem:$0x18100] =	vst v63  }
0x4d: {  	_ =	swait.ge [sflag:s26], $0x3000  }
0x4e: {  	[sflag:s26] =	ssyncset.done $0x0  }
0x4f: {  	[sflag:s26] =	ssyncadd.s32 $0xFFFFD000  }
0x50: {  	_ =	swait.ge [sflag:s28], $0x3000  }
0x51: {  	[sflag:s28] =	ssyncset.done $0x0  }
0x52: {  	s11 =	simm.s32 $0x300;
	[sflag:s28] =	ssyncadd.s32 $0xFFFFD000  }
0x53: {  	[tilespmem:s16], [sflag:$0x3] =	stream.indirect.gather [hbm4b:s3+s13], $0x80, s11, s13, $0xb8;
	[tilespmem:$0x18100] =	vst v63  }
0x54: {  	s5 =	sadd.s32 $0x1800, s4  }
0x55: {  	[hbm4b:s5+s2] =	stream.linear.scatter [tilespmem:s19], [sflag:$0xB], $0x3000, $0x38;
	[tilespmem:$0x18100] =	vst v63  }
0x56: {  	_ =	swait.ge [sflag:s29], $0x3000  }
0x57: {  	[sflag:s29] =	ssyncset.done $0x0  }
0x58: {  	[sflag:s29] =	ssyncadd.s32 $0xFFFFD000  }
0x59: {  	_ =	swait.ge [sflag:s30], $0x3000  }
0x5a: {  	[sflag:s30] =	ssyncset.done $0x0  }
0x5b: {  	s6 =	simm.s32 $0x360;
	[sflag:s30] =	ssyncadd.s32 $0xFFFFD000  }
0x5c: {  	[tilespmem:s17], [sflag:$0x4] =	stream.indirect.gather [hbm4b:s3+s13], $0x80, s6, s13, $0xb8;
	[tilespmem:$0x18100] =	vst v63  }
0x5d: {  	s10 =	sadd.s32 $0x1E00, s4  }
0x5e: {  	[hbm4b:s10+s2] =	stream.linear.scatter [tilespmem:s21], [sflag:$0xC], $0x3000, $0x38;
	[tilespmem:$0x18100] =	vst v63  }
0x5f: {  	_ =	swait.ge [sflag:s18], $0x3000  }
0x60: {  	[sflag:s18] =	ssyncset.done $0x0  }
0x61: {  	[sflag:s18] =	ssyncadd.s32 $0xFFFFD000  }
0x62: {  	_ =	swait.ge [sflag:s31], $0x3000  }
0x63: {  	[sflag:s31] =	ssyncset.done $0x0  }
0x64: {  	s11 =	simm.s32 $0x3C0;
	[sflag:s31] =	ssyncadd.s32 $0xFFFFD000  }
0x65: {  	[tilespmem:s19], [sflag:$0x5] =	stream.indirect.gather [hbm4b:s3+s13], $0x80, s11, s13, $0xb8;
	[tilespmem:$0x18100] =	vst v63  }
0x66: {  	s5 =	sadd.s32 $0x2400, s4  }
0x67: {  	[hbm4b:s5+s2] =	stream.linear.scatter [tilespmem:s14], [sflag:$0x7], $0x3000, $0x38;
	[tilespmem:$0x18100] =	vst v63  }
0x68: {  	_ =	swait.ge [sflag:s20], $0x3000  }
0x69: {  	[sflag:s20] =	ssyncset.done $0x0  }
0x6a: {  	[sflag:s20] =	ssyncadd.s32 $0xFFFFD000  }
0x6b: {  	_ =	swait.ge [sflag:s1], $0x3000  }
0x6c: {  	[sflag:s1] =	ssyncset.done $0x0  }
0x6d: {  	s6 =	simm.s32 $0x420;
	[sflag:s1] =	ssyncadd.s32 $0xFFFFD000  }
0x6e: {  	[tilespmem:s21], [sflag:$0x6] =	stream.indirect.gather [hbm4b:s3+s13], $0x80, s6, s13, $0xb8;
	[tilespmem:$0x18100] =	vst v63  }
0x6f: {  	s10 =	sadd.s32 $0x2A00, s4  }
0x70: {  	[hbm4b:s10+s2] =	stream.linear.scatter [tilespmem:s15], [sflag:$0x8], $0x3000, $0x38;
	[tilespmem:$0x18100] =	vst v63  }
0x71: {  	_ =	swait.ge [sflag:s22], $0x3000  }
0x72: {  	[sflag:s22] =	ssyncset.done $0x0  }
0x73: {  	[sflag:s22] =	ssyncadd.s32 $0xFFFFD000  }
0x74: {  	_ =	swait.ge [sflag:s23], $0x3000  }
0x75: {  	[sflag:s23] =	ssyncset.done $0x0  }
0x76: {  	s11 =	simm.s32 $0x480;
	[sflag:s23] =	ssyncadd.s32 $0xFFFFD000  }
0x77: {  	[tilespmem:s14], [sflag:$0x1] =	stream.indirect.gather [hbm4b:s3+s13], $0x80, s11, s13, $0xb8;
	[tilespmem:$0x18100] =	vst v63  }
0x78: {  	s5 =	sadd.s32 $0x3000, s4  }
0x79: {  	[hbm4b:s5+s2] =	stream.linear.scatter [tilespmem:s16], [sflag:$0x9], $0x3000, $0x38;
	[tilespmem:$0x18100] =	vst v63  }
0x7a: {  	_ =	swait.ge [sflag:s24], $0x3000  }
0x7b: {  	[sflag:s24] =	ssyncset.done $0x0  }
0x7c: {  	[sflag:s24] =	ssyncadd.s32 $0xFFFFD000  }
0x7d: {  	_ =	swait.ge [sflag:s25], $0x3000  }
0x7e: {  	[sflag:s25] =	ssyncset.done $0x0  }
0x7f: {  	s6 =	simm.s32 $0x4E0;
	[sflag:s25] =	ssyncadd.s32 $0xFFFFD000  }
0x80: {  	[tilespmem:s15], [sflag:$0x2] =	stream.indirect.gather [hbm4b:s3+s13], $0x80, s6, s13, $0xb8;
	[tilespmem:$0x18100] =	vst v63  }
0x81: {  	s10 =	sadd.s32 $0x3600, s4  }
0x82: {  	[hbm4b:s10+s2] =	stream.linear.scatter [tilespmem:s17], [sflag:$0xA], $0x3000, $0x38;
	[tilespmem:$0x18100] =	vst v63  }
0x83: {  	_ =	swait.ge [sflag:s26], $0x3000  }
0x84: {  	[sflag:s26] =	ssyncset.done $0x0  }
0x85: {  	[sflag:s26] =	ssyncadd.s32 $0xFFFFD000  }
0x86: {  	_ =	swait.ge [sflag:s28], $0x3000  }
0x87: {  	[sflag:s28] =	ssyncset.done $0x0  }
0x88: {  	s11 =	simm.s32 $0x540;
	[sflag:s28] =	ssyncadd.s32 $0xFFFFD000  }
0x89: {  	[tilespmem:s16], [sflag:$0x3] =	stream.indirect.gather [hbm4b:s3+s13], $0x80, s11, s13, $0xb8;
	[tilespmem:$0x18100] =	vst v63  }
0x8a: {  	s5 =	sadd.s32 $0x3C00, s4  }
0x8b: {  	[hbm4b:s5+s2] =	stream.linear.scatter [tilespmem:s19], [sflag:$0xB], $0x3000, $0x38;
	[tilespmem:$0x18100] =	vst v63  }
0x8c: {  	_ =	swait.ge [sflag:s29], $0x3000  }
0x8d: {  	[sflag:s29] =	ssyncset.done $0x0  }
0x8e: {  	[sflag:s29] =	ssyncadd.s32 $0xFFFFD000  }
0x8f: {  	_ =	swait.ge [sflag:s30], $0x3000  }
0x90: {  	[sflag:s30] =	ssyncset.done $0x0  }
0x91: {  	s6 =	simm.s32 $0x5A0;
	[sflag:s30] =	ssyncadd.s32 $0xFFFFD000  }
0x92: {  	[tilespmem:s17], [sflag:$0x4] =	stream.indirect.gather [hbm4b:s3+s13], $0x80, s6, s13, $0xb8;
	[tilespmem:$0x18100] =	vst v63  }
0x93: {  	s10 =	sadd.s32 $0x4200, s4  }
0x94: {  	[hbm4b:s10+s2] =	stream.linear.scatter [tilespmem:s21], [sflag:$0xC], $0x3000, $0x38;
	[tilespmem:$0x18100] =	vst v63  }
0x95: {  	_ =	swait.ge [sflag:s18], $0x3000  }
0x96: {  	[sflag:s18] =	ssyncset.done $0x0  }
0x97: {  	[sflag:s18] =	ssyncadd.s32 $0xFFFFD000  }
0x98: {  	_ =	swait.ge [sflag:s31], $0x3000  }
0x99: {  	[sflag:s31] =	ssyncset.done $0x0  }
0x9a: {  	s11 =	simm.s32 $0x600;
	[sflag:s31] =	ssyncadd.s32 $0xFFFFD000  }
0x9b: {  	[tilespmem:s19], [sflag:$0x5] =	stream.indirect.gather [hbm4b:s3+s13], $0x80, s11, s13, $0xb8;
	[tilespmem:$0x18100] =	vst v63  }
0x9c: {  	s5 =	sadd.s32 $0x4800, s4  }
0x9d: {  	[hbm4b:s5+s2] =	stream.linear.scatter [tilespmem:s14], [sflag:$0x7], $0x3000, $0x38;
	[tilespmem:$0x18100] =	vst v63  }
0x9e: {  	_ =	swait.ge [sflag:s20], $0x3000  }
0x9f: {  	[sflag:s20] =	ssyncset.done $0x0  }
0xa0: {  	[sflag:s20] =	ssyncadd.s32 $0xFFFFD000  }
0xa1: {  	_ =	swait.ge [sflag:s1], $0x3000  }
0xa2: {  	[sflag:s1] =	ssyncset.done $0x0  }
0xa3: {  	s6 =	simm.s32 $0x660;
	[sflag:s1] =	ssyncadd.s32 $0xFFFFD000  }
0xa4: {  	[tilespmem:s21], [sflag:$0x6] =	stream.indirect.gather [hbm4b:s3+s13], $0x80, s6, s13, $0xb8;
	[tilespmem:$0x18100] =	vst v63  }
0xa5: {  	s10 =	sadd.s32 $0x4E00, s4  }
0xa6: {  	[hbm4b:s10+s2] =	stream.linear.scatter [tilespmem:s15], [sflag:$0x8], $0x3000, $0x38;
	[tilespmem:$0x18100] =	vst v63  }
0xa7: {  	_ =	swait.ge [sflag:s22], $0x3000  }
0xa8: {  	[sflag:s22] =	ssyncset.done $0x0  }
0xa9: {  	[sflag:s22] =	ssyncadd.s32 $0xFFFFD000  }
0xaa: {  	_ =	swait.ge [sflag:s23], $0x3000  }
0xab: {  	[sflag:s23] =	ssyncset.done $0x0  }
0xac: {  	s11 =	simm.s32 $0x6C0;
	[sflag:s23] =	ssyncadd.s32 $0xFFFFD000  }
0xad: {  	[tilespmem:s14], [sflag:$0x1] =	stream.indirect.gather [hbm4b:s3+s13], $0x80, s11, s13, $0xb8;
	[tilespmem:$0x18100] =	vst v63  }
0xae: {  	s5 =	sadd.s32 $0x5400, s4  }
0xaf: {  	[hbm4b:s5+s2] =	stream.linear.scatter [tilespmem:s16], [sflag:$0x9], $0x3000, $0x38;
	[tilespmem:$0x18100] =	vst v63  }
0xb0: {  	_ =	swait.ge [sflag:s24], $0x3000  }
0xb1: {  	[sflag:s24] =	ssyncset.done $0x0  }
0xb2: {  	s6 =	sadd.s32 $0x5A00, s4;
	[sflag:s24] =	ssyncadd.s32 $0xFFFFD000  }
0xb3: {  	[hbm4b:s6+s2] =	stream.linear.scatter [tilespmem:s17], [sflag:$0xA], $0x3000, $0x38;
	[tilespmem:$0x18100] =	vst v63  }
0xb4: {  	_ =	swait.ge [sflag:s26], $0x3000  }
0xb5: {  	[sflag:s26] =	ssyncset.done $0x0  }
0xb6: {  	s10 =	sadd.s32 $0x6000, s4;
	[sflag:s26] =	ssyncadd.s32 $0xFFFFD000  }
0xb7: {  	[hbm4b:s10+s2] =	stream.linear.scatter [tilespmem:s19], [sflag:$0xB], $0x3000, $0x38;
	[tilespmem:$0x18100] =	vst v63  }
0xb8: {  	_ =	swait.ge [sflag:s29], $0x3000  }
0xb9: {  	[sflag:s29] =	ssyncset.done $0x0  }
0xba: {  	s11 =	sadd.s32 $0x6600, s4;
	[sflag:s29] =	ssyncadd.s32 $0xFFFFD000  }
0xbb: {  	[hbm4b:s11+s2] =	stream.linear.scatter [tilespmem:s21], [sflag:$0xC], $0x3000, $0x38;
	[tilespmem:$0x18100] =	vst v63  }
0xbc: {  	_ =	swait.ge [sflag:s18], $0x3000  }
0xbd: {  	[sflag:s18] =	ssyncset.done $0x0  }
0xbe: {  	s4 =	sadd.s32 $0x6C00, s4;
	[sflag:s18] =	ssyncadd.s32 $0xFFFFD000  }
0xbf: {  	[hbm4b:s4+s2] =	stream.linear.scatter [tilespmem:s14], [sflag:$0x7], $0x3000, $0x38;
	[tilespmem:$0x18100] =	vst v63  }
0xc0: {  	_ =	swait.ge [sflag:s25], $0x3000  }
0xc1: {  	[sflag:s25] =	ssyncset.done $0x0  }
0xc2: {  	[sflag:s25] =	ssyncadd.s32 $0xFFFFD000  }
0xc3: {  	_ =	swait.ge [sflag:s28], $0x3000  }
0xc4: {  	[sflag:s28] =	ssyncset.done $0x0  }
0xc5: {  	[sflag:s28] =	ssyncadd.s32 $0xFFFFD000  }
0xc6: {  	_ =	swait.ge [sflag:s30], $0x3000  }
0xc7: {  	[sflag:s30] =	ssyncset.done $0x0  }
0xc8: {  	[sflag:s30] =	ssyncadd.s32 $0xFFFFD000  }
0xc9: {  	_ =	swait.ge [sflag:s31], $0x3000  }
0xca: {  	[sflag:s31] =	ssyncset.done $0x0  }
0xcb: {  	[sflag:s31] =	ssyncadd.s32 $0xFFFFD000  }
0xcc: {  	_ =	swait.ge [sflag:s1], $0x3000  }
0xcd: {  	[sflag:s1] =	ssyncset.done $0x0  }
0xce: {  	[sflag:s1] =	ssyncadd.s32 $0xFFFFD000  }
0xcf: {  	s8 =	simm.s32 $0x7200;
	_ =	swait.ge [sflag:s23], $0x3000  }
0xd0: {  	s10 =	simm.s32 $0xE400;
	s11 =	simm.s32 $0xDE0;
	[sflag:s23] =	ssyncset.done $0x0  }
.LBB2_2:
0xd1: {  	s4 =	sadd.s32 $0xFFFFF940, s11;
	[sflag:s23] =	ssyncadd.s32 $0xFFFFD000  }
0xd2: {  	[tilespmem:s14], [sflag:$0x1] =	stream.indirect.gather [hbm4b:s3+s13], $0x80, s4, s13, $0xb8;
	[tilespmem:$0x18100] =	vst v63  }
0xd3: {  	s6 =	sadd.s32 $0xFFFFF9A0, s11  }
0xd4: {  	[tilespmem:s15], [sflag:$0x2] =	stream.indirect.gather [hbm4b:s3+s13], $0x80, s6, s13, $0xb8;
	[tilespmem:$0x18100] =	vst v63  }
0xd5: {  	s6 =	sadd.s32 $0xFFFFFA00, s11  }
0xd6: {  	[tilespmem:s16], [sflag:$0x3] =	stream.indirect.gather [hbm4b:s3+s13], $0x80, s6, s13, $0xb8;
	[tilespmem:$0x18100] =	vst v63  }
0xd7: {  	s6 =	sadd.s32 $0xFFFFFA60, s11  }
0xd8: {  	[tilespmem:s17], [sflag:$0x4] =	stream.indirect.gather [hbm4b:s3+s13], $0x80, s6, s13, $0xb8;
	[tilespmem:$0x18100] =	vst v63  }
0xd9: {  	_ =	swait.ge [sflag:s18], $0x3000  }
0xda: {  	[sflag:s18] =	ssyncset.done $0x0  }
0xdb: {  	s6 =	sadd.s32 $0xFFFFFAC0, s11;
	s4 =	rddreg [dreg:$0x4];
	[sflag:s18] =	ssyncadd.s32 $0xFFFFD000  }
0xdc: {  	[tilespmem:s19], [sflag:$0x5] =	stream.indirect.gather [hbm4b:s3+s13], $0x80, s6, s13, $0xb8;
	[tilespmem:$0x18100] =	vst v63  }
0xdd: {  	s4 =	sadd.s32 s8, s4  }
0xde: {  	[hbm4b:s4+s2] =	stream.linear.scatter [tilespmem:s14], [sflag:$0x7], $0x3000, $0x38;
	[tilespmem:$0x18100] =	vst v63  }
0xdf: {  	_ =	swait.ge [sflag:s20], $0x3000  }
0xe0: {  	[sflag:s20] =	ssyncset.done $0x0  }
0xe1: {  	s6 =	sadd.s32 $0xFFFFFB20, s11;
	[sflag:s20] =	ssyncadd.s32 $0xFFFFD000  }
0xe2: {  	[tilespmem:s21], [sflag:$0x6] =	stream.indirect.gather [hbm4b:s3+s13], $0x80, s6, s13, $0xb8;
	[tilespmem:$0x18100] =	vst v63  }
0xe3: {  	s6 =	sadd.s32 $0x600, s4  }
0xe4: {  	[hbm4b:s6+s2] =	stream.linear.scatter [tilespmem:s15], [sflag:$0x8], $0x3000, $0x38;
	[tilespmem:$0x18100] =	vst v63  }
0xe5: {  	_ =	swait.ge [sflag:s22], $0x3000  }
0xe6: {  	[sflag:s22] =	ssyncset.done $0x0  }
0xe7: {  	[sflag:s22] =	ssyncadd.s32 $0xFFFFD000  }
0xe8: {  	_ =	swait.ge [sflag:s23], $0x3000  }
0xe9: {  	[sflag:s23] =	ssyncset.done $0x0  }
0xea: {  	s6 =	sadd.s32 $0xFFFFFB80, s11;
	[sflag:s23] =	ssyncadd.s32 $0xFFFFD000  }
0xeb: {  	[tilespmem:s14], [sflag:$0x1] =	stream.indirect.gather [hbm4b:s3+s13], $0x80, s6, s13, $0xb8;
	[tilespmem:$0x18100] =	vst v63  }
0xec: {  	s6 =	sadd.s32 $0xC00, s4  }
0xed: {  	[hbm4b:s6+s2] =	stream.linear.scatter [tilespmem:s16], [sflag:$0x9], $0x3000, $0x38;
	[tilespmem:$0x18100] =	vst v63  }
0xee: {  	_ =	swait.ge [sflag:s24], $0x3000  }
0xef: {  	[sflag:s24] =	ssyncset.done $0x0  }
0xf0: {  	[sflag:s24] =	ssyncadd.s32 $0xFFFFD000  }
0xf1: {  	_ =	swait.ge [sflag:s25], $0x3000  }
0xf2: {  	[sflag:s25] =	ssyncset.done $0x0  }
0xf3: {  	s6 =	sadd.s32 $0xFFFFFBE0, s11;
	[sflag:s25] =	ssyncadd.s32 $0xFFFFD000  }
0xf4: {  	[tilespmem:s15], [sflag:$0x2] =	stream.indirect.gather [hbm4b:s3+s13], $0x80, s6, s13, $0xb8;
	[tilespmem:$0x18100] =	vst v63  }
0xf5: {  	s6 =	sadd.s32 $0x1200, s4  }
0xf6: {  	[hbm4b:s6+s2] =	stream.linear.scatter [tilespmem:s17], [sflag:$0xA], $0x3000, $0x38;
	[tilespmem:$0x18100] =	vst v63  }
0xf7: {  	_ =	swait.ge [sflag:s26], $0x3000  }
0xf8: {  	[sflag:s26] =	ssyncset.done $0x0  }
0xf9: {  	[sflag:s26] =	ssyncadd.s32 $0xFFFFD000  }
0xfa: {  	_ =	swait.ge [sflag:s28], $0x3000  }
0xfb: {  	[sflag:s28] =	ssyncset.done $0x0  }
0xfc: {  	s6 =	sadd.s32 $0xFFFFFC40, s11;
	[sflag:s28] =	ssyncadd.s32 $0xFFFFD000  }
0xfd: {  	[tilespmem:s16], [sflag:$0x3] =	stream.indirect.gather [hbm4b:s3+s13], $0x80, s6, s13, $0xb8;
	[tilespmem:$0x18100] =	vst v63  }
0xfe: {  	s6 =	sadd.s32 $0x1800, s4  }
0xff: {  	[hbm4b:s6+s2] =	stream.linear.scatter [tilespmem:s19], [sflag:$0xB], $0x3000, $0x38;
	[tilespmem:$0x18100] =	vst v63  }
0x100: {  	_ =	swait.ge [sflag:s29], $0x3000  }
0x101: {  	[sflag:s29] =	ssyncset.done $0x0  }
0x102: {  	[sflag:s29] =	ssyncadd.s32 $0xFFFFD000  }
0x103: {  	_ =	swait.ge [sflag:s30], $0x3000  }
0x104: {  	[sflag:s30] =	ssyncset.done $0x0  }
0x105: {  	s6 =	sadd.s32 $0xFFFFFCA0, s11;
	[sflag:s30] =	ssyncadd.s32 $0xFFFFD000  }
0x106: {  	[tilespmem:s17], [sflag:$0x4] =	stream.indirect.gather [hbm4b:s3+s13], $0x80, s6, s13, $0xb8;
	[tilespmem:$0x18100] =	vst v63  }
0x107: {  	s6 =	sadd.s32 $0x1E00, s4  }
0x108: {  	[hbm4b:s6+s2] =	stream.linear.scatter [tilespmem:s21], [sflag:$0xC], $0x3000, $0x38;
	[tilespmem:$0x18100] =	vst v63  }
0x109: {  	_ =	swait.ge [sflag:s18], $0x3000  }
0x10a: {  	[sflag:s18] =	ssyncset.done $0x0  }
0x10b: {  	[sflag:s18] =	ssyncadd.s32 $0xFFFFD000  }
0x10c: {  	_ =	swait.ge [sflag:s31], $0x3000  }
0x10d: {  	[sflag:s31] =	ssyncset.done $0x0  }
0x10e: {  	s6 =	sadd.s32 $0xFFFFFD00, s11;
	[sflag:s31] =	ssyncadd.s32 $0xFFFFD000  }
0x10f: {  	[tilespmem:s19], [sflag:$0x5] =	stream.indirect.gather [hbm4b:s3+s13], $0x80, s6, s13, $0xb8;
	[tilespmem:$0x18100] =	vst v63  }
0x110: {  	s6 =	sadd.s32 $0x2400, s4  }
0x111: {  	[hbm4b:s6+s2] =	stream.linear.scatter [tilespmem:s14], [sflag:$0x7], $0x3000, $0x38;
	[tilespmem:$0x18100] =	vst v63  }
0x112: {  	_ =	swait.ge [sflag:s20], $0x3000  }
0x113: {  	[sflag:s20] =	ssyncset.done $0x0  }
0x114: {  	[sflag:s20] =	ssyncadd.s32 $0xFFFFD000  }
0x115: {  	_ =	swait.ge [sflag:s1], $0x3000  }
0x116: {  	[sflag:s1] =	ssyncset.done $0x0  }
0x117: {  	s6 =	sadd.s32 $0xFFFFFD60, s11;
	[sflag:s1] =	ssyncadd.s32 $0xFFFFD000  }
0x118: {  	[tilespmem:s21], [sflag:$0x6] =	stream.indirect.gather [hbm4b:s3+s13], $0x80, s6, s13, $0xb8;
	[tilespmem:$0x18100] =	vst v63  }
0x119: {  	s6 =	sadd.s32 $0x2A00, s4  }
0x11a: {  	[hbm4b:s6+s2] =	stream.linear.scatter [tilespmem:s15], [sflag:$0x8], $0x3000, $0x38;
	[tilespmem:$0x18100] =	vst v63  }
0x11b: {  	_ =	swait.ge [sflag:s22], $0x3000  }
0x11c: {  	[sflag:s22] =	ssyncset.done $0x0  }
0x11d: {  	[sflag:s22] =	ssyncadd.s32 $0xFFFFD000  }
0x11e: {  	_ =	swait.ge [sflag:s23], $0x3000  }
0x11f: {  	[sflag:s23] =	ssyncset.done $0x0  }
0x120: {  	s6 =	sadd.s32 $0xFFFFFDC0, s11;
	[sflag:s23] =	ssyncadd.s32 $0xFFFFD000  }
0x121: {  	[tilespmem:s14], [sflag:$0x1] =	stream.indirect.gather [hbm4b:s3+s13], $0x80, s6, s13, $0xb8;
	[tilespmem:$0x18100] =	vst v63  }
0x122: {  	s6 =	sadd.s32 $0x3000, s4  }
0x123: {  	[hbm4b:s6+s2] =	stream.linear.scatter [tilespmem:s16], [sflag:$0x9], $0x3000, $0x38;
	[tilespmem:$0x18100] =	vst v63  }
0x124: {  	_ =	swait.ge [sflag:s24], $0x3000  }
0x125: {  	[sflag:s24] =	ssyncset.done $0x0  }
0x126: {  	[sflag:s24] =	ssyncadd.s32 $0xFFFFD000  }
0x127: {  	_ =	swait.ge [sflag:s25], $0x3000  }
0x128: {  	[sflag:s25] =	ssyncset.done $0x0  }
0x129: {  	s6 =	sadd.s32 $0xFFFFFE20, s11;
	[sflag:s25] =	ssyncadd.s32 $0xFFFFD000  }
0x12a: {  	[tilespmem:s15], [sflag:$0x2] =	stream.indirect.gather [hbm4b:s3+s13], $0x80, s6, s13, $0xb8;
	[tilespmem:$0x18100] =	vst v63  }
0x12b: {  	s6 =	sadd.s32 $0x3600, s4  }
0x12c: {  	[hbm4b:s6+s2] =	stream.linear.scatter [tilespmem:s17], [sflag:$0xA], $0x3000, $0x38;
	[tilespmem:$0x18100] =	vst v63  }
0x12d: {  	_ =	swait.ge [sflag:s26], $0x3000  }
0x12e: {  	[sflag:s26] =	ssyncset.done $0x0  }
0x12f: {  	[sflag:s26] =	ssyncadd.s32 $0xFFFFD000  }
0x130: {  	_ =	swait.ge [sflag:s28], $0x3000  }
0x131: {  	[sflag:s28] =	ssyncset.done $0x0  }
0x132: {  	s6 =	sadd.s32 $0xFFFFFE80, s11;
	[sflag:s28] =	ssyncadd.s32 $0xFFFFD000  }
0x133: {  	[tilespmem:s16], [sflag:$0x3] =	stream.indirect.gather [hbm4b:s3+s13], $0x80, s6, s13, $0xb8;
	[tilespmem:$0x18100] =	vst v63  }
0x134: {  	s6 =	sadd.s32 $0x3C00, s4  }
0x135: {  	[hbm4b:s6+s2] =	stream.linear.scatter [tilespmem:s19], [sflag:$0xB], $0x3000, $0x38;
	[tilespmem:$0x18100] =	vst v63  }
0x136: {  	_ =	swait.ge [sflag:s29], $0x3000  }
0x137: {  	[sflag:s29] =	ssyncset.done $0x0  }
0x138: {  	[sflag:s29] =	ssyncadd.s32 $0xFFFFD000  }
0x139: {  	_ =	swait.ge [sflag:s30], $0x3000  }
0x13a: {  	[sflag:s30] =	ssyncset.done $0x0  }
0x13b: {  	s6 =	sadd.s32 $0xFFFFFEE0, s11;
	[sflag:s30] =	ssyncadd.s32 $0xFFFFD000  }
0x13c: {  	[tilespmem:s17], [sflag:$0x4] =	stream.indirect.gather [hbm4b:s3+s13], $0x80, s6, s13, $0xb8;
	[tilespmem:$0x18100] =	vst v63  }
0x13d: {  	s6 =	sadd.s32 $0x4200, s4  }
0x13e: {  	[hbm4b:s6+s2] =	stream.linear.scatter [tilespmem:s21], [sflag:$0xC], $0x3000, $0x38;
	[tilespmem:$0x18100] =	vst v63  }
0x13f: {  	_ =	swait.ge [sflag:s18], $0x3000  }
0x140: {  	[sflag:s18] =	ssyncset.done $0x0  }
0x141: {  	[sflag:s18] =	ssyncadd.s32 $0xFFFFD000  }
0x142: {  	_ =	swait.ge [sflag:s31], $0x3000  }
0x143: {  	[sflag:s31] =	ssyncset.done $0x0  }
0x144: {  	s6 =	sadd.s32 $0xFFFFFF40, s11;
	[sflag:s31] =	ssyncadd.s32 $0xFFFFD000  }
0x145: {  	[tilespmem:s19], [sflag:$0x5] =	stream.indirect.gather [hbm4b:s3+s13], $0x80, s6, s13, $0xb8;
	[tilespmem:$0x18100] =	vst v63  }
0x146: {  	s6 =	sadd.s32 $0x4800, s4  }
0x147: {  	[hbm4b:s6+s2] =	stream.linear.scatter [tilespmem:s14], [sflag:$0x7], $0x3000, $0x38;
	[tilespmem:$0x18100] =	vst v63  }
0x148: {  	_ =	swait.ge [sflag:s20], $0x3000  }
0x149: {  	[sflag:s20] =	ssyncset.done $0x0  }
0x14a: {  	[sflag:s20] =	ssyncadd.s32 $0xFFFFD000  }
0x14b: {  	_ =	swait.ge [sflag:s1], $0x3000  }
0x14c: {  	[sflag:s1] =	ssyncset.done $0x0  }
0x14d: {  	s6 =	sadd.s32 $0xFFFFFFA0, s11;
	[sflag:s1] =	ssyncadd.s32 $0xFFFFD000  }
0x14e: {  	[tilespmem:s21], [sflag:$0x6] =	stream.indirect.gather [hbm4b:s3+s13], $0x80, s6, s13, $0xb8;
	[tilespmem:$0x18100] =	vst v63  }
0x14f: {  	s6 =	sadd.s32 $0x4E00, s4  }
0x150: {  	[hbm4b:s6+s2] =	stream.linear.scatter [tilespmem:s15], [sflag:$0x8], $0x3000, $0x38;
	[tilespmem:$0x18100] =	vst v63  }
0x151: {  	_ =	swait.ge [sflag:s22], $0x3000  }
0x152: {  	[sflag:s22] =	ssyncset.done $0x0  }
0x153: {  	[sflag:s22] =	ssyncadd.s32 $0xFFFFD000  }
0x154: {  	_ =	swait.ge [sflag:s23], $0x3000  }
0x155: {  	[sflag:s23] =	ssyncset.done $0x0  }
0x156: {  	[sflag:s23] =	ssyncadd.s32 $0xFFFFD000  }
0x157: {  	[tilespmem:s14], [sflag:$0x1] =	stream.indirect.gather [hbm4b:s3+s13], $0x80, s11, s13, $0xb8;
	[tilespmem:$0x18100] =	vst v63  }
0x158: {  	s6 =	sadd.s32 $0x5400, s4  }
0x159: {  	[hbm4b:s6+s2] =	stream.linear.scatter [tilespmem:s16], [sflag:$0x9], $0x3000, $0x38;
	[tilespmem:$0x18100] =	vst v63  }
0x15a: {  	_ =	swait.ge [sflag:s24], $0x3000  }
0x15b: {  	[sflag:s24] =	ssyncset.done $0x0  }
0x15c: {  	s6 =	sadd.s32 $0x5A00, s4;
	[sflag:s24] =	ssyncadd.s32 $0xFFFFD000  }
0x15d: {  	[hbm4b:s6+s2] =	stream.linear.scatter [tilespmem:s17], [sflag:$0xA], $0x3000, $0x38;
	[tilespmem:$0x18100] =	vst v63  }
0x15e: {  	_ =	swait.ge [sflag:s26], $0x3000  }
0x15f: {  	[sflag:s26] =	ssyncset.done $0x0  }
0x160: {  	s6 =	sadd.s32 $0x6000, s4;
	[sflag:s26] =	ssyncadd.s32 $0xFFFFD000  }
0x161: {  	[hbm4b:s6+s2] =	stream.linear.scatter [tilespmem:s19], [sflag:$0xB], $0x3000, $0x38;
	[tilespmem:$0x18100] =	vst v63  }
0x162: {  	_ =	swait.ge [sflag:s29], $0x3000  }
0x163: {  	[sflag:s29] =	ssyncset.done $0x0  }
0x164: {  	s6 =	sadd.s32 $0x6600, s4;
	[sflag:s29] =	ssyncadd.s32 $0xFFFFD000  }
0x165: {  	[hbm4b:s6+s2] =	stream.linear.scatter [tilespmem:s21], [sflag:$0xC], $0x3000, $0x38;
	[tilespmem:$0x18100] =	vst v63  }
0x166: {  	_ =	swait.ge [sflag:s18], $0x3000  }
0x167: {  	[sflag:s18] =	ssyncset.done $0x0  }
0x168: {  	s4 =	sadd.s32 $0x6C00, s4;
	[sflag:s18] =	ssyncadd.s32 $0xFFFFD000  }
0x169: {  	[hbm4b:s4+s2] =	stream.linear.scatter [tilespmem:s14], [sflag:$0x7], $0x3000, $0x38;
	[tilespmem:$0x18100] =	vst v63  }
0x16a: {  	_ =	swait.ge [sflag:s25], $0x3000  }
0x16b: {  	[sflag:s25] =	ssyncset.done $0x0  }
0x16c: {  	[sflag:s25] =	ssyncadd.s32 $0xFFFFD000  }
0x16d: {  	_ =	swait.ge [sflag:s28], $0x3000  }
0x16e: {  	[sflag:s28] =	ssyncset.done $0x0  }
0x16f: {  	[sflag:s28] =	ssyncadd.s32 $0xFFFFD000  }
0x170: {  	_ =	swait.ge [sflag:s30], $0x3000  }
0x171: {  	[sflag:s30] =	ssyncset.done $0x0  }
0x172: {  	[sflag:s30] =	ssyncadd.s32 $0xFFFFD000  }
0x173: {  	_ =	swait.ge [sflag:s31], $0x3000  }
0x174: {  	[sflag:s31] =	ssyncset.done $0x0  }
0x175: {  	p0 =	sne.s32 s10, $0x39000;
	[sflag:s31] =	ssyncadd.s32 $0xFFFFD000  }
.Ltmp0:
0x176: {  	_ =	swait.ge [sflag:s1], $0x3000;
	(pc) =	sbr.rel @p0 .LBB2_2-.Ltmp0, $4  }
0x177: {  	[sflag:s1] =	ssyncset.done $0x0  }
0x178: {  	[sflag:s1] =	ssyncadd.s32 $0xFFFFD000  }
0x179: {  	s5 =	smov.u32 s10;
	s10 =	sadd.s32 $0x7200, s10;
	_ =	swait.ge [sflag:s23], $0x3000  }
0x17a: {  	s8 =	smov.u32 s5;
	s11 =	sadd.s32 $0x720, s11;
	[sflag:s23] =	ssyncset.done $0x0  }
0x17b: {  	s4 =	sadd.s32 $0xFFFFF940, s11;
	[sflag:s23] =	ssyncadd.s32 $0xFFFFD000  }
0x17c: {  	[tilespmem:s14], [sflag:$0x1] =	stream.indirect.gather [hbm4b:s3+s13], $0x80, s4, s13, $0xb8;
	[tilespmem:$0x18100] =	vst v63  }
0x17d: {  	s6 =	sadd.s32 $0xFFFFF9A0, s11  }
0x17e: {  	[tilespmem:s15], [sflag:$0x2] =	stream.indirect.gather [hbm4b:s3+s13], $0x80, s6, s13, $0xb8;
	[tilespmem:$0x18100] =	vst v63  }
0x17f: {  	s10 =	sadd.s32 $0xFFFFFA00, s11  }
0x180: {  	[tilespmem:s16], [sflag:$0x3] =	stream.indirect.gather [hbm4b:s3+s13], $0x80, s10, s13, $0xb8;
	[tilespmem:$0x18100] =	vst v63  }
0x181: {  	s5 =	sadd.s32 $0xFFFFFA60, s11  }
0x182: {  	[tilespmem:s17], [sflag:$0x4] =	stream.indirect.gather [hbm4b:s3+s13], $0x80, s5, s13, $0xb8;
	[tilespmem:$0x18100] =	vst v63  }
0x183: {  	_ =	swait.ge [sflag:s18], $0x3000  }
0x184: {  	[sflag:s18] =	ssyncset.done $0x0  }
0x185: {  	s5 =	sadd.s32 $0xFFFFFAC0, s11;
	s6 =	rddreg [dreg:$0x4];
	[sflag:s18] =	ssyncadd.s32 $0xFFFFD000  }
0x186: {  	[tilespmem:s19], [sflag:$0x5] =	stream.indirect.gather [hbm4b:s3+s13], $0x80, s5, s13, $0xb8;
	[tilespmem:$0x18100] =	vst v63  }
0x187: {  	s4 =	sadd.s32 s8, s6  }
0x188: {  	[hbm4b:s4+s2] =	stream.linear.scatter [tilespmem:s14], [sflag:$0x7], $0x3000, $0x38;
	[tilespmem:$0x18100] =	vst v63  }
0x189: {  	_ =	swait.ge [sflag:s20], $0x3000  }
0x18a: {  	[sflag:s20] =	ssyncset.done $0x0  }
0x18b: {  	s8 =	sadd.s32 $0xFFFFFB20, s11;
	[sflag:s20] =	ssyncadd.s32 $0xFFFFD000  }
0x18c: {  	[tilespmem:s21], [sflag:$0x6] =	stream.indirect.gather [hbm4b:s3+s13], $0x80, s8, s13, $0xb8;
	[tilespmem:$0x18100] =	vst v63  }
0x18d: {  	s10 =	sadd.s32 $0x600, s4  }
0x18e: {  	[hbm4b:s10+s2] =	stream.linear.scatter [tilespmem:s15], [sflag:$0x8], $0x3000, $0x38;
	[tilespmem:$0x18100] =	vst v63  }
0x18f: {  	_ =	swait.ge [sflag:s22], $0x3000  }
0x190: {  	[sflag:s22] =	ssyncset.done $0x0  }
0x191: {  	[sflag:s22] =	ssyncadd.s32 $0xFFFFD000  }
0x192: {  	_ =	swait.ge [sflag:s23], $0x3000  }
0x193: {  	[sflag:s23] =	ssyncset.done $0x0  }
0x194: {  	s6 =	sadd.s32 $0xFFFFFB80, s11;
	[sflag:s23] =	ssyncadd.s32 $0xFFFFD000  }
0x195: {  	[tilespmem:s14], [sflag:$0x1] =	stream.indirect.gather [hbm4b:s3+s13], $0x80, s6, s13, $0xb8;
	[tilespmem:$0x18100] =	vst v63  }
0x196: {  	s8 =	sadd.s32 $0xC00, s4  }
0x197: {  	[hbm4b:s8+s2] =	stream.linear.scatter [tilespmem:s16], [sflag:$0x9], $0x3000, $0x38;
	[tilespmem:$0x18100] =	vst v63  }
0x198: {  	_ =	swait.ge [sflag:s24], $0x3000  }
0x199: {  	[sflag:s24] =	ssyncset.done $0x0  }
0x19a: {  	[sflag:s24] =	ssyncadd.s32 $0xFFFFD000  }
0x19b: {  	_ =	swait.ge [sflag:s25], $0x3000  }
0x19c: {  	[sflag:s25] =	ssyncset.done $0x0  }
0x19d: {  	s10 =	sadd.s32 $0xFFFFFBE0, s11;
	[sflag:s25] =	ssyncadd.s32 $0xFFFFD000  }
0x19e: {  	[tilespmem:s15], [sflag:$0x2] =	stream.indirect.gather [hbm4b:s3+s13], $0x80, s10, s13, $0xb8;
	[tilespmem:$0x18100] =	vst v63  }
0x19f: {  	s6 =	sadd.s32 $0x1200, s4  }
0x1a0: {  	[hbm4b:s6+s2] =	stream.linear.scatter [tilespmem:s17], [sflag:$0xA], $0x3000, $0x38;
	[tilespmem:$0x18100] =	vst v63  }
0x1a1: {  	_ =	swait.ge [sflag:s26], $0x3000  }
0x1a2: {  	[sflag:s26] =	ssyncset.done $0x0  }
0x1a3: {  	[sflag:s26] =	ssyncadd.s32 $0xFFFFD000  }
0x1a4: {  	_ =	swait.ge [sflag:s28], $0x3000  }
0x1a5: {  	[sflag:s28] =	ssyncset.done $0x0  }
0x1a6: {  	s8 =	sadd.s32 $0xFFFFFC40, s11;
	[sflag:s28] =	ssyncadd.s32 $0xFFFFD000  }
0x1a7: {  	[tilespmem:s16], [sflag:$0x3] =	stream.indirect.gather [hbm4b:s3+s13], $0x80, s8, s13, $0xb8;
	[tilespmem:$0x18100] =	vst v63  }
0x1a8: {  	s10 =	sadd.s32 $0x1800, s4  }
0x1a9: {  	[hbm4b:s10+s2] =	stream.linear.scatter [tilespmem:s19], [sflag:$0xB], $0x3000, $0x38;
	[tilespmem:$0x18100] =	vst v63  }
0x1aa: {  	_ =	swait.ge [sflag:s29], $0x3000  }
0x1ab: {  	[sflag:s29] =	ssyncset.done $0x0  }
0x1ac: {  	[sflag:s29] =	ssyncadd.s32 $0xFFFFD000  }
0x1ad: {  	_ =	swait.ge [sflag:s30], $0x3000  }
0x1ae: {  	[sflag:s30] =	ssyncset.done $0x0  }
0x1af: {  	s6 =	sadd.s32 $0xFFFFFCA0, s11;
	[sflag:s30] =	ssyncadd.s32 $0xFFFFD000  }
0x1b0: {  	[tilespmem:s17], [sflag:$0x4] =	stream.indirect.gather [hbm4b:s3+s13], $0x80, s6, s13, $0xb8;
	[tilespmem:$0x18100] =	vst v63  }
0x1b1: {  	s8 =	sadd.s32 $0x1E00, s4  }
0x1b2: {  	[hbm4b:s8+s2] =	stream.linear.scatter [tilespmem:s21], [sflag:$0xC], $0x3000, $0x38;
	[tilespmem:$0x18100] =	vst v63  }
0x1b3: {  	_ =	swait.ge [sflag:s18], $0x3000  }
0x1b4: {  	[sflag:s18] =	ssyncset.done $0x0  }
0x1b5: {  	[sflag:s18] =	ssyncadd.s32 $0xFFFFD000  }
0x1b6: {  	_ =	swait.ge [sflag:s31], $0x3000  }
0x1b7: {  	[sflag:s31] =	ssyncset.done $0x0  }
0x1b8: {  	s10 =	sadd.s32 $0xFFFFFD00, s11;
	[sflag:s31] =	ssyncadd.s32 $0xFFFFD000  }
0x1b9: {  	[tilespmem:s19], [sflag:$0x5] =	stream.indirect.gather [hbm4b:s3+s13], $0x80, s10, s13, $0xb8;
	[tilespmem:$0x18100] =	vst v63  }
0x1ba: {  	s6 =	sadd.s32 $0x2400, s4  }
0x1bb: {  	[hbm4b:s6+s2] =	stream.linear.scatter [tilespmem:s14], [sflag:$0x7], $0x3000, $0x38;
	[tilespmem:$0x18100] =	vst v63  }
0x1bc: {  	_ =	swait.ge [sflag:s20], $0x3000  }
0x1bd: {  	[sflag:s20] =	ssyncset.done $0x0  }
0x1be: {  	[sflag:s20] =	ssyncadd.s32 $0xFFFFD000  }
0x1bf: {  	_ =	swait.ge [sflag:s1], $0x3000  }
0x1c0: {  	[sflag:s1] =	ssyncset.done $0x0  }
0x1c1: {  	s8 =	sadd.s32 $0xFFFFFD60, s11;
	[sflag:s1] =	ssyncadd.s32 $0xFFFFD000  }
0x1c2: {  	[tilespmem:s21], [sflag:$0x6] =	stream.indirect.gather [hbm4b:s3+s13], $0x80, s8, s13, $0xb8;
	[tilespmem:$0x18100] =	vst v63  }
0x1c3: {  	s10 =	sadd.s32 $0x2A00, s4  }
0x1c4: {  	[hbm4b:s10+s2] =	stream.linear.scatter [tilespmem:s15], [sflag:$0x8], $0x3000, $0x38;
	[tilespmem:$0x18100] =	vst v63  }
0x1c5: {  	_ =	swait.ge [sflag:s22], $0x3000  }
0x1c6: {  	[sflag:s22] =	ssyncset.done $0x0  }
0x1c7: {  	[sflag:s22] =	ssyncadd.s32 $0xFFFFD000  }
0x1c8: {  	_ =	swait.ge [sflag:s23], $0x3000  }
0x1c9: {  	[sflag:s23] =	ssyncset.done $0x0  }
0x1ca: {  	s6 =	sadd.s32 $0xFFFFFDC0, s11;
	[sflag:s23] =	ssyncadd.s32 $0xFFFFD000  }
0x1cb: {  	[tilespmem:s14], [sflag:$0x1] =	stream.indirect.gather [hbm4b:s3+s13], $0x80, s6, s13, $0xb8;
	[tilespmem:$0x18100] =	vst v63  }
0x1cc: {  	s8 =	sadd.s32 $0x3000, s4  }
0x1cd: {  	[hbm4b:s8+s2] =	stream.linear.scatter [tilespmem:s16], [sflag:$0x9], $0x3000, $0x38;
	[tilespmem:$0x18100] =	vst v63  }
0x1ce: {  	_ =	swait.ge [sflag:s24], $0x3000  }
0x1cf: {  	[sflag:s24] =	ssyncset.done $0x0  }
0x1d0: {  	[sflag:s24] =	ssyncadd.s32 $0xFFFFD000  }
0x1d1: {  	_ =	swait.ge [sflag:s25], $0x3000  }
0x1d2: {  	[sflag:s25] =	ssyncset.done $0x0  }
0x1d3: {  	s10 =	sadd.s32 $0xFFFFFE20, s11;
	[sflag:s25] =	ssyncadd.s32 $0xFFFFD000  }
0x1d4: {  	[tilespmem:s15], [sflag:$0x2] =	stream.indirect.gather [hbm4b:s3+s13], $0x80, s10, s13, $0xb8;
	[tilespmem:$0x18100] =	vst v63  }
0x1d5: {  	s6 =	sadd.s32 $0x3600, s4  }
0x1d6: {  	[hbm4b:s6+s2] =	stream.linear.scatter [tilespmem:s17], [sflag:$0xA], $0x3000, $0x38;
	[tilespmem:$0x18100] =	vst v63  }
0x1d7: {  	_ =	swait.ge [sflag:s26], $0x3000  }
0x1d8: {  	[sflag:s26] =	ssyncset.done $0x0  }
0x1d9: {  	[sflag:s26] =	ssyncadd.s32 $0xFFFFD000  }
0x1da: {  	_ =	swait.ge [sflag:s28], $0x3000  }
0x1db: {  	[sflag:s28] =	ssyncset.done $0x0  }
0x1dc: {  	s8 =	sadd.s32 $0xFFFFFE80, s11;
	[sflag:s28] =	ssyncadd.s32 $0xFFFFD000  }
0x1dd: {  	[tilespmem:s16], [sflag:$0x3] =	stream.indirect.gather [hbm4b:s3+s13], $0x80, s8, s13, $0xb8;
	[tilespmem:$0x18100] =	vst v63  }
0x1de: {  	s10 =	sadd.s32 $0x3C00, s4  }
0x1df: {  	[hbm4b:s10+s2] =	stream.linear.scatter [tilespmem:s19], [sflag:$0xB], $0x3000, $0x38;
	[tilespmem:$0x18100] =	vst v63  }
0x1e0: {  	_ =	swait.ge [sflag:s29], $0x3000  }
0x1e1: {  	[sflag:s29] =	ssyncset.done $0x0  }
0x1e2: {  	[sflag:s29] =	ssyncadd.s32 $0xFFFFD000  }
0x1e3: {  	_ =	swait.ge [sflag:s30], $0x3000  }
0x1e4: {  	[sflag:s30] =	ssyncset.done $0x0  }
0x1e5: {  	s6 =	sadd.s32 $0xFFFFFEE0, s11;
	[sflag:s30] =	ssyncadd.s32 $0xFFFFD000  }
0x1e6: {  	[tilespmem:s17], [sflag:$0x4] =	stream.indirect.gather [hbm4b:s3+s13], $0x80, s6, s13, $0xb8;
	[tilespmem:$0x18100] =	vst v63  }
0x1e7: {  	s8 =	sadd.s32 $0x4200, s4  }
0x1e8: {  	[hbm4b:s8+s2] =	stream.linear.scatter [tilespmem:s21], [sflag:$0xC], $0x3000, $0x38;
	[tilespmem:$0x18100] =	vst v63  }
0x1e9: {  	_ =	swait.ge [sflag:s18], $0x3000  }
0x1ea: {  	[sflag:s18] =	ssyncset.done $0x0  }
0x1eb: {  	[sflag:s18] =	ssyncadd.s32 $0xFFFFD000  }
0x1ec: {  	_ =	swait.ge [sflag:s31], $0x3000  }
0x1ed: {  	[sflag:s31] =	ssyncset.done $0x0  }
0x1ee: {  	s10 =	sadd.s32 $0xFFFFFF40, s11;
	[sflag:s31] =	ssyncadd.s32 $0xFFFFD000  }
0x1ef: {  	[tilespmem:s19], [sflag:$0x5] =	stream.indirect.gather [hbm4b:s3+s13], $0x80, s10, s13, $0xb8;
	[tilespmem:$0x18100] =	vst v63  }
0x1f0: {  	s6 =	sadd.s32 $0x4800, s4  }
0x1f1: {  	[hbm4b:s6+s2] =	stream.linear.scatter [tilespmem:s14], [sflag:$0x7], $0x3000, $0x38;
	[tilespmem:$0x18100] =	vst v63  }
0x1f2: {  	_ =	swait.ge [sflag:s20], $0x3000  }
0x1f3: {  	[sflag:s20] =	ssyncset.done $0x0  }
0x1f4: {  	[sflag:s20] =	ssyncadd.s32 $0xFFFFD000  }
0x1f5: {  	_ =	swait.ge [sflag:s1], $0x3000  }
0x1f6: {  	[sflag:s1] =	ssyncset.done $0x0  }
0x1f7: {  	s8 =	sadd.s32 $0xFFFFFFA0, s11;
	[sflag:s1] =	ssyncadd.s32 $0xFFFFD000  }
0x1f8: {  	[tilespmem:s21], [sflag:$0x6] =	stream.indirect.gather [hbm4b:s3+s13], $0x80, s8, s13, $0xb8;
	[tilespmem:$0x18100] =	vst v63  }
0x1f9: {  	s10 =	sadd.s32 $0x4E00, s4  }
0x1fa: {  	[hbm4b:s10+s2] =	stream.linear.scatter [tilespmem:s15], [sflag:$0x8], $0x3000, $0x38;
	[tilespmem:$0x18100] =	vst v63  }
0x1fb: {  	_ =	swait.ge [sflag:s22], $0x3000  }
0x1fc: {  	[sflag:s22] =	ssyncset.done $0x0  }
0x1fd: {  	[sflag:s22] =	ssyncadd.s32 $0xFFFFD000  }
0x1fe: {  	_ =	swait.ge [sflag:s23], $0x3000  }
0x1ff: {  	[sflag:s23] =	ssyncset.done $0x0  }
0x200: {  	[sflag:s23] =	ssyncadd.s32 $0xFFFFD000  }
0x201: {  	[tilespmem:s14], [sflag:$0x1] =	stream.indirect.gather [hbm4b:s3+s13], $0x80, s11, s13, $0xb8;
	[tilespmem:$0x18100] =	vst v63  }
0x202: {  	s6 =	sadd.s32 $0x5400, s4  }
0x203: {  	[hbm4b:s6+s2] =	stream.linear.scatter [tilespmem:s16], [sflag:$0x9], $0x3000, $0x38;
	[tilespmem:$0x18100] =	vst v63  }
0x204: {  	_ =	swait.ge [sflag:s24], $0x3000  }
0x205: {  	[sflag:s24] =	ssyncset.done $0x0  }
0x206: {  	s8 =	sadd.s32 $0x5A00, s4;
	[sflag:s24] =	ssyncadd.s32 $0xFFFFD000  }
0x207: {  	[hbm4b:s8+s2] =	stream.linear.scatter [tilespmem:s17], [sflag:$0xA], $0x3000, $0x38;
	[tilespmem:$0x18100] =	vst v63  }
0x208: {  	_ =	swait.ge [sflag:s26], $0x3000  }
0x209: {  	[sflag:s26] =	ssyncset.done $0x0  }
0x20a: {  	s10 =	sadd.s32 $0x6000, s4;
	[sflag:s26] =	ssyncadd.s32 $0xFFFFD000  }
0x20b: {  	[hbm4b:s10+s2] =	stream.linear.scatter [tilespmem:s19], [sflag:$0xB], $0x3000, $0x38;
	[tilespmem:$0x18100] =	vst v63  }
0x20c: {  	_ =	swait.ge [sflag:s29], $0x3000  }
0x20d: {  	[sflag:s29] =	ssyncset.done $0x0  }
0x20e: {  	s11 =	sadd.s32 $0x6600, s4;
	[sflag:s29] =	ssyncadd.s32 $0xFFFFD000  }
0x20f: {  	[hbm4b:s11+s2] =	stream.linear.scatter [tilespmem:s21], [sflag:$0xC], $0x3000, $0x38;
	[tilespmem:$0x18100] =	vst v63  }
0x210: {  	_ =	swait.ge [sflag:s18], $0x3000  }
0x211: {  	[sflag:s18] =	ssyncset.done $0x0  }
0x212: {  	s4 =	sadd.s32 $0x6C00, s4;
	[sflag:s18] =	ssyncadd.s32 $0xFFFFD000  }
0x213: {  	[hbm4b:s4+s2] =	stream.linear.scatter [tilespmem:s14], [sflag:$0x7], $0x3000, $0x38;
	[tilespmem:$0x18100] =	vst v63  }
0x214: {  	_ =	swait.ge [sflag:s25], $0x3000  }
0x215: {  	[sflag:s25] =	ssyncset.done $0x0  }
0x216: {  	[sflag:s25] =	ssyncadd.s32 $0xFFFFD000  }
0x217: {  	_ =	swait.ge [sflag:s28], $0x3000  }
0x218: {  	[sflag:s28] =	ssyncset.done $0x0  }
0x219: {  	[sflag:s28] =	ssyncadd.s32 $0xFFFFD000  }
0x21a: {  	_ =	swait.ge [sflag:s30], $0x3000  }
0x21b: {  	[sflag:s30] =	ssyncset.done $0x0  }
0x21c: {  	[sflag:s30] =	ssyncadd.s32 $0xFFFFD000  }
0x21d: {  	_ =	swait.ge [sflag:s31], $0x3000  }
0x21e: {  	[sflag:s31] =	ssyncset.done $0x0  }
0x21f: {  	s0 =	sadd.s32 $0x1, s0;
	[sflag:s31] =	ssyncadd.s32 $0xFFFFD000  }
0x220: {  	p0 =	sne.s32 s0, s7;
	_ =	swait.ge [sflag:s1], $0x3000  }
.Ltmp1:
0x221: {  	[sflag:s1] =	ssyncset.done $0x0;
	(pc) =	sbr.rel @p0 .LBB2_1-.Ltmp1, $4  }
0x222: {  	[sflag:s1] =	ssyncadd.s32 $0xFFFFD000  }
0x223: {  	_ =	swait.ge [sflag:s23], $0x3000  }
0x224: {  	[sflag:s23] =	ssyncset.done $0x0  }
0x225: {  	[sflag:s23] =	ssyncadd.s32 $0xFFFFD000  }
0x226: {  	_ =	sfence.sel $0x180000  }
0x227: {  	[bflag:$0x0] =	sbarrier.arrive $0xFFFF  }
0x228: {  	_ =	strace $0x9000004D  }
0x229: {  	s0 =	stileid.u32;
	[bflag:$0x2] =	sbarrier.arrive $0xFFFF  }
0x22a: {  	p0 =	sne.s32 s0, $0x0;
	s0 =	rddreg [dreg:$0x3]  }
0x22b: {  	s0 =	sadd.s32 @!p0 $0x100000, s0  }
0x22c: {  	[sflag:s0] =	ssyncadd.tile.s32 @!p0 $0x1;
	_ =	shalt  }
.Lfunc_end2:
_tile_overlayer_lowered:
.L_overlay_start_2:
0x22d: {  	(tag) =	ssettag $0x2  }
0x22e: {  	s0 =	rddreg [dreg:$0x0];
	s2 =	stileid.u32  }
0x22f: {  	s1 =	rddreg [dreg:$0x1];
	p0 =	sne.s32 s2, $0x0  }
0x230: {  	s3 =	rddreg [dreg:$0x2];
	[bflag:$0x3] =	sbarrier.arrive $0xFFFF;
	s2 =	simm.s32 @!p0 $0x1C0E  }
0x231: {  	[timem:s3], [sflag:s2] =	dma.local @!p0 [hbm:s0], s1  }
0x232: {  	s0 =	simm.s32 @!p0 $0xE  }
0x233: {  	_ =	swait.ge @!p0 [sflag:s0], s1  }
0x234: {  	s1 =	ssub.s32 @!p0 $0x0, s1;
	[sflag:s0] =	ssyncset.done @!p0 $0x0  }
0x235: {  	[sflag:s0] =	ssyncadd.s32 @!p0 s1  }
0x236: {  	[bflag:$0x3] =	sbarrier.arrive $0xFFFF  }
0x237: {  	_ =	shalt  }

// kernel: kernel.14.cloned.1.call-start
scs
__scs_entry_jumppad:
0x0: {  	(pc) =	sbr.rel $0x88, $3  }
0x1: {  	(tag) =	ssettag $0x0;
	lr =	simm.s32 $0x1  }
0x2: {  	[smem:$0x3F99] =	sst lr;
	_ =	strace $0xD0000000  }
0x3: {  	_ = 	snop  }
0x4: {  	_ = 	snop  }
0x5: {  	_ = 	snop  }
0x6: {  	_ = 	snop  }
0x7: {  	_ = 	snop  }
__scs_overlays_trampoline_lowered:
0x8: {  	[smem:$0x3FA8] =	sst s0  }
0x9: {  	[smem:$0x3FA9] =	sst s1  }
0xa: {  	[smem:$0x3FAA] =	sst s2  }
0xb: {  	[smem:$0x3FAB] =	sst s3  }
0xc: {  	[smem:$0x3FAC] =	sst s4  }
0xd: {  	[smem:$0x3FAD] =	sst s5  }
0xe: {  	[smem:$0x3FAE] =	sst s6  }
0xf: {  	[smem:$0x3FAF] =	sst s7  }
0x10: {  	[smem:$0x3FB0] =	sst s8  }
0x11: {  	[smem:$0x3FB1] =	sst s9;
	s0 =	simm.s32 @!p0 $0x0  }
0x12: {  	s1 =	sld [smem:$0x3F97];
	s0 =	simm.s32 @p0 $0x1  }
0x13: {  	[smem:$0x3FB2] =	sst s0;
	s0 =	simm.s32 @!p1 $0x0  }
0x14: {  	s2 =	sld [smem:$0x3F96];
	s0 =	simm.s32 @p1 $0x1  }
0x15: {  	[smem:$0x3FB3] =	sst s0;
	s0 =	simm.s32 @!p2 $0x0  }
0x16: {  	s3 =	sld [smem:$0x3FDB];
	s0 =	simm.s32 @p2 $0x1  }
0x17: {  	s4 =	simm.s32 $0x1BF5;
	[smem:$0x3FB5] =	sst s0  }
0x18: {  	s0 =	sld [smem:$0x3F98];
	_ =	swait.ge [sflag:s4], $0x0  }
0x19: {  	s7 =	sld [smem:$0x3F99]  }
0x1a: {  	s8 =	sadd.s32 $0xFFFFE003, lr  }
0x1b: {  	s9 =	sadd.s32 $0xFFFFFEF7, lr;
	s5 =	simm.s32 $0xFFFFFFFF;
	p2 =	slt.u32 s8, $0xFFFFF086  }
0x1c: {  	p1 =	slt.u32 s9, $0xF7A;
	s5 =	simm.s32 @!p2 $0x0  }
0x1d: {  	s5 =	simm.s32 @p1 $0x1;
	p0 =	seq.s32 s7, s2  }
0x1e: {  	s7 =	smul.u32 @!p0 $0xF7A, s2;
	p2 =	seq.s32 @!p0 s5, $0x0  }
0x1f: {  	s9 =	smul.u32 $0xF7A, s1;
	s8 =	simm.s32 @!p0 $0x1BF5;
	p2 =	por !p2, p0  }
0x20: {  	[sflag:s8] =	ssyncset.s32 @!p0 $0xFFFFF086;
	s6 =	sadd.s32 @!p0 s3, s7;
	s7 =	simm.s32 @!p0 $0x108  }
0x21: {  	s3 =	sadd.s32 s3, s9;
	s6 =	sadd.s32 @!p0 $0x88, s6;
	s7 =	simm.s32 @p2 $0x1082  }
0x22: {  	[simem:s7], [sflag:s8] =	dma.local @!p0 [hbm:s6], $0xF7A  }
0x23: {  	s9 =	sor.u32 $0xD0000000, s2;
	s6 =	simm.s32 $0x108;
	_ =	swait.ge @!p0 [sflag:s8], $0x0  }
0x24: {  	s3 =	sadd.s32 $0x88, s3;
	s6 =	simm.s32 @!p1 $0x1082;
	[sflag:s4] =	ssyncset.s32 $0xFFFFF086  }
0x25: {  	[simem:s6], [sflag:s4] =	dma.local [hbm:s3], $0xF7A  }
0x26: {  	[smem:$0x3F99] =	sst s1;
	(tag) =	ssettag s2;
	_ =	strace s9  }
0x27: {  	s1 =	sld [smem:$0x3FA9]  }
0x28: {  	s2 =	sld [smem:$0x3FAA]  }
0x29: {  	s4 =	sld [smem:$0x3FAC]  }
0x2a: {  	p0 =	seq.s32 s5, $0x0;
	s5 =	sld [smem:$0x3FAD]  }
0x2b: {  	s6 =	sld [smem:$0x3FAE]  }
0x2c: {  	s7 =	sld [smem:$0x3FAF]  }
0x2d: {  	s3 =	simm.s32 $0x108;
	s8 =	sld [smem:$0x3FB0]  }
0x2e: {  	s3 =	simm.s32 @!p0 $0x1082;
	s9 =	sld [smem:$0x3FB1]  }
0x2f: {  	lr =	sadd.s32 s0, s3;
	s0 =	sld [smem:$0x3FA8]  }
0x30: {  	s3 =	sld [smem:$0x3FAB]  }
0x31: {  	[smem:$0x3FB4] =	sst s10  }
0x32: {  	s10 =	sld [smem:$0x3FB2];
	_ =	sdelay $0x3  }
0x33: {  	p0 =	seq.s32 s10, $0x1;
	s10 =	sld [smem:$0x3FB4];
	_ =	sdelay $0x3  }
0x34: {  	[smem:$0x3FB4] =	sst s10  }
0x35: {  	s10 =	sld [smem:$0x3FB3];
	_ =	sdelay $0x3  }
0x36: {  	p1 =	seq.s32 s10, $0x1;
	s10 =	sld [smem:$0x3FB4];
	_ =	sdelay $0x3  }
0x37: {  	[smem:$0x3FB4] =	sst s10  }
0x38: {  	s10 =	sld [smem:$0x3FB5]  }
0x39: {  	_ = 	snop;
	(pc) =	sbr.ind lr, $3  }
0x3a: {  	_ = 	snop  }
0x3b: {  	_ = 	snop  }
0x3c: {  	p2 =	seq.s32 s10, $0x1;
	s10 =	sld [smem:$0x3FB4]  }
0x3d: {  	_ =	shalt  }
0x3e: {  	_ =	shalt  }
0x3f: {  	_ =	shalt  }
0x40: {  	_ =	shalt  }
0x41: {  	_ =	shalt  }
0x42: {  	_ =	shalt  }
0x43: {  	_ =	shalt  }
0x44: {  	_ =	shalt  }
0x45: {  	_ =	shalt  }
0x46: {  	_ =	shalt  }
0x47: {  	_ =	shalt  }
0x48: {  	_ =	shalt  }
0x49: {  	_ =	shalt  }
0x4a: {  	_ =	shalt  }
0x4b: {  	_ =	shalt  }
0x4c: {  	_ =	shalt  }
0x4d: {  	_ =	shalt  }
0x4e: {  	_ =	shalt  }
0x4f: {  	_ =	shalt  }
0x50: {  	_ =	shalt  }
0x51: {  	_ =	shalt  }
0x52: {  	_ =	shalt  }
0x53: {  	_ =	shalt  }
0x54: {  	_ =	shalt  }
0x55: {  	_ =	shalt  }
0x56: {  	_ =	shalt  }
0x57: {  	_ =	shalt  }
0x58: {  	_ =	shalt  }
0x59: {  	_ =	shalt  }
0x5a: {  	_ =	shalt  }
0x5b: {  	_ =	shalt  }
0x5c: {  	_ =	shalt  }
0x5d: {  	_ =	shalt  }
0x5e: {  	_ =	shalt  }
0x5f: {  	_ =	shalt  }
0x60: {  	_ =	shalt  }
0x61: {  	_ =	shalt  }
0x62: {  	_ =	shalt  }
0x63: {  	_ =	shalt  }
0x64: {  	_ =	shalt  }
0x65: {  	_ =	shalt  }
0x66: {  	_ =	shalt  }
0x67: {  	_ =	shalt  }
0x68: {  	_ =	shalt  }
0x69: {  	_ =	shalt  }
0x6a: {  	_ =	shalt  }
0x6b: {  	_ =	shalt  }
0x6c: {  	_ =	shalt  }
0x6d: {  	_ =	shalt  }
0x6e: {  	_ =	shalt  }
0x6f: {  	_ =	shalt  }
0x70: {  	_ =	shalt  }
0x71: {  	_ =	shalt  }
0x72: {  	_ =	shalt  }
0x73: {  	_ =	shalt  }
0x74: {  	_ =	shalt  }
0x75: {  	_ =	shalt  }
0x76: {  	_ =	shalt  }
0x77: {  	_ =	shalt  }
0x78: {  	_ =	shalt  }
0x79: {  	_ =	shalt  }
0x7a: {  	_ =	shalt  }
0x7b: {  	_ =	shalt  }
0x7c: {  	_ =	shalt  }
0x7d: {  	_ =	shalt  }
0x7e: {  	_ =	shalt  }
0x7f: {  	_ =	shalt  }
0x80: {  	_ =	shalt  }
0x81: {  	_ =	shalt  }
0x82: {  	_ =	shalt  }
0x83: {  	_ =	shalt  }
0x84: {  	_ =	shalt  }
0x85: {  	_ =	shalt  }
0x86: {  	_ =	shalt  }
0x87: {  	_ =	shalt  }
.Lfunc_end0:
.L_simem_size_0:
called_computation.2_lowered:
.L_overlay_start_0:
0x88: {  	s2 =	sld [smem:$0x3FD9]  }
0x89: {  	s3 =	sld [smem:$0x3FFE];
	_ =	sdelay $0x1  }
0x8a: {  	s1 =	srdreg.scid  }
0x8b: {  	s0 =	sand.u32 $0x1, s1  }
0x8c: {  	s14 =	sshll.u32 s0, $0xA;
	s2 =	sadd.s32 s3, s2  }
0x8d: {  	s2 =	sadd.s32 s2, s14  }
0x8e: {  	[smem:$0x3FC0] =	sst s2  }
0x8f: {  	_ = 	snop  }
0x90: {  	s2 =	sld [smem:$0x3FD0];
	_ =	sdelay $0x2  }
0x91: {  	s4 =	simm.s32 $0xB;
	s5 =	simm.s32 $0x10;
	s15 =	sld [smem:$0x3FC5]  }
0x92: {  	[smem:s5], [sflag:s4] =	dma.local [hbm:s2], $0x1  }
0x93: {  	_ =	swait.eq [sflag:s4], $0x1  }
0x94: {  	[sflag:s4] =	ssyncset.done $0x0  }
0x95: {  	[sflag:s4] =	ssyncadd.s32 $0xFFFFFFFF  }
0x96: {  	s16 =	sld [smem:$0x11];
	(tm) =	ssettm $0x1  }
0x97: {  	s17 =	sld [smem:$0x3FFB];
	_ =	sdelay $0x3  }
0x98: {  	_ =	strace s17  }
0x99: {  	s4 =	sld [smem:$0x3FFC];
	_ =	sdelay $0x3  }
0x9a: {  	_ =	strace s4  }
0x9b: {  	s4 =	sld [smem:$0x3FFD];
	_ =	sdelay $0x3  }
0x9c: {  	_ =	strace s4  }
0x9d: {  	_ =	strace $0x8FFFFFFF  }
0x9e: {  	s18 =	sld [smem:$0x3FDB];
	_ =	sdelay $0x1  }
0x9f: {  	s19 =	simm.s32 $_scs_section_size  }
0xa0: {  	s6 =	simm.s32 $_size__tile_overlayer_lowered;
	s7 =	simm.s32 $_tile_overlayer_lowered  }
0xa1: {  	s22 =	simm.s32 $0x1BFF;
	s21 =	sshll.u32 s7, $0x1;
	s4 =	sadd.s32 s19, s18  }
0xa2: {  	s8 =	simm.s32 $0x0;
	s20 =	sshll.u32 s6, $0x1;
	s6 =	sadd.s32 s21, s4  }
0xa3: {  	[timem:s8], [sflag:s22] =	dma.local [hbm:s6], s20  }
0xa4: {  	_ =	swait.ge [sflag:s22], s20  }
0xa5: {  	s5 =	ssub.s32 $0x0, s20;
	[sflag:s22] =	ssyncset.done $0x0  }
0xa6: {  	[sflag:s22] =	ssyncadd.s32 s5;
	_ =	sdelay $0x1  }
0xa7: {  	s23 =	simm.s32 $0x1B8B  }
0xa8: {  	_ =	swait.ge [sflag:s23], $0x1  }
0xa9: {  	[sflag:s23] =	ssyncset.done $0x0  }
0xaa: {  	s25 =	simm.s32 $0x1B8E;
	s24 =	sld [smem:$0x3FFE];
	[sflag:s23] =	ssyncadd.s32 $0xFFFFFFFF  }
0xab: {  	s26 =	simm.s32 $execute0_lowered;
	[smem:$0x3FD2] =	sst s25  }
0xac: {  	s6 =	sshll.u32 s26, $0x1;
	_ =	strace $0x80000049;
	[dreg:$0x1] =	wrdreg $0xFFFFFFFF  }
0xad: {  	s28 =	simm.s32 $_size_execute0_lowered;
	s4 =	sadd.s32 s4, s6;
	[dreg:$0x0] =	wrdreg $0x0  }
0xae: {  	s6 =	sshll.u32 s28, $0x1;
	[dreg:$0x2] =	wrdreg s4  }
0xaf: {  	[dreg:$0x3] =	wrdreg s6  }
0xb0: {  	[dreg:$0x4] =	wrdreg $0xC0  }
0xb1: {  	_ =	task [dreg:s8], $0x5FFFF  }
0xb2: {  	[dreg:$0x1] =	wrdreg $0xFFFFFFFF  }
0xb3: {  	[dreg:$0x0] =	wrdreg $0x60  }
0xb4: {  	[dreg:$0x2] =	wrdreg s24  }
0xb5: {  	[dreg:$0x3] =	wrdreg s15  }
0xb6: {  	[dreg:$0x4] =	wrdreg s16  }
0xb7: {  	[dreg:$0x5] =	wrdreg $0xA  }
0xb8: {  	_ =	task.clear_ibuf [dreg:s8], $0x6FFFF;
	_ =	strace $0x90000049  }
0xb9: {  	s29 =	simm.s32 $0xA;
	_ =	strace $0x8000004B  }
0xba: {  	_ =	swait.ge [sflag:s29], $0x1  }
0xbb: {  	[sflag:s29] =	ssyncadd.s32 $0xFFFFFFFF  }
0xbc: {  	_ =	strace $0x9000004B  }
0xbd: {  	_ =	sfence  }
0xbe: {  	s30 =	sld [smem:$0x0];
	_ =	sdelay $0x2  }
0xbf: {  	s31 =	sshll.u32 s1, $0xD;
	s1 =	sshrl.u32 s1, $0x2  }
0xc0: {  	s3 =	sand.u32 $0x4000, s31;
	s1 =	sadd.s32 s1, s30  }
0xc1: {  	s0 =	sor.u32 s3, s0;
	s1 =	sshll.u32 s1, $0x11  }
0xc2: {  	s0 =	sor.u32 s1, s0  }
0xc3: {  	s0 =	sadd.s32 $0x8F2B, s0  }
0xc4: {  	[sflag:s0] =	ssyncadd.remote.s32 $0x1  }
0xc5: {  	_ =	sfence.sel $0xFFFF  }
0xc6: {  	[dreg:$0x0] =	wrdreg $0xFFFFFFFF;
	(pc) =	sbr.abs _section_cstart, $3  }
0xc7: {  	[dreg:$0x1] =	wrdreg $0xFFFFFFFF  }
0xc8: {  	_ =	task.clear_ibuf [dreg:s8], $0x2FFFF;
	_ =	strace $0x9FFFFFFF  }
0xc9: {  	(tm) =	ssettm $0x7FFFFFFF  }
tec
execute0_lowered:
.L_overlay_start_1:
0x0: {  	(tag) =	ssettag $0x1  }
0x1: {  	s0 =	rddreg [dreg:$0x0]  }
0x2: {  	s1 =	rddreg [dreg:$0x1]  }
0x3: {  	s10 =	stileid.u32;
	s2 =	srdreg.scid  }
0x4: {  	s4 =	rddreg [dreg:$0x2];
	s12 =	simm.s32 $0xD;
	s13 =	simm.s32 $0x60  }
0x5: {  	s14 =	simm.s32 $0x4080;
	s15 =	simm.s32 $0x7080;
	s16 =	simm.s32 $0xA080  }
0x6: {  	s17 =	simm.s32 $0xD080;
	s18 =	simm.s32 $0x1;
	s19 =	simm.s32 $0x10080  }
0x7: {  	s20 =	simm.s32 $0x2;
	s21 =	simm.s32 $0x13080;
	s22 =	simm.s32 $0x3  }
0x8: {  	s28 =	simm.s32 $0x9;
	s29 =	simm.s32 $0x6;
	s30 =	simm.s32 $0xA  }
0x9: {  	s31 =	simm.s32 $0xB;
	s5 =	sand.u32 $0x1, s2;
	s3 =	sshll.u32 s10, $0x1  }
0xa: {  	s2 =	simm.s32 $0x0;
	s7 =	sshll.u32 s10, $0xA;
	s8 =	smul.u32 $0x80400, s10  }
0xb: {  	s10 =	sshll.u32 s10, $0x3;
	s3 =	sor.u32 s5, s3;
	[smem:$0x7FF] =	sst s2  }
0xc: {  	s7 =	sadd.s32 s7, s0;
	s23 =	ssub.s32 $0x2, s5;
	s11 =	smul.u32 $0x40200, s5  }
0xd: {  	s1 =	sadd.s32 s1, s10;
	s6 =	smul.u32 $0x4020, s3;
	_ =	strace $0x8000004A  }
0xe: {  	s3 =	sadd.s32 $0x13600, s0;
	s9 =	sshrl.u32 s23, $0x1;
	[dreg:$0x5] =	wrdreg s1  }
0xf: {  	s24 =	sadd.s32 s8, s4;
	s25 =	sadd.s32 $0x19A000, s7;
	s1 =	simm.s32 $0xC  }
0x10: {  	s9 =	ssub.s32 s23, s9;
	[dreg:$0x6] =	wrdreg s25;
	s26 =	sadd.s32 s11, s24  }
0x11: {  	s23 =	simm.s32 $0x7;
	s24 =	simm.s32 $0x4;
	s6 =	sshrl.u32 s6, $0x3  }
0x12: {  	s25 =	simm.s32 $0x8;
	s7 =	smax.u32 s9, $0x1;
	s0 =	sadd.s32 s6, s0  }
0x13: {  	[dreg:$0x4] =	wrdreg s26;
	s9 =	simm.s32 $0xE;
	s0 =	sadd.s32 $0x3400, s0  }
0x14: {  	s26 =	simm.s32 $0x5;
	[dreg:$0x7] =	wrdreg s0;
	s0 =	simm.s32 $0x0  }
.LBB2_1:
0x15: {  	s4 =	rddreg [dreg:$0x5];
	s5 =	simm.s32 $0x16080  }
0x16: {  	[tilespmem:s5], [sflag:$0xE] =	stream.linear.gather [hbm4b:s4+s2], $0x40, $0x38;
	[tilespmem:$0x18100] =	vst v63  }
0x17: {  	_ =	swait.ge [sflag:s9], $0x40  }
0x18: {  	[sflag:s9] =	ssyncset.done $0x0  }
0x19: {  	s6 =	simm.s32 $0x16100;
	s10 =	rddreg [dreg:$0x6];
	[sflag:s9] =	ssyncadd.s32 $0xFFFFFFC0  }
0x1a: {  	[tilespmem:s6], [sflag:$0xE] =	stream.linear.gather [hbm4b:s10+s2], $0x2000, $0x38;
	[tilespmem:$0x18100] =	vst v63  }
0x1b: {  	_ =	swait.ge [sflag:s9], $0x2000  }
0x1c: {  	[sflag:s9] =	ssyncset.done $0x0  }
0x1d: {  	s11 =	simm.s32 $0x40;
	[sflag:s9] =	ssyncadd.s32 $0xFFFFE000  }
0x1e: {  	[hbm4b:s3+s11] =	stream.indirect.scatter [tilespmem:s6], [sflag:$0xD], $0x80, s5, s11, $0xb8;
	[tilespmem:$0x18100] =	vst v63  }
0x1f: {  	_ =	swait.ge [sflag:s12], $0x2000  }
0x20: {  	[sflag:s12] =	ssyncset.done $0x0  }
0x21: {  	[sflag:s12] =	ssyncadd.s32 $0xFFFFE000  }
0x22: {  	[bflag:$0x0] =	sbarrier.arrive $0xFFFF  }
0x23: {  	s5 =	rddreg [dreg:$0x7]  }
0x24: {  	[tilespmem:s2], [sflag:$0xE] =	stream.linear.gather [hbm4b:s5+s2], $0x4020, $0x38;
	[tilespmem:$0x18100] =	vst v63  }
0x25: {  	_ =	swait.ge [sflag:s9], $0x4020  }
0x26: {  	[sflag:s9] =	ssyncset.done $0x0  }
0x27: {  	s6 =	simm.s32 $0x0;
	[sflag:s9] =	ssyncadd.s32 $0xFFFFBFE0  }
0x28: {  	[tilespmem:s14], [sflag:$0x1] =	stream.indirect.gather [hbm4b:s3+s13], $0x80, s6, s13, $0xb8;
	[tilespmem:$0x18100] =	vst v63  }
0x29: {  	s8 =	simm.s32 $0x60  }
0x2a: {  	[tilespmem:s15], [sflag:$0x2] =	stream.indirect.gather [hbm4b:s3+s13], $0x80, s8, s13, $0xb8;
	[tilespmem:$0x18100] =	vst v63  }
0x2b: {  	s10 =	simm.s32 $0xC0  }
0x2c: {  	[tilespmem:s16], [sflag:$0x3] =	stream.indirect.gather [hbm4b:s3+s13], $0x80, s10, s13, $0xb8;
	[tilespmem:$0x18100] =	vst v63  }
0x2d: {  	s11 =	simm.s32 $0x120  }
0x2e: {  	[tilespmem:s17], [sflag:$0x4] =	stream.indirect.gather [hbm4b:s3+s13], $0x80, s11, s13, $0xb8;
	[tilespmem:$0x18100] =	vst v63  }
0x2f: {  	_ =	swait.ge [sflag:s18], $0x3000  }
0x30: {  	[sflag:s18] =	ssyncset.done $0x0  }
0x31: {  	s8 =	simm.s32 $0x180;
	s5 =	rddreg [dreg:$0x4];
	[sflag:s18] =	ssyncadd.s32 $0xFFFFD000  }
0x32: {  	[tilespmem:s19], [sflag:$0x5] =	stream.indirect.gather [hbm4b:s3+s13], $0x80, s8, s13, $0xb8;
	[tilespmem:$0x18100] =	vst v63  }
0x33: {  	s4 =	sadd.s32 $0x0, s5  }
0x34: {  	[hbm4b:s4+s2] =	stream.linear.scatter [tilespmem:s14], [sflag:$0x7], $0x3000, $0x38;
	[tilespmem:$0x18100] =	vst v63  }
0x35: {  	_ =	swait.ge [sflag:s20], $0x3000  }
0x36: {  	[sflag:s20] =	ssyncset.done $0x0  }
0x37: {  	s6 =	simm.s32 $0x1E0;
	[sflag:s20] =	ssyncadd.s32 $0xFFFFD000  }
0x38: {  	[tilespmem:s21], [sflag:$0x6] =	stream.indirect.gather [hbm4b:s3+s13], $0x80, s6, s13, $0xb8;
	[tilespmem:$0x18100] =	vst v63  }
0x39: {  	s10 =	sadd.s32 $0x600, s4  }
0x3a: {  	[hbm4b:s10+s2] =	stream.linear.scatter [tilespmem:s15], [sflag:$0x8], $0x3000, $0x38;
	[tilespmem:$0x18100] =	vst v63  }
0x3b: {  	_ =	swait.ge [sflag:s22], $0x3000  }
0x3c: {  	[sflag:s22] =	ssyncset.done $0x0  }
0x3d: {  	[sflag:s22] =	ssyncadd.s32 $0xFFFFD000  }
0x3e: {  	_ =	swait.ge [sflag:s23], $0x3000  }
0x3f: {  	[sflag:s23] =	ssyncset.done $0x0  }
0x40: {  	s11 =	simm.s32 $0x240;
	[sflag:s23] =	ssyncadd.s32 $0xFFFFD000  }
0x41: {  	[tilespmem:s14], [sflag:$0x1] =	stream.indirect.gather [hbm4b:s3+s13], $0x80, s11, s13, $0xb8;
	[tilespmem:$0x18100] =	vst v63  }
0x42: {  	s5 =	sadd.s32 $0xC00, s4  }
0x43: {  	[hbm4b:s5+s2] =	stream.linear.scatter [tilespmem:s16], [sflag:$0x9], $0x3000, $0x38;
	[tilespmem:$0x18100] =	vst v63  }
0x44: {  	_ =	swait.ge [sflag:s24], $0x3000  }
0x45: {  	[sflag:s24] =	ssyncset.done $0x0  }
0x46: {  	[sflag:s24] =	ssyncadd.s32 $0xFFFFD000  }
0x47: {  	_ =	swait.ge [sflag:s25], $0x3000  }
0x48: {  	[sflag:s25] =	ssyncset.done $0x0  }
0x49: {  	s6 =	simm.s32 $0x2A0;
	[sflag:s25] =	ssyncadd.s32 $0xFFFFD000  }
0x4a: {  	[tilespmem:s15], [sflag:$0x2] =	stream.indirect.gather [hbm4b:s3+s13], $0x80, s6, s13, $0xb8;
	[tilespmem:$0x18100] =	vst v63  }
0x4b: {  	s10 =	sadd.s32 $0x1200, s4  }
0x4c: {  	[hbm4b:s10+s2] =	stream.linear.scatter [tilespmem:s17], [sflag:$0xA], $0x3000, $0x38;
	[tilespmem:$0x18100] =	vst v63  }
0x4d: {  	_ =	swait.ge [sflag:s26], $0x3000  }
0x4e: {  	[sflag:s26] =	ssyncset.done $0x0  }
0x4f: {  	[sflag:s26] =	ssyncadd.s32 $0xFFFFD000  }
0x50: {  	_ =	swait.ge [sflag:s28], $0x3000  }
0x51: {  	[sflag:s28] =	ssyncset.done $0x0  }
0x52: {  	s11 =	simm.s32 $0x300;
	[sflag:s28] =	ssyncadd.s32 $0xFFFFD000  }
0x53: {  	[tilespmem:s16], [sflag:$0x3] =	stream.indirect.gather [hbm4b:s3+s13], $0x80, s11, s13, $0xb8;
	[tilespmem:$0x18100] =	vst v63  }
0x54: {  	s5 =	sadd.s32 $0x1800, s4  }
0x55: {  	[hbm4b:s5+s2] =	stream.linear.scatter [tilespmem:s19], [sflag:$0xB], $0x3000, $0x38;
	[tilespmem:$0x18100] =	vst v63  }
0x56: {  	_ =	swait.ge [sflag:s29], $0x3000  }
0x57: {  	[sflag:s29] =	ssyncset.done $0x0  }
0x58: {  	[sflag:s29] =	ssyncadd.s32 $0xFFFFD000  }
0x59: {  	_ =	swait.ge [sflag:s30], $0x3000  }
0x5a: {  	[sflag:s30] =	ssyncset.done $0x0  }
0x5b: {  	s6 =	simm.s32 $0x360;
	[sflag:s30] =	ssyncadd.s32 $0xFFFFD000  }
0x5c: {  	[tilespmem:s17], [sflag:$0x4] =	stream.indirect.gather [hbm4b:s3+s13], $0x80, s6, s13, $0xb8;
	[tilespmem:$0x18100] =	vst v63  }
0x5d: {  	s10 =	sadd.s32 $0x1E00, s4  }
0x5e: {  	[hbm4b:s10+s2] =	stream.linear.scatter [tilespmem:s21], [sflag:$0xC], $0x3000, $0x38;
	[tilespmem:$0x18100] =	vst v63  }
0x5f: {  	_ =	swait.ge [sflag:s18], $0x3000  }
0x60: {  	[sflag:s18] =	ssyncset.done $0x0  }
0x61: {  	[sflag:s18] =	ssyncadd.s32 $0xFFFFD000  }
0x62: {  	_ =	swait.ge [sflag:s31], $0x3000  }
0x63: {  	[sflag:s31] =	ssyncset.done $0x0  }
0x64: {  	s11 =	simm.s32 $0x3C0;
	[sflag:s31] =	ssyncadd.s32 $0xFFFFD000  }
0x65: {  	[tilespmem:s19], [sflag:$0x5] =	stream.indirect.gather [hbm4b:s3+s13], $0x80, s11, s13, $0xb8;
	[tilespmem:$0x18100] =	vst v63  }
0x66: {  	s5 =	sadd.s32 $0x2400, s4  }
0x67: {  	[hbm4b:s5+s2] =	stream.linear.scatter [tilespmem:s14], [sflag:$0x7], $0x3000, $0x38;
	[tilespmem:$0x18100] =	vst v63  }
0x68: {  	_ =	swait.ge [sflag:s20], $0x3000  }
0x69: {  	[sflag:s20] =	ssyncset.done $0x0  }
0x6a: {  	[sflag:s20] =	ssyncadd.s32 $0xFFFFD000  }
0x6b: {  	_ =	swait.ge [sflag:s1], $0x3000  }
0x6c: {  	[sflag:s1] =	ssyncset.done $0x0  }
0x6d: {  	s6 =	simm.s32 $0x420;
	[sflag:s1] =	ssyncadd.s32 $0xFFFFD000  }
0x6e: {  	[tilespmem:s21], [sflag:$0x6] =	stream.indirect.gather [hbm4b:s3+s13], $0x80, s6, s13, $0xb8;
	[tilespmem:$0x18100] =	vst v63  }
0x6f: {  	s10 =	sadd.s32 $0x2A00, s4  }
0x70: {  	[hbm4b:s10+s2] =	stream.linear.scatter [tilespmem:s15], [sflag:$0x8], $0x3000, $0x38;
	[tilespmem:$0x18100] =	vst v63  }
0x71: {  	_ =	swait.ge [sflag:s22], $0x3000  }
0x72: {  	[sflag:s22] =	ssyncset.done $0x0  }
0x73: {  	[sflag:s22] =	ssyncadd.s32 $0xFFFFD000  }
0x74: {  	_ =	swait.ge [sflag:s23], $0x3000  }
0x75: {  	[sflag:s23] =	ssyncset.done $0x0  }
0x76: {  	s11 =	simm.s32 $0x480;
	[sflag:s23] =	ssyncadd.s32 $0xFFFFD000  }
0x77: {  	[tilespmem:s14], [sflag:$0x1] =	stream.indirect.gather [hbm4b:s3+s13], $0x80, s11, s13, $0xb8;
	[tilespmem:$0x18100] =	vst v63  }
0x78: {  	s5 =	sadd.s32 $0x3000, s4  }
0x79: {  	[hbm4b:s5+s2] =	stream.linear.scatter [tilespmem:s16], [sflag:$0x9], $0x3000, $0x38;
	[tilespmem:$0x18100] =	vst v63  }
0x7a: {  	_ =	swait.ge [sflag:s24], $0x3000  }
0x7b: {  	[sflag:s24] =	ssyncset.done $0x0  }
0x7c: {  	[sflag:s24] =	ssyncadd.s32 $0xFFFFD000  }
0x7d: {  	_ =	swait.ge [sflag:s25], $0x3000  }
0x7e: {  	[sflag:s25] =	ssyncset.done $0x0  }
0x7f: {  	s6 =	simm.s32 $0x4E0;
	[sflag:s25] =	ssyncadd.s32 $0xFFFFD000  }
0x80: {  	[tilespmem:s15], [sflag:$0x2] =	stream.indirect.gather [hbm4b:s3+s13], $0x80, s6, s13, $0xb8;
	[tilespmem:$0x18100] =	vst v63  }
0x81: {  	s10 =	sadd.s32 $0x3600, s4  }
0x82: {  	[hbm4b:s10+s2] =	stream.linear.scatter [tilespmem:s17], [sflag:$0xA], $0x3000, $0x38;
	[tilespmem:$0x18100] =	vst v63  }
0x83: {  	_ =	swait.ge [sflag:s26], $0x3000  }
0x84: {  	[sflag:s26] =	ssyncset.done $0x0  }
0x85: {  	[sflag:s26] =	ssyncadd.s32 $0xFFFFD000  }
0x86: {  	_ =	swait.ge [sflag:s28], $0x3000  }
0x87: {  	[sflag:s28] =	ssyncset.done $0x0  }
0x88: {  	s11 =	simm.s32 $0x540;
	[sflag:s28] =	ssyncadd.s32 $0xFFFFD000  }
0x89: {  	[tilespmem:s16], [sflag:$0x3] =	stream.indirect.gather [hbm4b:s3+s13], $0x80, s11, s13, $0xb8;
	[tilespmem:$0x18100] =	vst v63  }
0x8a: {  	s5 =	sadd.s32 $0x3C00, s4  }
0x8b: {  	[hbm4b:s5+s2] =	stream.linear.scatter [tilespmem:s19], [sflag:$0xB], $0x3000, $0x38;
	[tilespmem:$0x18100] =	vst v63  }
0x8c: {  	_ =	swait.ge [sflag:s29], $0x3000  }
0x8d: {  	[sflag:s29] =	ssyncset.done $0x0  }
0x8e: {  	[sflag:s29] =	ssyncadd.s32 $0xFFFFD000  }
0x8f: {  	_ =	swait.ge [sflag:s30], $0x3000  }
0x90: {  	[sflag:s30] =	ssyncset.done $0x0  }
0x91: {  	s6 =	simm.s32 $0x5A0;
	[sflag:s30] =	ssyncadd.s32 $0xFFFFD000  }
0x92: {  	[tilespmem:s17], [sflag:$0x4] =	stream.indirect.gather [hbm4b:s3+s13], $0x80, s6, s13, $0xb8;
	[tilespmem:$0x18100] =	vst v63  }
0x93: {  	s10 =	sadd.s32 $0x4200, s4  }
0x94: {  	[hbm4b:s10+s2] =	stream.linear.scatter [tilespmem:s21], [sflag:$0xC], $0x3000, $0x38;
	[tilespmem:$0x18100] =	vst v63  }
0x95: {  	_ =	swait.ge [sflag:s18], $0x3000  }
0x96: {  	[sflag:s18] =	ssyncset.done $0x0  }
0x97: {  	[sflag:s18] =	ssyncadd.s32 $0xFFFFD000  }
0x98: {  	_ =	swait.ge [sflag:s31], $0x3000  }
0x99: {  	[sflag:s31] =	ssyncset.done $0x0  }
0x9a: {  	s11 =	simm.s32 $0x600;
	[sflag:s31] =	ssyncadd.s32 $0xFFFFD000  }
0x9b: {  	[tilespmem:s19], [sflag:$0x5] =	stream.indirect.gather [hbm4b:s3+s13], $0x80, s11, s13, $0xb8;
	[tilespmem:$0x18100] =	vst v63  }
0x9c: {  	s5 =	sadd.s32 $0x4800, s4  }
0x9d: {  	[hbm4b:s5+s2] =	stream.linear.scatter [tilespmem:s14], [sflag:$0x7], $0x3000, $0x38;
	[tilespmem:$0x18100] =	vst v63  }
0x9e: {  	_ =	swait.ge [sflag:s20], $0x3000  }
0x9f: {  	[sflag:s20] =	ssyncset.done $0x0  }
0xa0: {  	[sflag:s20] =	ssyncadd.s32 $0xFFFFD000  }
0xa1: {  	_ =	swait.ge [sflag:s1], $0x3000  }
0xa2: {  	[sflag:s1] =	ssyncset.done $0x0  }
0xa3: {  	s6 =	simm.s32 $0x660;
	[sflag:s1] =	ssyncadd.s32 $0xFFFFD000  }
0xa4: {  	[tilespmem:s21], [sflag:$0x6] =	stream.indirect.gather [hbm4b:s3+s13], $0x80, s6, s13, $0xb8;
	[tilespmem:$0x18100] =	vst v63  }
0xa5: {  	s10 =	sadd.s32 $0x4E00, s4  }
0xa6: {  	[hbm4b:s10+s2] =	stream.linear.scatter [tilespmem:s15], [sflag:$0x8], $0x3000, $0x38;
	[tilespmem:$0x18100] =	vst v63  }
0xa7: {  	_ =	swait.ge [sflag:s22], $0x3000  }
0xa8: {  	[sflag:s22] =	ssyncset.done $0x0  }
0xa9: {  	[sflag:s22] =	ssyncadd.s32 $0xFFFFD000  }
0xaa: {  	_ =	swait.ge [sflag:s23], $0x3000  }
0xab: {  	[sflag:s23] =	ssyncset.done $0x0  }
0xac: {  	s11 =	simm.s32 $0x6C0;
	[sflag:s23] =	ssyncadd.s32 $0xFFFFD000  }
0xad: {  	[tilespmem:s14], [sflag:$0x1] =	stream.indirect.gather [hbm4b:s3+s13], $0x80, s11, s13, $0xb8;
	[tilespmem:$0x18100] =	vst v63  }
0xae: {  	s5 =	sadd.s32 $0x5400, s4  }
0xaf: {  	[hbm4b:s5+s2] =	stream.linear.scatter [tilespmem:s16], [sflag:$0x9], $0x3000, $0x38;
	[tilespmem:$0x18100] =	vst v63  }
0xb0: {  	_ =	swait.ge [sflag:s24], $0x3000  }
0xb1: {  	[sflag:s24] =	ssyncset.done $0x0  }
0xb2: {  	s6 =	sadd.s32 $0x5A00, s4;
	[sflag:s24] =	ssyncadd.s32 $0xFFFFD000  }
0xb3: {  	[hbm4b:s6+s2] =	stream.linear.scatter [tilespmem:s17], [sflag:$0xA], $0x3000, $0x38;
	[tilespmem:$0x18100] =	vst v63  }
0xb4: {  	_ =	swait.ge [sflag:s26], $0x3000  }
0xb5: {  	[sflag:s26] =	ssyncset.done $0x0  }
0xb6: {  	s10 =	sadd.s32 $0x6000, s4;
	[sflag:s26] =	ssyncadd.s32 $0xFFFFD000  }
0xb7: {  	[hbm4b:s10+s2] =	stream.linear.scatter [tilespmem:s19], [sflag:$0xB], $0x3000, $0x38;
	[tilespmem:$0x18100] =	vst v63  }
0xb8: {  	_ =	swait.ge [sflag:s29], $0x3000  }
0xb9: {  	[sflag:s29] =	ssyncset.done $0x0  }
0xba: {  	s11 =	sadd.s32 $0x6600, s4;
	[sflag:s29] =	ssyncadd.s32 $0xFFFFD000  }
0xbb: {  	[hbm4b:s11+s2] =	stream.linear.scatter [tilespmem:s21], [sflag:$0xC], $0x3000, $0x38;
	[tilespmem:$0x18100] =	vst v63  }
0xbc: {  	_ =	swait.ge [sflag:s18], $0x3000  }
0xbd: {  	[sflag:s18] =	ssyncset.done $0x0  }
0xbe: {  	s4 =	sadd.s32 $0x6C00, s4;
	[sflag:s18] =	ssyncadd.s32 $0xFFFFD000  }
0xbf: {  	[hbm4b:s4+s2] =	stream.linear.scatter [tilespmem:s14], [sflag:$0x7], $0x3000, $0x38;
	[tilespmem:$0x18100] =	vst v63  }
0xc0: {  	_ =	swait.ge [sflag:s25], $0x3000  }
0xc1: {  	[sflag:s25] =	ssyncset.done $0x0  }
0xc2: {  	[sflag:s25] =	ssyncadd.s32 $0xFFFFD000  }
0xc3: {  	_ =	swait.ge [sflag:s28], $0x3000  }
0xc4: {  	[sflag:s28] =	ssyncset.done $0x0  }
0xc5: {  	[sflag:s28] =	ssyncadd.s32 $0xFFFFD000  }
0xc6: {  	_ =	swait.ge [sflag:s30], $0x3000  }
0xc7: {  	[sflag:s30] =	ssyncset.done $0x0  }
0xc8: {  	[sflag:s30] =	ssyncadd.s32 $0xFFFFD000  }
0xc9: {  	_ =	swait.ge [sflag:s31], $0x3000  }
0xca: {  	[sflag:s31] =	ssyncset.done $0x0  }
0xcb: {  	[sflag:s31] =	ssyncadd.s32 $0xFFFFD000  }
0xcc: {  	_ =	swait.ge [sflag:s1], $0x3000  }
0xcd: {  	[sflag:s1] =	ssyncset.done $0x0  }
0xce: {  	[sflag:s1] =	ssyncadd.s32 $0xFFFFD000  }
0xcf: {  	s8 =	simm.s32 $0x7200;
	_ =	swait.ge [sflag:s23], $0x3000  }
0xd0: {  	s10 =	simm.s32 $0xE400;
	s11 =	simm.s32 $0xDE0;
	[sflag:s23] =	ssyncset.done $0x0  }
.LBB2_2:
0xd1: {  	s4 =	sadd.s32 $0xFFFFF940, s11;
	[sflag:s23] =	ssyncadd.s32 $0xFFFFD000  }
0xd2: {  	[tilespmem:s14], [sflag:$0x1] =	stream.indirect.gather [hbm4b:s3+s13], $0x80, s4, s13, $0xb8;
	[tilespmem:$0x18100] =	vst v63  }
0xd3: {  	s6 =	sadd.s32 $0xFFFFF9A0, s11  }
0xd4: {  	[tilespmem:s15], [sflag:$0x2] =	stream.indirect.gather [hbm4b:s3+s13], $0x80, s6, s13, $0xb8;
	[tilespmem:$0x18100] =	vst v63  }
0xd5: {  	s6 =	sadd.s32 $0xFFFFFA00, s11  }
0xd6: {  	[tilespmem:s16], [sflag:$0x3] =	stream.indirect.gather [hbm4b:s3+s13], $0x80, s6, s13, $0xb8;
	[tilespmem:$0x18100] =	vst v63  }
0xd7: {  	s6 =	sadd.s32 $0xFFFFFA60, s11  }
0xd8: {  	[tilespmem:s17], [sflag:$0x4] =	stream.indirect.gather [hbm4b:s3+s13], $0x80, s6, s13, $0xb8;
	[tilespmem:$0x18100] =	vst v63  }
0xd9: {  	_ =	swait.ge [sflag:s18], $0x3000  }
0xda: {  	[sflag:s18] =	ssyncset.done $0x0  }
0xdb: {  	s6 =	sadd.s32 $0xFFFFFAC0, s11;
	s4 =	rddreg [dreg:$0x4];
	[sflag:s18] =	ssyncadd.s32 $0xFFFFD000  }
0xdc: {  	[tilespmem:s19], [sflag:$0x5] =	stream.indirect.gather [hbm4b:s3+s13], $0x80, s6, s13, $0xb8;
	[tilespmem:$0x18100] =	vst v63  }
0xdd: {  	s4 =	sadd.s32 s8, s4  }
0xde: {  	[hbm4b:s4+s2] =	stream.linear.scatter [tilespmem:s14], [sflag:$0x7], $0x3000, $0x38;
	[tilespmem:$0x18100] =	vst v63  }
0xdf: {  	_ =	swait.ge [sflag:s20], $0x3000  }
0xe0: {  	[sflag:s20] =	ssyncset.done $0x0  }
0xe1: {  	s6 =	sadd.s32 $0xFFFFFB20, s11;
	[sflag:s20] =	ssyncadd.s32 $0xFFFFD000  }
0xe2: {  	[tilespmem:s21], [sflag:$0x6] =	stream.indirect.gather [hbm4b:s3+s13], $0x80, s6, s13, $0xb8;
	[tilespmem:$0x18100] =	vst v63  }
0xe3: {  	s6 =	sadd.s32 $0x600, s4  }
0xe4: {  	[hbm4b:s6+s2] =	stream.linear.scatter [tilespmem:s15], [sflag:$0x8], $0x3000, $0x38;
	[tilespmem:$0x18100] =	vst v63  }
0xe5: {  	_ =	swait.ge [sflag:s22], $0x3000  }
0xe6: {  	[sflag:s22] =	ssyncset.done $0x0  }
0xe7: {  	[sflag:s22] =	ssyncadd.s32 $0xFFFFD000  }
0xe8: {  	_ =	swait.ge [sflag:s23], $0x3000  }
0xe9: {  	[sflag:s23] =	ssyncset.done $0x0  }
0xea: {  	s6 =	sadd.s32 $0xFFFFFB80, s11;
	[sflag:s23] =	ssyncadd.s32 $0xFFFFD000  }
0xeb: {  	[tilespmem:s14], [sflag:$0x1] =	stream.indirect.gather [hbm4b:s3+s13], $0x80, s6, s13, $0xb8;
	[tilespmem:$0x18100] =	vst v63  }
0xec: {  	s6 =	sadd.s32 $0xC00, s4  }
0xed: {  	[hbm4b:s6+s2] =	stream.linear.scatter [tilespmem:s16], [sflag:$0x9], $0x3000, $0x38;
	[tilespmem:$0x18100] =	vst v63  }
0xee: {  	_ =	swait.ge [sflag:s24], $0x3000  }
0xef: {  	[sflag:s24] =	ssyncset.done $0x0  }
0xf0: {  	[sflag:s24] =	ssyncadd.s32 $0xFFFFD000  }
0xf1: {  	_ =	swait.ge [sflag:s25], $0x3000  }
0xf2: {  	[sflag:s25] =	ssyncset.done $0x0  }
0xf3: {  	s6 =	sadd.s32 $0xFFFFFBE0, s11;
	[sflag:s25] =	ssyncadd.s32 $0xFFFFD000  }
0xf4: {  	[tilespmem:s15], [sflag:$0x2] =	stream.indirect.gather [hbm4b:s3+s13], $0x80, s6, s13, $0xb8;
	[tilespmem:$0x18100] =	vst v63  }
0xf5: {  	s6 =	sadd.s32 $0x1200, s4  }
0xf6: {  	[hbm4b:s6+s2] =	stream.linear.scatter [tilespmem:s17], [sflag:$0xA], $0x3000, $0x38;
	[tilespmem:$0x18100] =	vst v63  }
0xf7: {  	_ =	swait.ge [sflag:s26], $0x3000  }
0xf8: {  	[sflag:s26] =	ssyncset.done $0x0  }
0xf9: {  	[sflag:s26] =	ssyncadd.s32 $0xFFFFD000  }
0xfa: {  	_ =	swait.ge [sflag:s28], $0x3000  }
0xfb: {  	[sflag:s28] =	ssyncset.done $0x0  }
0xfc: {  	s6 =	sadd.s32 $0xFFFFFC40, s11;
	[sflag:s28] =	ssyncadd.s32 $0xFFFFD000  }
0xfd: {  	[tilespmem:s16], [sflag:$0x3] =	stream.indirect.gather [hbm4b:s3+s13], $0x80, s6, s13, $0xb8;
	[tilespmem:$0x18100] =	vst v63  }
0xfe: {  	s6 =	sadd.s32 $0x1800, s4  }
0xff: {  	[hbm4b:s6+s2] =	stream.linear.scatter [tilespmem:s19], [sflag:$0xB], $0x3000, $0x38;
	[tilespmem:$0x18100] =	vst v63  }
0x100: {  	_ =	swait.ge [sflag:s29], $0x3000  }
0x101: {  	[sflag:s29] =	ssyncset.done $0x0  }
0x102: {  	[sflag:s29] =	ssyncadd.s32 $0xFFFFD000  }
0x103: {  	_ =	swait.ge [sflag:s30], $0x3000  }
0x104: {  	[sflag:s30] =	ssyncset.done $0x0  }
0x105: {  	s6 =	sadd.s32 $0xFFFFFCA0, s11;
	[sflag:s30] =	ssyncadd.s32 $0xFFFFD000  }
0x106: {  	[tilespmem:s17], [sflag:$0x4] =	stream.indirect.gather [hbm4b:s3+s13], $0x80, s6, s13, $0xb8;
	[tilespmem:$0x18100] =	vst v63  }
0x107: {  	s6 =	sadd.s32 $0x1E00, s4  }
0x108: {  	[hbm4b:s6+s2] =	stream.linear.scatter [tilespmem:s21], [sflag:$0xC], $0x3000, $0x38;
	[tilespmem:$0x18100] =	vst v63  }
0x109: {  	_ =	swait.ge [sflag:s18], $0x3000  }
0x10a: {  	[sflag:s18] =	ssyncset.done $0x0  }
0x10b: {  	[sflag:s18] =	ssyncadd.s32 $0xFFFFD000  }
0x10c: {  	_ =	swait.ge [sflag:s31], $0x3000  }
0x10d: {  	[sflag:s31] =	ssyncset.done $0x0  }
0x10e: {  	s6 =	sadd.s32 $0xFFFFFD00, s11;
	[sflag:s31] =	ssyncadd.s32 $0xFFFFD000  }
0x10f: {  	[tilespmem:s19], [sflag:$0x5] =	stream.indirect.gather [hbm4b:s3+s13], $0x80, s6, s13, $0xb8;
	[tilespmem:$0x18100] =	vst v63  }
0x110: {  	s6 =	sadd.s32 $0x2400, s4  }
0x111: {  	[hbm4b:s6+s2] =	stream.linear.scatter [tilespmem:s14], [sflag:$0x7], $0x3000, $0x38;
	[tilespmem:$0x18100] =	vst v63  }
0x112: {  	_ =	swait.ge [sflag:s20], $0x3000  }
0x113: {  	[sflag:s20] =	ssyncset.done $0x0  }
0x114: {  	[sflag:s20] =	ssyncadd.s32 $0xFFFFD000  }
0x115: {  	_ =	swait.ge [sflag:s1], $0x3000  }
0x116: {  	[sflag:s1] =	ssyncset.done $0x0  }
0x117: {  	s6 =	sadd.s32 $0xFFFFFD60, s11;
	[sflag:s1] =	ssyncadd.s32 $0xFFFFD000  }
0x118: {  	[tilespmem:s21], [sflag:$0x6] =	stream.indirect.gather [hbm4b:s3+s13], $0x80, s6, s13, $0xb8;
	[tilespmem:$0x18100] =	vst v63  }
0x119: {  	s6 =	sadd.s32 $0x2A00, s4  }
0x11a: {  	[hbm4b:s6+s2] =	stream.linear.scatter [tilespmem:s15], [sflag:$0x8], $0x3000, $0x38;
	[tilespmem:$0x18100] =	vst v63  }
0x11b: {  	_ =	swait.ge [sflag:s22], $0x3000  }
0x11c: {  	[sflag:s22] =	ssyncset.done $0x0  }
0x11d: {  	[sflag:s22] =	ssyncadd.s32 $0xFFFFD000  }
0x11e: {  	_ =	swait.ge [sflag:s23], $0x3000  }
0x11f: {  	[sflag:s23] =	ssyncset.done $0x0  }
0x120: {  	s6 =	sadd.s32 $0xFFFFFDC0, s11;
	[sflag:s23] =	ssyncadd.s32 $0xFFFFD000  }
0x121: {  	[tilespmem:s14], [sflag:$0x1] =	stream.indirect.gather [hbm4b:s3+s13], $0x80, s6, s13, $0xb8;
	[tilespmem:$0x18100] =	vst v63  }
0x122: {  	s6 =	sadd.s32 $0x3000, s4  }
0x123: {  	[hbm4b:s6+s2] =	stream.linear.scatter [tilespmem:s16], [sflag:$0x9], $0x3000, $0x38;
	[tilespmem:$0x18100] =	vst v63  }
0x124: {  	_ =	swait.ge [sflag:s24], $0x3000  }
0x125: {  	[sflag:s24] =	ssyncset.done $0x0  }
0x126: {  	[sflag:s24] =	ssyncadd.s32 $0xFFFFD000  }
0x127: {  	_ =	swait.ge [sflag:s25], $0x3000  }
0x128: {  	[sflag:s25] =	ssyncset.done $0x0  }
0x129: {  	s6 =	sadd.s32 $0xFFFFFE20, s11;
	[sflag:s25] =	ssyncadd.s32 $0xFFFFD000  }
0x12a: {  	[tilespmem:s15], [sflag:$0x2] =	stream.indirect.gather [hbm4b:s3+s13], $0x80, s6, s13, $0xb8;
	[tilespmem:$0x18100] =	vst v63  }
0x12b: {  	s6 =	sadd.s32 $0x3600, s4  }
0x12c: {  	[hbm4b:s6+s2] =	stream.linear.scatter [tilespmem:s17], [sflag:$0xA], $0x3000, $0x38;
	[tilespmem:$0x18100] =	vst v63  }
0x12d: {  	_ =	swait.ge [sflag:s26], $0x3000  }
0x12e: {  	[sflag:s26] =	ssyncset.done $0x0  }
0x12f: {  	[sflag:s26] =	ssyncadd.s32 $0xFFFFD000  }
0x130: {  	_ =	swait.ge [sflag:s28], $0x3000  }
0x131: {  	[sflag:s28] =	ssyncset.done $0x0  }
0x132: {  	s6 =	sadd.s32 $0xFFFFFE80, s11;
	[sflag:s28] =	ssyncadd.s32 $0xFFFFD000  }
0x133: {  	[tilespmem:s16], [sflag:$0x3] =	stream.indirect.gather [hbm4b:s3+s13], $0x80, s6, s13, $0xb8;
	[tilespmem:$0x18100] =	vst v63  }
0x134: {  	s6 =	sadd.s32 $0x3C00, s4  }
0x135: {  	[hbm4b:s6+s2] =	stream.linear.scatter [tilespmem:s19], [sflag:$0xB], $0x3000, $0x38;
	[tilespmem:$0x18100] =	vst v63  }
0x136: {  	_ =	swait.ge [sflag:s29], $0x3000  }
0x137: {  	[sflag:s29] =	ssyncset.done $0x0  }
0x138: {  	[sflag:s29] =	ssyncadd.s32 $0xFFFFD000  }
0x139: {  	_ =	swait.ge [sflag:s30], $0x3000  }
0x13a: {  	[sflag:s30] =	ssyncset.done $0x0  }
0x13b: {  	s6 =	sadd.s32 $0xFFFFFEE0, s11;
	[sflag:s30] =	ssyncadd.s32 $0xFFFFD000  }
0x13c: {  	[tilespmem:s17], [sflag:$0x4] =	stream.indirect.gather [hbm4b:s3+s13], $0x80, s6, s13, $0xb8;
	[tilespmem:$0x18100] =	vst v63  }
0x13d: {  	s6 =	sadd.s32 $0x4200, s4  }
0x13e: {  	[hbm4b:s6+s2] =	stream.linear.scatter [tilespmem:s21], [sflag:$0xC], $0x3000, $0x38;
	[tilespmem:$0x18100] =	vst v63  }
0x13f: {  	_ =	swait.ge [sflag:s18], $0x3000  }
0x140: {  	[sflag:s18] =	ssyncset.done $0x0  }
0x141: {  	[sflag:s18] =	ssyncadd.s32 $0xFFFFD000  }
0x142: {  	_ =	swait.ge [sflag:s31], $0x3000  }
0x143: {  	[sflag:s31] =	ssyncset.done $0x0  }
0x144: {  	s6 =	sadd.s32 $0xFFFFFF40, s11;
	[sflag:s31] =	ssyncadd.s32 $0xFFFFD000  }
0x145: {  	[tilespmem:s19], [sflag:$0x5] =	stream.indirect.gather [hbm4b:s3+s13], $0x80, s6, s13, $0xb8;
	[tilespmem:$0x18100] =	vst v63  }
0x146: {  	s6 =	sadd.s32 $0x4800, s4  }
0x147: {  	[hbm4b:s6+s2] =	stream.linear.scatter [tilespmem:s14], [sflag:$0x7], $0x3000, $0x38;
	[tilespmem:$0x18100] =	vst v63  }
0x148: {  	_ =	swait.ge [sflag:s20], $0x3000  }
0x149: {  	[sflag:s20] =	ssyncset.done $0x0  }
0x14a: {  	[sflag:s20] =	ssyncadd.s32 $0xFFFFD000  }
0x14b: {  	_ =	swait.ge [sflag:s1], $0x3000  }
0x14c: {  	[sflag:s1] =	ssyncset.done $0x0  }
0x14d: {  	s6 =	sadd.s32 $0xFFFFFFA0, s11;
	[sflag:s1] =	ssyncadd.s32 $0xFFFFD000  }
0x14e: {  	[tilespmem:s21], [sflag:$0x6] =	stream.indirect.gather [hbm4b:s3+s13], $0x80, s6, s13, $0xb8;
	[tilespmem:$0x18100] =	vst v63  }
0x14f: {  	s6 =	sadd.s32 $0x4E00, s4  }
0x150: {  	[hbm4b:s6+s2] =	stream.linear.scatter [tilespmem:s15], [sflag:$0x8], $0x3000, $0x38;
	[tilespmem:$0x18100] =	vst v63  }
0x151: {  	_ =	swait.ge [sflag:s22], $0x3000  }
0x152: {  	[sflag:s22] =	ssyncset.done $0x0  }
0x153: {  	[sflag:s22] =	ssyncadd.s32 $0xFFFFD000  }
0x154: {  	_ =	swait.ge [sflag:s23], $0x3000  }
0x155: {  	[sflag:s23] =	ssyncset.done $0x0  }
0x156: {  	[sflag:s23] =	ssyncadd.s32 $0xFFFFD000  }
0x157: {  	[tilespmem:s14], [sflag:$0x1] =	stream.indirect.gather [hbm4b:s3+s13], $0x80, s11, s13, $0xb8;
	[tilespmem:$0x18100] =	vst v63  }
0x158: {  	s6 =	sadd.s32 $0x5400, s4  }
0x159: {  	[hbm4b:s6+s2] =	stream.linear.scatter [tilespmem:s16], [sflag:$0x9], $0x3000, $0x38;
	[tilespmem:$0x18100] =	vst v63  }
0x15a: {  	_ =	swait.ge [sflag:s24], $0x3000  }
0x15b: {  	[sflag:s24] =	ssyncset.done $0x0  }
0x15c: {  	s6 =	sadd.s32 $0x5A00, s4;
	[sflag:s24] =	ssyncadd.s32 $0xFFFFD000  }
0x15d: {  	[hbm4b:s6+s2] =	stream.linear.scatter [tilespmem:s17], [sflag:$0xA], $0x3000, $0x38;
	[tilespmem:$0x18100] =	vst v63  }
0x15e: {  	_ =	swait.ge [sflag:s26], $0x3000  }
0x15f: {  	[sflag:s26] =	ssyncset.done $0x0  }
0x160: {  	s6 =	sadd.s32 $0x6000, s4;
	[sflag:s26] =	ssyncadd.s32 $0xFFFFD000  }
0x161: {  	[hbm4b:s6+s2] =	stream.linear.scatter [tilespmem:s19], [sflag:$0xB], $0x3000, $0x38;
	[tilespmem:$0x18100] =	vst v63  }
0x162: {  	_ =	swait.ge [sflag:s29], $0x3000  }
0x163: {  	[sflag:s29] =	ssyncset.done $0x0  }
0x164: {  	s6 =	sadd.s32 $0x6600, s4;
	[sflag:s29] =	ssyncadd.s32 $0xFFFFD000  }
0x165: {  	[hbm4b:s6+s2] =	stream.linear.scatter [tilespmem:s21], [sflag:$0xC], $0x3000, $0x38;
	[tilespmem:$0x18100] =	vst v63  }
0x166: {  	_ =	swait.ge [sflag:s18], $0x3000  }
0x167: {  	[sflag:s18] =	ssyncset.done $0x0  }
0x168: {  	s4 =	sadd.s32 $0x6C00, s4;
	[sflag:s18] =	ssyncadd.s32 $0xFFFFD000  }
0x169: {  	[hbm4b:s4+s2] =	stream.linear.scatter [tilespmem:s14], [sflag:$0x7], $0x3000, $0x38;
	[tilespmem:$0x18100] =	vst v63  }
0x16a: {  	_ =	swait.ge [sflag:s25], $0x3000  }
0x16b: {  	[sflag:s25] =	ssyncset.done $0x0  }
0x16c: {  	[sflag:s25] =	ssyncadd.s32 $0xFFFFD000  }
0x16d: {  	_ =	swait.ge [sflag:s28], $0x3000  }
0x16e: {  	[sflag:s28] =	ssyncset.done $0x0  }
0x16f: {  	[sflag:s28] =	ssyncadd.s32 $0xFFFFD000  }
0x170: {  	_ =	swait.ge [sflag:s30], $0x3000  }
0x171: {  	[sflag:s30] =	ssyncset.done $0x0  }
0x172: {  	[sflag:s30] =	ssyncadd.s32 $0xFFFFD000  }
0x173: {  	_ =	swait.ge [sflag:s31], $0x3000  }
0x174: {  	[sflag:s31] =	ssyncset.done $0x0  }
0x175: {  	p0 =	sne.s32 s10, $0x39000;
	[sflag:s31] =	ssyncadd.s32 $0xFFFFD000  }
.Ltmp0:
0x176: {  	_ =	swait.ge [sflag:s1], $0x3000;
	(pc) =	sbr.rel @p0 .LBB2_2-.Ltmp0, $4  }
0x177: {  	[sflag:s1] =	ssyncset.done $0x0  }
0x178: {  	[sflag:s1] =	ssyncadd.s32 $0xFFFFD000  }
0x179: {  	s5 =	smov.u32 s10;
	s10 =	sadd.s32 $0x7200, s10;
	_ =	swait.ge [sflag:s23], $0x3000  }
0x17a: {  	s8 =	smov.u32 s5;
	s11 =	sadd.s32 $0x720, s11;
	[sflag:s23] =	ssyncset.done $0x0  }
0x17b: {  	s4 =	sadd.s32 $0xFFFFF940, s11;
	[sflag:s23] =	ssyncadd.s32 $0xFFFFD000  }
0x17c: {  	[tilespmem:s14], [sflag:$0x1] =	stream.indirect.gather [hbm4b:s3+s13], $0x80, s4, s13, $0xb8;
	[tilespmem:$0x18100] =	vst v63  }
0x17d: {  	s6 =	sadd.s32 $0xFFFFF9A0, s11  }
0x17e: {  	[tilespmem:s15], [sflag:$0x2] =	stream.indirect.gather [hbm4b:s3+s13], $0x80, s6, s13, $0xb8;
	[tilespmem:$0x18100] =	vst v63  }
0x17f: {  	s10 =	sadd.s32 $0xFFFFFA00, s11  }
0x180: {  	[tilespmem:s16], [sflag:$0x3] =	stream.indirect.gather [hbm4b:s3+s13], $0x80, s10, s13, $0xb8;
	[tilespmem:$0x18100] =	vst v63  }
0x181: {  	s5 =	sadd.s32 $0xFFFFFA60, s11  }
0x182: {  	[tilespmem:s17], [sflag:$0x4] =	stream.indirect.gather [hbm4b:s3+s13], $0x80, s5, s13, $0xb8;
	[tilespmem:$0x18100] =	vst v63  }
0x183: {  	_ =	swait.ge [sflag:s18], $0x3000  }
0x184: {  	[sflag:s18] =	ssyncset.done $0x0  }
0x185: {  	s5 =	sadd.s32 $0xFFFFFAC0, s11;
	s6 =	rddreg [dreg:$0x4];
	[sflag:s18] =	ssyncadd.s32 $0xFFFFD000  }
0x186: {  	[tilespmem:s19], [sflag:$0x5] =	stream.indirect.gather [hbm4b:s3+s13], $0x80, s5, s13, $0xb8;
	[tilespmem:$0x18100] =	vst v63  }
0x187: {  	s4 =	sadd.s32 s8, s6  }
0x188: {  	[hbm4b:s4+s2] =	stream.linear.scatter [tilespmem:s14], [sflag:$0x7], $0x3000, $0x38;
	[tilespmem:$0x18100] =	vst v63  }
0x189: {  	_ =	swait.ge [sflag:s20], $0x3000  }
0x18a: {  	[sflag:s20] =	ssyncset.done $0x0  }
0x18b: {  	s8 =	sadd.s32 $0xFFFFFB20, s11;
	[sflag:s20] =	ssyncadd.s32 $0xFFFFD000  }
0x18c: {  	[tilespmem:s21], [sflag:$0x6] =	stream.indirect.gather [hbm4b:s3+s13], $0x80, s8, s13, $0xb8;
	[tilespmem:$0x18100] =	vst v63  }
0x18d: {  	s10 =	sadd.s32 $0x600, s4  }
0x18e: {  	[hbm4b:s10+s2] =	stream.linear.scatter [tilespmem:s15], [sflag:$0x8], $0x3000, $0x38;
	[tilespmem:$0x18100] =	vst v63  }
0x18f: {  	_ =	swait.ge [sflag:s22], $0x3000  }
0x190: {  	[sflag:s22] =	ssyncset.done $0x0  }
0x191: {  	[sflag:s22] =	ssyncadd.s32 $0xFFFFD000  }
0x192: {  	_ =	swait.ge [sflag:s23], $0x3000  }
0x193: {  	[sflag:s23] =	ssyncset.done $0x0  }
0x194: {  	s6 =	sadd.s32 $0xFFFFFB80, s11;
	[sflag:s23] =	ssyncadd.s32 $0xFFFFD000  }
0x195: {  	[tilespmem:s14], [sflag:$0x1] =	stream.indirect.gather [hbm4b:s3+s13], $0x80, s6, s13, $0xb8;
	[tilespmem:$0x18100] =	vst v63  }
0x196: {  	s8 =	sadd.s32 $0xC00, s4  }
0x197: {  	[hbm4b:s8+s2] =	stream.linear.scatter [tilespmem:s16], [sflag:$0x9], $0x3000, $0x38;
	[tilespmem:$0x18100] =	vst v63  }
0x198: {  	_ =	swait.ge [sflag:s24], $0x3000  }
0x199: {  	[sflag:s24] =	ssyncset.done $0x0  }
0x19a: {  	[sflag:s24] =	ssyncadd.s32 $0xFFFFD000  }
0x19b: {  	_ =	swait.ge [sflag:s25], $0x3000  }
0x19c: {  	[sflag:s25] =	ssyncset.done $0x0  }
0x19d: {  	s10 =	sadd.s32 $0xFFFFFBE0, s11;
	[sflag:s25] =	ssyncadd.s32 $0xFFFFD000  }
0x19e: {  	[tilespmem:s15], [sflag:$0x2] =	stream.indirect.gather [hbm4b:s3+s13], $0x80, s10, s13, $0xb8;
	[tilespmem:$0x18100] =	vst v63  }
0x19f: {  	s6 =	sadd.s32 $0x1200, s4  }
0x1a0: {  	[hbm4b:s6+s2] =	stream.linear.scatter [tilespmem:s17], [sflag:$0xA], $0x3000, $0x38;
	[tilespmem:$0x18100] =	vst v63  }
0x1a1: {  	_ =	swait.ge [sflag:s26], $0x3000  }
0x1a2: {  	[sflag:s26] =	ssyncset.done $0x0  }
0x1a3: {  	[sflag:s26] =	ssyncadd.s32 $0xFFFFD000  }
0x1a4: {  	_ =	swait.ge [sflag:s28], $0x3000  }
0x1a5: {  	[sflag:s28] =	ssyncset.done $0x0  }
0x1a6: {  	s8 =	sadd.s32 $0xFFFFFC40, s11;
	[sflag:s28] =	ssyncadd.s32 $0xFFFFD000  }
0x1a7: {  	[tilespmem:s16], [sflag:$0x3] =	stream.indirect.gather [hbm4b:s3+s13], $0x80, s8, s13, $0xb8;
	[tilespmem:$0x18100] =	vst v63  }
0x1a8: {  	s10 =	sadd.s32 $0x1800, s4  }
0x1a9: {  	[hbm4b:s10+s2] =	stream.linear.scatter [tilespmem:s19], [sflag:$0xB], $0x3000, $0x38;
	[tilespmem:$0x18100] =	vst v63  }
0x1aa: {  	_ =	swait.ge [sflag:s29], $0x3000  }
0x1ab: {  	[sflag:s29] =	ssyncset.done $0x0  }
0x1ac: {  	[sflag:s29] =	ssyncadd.s32 $0xFFFFD000  }
0x1ad: {  	_ =	swait.ge [sflag:s30], $0x3000  }
0x1ae: {  	[sflag:s30] =	ssyncset.done $0x0  }
0x1af: {  	s6 =	sadd.s32 $0xFFFFFCA0, s11;
	[sflag:s30] =	ssyncadd.s32 $0xFFFFD000  }
0x1b0: {  	[tilespmem:s17], [sflag:$0x4] =	stream.indirect.gather [hbm4b:s3+s13], $0x80, s6, s13, $0xb8;
	[tilespmem:$0x18100] =	vst v63  }
0x1b1: {  	s8 =	sadd.s32 $0x1E00, s4  }
0x1b2: {  	[hbm4b:s8+s2] =	stream.linear.scatter [tilespmem:s21], [sflag:$0xC], $0x3000, $0x38;
	[tilespmem:$0x18100] =	vst v63  }
0x1b3: {  	_ =	swait.ge [sflag:s18], $0x3000  }
0x1b4: {  	[sflag:s18] =	ssyncset.done $0x0  }
0x1b5: {  	[sflag:s18] =	ssyncadd.s32 $0xFFFFD000  }
0x1b6: {  	_ =	swait.ge [sflag:s31], $0x3000  }
0x1b7: {  	[sflag:s31] =	ssyncset.done $0x0  }
0x1b8: {  	s10 =	sadd.s32 $0xFFFFFD00, s11;
	[sflag:s31] =	ssyncadd.s32 $0xFFFFD000  }
0x1b9: {  	[tilespmem:s19], [sflag:$0x5] =	stream.indirect.gather [hbm4b:s3+s13], $0x80, s10, s13, $0xb8;
	[tilespmem:$0x18100] =	vst v63  }
0x1ba: {  	s6 =	sadd.s32 $0x2400, s4  }
0x1bb: {  	[hbm4b:s6+s2] =	stream.linear.scatter [tilespmem:s14], [sflag:$0x7], $0x3000, $0x38;
	[tilespmem:$0x18100] =	vst v63  }
0x1bc: {  	_ =	swait.ge [sflag:s20], $0x3000  }
0x1bd: {  	[sflag:s20] =	ssyncset.done $0x0  }
0x1be: {  	[sflag:s20] =	ssyncadd.s32 $0xFFFFD000  }
0x1bf: {  	_ =	swait.ge [sflag:s1], $0x3000  }
0x1c0: {  	[sflag:s1] =	ssyncset.done $0x0  }
0x1c1: {  	s8 =	sadd.s32 $0xFFFFFD60, s11;
	[sflag:s1] =	ssyncadd.s32 $0xFFFFD000  }
0x1c2: {  	[tilespmem:s21], [sflag:$0x6] =	stream.indirect.gather [hbm4b:s3+s13], $0x80, s8, s13, $0xb8;
	[tilespmem:$0x18100] =	vst v63  }
0x1c3: {  	s10 =	sadd.s32 $0x2A00, s4  }
0x1c4: {  	[hbm4b:s10+s2] =	stream.linear.scatter [tilespmem:s15], [sflag:$0x8], $0x3000, $0x38;
	[tilespmem:$0x18100] =	vst v63  }
0x1c5: {  	_ =	swait.ge [sflag:s22], $0x3000  }
0x1c6: {  	[sflag:s22] =	ssyncset.done $0x0  }
0x1c7: {  	[sflag:s22] =	ssyncadd.s32 $0xFFFFD000  }
0x1c8: {  	_ =	swait.ge [sflag:s23], $0x3000  }
0x1c9: {  	[sflag:s23] =	ssyncset.done $0x0  }
0x1ca: {  	s6 =	sadd.s32 $0xFFFFFDC0, s11;
	[sflag:s23] =	ssyncadd.s32 $0xFFFFD000  }
0x1cb: {  	[tilespmem:s14], [sflag:$0x1] =	stream.indirect.gather [hbm4b:s3+s13], $0x80, s6, s13, $0xb8;
	[tilespmem:$0x18100] =	vst v63  }
0x1cc: {  	s8 =	sadd.s32 $0x3000, s4  }
0x1cd: {  	[hbm4b:s8+s2] =	stream.linear.scatter [tilespmem:s16], [sflag:$0x9], $0x3000, $0x38;
	[tilespmem:$0x18100] =	vst v63  }
0x1ce: {  	_ =	swait.ge [sflag:s24], $0x3000  }
0x1cf: {  	[sflag:s24] =	ssyncset.done $0x0  }
0x1d0: {  	[sflag:s24] =	ssyncadd.s32 $0xFFFFD000  }
0x1d1: {  	_ =	swait.ge [sflag:s25], $0x3000  }
0x1d2: {  	[sflag:s25] =	ssyncset.done $0x0  }
0x1d3: {  	s10 =	sadd.s32 $0xFFFFFE20, s11;
	[sflag:s25] =	ssyncadd.s32 $0xFFFFD000  }
0x1d4: {  	[tilespmem:s15], [sflag:$0x2] =	stream.indirect.gather [hbm4b:s3+s13], $0x80, s10, s13, $0xb8;
	[tilespmem:$0x18100] =	vst v63  }
0x1d5: {  	s6 =	sadd.s32 $0x3600, s4  }
0x1d6: {  	[hbm4b:s6+s2] =	stream.linear.scatter [tilespmem:s17], [sflag:$0xA], $0x3000, $0x38;
	[tilespmem:$0x18100] =	vst v63  }
0x1d7: {  	_ =	swait.ge [sflag:s26], $0x3000  }
0x1d8: {  	[sflag:s26] =	ssyncset.done $0x0  }
0x1d9: {  	[sflag:s26] =	ssyncadd.s32 $0xFFFFD000  }
0x1da: {  	_ =	swait.ge [sflag:s28], $0x3000  }
0x1db: {  	[sflag:s28] =	ssyncset.done $0x0  }
0x1dc: {  	s8 =	sadd.s32 $0xFFFFFE80, s11;
	[sflag:s28] =	ssyncadd.s32 $0xFFFFD000  }
0x1dd: {  	[tilespmem:s16], [sflag:$0x3] =	stream.indirect.gather [hbm4b:s3+s13], $0x80, s8, s13, $0xb8;
	[tilespmem:$0x18100] =	vst v63  }
0x1de: {  	s10 =	sadd.s32 $0x3C00, s4  }
0x1df: {  	[hbm4b:s10+s2] =	stream.linear.scatter [tilespmem:s19], [sflag:$0xB], $0x3000, $0x38;
	[tilespmem:$0x18100] =	vst v63  }
0x1e0: {  	_ =	swait.ge [sflag:s29], $0x3000  }
0x1e1: {  	[sflag:s29] =	ssyncset.done $0x0  }
0x1e2: {  	[sflag:s29] =	ssyncadd.s32 $0xFFFFD000  }
0x1e3: {  	_ =	swait.ge [sflag:s30], $0x3000  }
0x1e4: {  	[sflag:s30] =	ssyncset.done $0x0  }
0x1e5: {  	s6 =	sadd.s32 $0xFFFFFEE0, s11;
	[sflag:s30] =	ssyncadd.s32 $0xFFFFD000  }
0x1e6: {  	[tilespmem:s17], [sflag:$0x4] =	stream.indirect.gather [hbm4b:s3+s13], $0x80, s6, s13, $0xb8;
	[tilespmem:$0x18100] =	vst v63  }
0x1e7: {  	s8 =	sadd.s32 $0x4200, s4  }
0x1e8: {  	[hbm4b:s8+s2] =	stream.linear.scatter [tilespmem:s21], [sflag:$0xC], $0x3000, $0x38;
	[tilespmem:$0x18100] =	vst v63  }
0x1e9: {  	_ =	swait.ge [sflag:s18], $0x3000  }
0x1ea: {  	[sflag:s18] =	ssyncset.done $0x0  }
0x1eb: {  	[sflag:s18] =	ssyncadd.s32 $0xFFFFD000  }
0x1ec: {  	_ =	swait.ge [sflag:s31], $0x3000  }
0x1ed: {  	[sflag:s31] =	ssyncset.done $0x0  }
0x1ee: {  	s10 =	sadd.s32 $0xFFFFFF40, s11;
	[sflag:s31] =	ssyncadd.s32 $0xFFFFD000  }
0x1ef: {  	[tilespmem:s19], [sflag:$0x5] =	stream.indirect.gather [hbm4b:s3+s13], $0x80, s10, s13, $0xb8;
	[tilespmem:$0x18100] =	vst v63  }
0x1f0: {  	s6 =	sadd.s32 $0x4800, s4  }
0x1f1: {  	[hbm4b:s6+s2] =	stream.linear.scatter [tilespmem:s14], [sflag:$0x7], $0x3000, $0x38;
	[tilespmem:$0x18100] =	vst v63  }
0x1f2: {  	_ =	swait.ge [sflag:s20], $0x3000  }
0x1f3: {  	[sflag:s20] =	ssyncset.done $0x0  }
0x1f4: {  	[sflag:s20] =	ssyncadd.s32 $0xFFFFD000  }
0x1f5: {  	_ =	swait.ge [sflag:s1], $0x3000  }
0x1f6: {  	[sflag:s1] =	ssyncset.done $0x0  }
0x1f7: {  	s8 =	sadd.s32 $0xFFFFFFA0, s11;
	[sflag:s1] =	ssyncadd.s32 $0xFFFFD000  }
0x1f8: {  	[tilespmem:s21], [sflag:$0x6] =	stream.indirect.gather [hbm4b:s3+s13], $0x80, s8, s13, $0xb8;
	[tilespmem:$0x18100] =	vst v63  }
0x1f9: {  	s10 =	sadd.s32 $0x4E00, s4  }
0x1fa: {  	[hbm4b:s10+s2] =	stream.linear.scatter [tilespmem:s15], [sflag:$0x8], $0x3000, $0x38;
	[tilespmem:$0x18100] =	vst v63  }
0x1fb: {  	_ =	swait.ge [sflag:s22], $0x3000  }
0x1fc: {  	[sflag:s22] =	ssyncset.done $0x0  }
0x1fd: {  	[sflag:s22] =	ssyncadd.s32 $0xFFFFD000  }
0x1fe: {  	_ =	swait.ge [sflag:s23], $0x3000  }
0x1ff: {  	[sflag:s23] =	ssyncset.done $0x0  }
0x200: {  	[sflag:s23] =	ssyncadd.s32 $0xFFFFD000  }
0x201: {  	[tilespmem:s14], [sflag:$0x1] =	stream.indirect.gather [hbm4b:s3+s13], $0x80, s11, s13, $0xb8;
	[tilespmem:$0x18100] =	vst v63  }
0x202: {  	s6 =	sadd.s32 $0x5400, s4  }
0x203: {  	[hbm4b:s6+s2] =	stream.linear.scatter [tilespmem:s16], [sflag:$0x9], $0x3000, $0x38;
	[tilespmem:$0x18100] =	vst v63  }
0x204: {  	_ =	swait.ge [sflag:s24], $0x3000  }
0x205: {  	[sflag:s24] =	ssyncset.done $0x0  }
0x206: {  	s8 =	sadd.s32 $0x5A00, s4;
	[sflag:s24] =	ssyncadd.s32 $0xFFFFD000  }
0x207: {  	[hbm4b:s8+s2] =	stream.linear.scatter [tilespmem:s17], [sflag:$0xA], $0x3000, $0x38;
	[tilespmem:$0x18100] =	vst v63  }
0x208: {  	_ =	swait.ge [sflag:s26], $0x3000  }
0x209: {  	[sflag:s26] =	ssyncset.done $0x0  }
0x20a: {  	s10 =	sadd.s32 $0x6000, s4;
	[sflag:s26] =	ssyncadd.s32 $0xFFFFD000  }
0x20b: {  	[hbm4b:s10+s2] =	stream.linear.scatter [tilespmem:s19], [sflag:$0xB], $0x3000, $0x38;
	[tilespmem:$0x18100] =	vst v63  }
0x20c: {  	_ =	swait.ge [sflag:s29], $0x3000  }
0x20d: {  	[sflag:s29] =	ssyncset.done $0x0  }
0x20e: {  	s11 =	sadd.s32 $0x6600, s4;
	[sflag:s29] =	ssyncadd.s32 $0xFFFFD000  }
0x20f: {  	[hbm4b:s11+s2] =	stream.linear.scatter [tilespmem:s21], [sflag:$0xC], $0x3000, $0x38;
	[tilespmem:$0x18100] =	vst v63  }
0x210: {  	_ =	swait.ge [sflag:s18], $0x3000  }
0x211: {  	[sflag:s18] =	ssyncset.done $0x0  }
0x212: {  	s4 =	sadd.s32 $0x6C00, s4;
	[sflag:s18] =	ssyncadd.s32 $0xFFFFD000  }
0x213: {  	[hbm4b:s4+s2] =	stream.linear.scatter [tilespmem:s14], [sflag:$0x7], $0x3000, $0x38;
	[tilespmem:$0x18100] =	vst v63  }
0x214: {  	_ =	swait.ge [sflag:s25], $0x3000  }
0x215: {  	[sflag:s25] =	ssyncset.done $0x0  }
0x216: {  	[sflag:s25] =	ssyncadd.s32 $0xFFFFD000  }
0x217: {  	_ =	swait.ge [sflag:s28], $0x3000  }
0x218: {  	[sflag:s28] =	ssyncset.done $0x0  }
0x219: {  	[sflag:s28] =	ssyncadd.s32 $0xFFFFD000  }
0x21a: {  	_ =	swait.ge [sflag:s30], $0x3000  }
0x21b: {  	[sflag:s30] =	ssyncset.done $0x0  }
0x21c: {  	[sflag:s30] =	ssyncadd.s32 $0xFFFFD000  }
0x21d: {  	_ =	swait.ge [sflag:s31], $0x3000  }
0x21e: {  	[sflag:s31] =	ssyncset.done $0x0  }
0x21f: {  	s0 =	sadd.s32 $0x1, s0;
	[sflag:s31] =	ssyncadd.s32 $0xFFFFD000  }
0x220: {  	p0 =	sne.s32 s0, s7;
	_ =	swait.ge [sflag:s1], $0x3000  }
.Ltmp1:
0x221: {  	[sflag:s1] =	ssyncset.done $0x0;
	(pc) =	sbr.rel @p0 .LBB2_1-.Ltmp1, $4  }
0x222: {  	[sflag:s1] =	ssyncadd.s32 $0xFFFFD000  }
0x223: {  	_ =	swait.ge [sflag:s23], $0x3000  }
0x224: {  	[sflag:s23] =	ssyncset.done $0x0  }
0x225: {  	[sflag:s23] =	ssyncadd.s32 $0xFFFFD000  }
0x226: {  	_ =	sfence.sel $0x180000  }
0x227: {  	[bflag:$0x0] =	sbarrier.arrive $0xFFFF  }
0x228: {  	_ =	strace $0x9000004A  }
0x229: {  	s0 =	stileid.u32;
	[bflag:$0x2] =	sbarrier.arrive $0xFFFF  }
0x22a: {  	p0 =	sne.s32 s0, $0x0;
	s0 =	rddreg [dreg:$0x3]  }
0x22b: {  	s0 =	sadd.s32 @!p0 $0x100000, s0  }
0x22c: {  	[sflag:s0] =	ssyncadd.tile.s32 @!p0 $0x1;
	_ =	shalt  }
.Lfunc_end2:
_tile_overlayer_lowered:
.L_overlay_start_2:
0x22d: {  	(tag) =	ssettag $0x2  }
0x22e: {  	s0 =	rddreg [dreg:$0x0];
	s2 =	stileid.u32  }
0x22f: {  	s1 =	rddreg [dreg:$0x1];
	p0 =	sne.s32 s2, $0x0  }
0x230: {  	s3 =	rddreg [dreg:$0x2];
	[bflag:$0x3] =	sbarrier.arrive $0xFFFF;
	s2 =	simm.s32 @!p0 $0x1C0E  }
0x231: {  	[timem:s3], [sflag:s2] =	dma.local @!p0 [hbm:s0], s1  }
0x232: {  	s0 =	simm.s32 @!p0 $0xE  }
0x233: {  	_ =	swait.ge @!p0 [sflag:s0], s1  }
0x234: {  	s1 =	ssub.s32 @!p0 $0x0, s1;
	[sflag:s0] =	ssyncset.done @!p0 $0x0  }
0x235: {  	[sflag:s0] =	ssyncadd.s32 @!p0 s1  }
0x236: {  	[bflag:$0x3] =	sbarrier.arrive $0xFFFF  }
0x237: {  	_ =	shalt  }

// kernel: kernel.8.cloned.1.call-start
scs
__scs_entry_jumppad:
0x0: {  	(pc) =	sbr.rel $0x88, $3  }
0x1: {  	(tag) =	ssettag $0x0;
	lr =	simm.s32 $0x1  }
0x2: {  	[smem:$0x3F99] =	sst lr;
	_ =	strace $0xD0000000  }
0x3: {  	_ = 	snop  }
0x4: {  	_ = 	snop  }
0x5: {  	_ = 	snop  }
0x6: {  	_ = 	snop  }
0x7: {  	_ = 	snop  }
__scs_overlays_trampoline_lowered:
0x8: {  	[smem:$0x3FA8] =	sst s0  }
0x9: {  	[smem:$0x3FA9] =	sst s1  }
0xa: {  	[smem:$0x3FAA] =	sst s2  }
0xb: {  	[smem:$0x3FAB] =	sst s3  }
0xc: {  	[smem:$0x3FAC] =	sst s4  }
0xd: {  	[smem:$0x3FAD] =	sst s5  }
0xe: {  	[smem:$0x3FAE] =	sst s6  }
0xf: {  	[smem:$0x3FAF] =	sst s7  }
0x10: {  	[smem:$0x3FB0] =	sst s8  }
0x11: {  	[smem:$0x3FB1] =	sst s9;
	s0 =	simm.s32 @!p0 $0x0  }
0x12: {  	s1 =	sld [smem:$0x3F97];
	s0 =	simm.s32 @p0 $0x1  }
0x13: {  	[smem:$0x3FB2] =	sst s0;
	s0 =	simm.s32 @!p1 $0x0  }
0x14: {  	s2 =	sld [smem:$0x3F96];
	s0 =	simm.s32 @p1 $0x1  }
0x15: {  	[smem:$0x3FB3] =	sst s0;
	s0 =	simm.s32 @!p2 $0x0  }
0x16: {  	s3 =	sld [smem:$0x3FDB];
	s0 =	simm.s32 @p2 $0x1  }
0x17: {  	s4 =	simm.s32 $0x1BF5;
	[smem:$0x3FB5] =	sst s0  }
0x18: {  	s0 =	sld [smem:$0x3F98];
	_ =	swait.ge [sflag:s4], $0x0  }
0x19: {  	s7 =	sld [smem:$0x3F99]  }
0x1a: {  	s8 =	sadd.s32 $0xFFFFE003, lr  }
0x1b: {  	s9 =	sadd.s32 $0xFFFFFEF7, lr;
	s5 =	simm.s32 $0xFFFFFFFF;
	p2 =	slt.u32 s8, $0xFFFFF086  }
0x1c: {  	p1 =	slt.u32 s9, $0xF7A;
	s5 =	simm.s32 @!p2 $0x0  }
0x1d: {  	s5 =	simm.s32 @p1 $0x1;
	p0 =	seq.s32 s7, s2  }
0x1e: {  	s7 =	smul.u32 @!p0 $0xF7A, s2;
	p2 =	seq.s32 @!p0 s5, $0x0  }
0x1f: {  	s9 =	smul.u32 $0xF7A, s1;
	s8 =	simm.s32 @!p0 $0x1BF5;
	p2 =	por !p2, p0  }
0x20: {  	[sflag:s8] =	ssyncset.s32 @!p0 $0xFFFFF086;
	s6 =	sadd.s32 @!p0 s3, s7;
	s7 =	simm.s32 @!p0 $0x108  }
0x21: {  	s3 =	sadd.s32 s3, s9;
	s6 =	sadd.s32 @!p0 $0x88, s6;
	s7 =	simm.s32 @p2 $0x1082  }
0x22: {  	[simem:s7], [sflag:s8] =	dma.local @!p0 [hbm:s6], $0xF7A  }
0x23: {  	s9 =	sor.u32 $0xD0000000, s2;
	s6 =	simm.s32 $0x108;
	_ =	swait.ge @!p0 [sflag:s8], $0x0  }
0x24: {  	s3 =	sadd.s32 $0x88, s3;
	s6 =	simm.s32 @!p1 $0x1082;
	[sflag:s4] =	ssyncset.s32 $0xFFFFF086  }
0x25: {  	[simem:s6], [sflag:s4] =	dma.local [hbm:s3], $0xF7A  }
0x26: {  	[smem:$0x3F99] =	sst s1;
	(tag) =	ssettag s2;
	_ =	strace s9  }
0x27: {  	s1 =	sld [smem:$0x3FA9]  }
0x28: {  	s2 =	sld [smem:$0x3FAA]  }
0x29: {  	s4 =	sld [smem:$0x3FAC]  }
0x2a: {  	p0 =	seq.s32 s5, $0x0;
	s5 =	sld [smem:$0x3FAD]  }
0x2b: {  	s6 =	sld [smem:$0x3FAE]  }
0x2c: {  	s7 =	sld [smem:$0x3FAF]  }
0x2d: {  	s3 =	simm.s32 $0x108;
	s8 =	sld [smem:$0x3FB0]  }
0x2e: {  	s3 =	simm.s32 @!p0 $0x1082;
	s9 =	sld [smem:$0x3FB1]  }
0x2f: {  	lr =	sadd.s32 s0, s3;
	s0 =	sld [smem:$0x3FA8]  }
0x30: {  	s3 =	sld [smem:$0x3FAB]  }
0x31: {  	[smem:$0x3FB4] =	sst s10  }
0x32: {  	s10 =	sld [smem:$0x3FB2];
	_ =	sdelay $0x3  }
0x33: {  	p0 =	seq.s32 s10, $0x1;
	s10 =	sld [smem:$0x3FB4];
	_ =	sdelay $0x3  }
0x34: {  	[smem:$0x3FB4] =	sst s10  }
0x35: {  	s10 =	sld [smem:$0x3FB3];
	_ =	sdelay $0x3  }
0x36: {  	p1 =	seq.s32 s10, $0x1;
	s10 =	sld [smem:$0x3FB4];
	_ =	sdelay $0x3  }
0x37: {  	[smem:$0x3FB4] =	sst s10  }
0x38: {  	s10 =	sld [smem:$0x3FB5]  }
0x39: {  	_ = 	snop;
	(pc) =	sbr.ind lr, $3  }
0x3a: {  	_ = 	snop  }
0x3b: {  	_ = 	snop  }
0x3c: {  	p2 =	seq.s32 s10, $0x1;
	s10 =	sld [smem:$0x3FB4]  }
0x3d: {  	_ =	shalt  }
0x3e: {  	_ =	shalt  }
0x3f: {  	_ =	shalt  }
0x40: {  	_ =	shalt  }
0x41: {  	_ =	shalt  }
0x42: {  	_ =	shalt  }
0x43: {  	_ =	shalt  }
0x44: {  	_ =	shalt  }
0x45: {  	_ =	shalt  }
0x46: {  	_ =	shalt  }
0x47: {  	_ =	shalt  }
0x48: {  	_ =	shalt  }
0x49: {  	_ =	shalt  }
0x4a: {  	_ =	shalt  }
0x4b: {  	_ =	shalt  }
0x4c: {  	_ =	shalt  }
0x4d: {  	_ =	shalt  }
0x4e: {  	_ =	shalt  }
0x4f: {  	_ =	shalt  }
0x50: {  	_ =	shalt  }
0x51: {  	_ =	shalt  }
0x52: {  	_ =	shalt  }
0x53: {  	_ =	shalt  }
0x54: {  	_ =	shalt  }
0x55: {  	_ =	shalt  }
0x56: {  	_ =	shalt  }
0x57: {  	_ =	shalt  }
0x58: {  	_ =	shalt  }
0x59: {  	_ =	shalt  }
0x5a: {  	_ =	shalt  }
0x5b: {  	_ =	shalt  }
0x5c: {  	_ =	shalt  }
0x5d: {  	_ =	shalt  }
0x5e: {  	_ =	shalt  }
0x5f: {  	_ =	shalt  }
0x60: {  	_ =	shalt  }
0x61: {  	_ =	shalt  }
0x62: {  	_ =	shalt  }
0x63: {  	_ =	shalt  }
0x64: {  	_ =	shalt  }
0x65: {  	_ =	shalt  }
0x66: {  	_ =	shalt  }
0x67: {  	_ =	shalt  }
0x68: {  	_ =	shalt  }
0x69: {  	_ =	shalt  }
0x6a: {  	_ =	shalt  }
0x6b: {  	_ =	shalt  }
0x6c: {  	_ =	shalt  }
0x6d: {  	_ =	shalt  }
0x6e: {  	_ =	shalt  }
0x6f: {  	_ =	shalt  }
0x70: {  	_ =	shalt  }
0x71: {  	_ =	shalt  }
0x72: {  	_ =	shalt  }
0x73: {  	_ =	shalt  }
0x74: {  	_ =	shalt  }
0x75: {  	_ =	shalt  }
0x76: {  	_ =	shalt  }
0x77: {  	_ =	shalt  }
0x78: {  	_ =	shalt  }
0x79: {  	_ =	shalt  }
0x7a: {  	_ =	shalt  }
0x7b: {  	_ =	shalt  }
0x7c: {  	_ =	shalt  }
0x7d: {  	_ =	shalt  }
0x7e: {  	_ =	shalt  }
0x7f: {  	_ =	shalt  }
0x80: {  	_ =	shalt  }
0x81: {  	_ =	shalt  }
0x82: {  	_ =	shalt  }
0x83: {  	_ =	shalt  }
0x84: {  	_ =	shalt  }
0x85: {  	_ =	shalt  }
0x86: {  	_ =	shalt  }
0x87: {  	_ =	shalt  }
.Lfunc_end0:
.L_simem_size_0:
called_computation_lowered:
.L_overlay_start_0:
0x88: {  	s2 =	sld [smem:$0x3FD9]  }
0x89: {  	s3 =	sld [smem:$0x3FFE];
	_ =	sdelay $0x1  }
0x8a: {  	s1 =	srdreg.scid  }
0x8b: {  	s0 =	sand.u32 $0x1, s1  }
0x8c: {  	s14 =	sshll.u32 s0, $0xA;
	s2 =	sadd.s32 s3, s2  }
0x8d: {  	s2 =	sadd.s32 s2, s14  }
0x8e: {  	[smem:$0x3FC0] =	sst s2  }
0x8f: {  	_ = 	snop  }
0x90: {  	s2 =	sld [smem:$0x3FD0];
	_ =	sdelay $0x1  }
0x91: {  	s15 =	sld [smem:$0x3FC3]  }
0x92: {  	s5 =	simm.s32 $0xB;
	s6 =	simm.s32 $0x10;
	s4 =	sld [smem:$0x3FC2]  }
0x93: {  	[smem:s6], [sflag:s5] =	dma.local [hbm:s2], $0x1  }
0x94: {  	_ =	swait.eq [sflag:s5], $0x1  }
0x95: {  	[sflag:s5] =	ssyncset.done $0x0  }
0x96: {  	s16 =	sld [smem:$0x10];
	[sflag:s5] =	ssyncadd.s32 $0xFFFFFFFF  }
0x97: {  	s17 =	sld [smem:$0x11];
	(tm) =	ssettm $0x1  }
0x98: {  	s18 =	sld [smem:$0x3FFB];
	_ =	sdelay $0x3  }
0x99: {  	_ =	strace s18  }
0x9a: {  	s6 =	sld [smem:$0x3FFC];
	_ =	sdelay $0x3  }
0x9b: {  	_ =	strace s6  }
0x9c: {  	s6 =	sld [smem:$0x3FFD];
	_ =	sdelay $0x3  }
0x9d: {  	_ =	strace s6  }
0x9e: {  	_ =	strace $0x8FFFFFFF  }
0x9f: {  	s19 =	sld [smem:$0x3FDB];
	_ =	sdelay $0x1  }
0xa0: {  	s7 =	simm.s32 $_scs_section_size  }
0xa1: {  	s8 =	simm.s32 $_size__tile_overlayer_lowered;
	s9 =	simm.s32 $_tile_overlayer_lowered  }
0xa2: {  	s22 =	simm.s32 $0x1BFF;
	s21 =	sshll.u32 s9, $0x1;
	s6 =	sadd.s32 s7, s19  }
0xa3: {  	s10 =	simm.s32 $0x0;
	s20 =	sshll.u32 s8, $0x1;
	s8 =	sadd.s32 s21, s6  }
0xa4: {  	[timem:s10], [sflag:s22] =	dma.local [hbm:s8], s20  }
0xa5: {  	_ =	swait.ge [sflag:s22], s20  }
0xa6: {  	s7 =	ssub.s32 $0x0, s20;
	[sflag:s22] =	ssyncset.done $0x0  }
0xa7: {  	[sflag:s22] =	ssyncadd.s32 s7;
	_ =	sdelay $0x1  }
0xa8: {  	s23 =	simm.s32 $0x1B8B  }
0xa9: {  	_ =	swait.ge [sflag:s23], $0x1  }
0xaa: {  	[sflag:s23] =	ssyncset.done $0x0  }
0xab: {  	s25 =	simm.s32 $0x1B8E;
	s24 =	sld [smem:$0x3FFE];
	[sflag:s23] =	ssyncadd.s32 $0xFFFFFFFF  }
0xac: {  	s26 =	simm.s32 $execute0_lowered;
	[smem:$0x3FD2] =	sst s25  }
0xad: {  	s8 =	sshll.u32 s26, $0x1;
	_ =	strace $0x80000046;
	[dreg:$0x1] =	wrdreg $0xFFFFFFFF  }
0xae: {  	s28 =	simm.s32 $_size_execute0_lowered;
	s6 =	sadd.s32 s6, s8;
	[dreg:$0x0] =	wrdreg $0x0  }
0xaf: {  	s8 =	sshll.u32 s28, $0x1;
	[dreg:$0x2] =	wrdreg s6  }
0xb0: {  	[dreg:$0x3] =	wrdreg s8  }
0xb1: {  	[dreg:$0x4] =	wrdreg $0xC0  }
0xb2: {  	_ =	task [dreg:s10], $0x5FFFF  }
0xb3: {  	[dreg:$0x1] =	wrdreg $0xFFFFFFFF  }
0xb4: {  	[dreg:$0x0] =	wrdreg $0x60  }
0xb5: {  	[dreg:$0x2] =	wrdreg s15  }
0xb6: {  	[dreg:$0x3] =	wrdreg s4  }
0xb7: {  	[dreg:$0x4] =	wrdreg s24  }
0xb8: {  	[dreg:$0x5] =	wrdreg s17  }
0xb9: {  	[dreg:$0x6] =	wrdreg s16  }
0xba: {  	[dreg:$0x7] =	wrdreg $0x9  }
0xbb: {  	_ =	task.clear_ibuf [dreg:s10], $0x8FFFF;
	_ =	strace $0x90000046  }
0xbc: {  	s29 =	simm.s32 $0x9;
	_ =	strace $0x80000048  }
0xbd: {  	_ =	swait.ge [sflag:s29], $0x1  }
0xbe: {  	[sflag:s29] =	ssyncadd.s32 $0xFFFFFFFF  }
0xbf: {  	_ =	strace $0x90000048  }
0xc0: {  	_ =	sfence  }
0xc1: {  	s30 =	sld [smem:$0x0];
	_ =	sdelay $0x2  }
0xc2: {  	s31 =	sshll.u32 s1, $0xD;
	s1 =	sshrl.u32 s1, $0x2  }
0xc3: {  	s3 =	sand.u32 $0x4000, s31;
	s1 =	sadd.s32 s1, s30  }
0xc4: {  	s0 =	sor.u32 s3, s0;
	s1 =	sshll.u32 s1, $0x11  }
0xc5: {  	s0 =	sor.u32 s1, s0  }
0xc6: {  	s0 =	sadd.s32 $0x8F2B, s0  }
0xc7: {  	[sflag:s0] =	ssyncadd.remote.s32 $0x1  }
0xc8: {  	_ =	sfence.sel $0xFFFF  }
0xc9: {  	[dreg:$0x0] =	wrdreg $0xFFFFFFFF;
	(pc) =	sbr.abs _section_cstart, $3  }
0xca: {  	[dreg:$0x1] =	wrdreg $0xFFFFFFFF  }
0xcb: {  	_ =	task.clear_ibuf [dreg:s10], $0x2FFFF;
	_ =	strace $0x9FFFFFFF  }
0xcc: {  	(tm) =	ssettm $0x7FFFFFFF  }
0xcd: {  	_ =	shalt  }
tec
execute0_lowered:
.L_overlay_start_1:
0x0: {  	(tag) =	ssettag $0x1  }
0x1: {  	s1 =	rddreg [dreg:$0x0]  }
0x2: {  	s2 =	rddreg [dreg:$0x1];
	s3 =	srdreg.scid  }
0x3: {  	s5 =	rddreg [dreg:$0x2];
	s0 =	stileid.u32;
	s15 =	sand.u32 $0x1, s3  }
0x4: {  	s14 =	rddreg [dreg:$0x3];
	s30 =	sshll.u32 s0, $0x6;
	s4 =	sshll.u32 s15, $0x5  }
0x5: {  	s16 =	rddreg [dreg:$0x4];
	s17 =	sor.u32 s4, s30  }
0x6: {  	s3 =	rddreg [dreg:$0x5];
	s4 =	simm.s32 $0x0;
	s6 =	sshrl.u32 s17, $0x3  }
0x7: {  	[smem:$0x7FF] =	sst s4;
	s7 =	sadd.s32 s6, s5  }
0x8: {  	_ =	strace $0x80000047;
	s6 =	simm.s32 $0x5;
	s5 =	sadd.s32 $0x3200, s7  }
0x9: {  	[tilespmem:s4], [sflag:$0x5] =	stream.linear.gather [hbm4b:s5+s4], $0x20, $0x38;
	[tilespmem:$0x2100] =	vst v63  }
0xa: {  	_ =	swait.ge [sflag:s6], $0x20  }
0xb: {  	[sflag:s6] =	ssyncset.done $0x0  }
0xc: {  	s8 =	simm.s32 $0x80;
	s7 =	sadd.s32 $0x3000, s7;
	[sflag:s6] =	ssyncadd.s32 $0xFFFFFFE0  }
0xd: {  	[tilespmem:s8], [sflag:$0x5] =	stream.linear.gather [hbm4b:s7+s4], $0x20, $0x38;
	[tilespmem:$0x2100] =	vst v63  }
0xe: {  	_ =	swait.ge [sflag:s6], $0x20  }
0xf: {  	[sflag:s6] =	ssyncset.done $0x0  }
0x10: {  	s9 =	simm.s32 $0x20;
	s10 =	simm.s32 $0x100;
	[sflag:s6] =	ssyncadd.s32 $0xFFFFFFE0  }
0x11: {  	[tilespmem:s10], [sflag:$0x1] =	stream.indirect.gather [hbm4b:s1+s9], $0x80, s4, s9, $0xb8;
	[tilespmem:$0x2100] =	vst v63  }
0x12: {  	s11 =	simm.s32 $0x1100;
	s12 =	simm.s32 $0x1  }
0x13: {  	[tilespmem:s11], [sflag:$0x2] =	stream.indirect.gather [hbm4b:s2+s9], $0x80, s8, s9, $0xb8;
	[tilespmem:$0x2100] =	vst v63  }
0x14: {  	_ =	swait.ge [sflag:s12], $0x1000  }
0x15: {  	s13 =	simm.s32 $0x2;
	[sflag:s12] =	ssyncset.done $0x0  }
0x16: {  	s18 =	ssub.s32 $0x2, s15;
	s17 =	sshll.u32 s17, $0x4;
	[sflag:s12] =	ssyncadd.s32 $0xFFFFF000  }
0x17: {  	s31 =	sshrl.u32 s18, $0x1;
	s14 =	sadd.s32 s14, s17;
	_ =	swait.ge [sflag:s13], $0x1000  }
0x18: {  	s15 =	sadd.s32 s16, s17;
	s17 =	ssub.s32 s18, s31;
	[sflag:s13] =	ssyncset.done $0x0  }
0x19: {  	s18 =	smax.u32 s17, $0x1;
	[sflag:s13] =	ssyncadd.s32 $0xFFFFF000  }
0x1a: {  	[hbm4b:s14+s4] =	stream.linear.scatter [tilespmem:s10], [sflag:$0x3], $0x1000, $0x38;
	[tilespmem:$0x2100] =	vst v63  }
0x1b: {  	s16 =	simm.s32 $0x3;
	p0 =	sne.s32 s18, $0x1  }
0x1c: {  	[hbm4b:s15+s4] =	stream.linear.scatter [tilespmem:s11], [sflag:$0x4], $0x1000, $0x38;
	[tilespmem:$0x2100] =	vst v63  }
.Ltmp0:
0x1d: {  	_ =	swait.ge [sflag:s16], $0x1000;
	(pc) =	sbr.rel @!p0 .LBB2_2-.Ltmp0, $4  }
0x1e: {  	[sflag:s16] =	ssyncset.done $0x0  }
0x1f: {  	s17 =	simm.s32 $0x4;
	[sflag:s16] =	ssyncadd.s32 $0xFFFFF000  }
0x20: {  	_ =	swait.ge [sflag:s17], $0x1000  }
0x21: {  	s18 =	sadd.s32 $0xFFFFFFFF, s18;
	[sflag:s17] =	ssyncset.done $0x0  }
.LBB2_1:
0x22: {  	p0 =	sne.s32 s18, $0x1;
	s18 =	sadd.s32 $0xFFFFFFFF, s18;
	[sflag:s17] =	ssyncadd.s32 $0xFFFFF000  }
0x23: {  	[tilespmem:s4], [sflag:$0x5] =	stream.linear.gather [hbm4b:s5+s4], $0x20, $0x38;
	[tilespmem:$0x2100] =	vst v63  }
0x24: {  	_ =	swait.ge [sflag:s6], $0x20  }
0x25: {  	[sflag:s6] =	ssyncset.done $0x0  }
0x26: {  	[sflag:s6] =	ssyncadd.s32 $0xFFFFFFE0  }
0x27: {  	[tilespmem:s8], [sflag:$0x5] =	stream.linear.gather [hbm4b:s7+s4], $0x20, $0x38;
	[tilespmem:$0x2100] =	vst v63  }
0x28: {  	_ =	swait.ge [sflag:s6], $0x20  }
0x29: {  	[sflag:s6] =	ssyncset.done $0x0  }
0x2a: {  	[sflag:s6] =	ssyncadd.s32 $0xFFFFFFE0  }
0x2b: {  	[tilespmem:s10], [sflag:$0x1] =	stream.indirect.gather [hbm4b:s1+s9], $0x80, s4, s9, $0xb8;
	[tilespmem:$0x2100] =	vst v63  }
0x2c: {  	_ = 	snop  }
0x2d: {  	[tilespmem:s11], [sflag:$0x2] =	stream.indirect.gather [hbm4b:s2+s9], $0x80, s8, s9, $0xb8;
	[tilespmem:$0x2100] =	vst v63  }
0x2e: {  	_ =	swait.ge [sflag:s12], $0x1000  }
0x2f: {  	[sflag:s12] =	ssyncset.done $0x0  }
0x30: {  	[sflag:s12] =	ssyncadd.s32 $0xFFFFF000  }
0x31: {  	_ =	swait.ge [sflag:s13], $0x1000  }
0x32: {  	[sflag:s13] =	ssyncset.done $0x0  }
0x33: {  	[sflag:s13] =	ssyncadd.s32 $0xFFFFF000  }
0x34: {  	[hbm4b:s14+s4] =	stream.linear.scatter [tilespmem:s10], [sflag:$0x3], $0x1000, $0x38;
	[tilespmem:$0x2100] =	vst v63  }
0x35: {  	_ = 	snop  }
0x36: {  	[hbm4b:s15+s4] =	stream.linear.scatter [tilespmem:s11], [sflag:$0x4], $0x1000, $0x38;
	[tilespmem:$0x2100] =	vst v63  }
.Ltmp1:
0x37: {  	_ =	swait.ge [sflag:s16], $0x1000;
	(pc) =	sbr.rel @p0 .LBB2_1-.Ltmp1, $4  }
0x38: {  	[sflag:s16] =	ssyncset.done $0x0  }
0x39: {  	[sflag:s16] =	ssyncadd.s32 $0xFFFFF000  }
0x3a: {  	_ =	swait.ge [sflag:s17], $0x1000  }
0x3b: {  	[sflag:s17] =	ssyncset.done $0x0  }
.LBB2_2:
0x3c: {  	[sflag:s17] =	ssyncadd.s32 $0xFFFFF000  }
0x3d: {  	_ =	sfence.sel $0x180000  }
0x3e: {  	[bflag:$0x0] =	sbarrier.arrive $0xFFFF  }
0x3f: {  	p0 =	sne.s32 s0, $0x0;
	_ =	strace $0x90000047  }
0x40: {  	s0 =	sadd.s32 @!p0 $0x100000, s3;
	[bflag:$0x2] =	sbarrier.arrive $0xFFFF  }
0x41: {  	[sflag:s0] =	ssyncadd.tile.s32 @!p0 $0x1;
	_ =	shalt  }
.Lfunc_end2:
_tile_overlayer_lowered:
.L_overlay_start_2:
0x42: {  	(tag) =	ssettag $0x2  }
0x43: {  	s0 =	rddreg [dreg:$0x0];
	s2 =	stileid.u32  }
0x44: {  	s1 =	rddreg [dreg:$0x1];
	p0 =	sne.s32 s2, $0x0  }
0x45: {  	s3 =	rddreg [dreg:$0x2];
	[bflag:$0x3] =	sbarrier.arrive $0xFFFF;
	s2 =	simm.s32 @!p0 $0x1C05  }
0x46: {  	[timem:s3], [sflag:s2] =	dma.local @!p0 [hbm:s0], s1  }
0x47: {  	s0 =	simm.s32 @!p0 $0x5  }
0x48: {  	_ =	swait.ge @!p0 [sflag:s0], s1  }
0x49: {  	s1 =	ssub.s32 @!p0 $0x0, s1;
	[sflag:s0] =	ssyncset.done @!p0 $0x0  }
0x4a: {  	[sflag:s0] =	ssyncadd.s32 @!p0 s1  }
0x4b: {  	[bflag:$0x3] =	sbarrier.arrive $0xFFFF  }
0x4c: {  	_ =	shalt  }

</sc_bundles>
